<compile_context>
chip_gen: v7x
topology: tpu7x:2x2x1
jax: 0.10.2.dev20260603
libtpu: 0.0.44.dev20260713+nightly
codegen_flags: <defaults>
</compile_context>

<pallas_src>
import functools

import jax
import jax.numpy as jnp
from jax import lax
from jax.experimental import pallas as pl
from jax.experimental.pallas import tpu as pltpu
from jax.experimental.pallas import tpu_sc as plsc

_B = 16384
_D = 26
_K = 1000
_SPLIT = 16
_NU = _SPLIT * _D
_UB = _B // _SPLIT
_CH = _UB
_NW = 32


def _sc_gather(dwt2d, mean_flat, lv_flat, labels_t):
    mesh = plsc.VectorSubcoreMesh(core_axis_name="c", subcore_axis_name="s")

    @functools.partial(
        pl.kernel,
        out_type=[
            jax.ShapeDtypeStruct((_D, _D, _B), jnp.float32),
            jax.ShapeDtypeStruct((_D, _B), jnp.float32),
            jax.ShapeDtypeStruct((_D, _B), jnp.float32),
        ],
        mesh=mesh,
        compiler_params=pltpu.CompilerParams(
            needs_layout_passes=False, use_tc_tiling_on_sc=False),
        scratch_types=(
            [pltpu.VMEM((_D, _K), jnp.float32)]
            + [pltpu.VMEM((_K,), jnp.float32)] * 2
            + [pltpu.VMEM((_UB,), jnp.int32)] * 2
            + [pltpu.VMEM((32,), jnp.int32)]
            + [pltpu.VMEM((_D, 1, _CH), jnp.float32)] * 2
            + [pltpu.VMEM((1, _CH), jnp.float32)] * 2
            + [pltpu.VMEM((1, _CH), jnp.float32)] * 2
            + [pltpu.SemaphoreType.DMA] * 5
        ),
    )
    def k(dwt_hbm, mean_hbm, lv_hbm, labt_hbm,
          dw_hbm, mt_hbm, lt_hbm,
          rows, mrow, lrow, lb0, lb1, ridx,
          ob0, ob1, om0, om1, ol0, ol1,
          sgat, sla0, sla1, so0, so1):
        lbuf = (lb0, lb1)
        slab = (sla0, sla1)
        obdw = (ob0, ob1)
        obm = (om0, om1)
        obl = (ol0, ol1)
        sout = (so0, so1)

        wid = lax.axis_index("c") * 16 + lax.axis_index("s")
        lanes = lax.iota(jnp.int32, 16)
        splat_i = [jnp.full((16,), i, jnp.int32) for i in range(_D)]

        u_start = (_NU * wid) // _NW
        u_end = (_NU * (wid + 1)) // _NW

        def lab_slice(u):
            j = u // _SPLIT
            sp = u - _SPLIT * j
            return labt_hbm.at[pl.ds(j * _B + sp * _UB, _UB)]

        def fire_labels(u, p):
            pltpu.async_copy(lab_slice(u), lbuf[p], slab[p])

        def wait_labels(u, p):
            pltpu.make_async_copy(lab_slice(u), lbuf[p], slab[p]).wait()

        def stage_rows(j):
            ridx[pl.ds(0, 16)] = lanes * _D + j
            ridx[pl.ds(16, 16)] = (lanes + 16) * _D + j
            pltpu.async_copy(dwt_hbm.at[ridx.at[pl.ds(0, _D)]], rows, sgat)
            pltpu.sync_copy(mean_hbm.at[pl.ds(j * _K, _K)], mrow)
            pltpu.sync_copy(lv_hbm.at[pl.ds(j * _K, _K)], lrow)
            pltpu.make_async_copy(
                dwt_hbm.at[ridx.at[pl.ds(0, _D)]], rows, sgat).wait()

        def out_slices(j, sp, c, s):
            b0 = sp * _UB + c * _CH
            return (dw_hbm.at[:, pl.ds(j, 1), pl.ds(b0, _CH)],
                    mt_hbm.at[pl.ds(j, 1), pl.ds(b0, _CH)],
                    lt_hbm.at[pl.ds(j, 1), pl.ds(b0, _CH)])

        def fire_out(j, sp, c, s):
            dws, ms, ls = out_slices(j, sp, c, s)
            pltpu.async_copy(obdw[s], dws, sout[s])
            pltpu.async_copy(obm[s], ms, sout[s])
            pltpu.async_copy(obl[s], ls, sout[s])

        def wait_out(j, sp, c, s):
            dws, ms, ls = out_slices(j, sp, c, s)
            pltpu.make_async_copy(obdw[s], dws, sout[s]).wait()
            pltpu.make_async_copy(obm[s], ms, sout[s]).wait()
            pltpu.make_async_copy(obl[s], ls, sout[s]).wait()

        fire_labels(u_start, 0)

        def halfunit(u, lp, prev_j, first):
            j = u // _SPLIT
            sp = u - _SPLIT * j

            @pl.when(j != prev_j)
            def _():
                stage_rows(j)
            wait_labels(u, lp)

            @pl.when(u + 1 < u_end)
            def _():
                fire_labels(u + 1, 1 - lp)

            @pl.when(jnp.logical_not(first))
            def _():
                wait_out(j, sp, 0, lp)

            @plsc.parallel_loop(0, _CH // 16, unroll=2)
            def v_body(v):
                idxv = lbuf[lp][pl.ds(v * 16, 16)]
                for i in range(_D):
                    val = plsc.load_gather(rows, [splat_i[i], idxv])
                    obdw[lp][i, 0, pl.ds(v * 16, 16)] = val
                obm[lp][0, pl.ds(v * 16, 16)] = plsc.load_gather(mrow, [idxv])
                obl[lp][0, pl.ds(v * 16, 16)] = plsc.load_gather(lrow, [idxv])
            fire_out(j, sp, 0, lp)

        def pairbody(gg, prev_j):
            u = u_start + 2 * gg
            halfunit(u, 0, prev_j, gg == 0)
            j0 = u // _SPLIT

            @pl.when(u + 1 < u_end)
            def _():
                halfunit(u + 1, 1, j0, gg == 0)
            j1 = (u + 1) // _SPLIT
            return jnp.where(u + 1 < u_end, j1, j0)
        lax.fori_loop(0, (u_end - u_start + 1) // 2, pairbody,
                      jnp.int32(-1))

        u_last = u_end - 1
        j = u_last // _SPLIT
        sp = u_last - _SPLIT * j
        wait_out(j, sp, 0, 0)
        wait_out(j, sp, 0, 1)

    return k(dwt2d, mean_flat, lv_flat, labels_t)


def kernel(labels, mean, log_var, domain_weights):
    labels = labels.astype(jnp.int32)
    labels_t = jnp.transpose(labels).reshape(-1)
    dwp, mt, lt = _sc_gather(
        domain_weights.reshape(_D * _D, _K),
        mean.reshape(-1), log_var.reshape(-1), labels_t)
    means = jnp.transpose(mt)
    log_vars = jnp.transpose(lt)
    dw = jnp.transpose(dwp, (2, 0, 1))
    return (means, log_vars, dw)

# --- scband reference (transcript-rebuilt; emitter-appended) ---
"""Pipeline reference for scband-concept-gaussians-87351044866631 (READ-ONLY COPY).

The authoritative reference and input builder live on the scoring server;
editing this copy changes nothing except your own understanding.
"""

import jax, jax.numpy as jnp
import numpy as np

B = 16384  # batch of label rows
D = 26     # number of concept domains (len(enc.concept_domains))
K = 1000   # max_concepts per domain


def setup_inputs(seed: int = 0) -> dict:
    key = jax.random.key(seed)
    k1, k2, k3, k4 = jax.random.split(key, 4)
    labels = jax.random.randint(k1, (B, D), 0, K, dtype=jnp.int64)
    # learned parameters, sized per build(): mean/log_var [D, K], domain_weights [D, D, K]
    mean = jax.random.uniform(k2, (D, K), dtype=jnp.float32, minval=-1.0, maxval=1.0)
    log_var = jax.random.uniform(k3, (D, K), dtype=jnp.float32, minval=0.0, maxval=0.7)
    domain_weights = jax.random.uniform(k4, (D, D, K), dtype=jnp.float32, minval=-0.5, maxval=0.5)
    return {"labels": labels, "mean": mean, "log_var": log_var, "domain_weights": domain_weights}


def reference(labels, mean, log_var, domain_weights):
    labels = labels.astype(jnp.int32)
    # indices = reshape(transpose(labels), (D, B, 1)) -> effectively idx[d, b] = labels[b, d]
    idx = jnp.transpose(labels)  # [D, B]
    # tf.gather_nd(mean, indices, batch_dims=1): out[d, b] = mean[d, idx[d, b]]
    means = jnp.transpose(jnp.take_along_axis(mean, idx, axis=1))      # [B, D]
    log_vars = jnp.transpose(jnp.take_along_axis(log_var, idx, axis=1))  # [B, D]
    # domain_indices[i, j, b] = idx[j, b]; gather_nd(domain_weights, ., batch_dims=2):
    # dw[i, j, b] = domain_weights[i, j, idx[j, b]]
    dom_idx = jnp.broadcast_to(idx[None, :, :], (mean.shape[0], idx.shape[0], idx.shape[1]))  # [D, D, B]
    dw = jnp.take_along_axis(domain_weights, dom_idx, axis=2)  # [D, D, B]
    dw = jnp.transpose(dw, (2, 0, 1))  # [B, D, D]
    return (means, log_vars, dw)

if __name__ == "__main__":
    import jax
    _d = setup_inputs()
    print(jax.jit(kernel)(*tuple(_d.values())))

</pallas_src>

<mosaic_0001>
#map = affine_map<(d0, d1) -> (0, 0)>
#map1 = affine_map<(d0, d1) -> (0)>
#map2 = affine_map<(d0, d1) -> (0, 0, 0)>
module attributes {stable_mosaic.version = 14 : i64} {
  func.func @k(%arg0: i32, %arg1: i32, %arg2: memref<676x1000xf32, #tpu.memory_space<hbm>>, %arg3: memref<26000xf32, #tpu.memory_space<hbm>>, %arg4: memref<26000xf32, #tpu.memory_space<hbm>>, %arg5: memref<425984xi32, #tpu.memory_space<hbm>>, %arg6: memref<26x26x16384xf32, #tpu.memory_space<hbm>>, %arg7: memref<26x16384xf32, #tpu.memory_space<hbm>>, %arg8: memref<26x16384xf32, #tpu.memory_space<hbm>>, %arg9: memref<26x1000xf32, #tpu.memory_space<vmem>>, %arg10: memref<1000xf32, #tpu.memory_space<vmem>>, %arg11: memref<1000xf32, #tpu.memory_space<vmem>>, %arg12: memref<1024xi32, #tpu.memory_space<vmem>>, %arg13: memref<1024xi32, #tpu.memory_space<vmem>>, %arg14: memref<32xi32, #tpu.memory_space<vmem>>, %arg15: memref<26x1x1024xf32, #tpu.memory_space<vmem>>, %arg16: memref<26x1x1024xf32, #tpu.memory_space<vmem>>, %arg17: memref<1x1024xf32, #tpu.memory_space<vmem>>, %arg18: memref<1x1024xf32, #tpu.memory_space<vmem>>, %arg19: memref<1x1024xf32, #tpu.memory_space<vmem>>, %arg20: memref<1x1024xf32, #tpu.memory_space<vmem>>, %arg21: memref<!tpu.dma_semaphore, #tpu.memory_space<semaphore_mem>>, %arg22: memref<!tpu.dma_semaphore, #tpu.memory_space<semaphore_mem>>, %arg23: memref<!tpu.dma_semaphore, #tpu.memory_space<semaphore_mem>>, %arg24: memref<!tpu.dma_semaphore, #tpu.memory_space<semaphore_mem>>, %arg25: memref<!tpu.dma_semaphore, #tpu.memory_space<semaphore_mem>>) attributes {dimension_semantics = [#tpu.dimension_semantics<core_parallel>, #tpu.dimension_semantics<subcore_parallel>], iteration_bounds = array<i64: 2, 16>, scalar_prefetch = 0 : i64, scratch_operands = 17 : i64, tpu.core_type = #tpu.core_type<sc_vector_subcore>, window_params = [{transform_indices = #map}, {transform_indices = #map1}, {transform_indices = #map1}, {transform_indices = #map1}, {transform_indices = #map2}, {transform_indices = #map}, {transform_indices = #map}]} {
    %mul3A = arith.constant 16 : i32
    %mul3A_0 = arith.muli %arg0, %mul3A : i32
    %add3A = arith.addi %mul3A_0, %arg1 : i32
    %iota3A = tpu.iota {dimensions = array<i32: 0>} : vector<16xi32>
    %broadcast_in_dim3A = arith.constant 0 : i32
    %broadcast_in_dim3A_1 = vector.broadcast %broadcast_in_dim3A : i32 to vector<16xi32>
    %broadcast_in_dim3A_2 = arith.constant 1 : i32
    %broadcast_in_dim3A_3 = vector.broadcast %broadcast_in_dim3A_2 : i32 to vector<16xi32>
    %broadcast_in_dim3A_4 = arith.constant 2 : i32
    %broadcast_in_dim3A_5 = vector.broadcast %broadcast_in_dim3A_4 : i32 to vector<16xi32>
    %broadcast_in_dim3A_6 = arith.constant 3 : i32
    %broadcast_in_dim3A_7 = vector.broadcast %broadcast_in_dim3A_6 : i32 to vector<16xi32>
    %broadcast_in_dim3A_8 = arith.constant 4 : i32
    %broadcast_in_dim3A_9 = vector.broadcast %broadcast_in_dim3A_8 : i32 to vector<16xi32>
    %broadcast_in_dim3A_10 = arith.constant 5 : i32
    %broadcast_in_dim3A_11 = vector.broadcast %broadcast_in_dim3A_10 : i32 to vector<16xi32>
    %broadcast_in_dim3A_12 = arith.constant 6 : i32
    %broadcast_in_dim3A_13 = vector.broadcast %broadcast_in_dim3A_12 : i32 to vector<16xi32>
    %broadcast_in_dim3A_14 = arith.constant 7 : i32
    %broadcast_in_dim3A_15 = vector.broadcast %broadcast_in_dim3A_14 : i32 to vector<16xi32>
    %broadcast_in_dim3A_16 = arith.constant 8 : i32
    %broadcast_in_dim3A_17 = vector.broadcast %broadcast_in_dim3A_16 : i32 to vector<16xi32>
    %broadcast_in_dim3A_18 = arith.constant 9 : i32
    %broadcast_in_dim3A_19 = vector.broadcast %broadcast_in_dim3A_18 : i32 to vector<16xi32>
    %broadcast_in_dim3A_20 = arith.constant 10 : i32
    %broadcast_in_dim3A_21 = vector.broadcast %broadcast_in_dim3A_20 : i32 to vector<16xi32>
    %broadcast_in_dim3A_22 = arith.constant 11 : i32
    %broadcast_in_dim3A_23 = vector.broadcast %broadcast_in_dim3A_22 : i32 to vector<16xi32>
    %broadcast_in_dim3A_24 = arith.constant 12 : i32
    %broadcast_in_dim3A_25 = vector.broadcast %broadcast_in_dim3A_24 : i32 to vector<16xi32>
    %broadcast_in_dim3A_26 = arith.constant 13 : i32
    %broadcast_in_dim3A_27 = vector.broadcast %broadcast_in_dim3A_26 : i32 to vector<16xi32>
    %broadcast_in_dim3A_28 = arith.constant 14 : i32
    %broadcast_in_dim3A_29 = vector.broadcast %broadcast_in_dim3A_28 : i32 to vector<16xi32>
    %broadcast_in_dim3A_30 = arith.constant 15 : i32
    %broadcast_in_dim3A_31 = vector.broadcast %broadcast_in_dim3A_30 : i32 to vector<16xi32>
    %broadcast_in_dim3A_32 = arith.constant 16 : i32
    %broadcast_in_dim3A_33 = vector.broadcast %broadcast_in_dim3A_32 : i32 to vector<16xi32>
    %broadcast_in_dim3A_34 = arith.constant 17 : i32
    %broadcast_in_dim3A_35 = vector.broadcast %broadcast_in_dim3A_34 : i32 to vector<16xi32>
    %broadcast_in_dim3A_36 = arith.constant 18 : i32
    %broadcast_in_dim3A_37 = vector.broadcast %broadcast_in_dim3A_36 : i32 to vector<16xi32>
    %broadcast_in_dim3A_38 = arith.constant 19 : i32
    %broadcast_in_dim3A_39 = vector.broadcast %broadcast_in_dim3A_38 : i32 to vector<16xi32>
    %broadcast_in_dim3A_40 = arith.constant 20 : i32
    %broadcast_in_dim3A_41 = vector.broadcast %broadcast_in_dim3A_40 : i32 to vector<16xi32>
    %broadcast_in_dim3A_42 = arith.constant 21 : i32
    %broadcast_in_dim3A_43 = vector.broadcast %broadcast_in_dim3A_42 : i32 to vector<16xi32>
    %broadcast_in_dim3A_44 = arith.constant 22 : i32
    %broadcast_in_dim3A_45 = vector.broadcast %broadcast_in_dim3A_44 : i32 to vector<16xi32>
    %broadcast_in_dim3A_46 = arith.constant 23 : i32
    %broadcast_in_dim3A_47 = vector.broadcast %broadcast_in_dim3A_46 : i32 to vector<16xi32>
    %broadcast_in_dim3A_48 = arith.constant 24 : i32
    %broadcast_in_dim3A_49 = vector.broadcast %broadcast_in_dim3A_48 : i32 to vector<16xi32>
    %broadcast_in_dim3A_50 = arith.constant 25 : i32
    %broadcast_in_dim3A_51 = vector.broadcast %broadcast_in_dim3A_50 : i32 to vector<16xi32>
    %mul3A_52 = arith.constant 416 : i32
    %mul3A_53 = arith.muli %mul3A_52, %add3A : i32
    %jit3A = arith.constant 32 : i32
    %div3A = arith.divsi %mul3A_53, %jit3A : i32
    %sign3A = arith.constant 0 : i32
    %sign3A_54 = arith.cmpi sgt, %mul3A_53, %sign3A : i32
    %sign3A_55 = arith.extui %sign3A_54 : i1 to i32
    %sign3A_56 = arith.constant 0 : i32
    %sign3A_57 = arith.cmpi slt, %mul3A_53, %sign3A_56 : i32
    %sign3A_58 = arith.extui %sign3A_57 : i1 to i32
    %sign3A_59 = arith.subi %sign3A_55, %sign3A_58 : i32
    %sign3A_60 = arith.constant 0 : i32
    %sign3A_61 = arith.cmpi sgt, %jit3A, %sign3A_60 : i32
    %sign3A_62 = arith.extui %sign3A_61 : i1 to i32
    %sign3A_63 = arith.constant 0 : i32
    %sign3A_64 = arith.cmpi slt, %jit3A, %sign3A_63 : i32
    %sign3A_65 = arith.extui %sign3A_64 : i1 to i32
    %sign3A_66 = arith.subi %sign3A_62, %sign3A_65 : i32
    %ne3A = arith.cmpi ne, %sign3A_59, %sign3A_66 : i32
    %rem3A = arith.remsi %mul3A_53, %jit3A : i32
    %ne3A_67 = arith.constant 0 : i32
    %ne3A_68 = arith.cmpi ne, %rem3A, %ne3A_67 : i32
    %and3A = arith.andi %ne3A, %ne3A_68 : i1
    %sub3A = arith.constant 1 : i32
    %sub3A_69 = arith.subi %div3A, %sub3A : i32
    %select_n3A = arith.select %and3A, %sub3A_69, %div3A : i32
    %add3A_70 = arith.constant 1 : i32
    %add3A_71 = arith.addi %add3A, %add3A_70 : i32
    %mul3A_72 = arith.constant 416 : i32
    %mul3A_73 = arith.muli %mul3A_72, %add3A_71 : i32
    %jit3A_74 = arith.constant 32 : i32
    %div3A_75 = arith.divsi %mul3A_73, %jit3A_74 : i32
    %sign3A_76 = arith.constant 0 : i32
    %sign3A_77 = arith.cmpi sgt, %mul3A_73, %sign3A_76 : i32
    %sign3A_78 = arith.extui %sign3A_77 : i1 to i32
    %sign3A_79 = arith.constant 0 : i32
    %sign3A_80 = arith.cmpi slt, %mul3A_73, %sign3A_79 : i32
    %sign3A_81 = arith.extui %sign3A_80 : i1 to i32
    %sign3A_82 = arith.subi %sign3A_78, %sign3A_81 : i32
    %sign3A_83 = arith.constant 0 : i32
    %sign3A_84 = arith.cmpi sgt, %jit3A_74, %sign3A_83 : i32
    %sign3A_85 = arith.extui %sign3A_84 : i1 to i32
    %sign3A_86 = arith.constant 0 : i32
    %sign3A_87 = arith.cmpi slt, %jit3A_74, %sign3A_86 : i32
    %sign3A_88 = arith.extui %sign3A_87 : i1 to i32
    %sign3A_89 = arith.subi %sign3A_85, %sign3A_88 : i32
    %ne3A_90 = arith.cmpi ne, %sign3A_82, %sign3A_89 : i32
    %rem3A_91 = arith.remsi %mul3A_73, %jit3A_74 : i32
    %ne3A_92 = arith.constant 0 : i32
    %ne3A_93 = arith.cmpi ne, %rem3A_91, %ne3A_92 : i32
    %and3A_94 = arith.andi %ne3A_90, %ne3A_93 : i1
    %sub3A_95 = arith.constant 1 : i32
    %sub3A_96 = arith.subi %div3A_75, %sub3A_95 : i32
    %select_n3A_97 = arith.select %and3A_94, %sub3A_96, %div3A_75 : i32
    %jit3A_98 = arith.constant 16 : i32
    %div3A_99 = arith.divsi %select_n3A, %jit3A_98 : i32
    %sign3A_100 = arith.constant 0 : i32
    %sign3A_101 = arith.cmpi sgt, %select_n3A, %sign3A_100 : i32
    %sign3A_102 = arith.extui %sign3A_101 : i1 to i32
    %sign3A_103 = arith.constant 0 : i32
    %sign3A_104 = arith.cmpi slt, %select_n3A, %sign3A_103 : i32
    %sign3A_105 = arith.extui %sign3A_104 : i1 to i32
    %sign3A_106 = arith.subi %sign3A_102, %sign3A_105 : i32
    %sign3A_107 = arith.constant 0 : i32
    %sign3A_108 = arith.cmpi sgt, %jit3A_98, %sign3A_107 : i32
    %sign3A_109 = arith.extui %sign3A_108 : i1 to i32
    %sign3A_110 = arith.constant 0 : i32
    %sign3A_111 = arith.cmpi slt, %jit3A_98, %sign3A_110 : i32
    %sign3A_112 = arith.extui %sign3A_111 : i1 to i32
    %sign3A_113 = arith.subi %sign3A_109, %sign3A_112 : i32
    %ne3A_114 = arith.cmpi ne, %sign3A_106, %sign3A_113 : i32
    %rem3A_115 = arith.remsi %select_n3A, %jit3A_98 : i32
    %ne3A_116 = arith.constant 0 : i32
    %ne3A_117 = arith.cmpi ne, %rem3A_115, %ne3A_116 : i32
    %and3A_118 = arith.andi %ne3A_114, %ne3A_117 : i1
    %sub3A_119 = arith.constant 1 : i32
    %sub3A_120 = arith.subi %div3A_99, %sub3A_119 : i32
    %select_n3A_121 = arith.select %and3A_118, %sub3A_120, %div3A_99 : i32
    %mul3A_122 = arith.constant 16 : i32
    %mul3A_123 = arith.muli %mul3A_122, %select_n3A_121 : i32
    %sub3A_124 = arith.subi %select_n3A, %mul3A_123 : i32
    %mul3A_125 = arith.constant 16384 : i32
    %mul3A_126 = arith.muli %select_n3A_121, %mul3A_125 : i32
    %mul3A_127 = arith.constant 1024 : i32
    %mul3A_128 = arith.muli %sub3A_124, %mul3A_127 : i32
    %add3A_129 = arith.addi %mul3A_126, %mul3A_128 : i32
    %dma_start3A = tpu.memref_slice %arg5[%add3A_129] : memref<425984xi32, #tpu.memory_space<hbm>> -> memref<1024xi32, #tpu.memory_space<hbm>>
    %dma_start3A_130 = tpu.memref_slice %arg5[%add3A_129] : memref<425984xi32, #tpu.memory_space<hbm>> -> memref<1024xi32, #tpu.memory_space<hbm>>
    tpu.enqueue_dma source(%dma_start3A_130 : memref<1024xi32, #tpu.memory_space<hbm>>) target(%arg12 : memref<1024xi32, #tpu.memory_space<vmem>>) target_semaphore(%arg22 : memref<!tpu.dma_semaphore, #tpu.memory_space<semaphore_mem>>)
    %sub3A_131 = arith.subi %select_n3A_97, %select_n3A : i32
    %add3A_132 = arith.constant 1 : i32
    %add3A_133 = arith.addi %sub3A_131, %add3A_132 : i32
    %jit3A_134 = arith.constant 2 : i32
    %div3A_135 = arith.divsi %add3A_133, %jit3A_134 : i32
    %sign3A_136 = arith.constant 0 : i32
    %sign3A_137 = arith.cmpi sgt, %add3A_133, %sign3A_136 : i32
    %sign3A_138 = arith.extui %sign3A_137 : i1 to i32
    %sign3A_139 = arith.constant 0 : i32
    %sign3A_140 = arith.cmpi slt, %add3A_133, %sign3A_139 : i32
    %sign3A_141 = arith.extui %sign3A_140 : i1 to i32
    %sign3A_142 = arith.subi %sign3A_138, %sign3A_141 : i32
    %sign3A_143 = arith.constant 0 : i32
    %sign3A_144 = arith.cmpi sgt, %jit3A_134, %sign3A_143 : i32
    %sign3A_145 = arith.extui %sign3A_144 : i1 to i32
    %sign3A_146 = arith.constant 0 : i32
    %sign3A_147 = arith.cmpi slt, %jit3A_134, %sign3A_146 : i32
    %sign3A_148 = arith.extui %sign3A_147 : i1 to i32
    %sign3A_149 = arith.subi %sign3A_145, %sign3A_148 : i32
    %ne3A_150 = arith.cmpi ne, %sign3A_142, %sign3A_149 : i32
    %rem3A_151 = arith.remsi %add3A_133, %jit3A_134 : i32
    %ne3A_152 = arith.constant 0 : i32
    %ne3A_153 = arith.cmpi ne, %rem3A_151, %ne3A_152 : i32
    %and3A_154 = arith.andi %ne3A_150, %ne3A_153 : i1
    %sub3A_155 = arith.constant 1 : i32
    %sub3A_156 = arith.subi %div3A_135, %sub3A_155 : i32
    %select_n3A_157 = arith.select %and3A_154, %sub3A_156, %div3A_135 : i32
    %while3A = arith.constant 0 : i32
    %while3A_158 = arith.constant -1 : i32
    %while3A_159 = arith.subi %select_n3A_157, %while3A : i32
    %while3A_160 = arith.addi %while3A, %while3A_159 : i32
    %while3A_161 = arith.constant 1 : i32
    %while3A_162 = arith.divsi %while3A_159, %while3A_161 : i32
    %while3A_163 = arith.muli %while3A_162, %while3A_161 : i32
    %while3A_164 = arith.addi %while3A, %while3A_163 : i32
    %while3A_165 = arith.constant 1 : i32
    %while3A_166 = scf.for %while3A_221 = %while3A to %while3A_164 step %while3A_165 iter_args(%while3A_222 = %while3A_158) -> (i32)  : i32 {
      %mul3A_223 = arith.constant 2 : i32
      %mul3A_224 = arith.muli %mul3A_223, %while3A_221 : i32
      %add3A_225 = arith.addi %select_n3A, %mul3A_224 : i32
      %eq3A = arith.constant 0 : i32
      %eq3A_226 = arith.cmpi eq, %while3A_221, %eq3A : i32
      %jit3A_227 = arith.constant 16 : i32
      %div3A_228 = arith.divsi %add3A_225, %jit3A_227 : i32
      %sign3A_229 = arith.constant 0 : i32
      %sign3A_230 = arith.cmpi sgt, %add3A_225, %sign3A_229 : i32
      %sign3A_231 = arith.extui %sign3A_230 : i1 to i32
      %sign3A_232 = arith.constant 0 : i32
      %sign3A_233 = arith.cmpi slt, %add3A_225, %sign3A_232 : i32
      %sign3A_234 = arith.extui %sign3A_233 : i1 to i32
      %sign3A_235 = arith.subi %sign3A_231, %sign3A_234 : i32
      %sign3A_236 = arith.constant 0 : i32
      %sign3A_237 = arith.cmpi sgt, %jit3A_227, %sign3A_236 : i32
      %sign3A_238 = arith.extui %sign3A_237 : i1 to i32
      %sign3A_239 = arith.constant 0 : i32
      %sign3A_240 = arith.cmpi slt, %jit3A_227, %sign3A_239 : i32
      %sign3A_241 = arith.extui %sign3A_240 : i1 to i32
      %sign3A_242 = arith.subi %sign3A_238, %sign3A_241 : i32
      %ne3A_243 = arith.cmpi ne, %sign3A_235, %sign3A_242 : i32
      %rem3A_244 = arith.remsi %add3A_225, %jit3A_227 : i32
      %ne3A_245 = arith.constant 0 : i32
      %ne3A_246 = arith.cmpi ne, %rem3A_244, %ne3A_245 : i32
      %and3A_247 = arith.andi %ne3A_243, %ne3A_246 : i1
      %sub3A_248 = arith.constant 1 : i32
      %sub3A_249 = arith.subi %div3A_228, %sub3A_248 : i32
      %select_n3A_250 = arith.select %and3A_247, %sub3A_249, %div3A_228 : i32
      %mul3A_251 = arith.constant 16 : i32
      %mul3A_252 = arith.muli %mul3A_251, %select_n3A_250 : i32
      %sub3A_253 = arith.subi %add3A_225, %mul3A_252 : i32
      %ne3A_254 = arith.cmpi ne, %select_n3A_250, %while3A_222 : i32
      %convert_element_type3A = arith.extui %ne3A_254 : i1 to i32
      %cond3A = arith.constant 0 : i32
      %cond3A_255 = arith.cmpi ne, %convert_element_type3A, %cond3A : i32
      scf.if %cond3A_255 {
        %mul3A_373 = arith.constant 26 : i32
        %mul3A_374 = vector.broadcast %mul3A_373 : i32 to vector<16xi32>
        %mul3A_375 = arith.muli %iota3A, %mul3A_374 : vector<16xi32>
        %add3A_376 = vector.broadcast %select_n3A_250 : i32 to vector<16xi32>
        %add3A_377 = arith.addi %mul3A_375, %add3A_376 : vector<16xi32>
        %swap3A = arith.constant 0 : index
        %swap3A_378 = tpu.vector_load %arg14[%swap3A] {strides = array<i32>} : memref<32xi32, #tpu.memory_space<vmem>>, vector<16xi32>,
        tpu.vector_store %arg14[%swap3A], %add3A_377 {strides = array<i32>} : memref<32xi32, #tpu.memory_space<vmem>>, vector<16xi32>,
        %add3A_379 = arith.constant 16 : i32
        %add3A_380 = vector.broadcast %add3A_379 : i32 to vector<16xi32>
        %add3A_381 = arith.addi %iota3A, %add3A_380 : vector<16xi32>
        %mul3A_382 = arith.constant 26 : i32
        %mul3A_383 = vector.broadcast %mul3A_382 : i32 to vector<16xi32>
        %mul3A_384 = arith.muli %add3A_381, %mul3A_383 : vector<16xi32>
        %add3A_385 = vector.broadcast %select_n3A_250 : i32 to vector<16xi32>
        %add3A_386 = arith.addi %mul3A_384, %add3A_385 : vector<16xi32>
        %swap3A_387 = arith.constant 16 : index
        %swap3A_388 = tpu.vector_load %arg14[%swap3A_387] {strides = array<i32>} : memref<32xi32, #tpu.memory_space<vmem>>, vector<16xi32>,
        tpu.vector_store %arg14[%swap3A_387], %add3A_386 {strides = array<i32>} : memref<32xi32, #tpu.memory_space<vmem>>, vector<16xi32>,
        %dma_start3A_389 = arith.constant 0 : i32
        %dma_start3A_390 = tpu.memref_slice %arg14[%dma_start3A_389] : memref<32xi32, #tpu.memory_space<vmem>> -> memref<26xi32, #tpu.memory_space<vmem>>
        %dma_start3A_391 = arith.constant 0 : i32
        %dma_start3A_392 = arith.constant 0 : i32
        %dma_start3A_393 = tpu.memref_slice %arg2[%dma_start3A_391, %dma_start3A_392] : memref<676x1000xf32, #tpu.memory_space<hbm>> -> memref<676x1000xf32, #tpu.memory_space<hbm>>
        tpu.enqueue_indirect_dma source(%dma_start3A_393 : memref<676x1000xf32, #tpu.memory_space<hbm>>) target(%arg9 : memref<26x1000xf32, #tpu.memory_space<vmem>>) offsets(%dma_start3A_390 : memref<26xi32, #tpu.memory_space<vmem>>) semaphore(%arg21 : memref<!tpu.dma_semaphore, #tpu.memory_space<semaphore_mem>>)
        %mul3A_394 = arith.constant 1000 : i32
        %mul3A_395 = arith.muli %select_n3A_250, %mul3A_394 : i32
        "tpu.region"() ({
          %run_scoped3A = tpu.sem_alloc : memref<!tpu.dma_semaphore, #tpu.memory_space<semaphore_mem>>
          %dma_start3A_403 = tpu.memref_slice %arg3[%mul3A_395] : memref<26000xf32, #tpu.memory_space<hbm>> -> memref<1000xf32, #tpu.memory_space<hbm>>
          %dma_start3A_404 = tpu.memref_slice %arg3[%mul3A_395] : memref<26000xf32, #tpu.memory_space<hbm>> -> memref<1000xf32, #tpu.memory_space<hbm>>
          tpu.enqueue_dma source(%dma_start3A_404 : memref<1000xf32, #tpu.memory_space<hbm>>) target(%arg10 : memref<1000xf32, #tpu.memory_space<vmem>>) target_semaphore(%run_scoped3A : memref<!tpu.dma_semaphore, #tpu.memory_space<semaphore_mem>>)
          %dma_wait3A_405 = tpu.memref_slice %arg3[%mul3A_395] : memref<26000xf32, #tpu.memory_space<hbm>> -> memref<1000xf32, #tpu.memory_space<hbm>>
          %dma_wait3A_406 = tpu.memref_slice %arg3[%mul3A_395] : memref<26000xf32, #tpu.memory_space<hbm>> -> memref<1000xf32, #tpu.memory_space<hbm>>
          tpu.wait_dma2 semaphore(%run_scoped3A : memref<!tpu.dma_semaphore, #tpu.memory_space<semaphore_mem>>) src(%dma_wait3A_406 : memref<1000xf32, #tpu.memory_space<hbm>>) dst(%arg10 : memref<1000xf32, #tpu.memory_space<vmem>>)
          tpu.yield
        }) : () -> ()
        %mul3A_396 = arith.constant 1000 : i32
        %mul3A_397 = arith.muli %select_n3A_250, %mul3A_396 : i32
        "tpu.region"() ({
          %run_scoped3A = tpu.sem_alloc : memref<!tpu.dma_semaphore, #tpu.memory_space<semaphore_mem>>
          %dma_start3A_403 = tpu.memref_slice %arg4[%mul3A_397] : memref<26000xf32, #tpu.memory_space<hbm>> -> memref<1000xf32, #tpu.memory_space<hbm>>
          %dma_start3A_404 = tpu.memref_slice %arg4[%mul3A_397] : memref<26000xf32, #tpu.memory_space<hbm>> -> memref<1000xf32, #tpu.memory_space<hbm>>
          tpu.enqueue_dma source(%dma_start3A_404 : memref<1000xf32, #tpu.memory_space<hbm>>) target(%arg11 : memref<1000xf32, #tpu.memory_space<vmem>>) target_semaphore(%run_scoped3A : memref<!tpu.dma_semaphore, #tpu.memory_space<semaphore_mem>>)
          %dma_wait3A_405 = tpu.memref_slice %arg4[%mul3A_397] : memref<26000xf32, #tpu.memory_space<hbm>> -> memref<1000xf32, #tpu.memory_space<hbm>>
          %dma_wait3A_406 = tpu.memref_slice %arg4[%mul3A_397] : memref<26000xf32, #tpu.memory_space<hbm>> -> memref<1000xf32, #tpu.memory_space<hbm>>
          tpu.wait_dma2 semaphore(%run_scoped3A : memref<!tpu.dma_semaphore, #tpu.memory_space<semaphore_mem>>) src(%dma_wait3A_406 : memref<1000xf32, #tpu.memory_space<hbm>>) dst(%arg11 : memref<1000xf32, #tpu.memory_space<vmem>>)
          tpu.yield
        }) : () -> ()
        %dma_wait3A_398 = arith.constant 0 : i32
        %dma_wait3A_399 = tpu.memref_slice %arg14[%dma_wait3A_398] : memref<32xi32, #tpu.memory_space<vmem>> -> memref<26xi32, #tpu.memory_space<vmem>>
        %dma_wait3A_400 = arith.constant 0 : i32
        %dma_wait3A_401 = arith.constant 0 : i32
        %dma_wait3A_402 = tpu.memref_slice %arg2[%dma_wait3A_400, %dma_wait3A_401] : memref<676x1000xf32, #tpu.memory_space<hbm>> -> memref<676x1000xf32, #tpu.memory_space<hbm>>
        tpu.wait_indirect_dma semaphore(%arg21 : memref<!tpu.dma_semaphore, #tpu.memory_space<semaphore_mem>>) src(%dma_wait3A_402 : memref<676x1000xf32, #tpu.memory_space<hbm>>) dst(%arg9 : memref<26x1000xf32, #tpu.memory_space<vmem>>)
      } else {
      }
      %jit3A_256 = arith.constant 16 : i32
      %div3A_257 = arith.divsi %add3A_225, %jit3A_256 : i32
      %sign3A_258 = arith.constant 0 : i32
      %sign3A_259 = arith.cmpi sgt, %add3A_225, %sign3A_258 : i32
      %sign3A_260 = arith.extui %sign3A_259 : i1 to i32
      %sign3A_261 = arith.constant 0 : i32
      %sign3A_262 = arith.cmpi slt, %add3A_225, %sign3A_261 : i32
      %sign3A_263 = arith.extui %sign3A_262 : i1 to i32
      %sign3A_264 = arith.subi %sign3A_260, %sign3A_263 : i32
      %sign3A_265 = arith.constant 0 : i32
      %sign3A_266 = arith.cmpi sgt, %jit3A_256, %sign3A_265 : i32
      %sign3A_267 = arith.extui %sign3A_266 : i1 to i32
      %sign3A_268 = arith.constant 0 : i32
      %sign3A_269 = arith.cmpi slt, %jit3A_256, %sign3A_268 : i32
      %sign3A_270 = arith.extui %sign3A_269 : i1 to i32
      %sign3A_271 = arith.subi %sign3A_267, %sign3A_270 : i32
      %ne3A_272 = arith.cmpi ne, %sign3A_264, %sign3A_271 : i32
      %rem3A_273 = arith.remsi %add3A_225, %jit3A_256 : i32
      %ne3A_274 = arith.constant 0 : i32
      %ne3A_275 = arith.cmpi ne, %rem3A_273, %ne3A_274 : i32
      %and3A_276 = arith.andi %ne3A_272, %ne3A_275 : i1
      %sub3A_277 = arith.constant 1 : i32
      %sub3A_278 = arith.subi %div3A_257, %sub3A_277 : i32
      %select_n3A_279 = arith.select %and3A_276, %sub3A_278, %div3A_257 : i32
      %mul3A_280 = arith.constant 16 : i32
      %mul3A_281 = arith.muli %mul3A_280, %select_n3A_279 : i32
      %sub3A_282 = arith.subi %add3A_225, %mul3A_281 : i32
      %mul3A_283 = arith.constant 16384 : i32
      %mul3A_284 = arith.muli %select_n3A_279, %mul3A_283 : i32
      %mul3A_285 = arith.constant 1024 : i32
      %mul3A_286 = arith.muli %sub3A_282, %mul3A_285 : i32
      %add3A_287 = arith.addi %mul3A_284, %mul3A_286 : i32
      %dma_wait3A_288 = tpu.memref_slice %arg5[%add3A_287] : memref<425984xi32, #tpu.memory_space<hbm>> -> memref<1024xi32, #tpu.memory_space<hbm>>
      %dma_wait3A_289 = tpu.memref_slice %arg5[%add3A_287] : memref<425984xi32, #tpu.memory_space<hbm>> -> memref<1024xi32, #tpu.memory_space<hbm>>
      tpu.wait_dma2 semaphore(%arg22 : memref<!tpu.dma_semaphore, #tpu.memory_space<semaphore_mem>>) src(%dma_wait3A_289 : memref<1024xi32, #tpu.memory_space<hbm>>) dst(%arg12 : memref<1024xi32, #tpu.memory_space<vmem>>)
      %add3A_290 = arith.constant 1 : i32
      %add3A_291 = arith.addi %add3A_225, %add3A_290 : i32
      %lt3A = arith.cmpi slt, %add3A_291, %select_n3A_97 : i32
      %convert_element_type3A_292 = arith.extui %lt3A : i1 to i32
      %cond3A_293 = arith.constant 0 : i32
      %cond3A_294 = arith.cmpi ne, %convert_element_type3A_292, %cond3A_293 : i32
      scf.if %cond3A_294 {
        %add3A_373 = arith.constant 1 : i32
        %add3A_374 = arith.addi %add3A_225, %add3A_373 : i32
        %jit3A_375 = arith.constant 16 : i32
        %div3A_376 = arith.divsi %add3A_374, %jit3A_375 : i32
        %sign3A_377 = arith.constant 0 : i32
        %sign3A_378 = arith.cmpi sgt, %add3A_374, %sign3A_377 : i32
        %sign3A_379 = arith.extui %sign3A_378 : i1 to i32
        %sign3A_380 = arith.constant 0 : i32
        %sign3A_381 = arith.cmpi slt, %add3A_374, %sign3A_380 : i32
        %sign3A_382 = arith.extui %sign3A_381 : i1 to i32
        %sign3A_383 = arith.subi %sign3A_379, %sign3A_382 : i32
        %sign3A_384 = arith.constant 0 : i32
        %sign3A_385 = arith.cmpi sgt, %jit3A_375, %sign3A_384 : i32
        %sign3A_386 = arith.extui %sign3A_385 : i1 to i32
        %sign3A_387 = arith.constant 0 : i32
        %sign3A_388 = arith.cmpi slt, %jit3A_375, %sign3A_387 : i32
        %sign3A_389 = arith.extui %sign3A_388 : i1 to i32
        %sign3A_390 = arith.subi %sign3A_386, %sign3A_389 : i32
        %ne3A_391 = arith.cmpi ne, %sign3A_383, %sign3A_390 : i32
        %rem3A_392 = arith.remsi %add3A_374, %jit3A_375 : i32
        %ne3A_393 = arith.constant 0 : i32
        %ne3A_394 = arith.cmpi ne, %rem3A_392, %ne3A_393 : i32
        %and3A_395 = arith.andi %ne3A_391, %ne3A_394 : i1
        %sub3A_396 = arith.constant 1 : i32
        %sub3A_397 = arith.subi %div3A_376, %sub3A_396 : i32
        %select_n3A_398 = arith.select %and3A_395, %sub3A_397, %div3A_376 : i32
        %mul3A_399 = arith.constant 16 : i32
        %mul3A_400 = arith.muli %mul3A_399, %select_n3A_398 : i32
        %sub3A_401 = arith.subi %add3A_374, %mul3A_400 : i32
        %mul3A_402 = arith.constant 16384 : i32
        %mul3A_403 = arith.muli %select_n3A_398, %mul3A_402 : i32
        %mul3A_404 = arith.constant 1024 : i32
        %mul3A_405 = arith.muli %sub3A_401, %mul3A_404 : i32
        %add3A_406 = arith.addi %mul3A_403, %mul3A_405 : i32
        %dma_start3A_407 = tpu.memref_slice %arg5[%add3A_406] : memref<425984xi32, #tpu.memory_space<hbm>> -> memref<1024xi32, #tpu.memory_space<hbm>>
        %dma_start3A_408 = tpu.memref_slice %arg5[%add3A_406] : memref<425984xi32, #tpu.memory_space<hbm>> -> memref<1024xi32, #tpu.memory_space<hbm>>
        tpu.enqueue_dma source(%dma_start3A_408 : memref<1024xi32, #tpu.memory_space<hbm>>) target(%arg13 : memref<1024xi32, #tpu.memory_space<vmem>>) target_semaphore(%arg23 : memref<!tpu.dma_semaphore, #tpu.memory_space<semaphore_mem>>)
      } else {
      }
      %not3A = arith.constant true
      %not3A_295 = arith.xori %eq3A_226, %not3A : i1
      %convert_element_type3A_296 = arith.extui %not3A_295 : i1 to i32
      %cond3A_297 = arith.constant 0 : i32
      %cond3A_298 = arith.cmpi ne, %convert_element_type3A_296, %cond3A_297 : i32
      scf.if %cond3A_298 {
        %mul3A_373 = arith.constant 1024 : i32
        %mul3A_374 = arith.muli %sub3A_253, %mul3A_373 : i32
        %add3A_375 = arith.constant 0 : i32
        %add3A_376 = arith.addi %mul3A_374, %add3A_375 : i32
        %dma_wait3A_377 = arith.constant 0 : i32
        %dma_wait3A_378 = tpu.memref_slice %arg6[%dma_wait3A_377, %select_n3A_250, %add3A_376] : memref<26x26x16384xf32, #tpu.memory_space<hbm>> -> memref<26x1x1024xf32, #tpu.memory_space<hbm>>
        %dma_wait3A_379 = arith.constant 0 : i32
        %dma_wait3A_380 = tpu.memref_slice %arg6[%dma_wait3A_379, %select_n3A_250, %add3A_376] : memref<26x26x16384xf32, #tpu.memory_space<hbm>> -> memref<26x1x1024xf32, #tpu.memory_space<hbm>>
        tpu.wait_dma2 semaphore(%arg24 : memref<!tpu.dma_semaphore, #tpu.memory_space<semaphore_mem>>) src(%arg15 : memref<26x1x1024xf32, #tpu.memory_space<vmem>>) dst(%dma_wait3A_380 : memref<26x1x1024xf32, #tpu.memory_space<hbm>>)
        %dma_wait3A_381 = tpu.memref_slice %arg7[%select_n3A_250, %add3A_376] : memref<26x16384xf32, #tpu.memory_space<hbm>> -> memref<1x1024xf32, #tpu.memory_space<hbm>>
        %dma_wait3A_382 = tpu.memref_slice %arg7[%select_n3A_250, %add3A_376] : memref<26x16384xf32, #tpu.memory_space<hbm>> -> memref<1x1024xf32, #tpu.memory_space<hbm>>
        tpu.wait_dma2 semaphore(%arg24 : memref<!tpu.dma_semaphore, #tpu.memory_space<semaphore_mem>>) src(%arg17 : memref<1x1024xf32, #tpu.memory_space<vmem>>) dst(%dma_wait3A_382 : memref<1x1024xf32, #tpu.memory_space<hbm>>)
        %dma_wait3A_383 = tpu.memref_slice %arg8[%select_n3A_250, %add3A_376] : memref<26x16384xf32, #tpu.memory_space<hbm>> -> memref<1x1024xf32, #tpu.memory_space<hbm>>
        %dma_wait3A_384 = tpu.memref_slice %arg8[%select_n3A_250, %add3A_376] : memref<26x16384xf32, #tpu.memory_space<hbm>> -> memref<1x1024xf32, #tpu.memory_space<hbm>>
        tpu.wait_dma2 semaphore(%arg24 : memref<!tpu.dma_semaphore, #tpu.memory_space<semaphore_mem>>) src(%arg19 : memref<1x1024xf32, #tpu.memory_space<vmem>>) dst(%dma_wait3A_384 : memref<1x1024xf32, #tpu.memory_space<hbm>>)
      } else {
      }
      %parallel_loop3A = arith.constant 0 : i32
      %parallel_loop3A_299 = arith.constant 64 : i32
      %parallel_loop3A_300 = arith.constant 1 : i32
      scf.for %parallel_loop3A_373 = %parallel_loop3A to %parallel_loop3A_299 step %parallel_loop3A_300  : i32 {
        %parallel_loop3A_374 = arith.constant 16 : i32
        %parallel_loop3A_375 = arith.muli %parallel_loop3A_373, %parallel_loop3A_374 : i32
        %parallel_loop3A_376 = arith.index_cast %parallel_loop3A_375 : i32 to index
        %parallel_loop3A_377 = tpu.vector_load %arg12[%parallel_loop3A_376] {strides = array<i32>} : memref<1024xi32, #tpu.memory_space<vmem>>, vector<16xi32>,
        %parallel_loop3A_378 = tpu.vector_load_idx %arg9[%broadcast_in_dim3A_1, %parallel_loop3A_377] : memref<26x1000xf32, #tpu.memory_space<vmem>>[vector<16xi32>, vector<16xi32>], vector<16xf32>,
        %parallel_loop3A_379 = arith.constant 16 : i32
        %parallel_loop3A_380 = arith.muli %parallel_loop3A_373, %parallel_loop3A_379 : i32
        %parallel_loop3A_381 = arith.constant 0 : i32
        %parallel_loop3A_382 = arith.constant 0 : i32
        %parallel_loop3A_383 = arith.index_cast %parallel_loop3A_381 : i32 to index
        %parallel_loop3A_384 = arith.index_cast %parallel_loop3A_382 : i32 to index
        %parallel_loop3A_385 = arith.index_cast %parallel_loop3A_380 : i32 to index
        %parallel_loop3A_386 = tpu.vector_load %arg15[%parallel_loop3A_383, %parallel_loop3A_384, %parallel_loop3A_385] {strides = array<i32>} : memref<26x1x1024xf32, #tpu.memory_space<vmem>>, vector<16xf32>,
        tpu.vector_store %arg15[%parallel_loop3A_383, %parallel_loop3A_384, %parallel_loop3A_385], %parallel_loop3A_378 {strides = array<i32>} : memref<26x1x1024xf32, #tpu.memory_space<vmem>>, vector<16xf32>,
        %parallel_loop3A_387 = tpu.vector_load_idx %arg9[%broadcast_in_dim3A_3, %parallel_loop3A_377] : memref<26x1000xf32, #tpu.memory_space<vmem>>[vector<16xi32>, vector<16xi32>], vector<16xf32>,
        %parallel_loop3A_388 = arith.constant 16 : i32
        %parallel_loop3A_389 = arith.muli %parallel_loop3A_373, %parallel_loop3A_388 : i32
        %parallel_loop3A_390 = arith.constant 1 : i32
        %parallel_loop3A_391 = arith.constant 0 : i32
        %parallel_loop3A_392 = arith.index_cast %parallel_loop3A_390 : i32 to index
        %parallel_loop3A_393 = arith.index_cast %parallel_loop3A_391 : i32 to index
        %parallel_loop3A_394 = arith.index_cast %parallel_loop3A_389 : i32 to index
        %parallel_loop3A_395 = tpu.vector_load %arg15[%parallel_loop3A_392, %parallel_loop3A_393, %parallel_loop3A_394] {strides = array<i32>} : memref<26x1x1024xf32, #tpu.memory_space<vmem>>, vector<16xf32>,
        tpu.vector_store %arg15[%parallel_loop3A_392, %parallel_loop3A_393, %parallel_loop3A_394], %parallel_loop3A_387 {strides = array<i32>} : memref<26x1x1024xf32, #tpu.memory_space<vmem>>, vector<16xf32>,
        %parallel_loop3A_396 = tpu.vector_load_idx %arg9[%broadcast_in_dim3A_5, %parallel_loop3A_377] : memref<26x1000xf32, #tpu.memory_space<vmem>>[vector<16xi32>, vector<16xi32>], vector<16xf32>,
        %parallel_loop3A_397 = arith.constant 16 : i32
        %parallel_loop3A_398 = arith.muli %parallel_loop3A_373, %parallel_loop3A_397 : i32
        %parallel_loop3A_399 = arith.constant 2 : i32
        %parallel_loop3A_400 = arith.constant 0 : i32
        %parallel_loop3A_401 = arith.index_cast %parallel_loop3A_399 : i32 to index
        %parallel_loop3A_402 = arith.index_cast %parallel_loop3A_400 : i32 to index
        %parallel_loop3A_403 = arith.index_cast %parallel_loop3A_398 : i32 to index
        %parallel_loop3A_404 = tpu.vector_load %arg15[%parallel_loop3A_401, %parallel_loop3A_402, %parallel_loop3A_403] {strides = array<i32>} : memref<26x1x1024xf32, #tpu.memory_space<vmem>>, vector<16xf32>,
        tpu.vector_store %arg15[%parallel_loop3A_401, %parallel_loop3A_402, %parallel_loop3A_403], %parallel_loop3A_396 {strides = array<i32>} : memref<26x1x1024xf32, #tpu.memory_space<vmem>>, vector<16xf32>,
        %parallel_loop3A_405 = tpu.vector_load_idx %arg9[%broadcast_in_dim3A_7, %parallel_loop3A_377] : memref<26x1000xf32, #tpu.memory_space<vmem>>[vector<16xi32>, vector<16xi32>], vector<16xf32>,
        %parallel_loop3A_406 = arith.constant 16 : i32
        %parallel_loop3A_407 = arith.muli %parallel_loop3A_373, %parallel_loop3A_406 : i32
        %parallel_loop3A_408 = arith.constant 3 : i32
        %parallel_loop3A_409 = arith.constant 0 : i32
        %parallel_loop3A_410 = arith.index_cast %parallel_loop3A_408 : i32 to index
        %parallel_loop3A_411 = arith.index_cast %parallel_loop3A_409 : i32 to index
        %parallel_loop3A_412 = arith.index_cast %parallel_loop3A_407 : i32 to index
        %parallel_loop3A_413 = tpu.vector_load %arg15[%parallel_loop3A_410, %parallel_loop3A_411, %parallel_loop3A_412] {strides = array<i32>} : memref<26x1x1024xf32, #tpu.memory_space<vmem>>, vector<16xf32>,
        tpu.vector_store %arg15[%parallel_loop3A_410, %parallel_loop3A_411, %parallel_loop3A_412], %parallel_loop3A_405 {strides = array<i32>} : memref<26x1x1024xf32, #tpu.memory_space<vmem>>, vector<16xf32>,
        %parallel_loop3A_414 = tpu.vector_load_idx %arg9[%broadcast_in_dim3A_9, %parallel_loop3A_377] : memref<26x1000xf32, #tpu.memory_space<vmem>>[vector<16xi32>, vector<16xi32>], vector<16xf32>,
        %parallel_loop3A_415 = arith.constant 16 : i32
        %parallel_loop3A_416 = arith.muli %parallel_loop3A_373, %parallel_loop3A_415 : i32
        %parallel_loop3A_417 = arith.constant 4 : i32
        %parallel_loop3A_418 = arith.constant 0 : i32
        %parallel_loop3A_419 = arith.index_cast %parallel_loop3A_417 : i32 to index
        %parallel_loop3A_420 = arith.index_cast %parallel_loop3A_418 : i32 to index
        %parallel_loop3A_421 = arith.index_cast %parallel_loop3A_416 : i32 to index
        %parallel_loop3A_422 = tpu.vector_load %arg15[%parallel_loop3A_419, %parallel_loop3A_420, %parallel_loop3A_421] {strides = array<i32>} : memref<26x1x1024xf32, #tpu.memory_space<vmem>>, vector<16xf32>,
        tpu.vector_store %arg15[%parallel_loop3A_419, %parallel_loop3A_420, %parallel_loop3A_421], %parallel_loop3A_414 {strides = array<i32>} : memref<26x1x1024xf32, #tpu.memory_space<vmem>>, vector<16xf32>,
        %parallel_loop3A_423 = tpu.vector_load_idx %arg9[%broadcast_in_dim3A_11, %parallel_loop3A_377] : memref<26x1000xf32, #tpu.memory_space<vmem>>[vector<16xi32>, vector<16xi32>], vector<16xf32>,
        %parallel_loop3A_424 = arith.constant 16 : i32
        %parallel_loop3A_425 = arith.muli %parallel_loop3A_373, %parallel_loop3A_424 : i32
        %parallel_loop3A_426 = arith.constant 5 : i32
        %parallel_loop3A_427 = arith.constant 0 : i32
        %parallel_loop3A_428 = arith.index_cast %parallel_loop3A_426 : i32 to index
        %parallel_loop3A_429 = arith.index_cast %parallel_loop3A_427 : i32 to index
        %parallel_loop3A_430 = arith.index_cast %parallel_loop3A_425 : i32 to index
        %parallel_loop3A_431 = tpu.vector_load %arg15[%parallel_loop3A_428, %parallel_loop3A_429, %parallel_loop3A_430] {strides = array<i32>} : memref<26x1x1024xf32, #tpu.memory_space<vmem>>, vector<16xf32>,
        tpu.vector_store %arg15[%parallel_loop3A_428, %parallel_loop3A_429, %parallel_loop3A_430], %parallel_loop3A_423 {strides = array<i32>} : memref<26x1x1024xf32, #tpu.memory_space<vmem>>, vector<16xf32>,
        %parallel_loop3A_432 = tpu.vector_load_idx %arg9[%broadcast_in_dim3A_13, %parallel_loop3A_377] : memref<26x1000xf32, #tpu.memory_space<vmem>>[vector<16xi32>, vector<16xi32>], vector<16xf32>,
        %parallel_loop3A_433 = arith.constant 16 : i32
        %parallel_loop3A_434 = arith.muli %parallel_loop3A_373, %parallel_loop3A_433 : i32
        %parallel_loop3A_435 = arith.constant 6 : i32
        %parallel_loop3A_436 = arith.constant 0 : i32
        %parallel_loop3A_437 = arith.index_cast %parallel_loop3A_435 : i32 to index
        %parallel_loop3A_438 = arith.index_cast %parallel_loop3A_436 : i32 to index
        %parallel_loop3A_439 = arith.index_cast %parallel_loop3A_434 : i32 to index
        %parallel_loop3A_440 = tpu.vector_load %arg15[%parallel_loop3A_437, %parallel_loop3A_438, %parallel_loop3A_439] {strides = array<i32>} : memref<26x1x1024xf32, #tpu.memory_space<vmem>>, vector<16xf32>,
        tpu.vector_store %arg15[%parallel_loop3A_437, %parallel_loop3A_438, %parallel_loop3A_439], %parallel_loop3A_432 {strides = array<i32>} : memref<26x1x1024xf32, #tpu.memory_space<vmem>>, vector<16xf32>,
        %parallel_loop3A_441 = tpu.vector_load_idx %arg9[%broadcast_in_dim3A_15, %parallel_loop3A_377] : memref<26x1000xf32, #tpu.memory_space<vmem>>[vector<16xi32>, vector<16xi32>], vector<16xf32>,
        %parallel_loop3A_442 = arith.constant 16 : i32
        %parallel_loop3A_443 = arith.muli %parallel_loop3A_373, %parallel_loop3A_442 : i32
        %parallel_loop3A_444 = arith.constant 7 : i32
        %parallel_loop3A_445 = arith.constant 0 : i32
        %parallel_loop3A_446 = arith.index_cast %parallel_loop3A_444 : i32 to index
        %parallel_loop3A_447 = arith.index_cast %parallel_loop3A_445 : i32 to index
        %parallel_loop3A_448 = arith.index_cast %parallel_loop3A_443 : i32 to index
        %parallel_loop3A_449 = tpu.vector_load %arg15[%parallel_loop3A_446, %parallel_loop3A_447, %parallel_loop3A_448] {strides = array<i32>} : memref<26x1x1024xf32, #tpu.memory_space<vmem>>, vector<16xf32>,
        tpu.vector_store %arg15[%parallel_loop3A_446, %parallel_loop3A_447, %parallel_loop3A_448], %parallel_loop3A_441 {strides = array<i32>} : memref<26x1x1024xf32, #tpu.memory_space<vmem>>, vector<16xf32>,
        %parallel_loop3A_450 = tpu.vector_load_idx %arg9[%broadcast_in_dim3A_17, %parallel_loop3A_377] : memref<26x1000xf32, #tpu.memory_space<vmem>>[vector<16xi32>, vector<16xi32>], vector<16xf32>,
        %parallel_loop3A_451 = arith.constant 16 : i32
        %parallel_loop3A_452 = arith.muli %parallel_loop3A_373, %parallel_loop3A_451 : i32
        %parallel_loop3A_453 = arith.constant 8 : i32
        %parallel_loop3A_454 = arith.constant 0 : i32
        %parallel_loop3A_455 = arith.index_cast %parallel_loop3A_453 : i32 to index
        %parallel_loop3A_456 = arith.index_cast %parallel_loop3A_454 : i32 to index
        %parallel_loop3A_457 = arith.index_cast %parallel_loop3A_452 : i32 to index
        %parallel_loop3A_458 = tpu.vector_load %arg15[%parallel_loop3A_455, %parallel_loop3A_456, %parallel_loop3A_457] {strides = array<i32>} : memref<26x1x1024xf32, #tpu.memory_space<vmem>>, vector<16xf32>,
        tpu.vector_store %arg15[%parallel_loop3A_455, %parallel_loop3A_456, %parallel_loop3A_457], %parallel_loop3A_450 {strides = array<i32>} : memref<26x1x1024xf32, #tpu.memory_space<vmem>>, vector<16xf32>,
        %parallel_loop3A_459 = tpu.vector_load_idx %arg9[%broadcast_in_dim3A_19, %parallel_loop3A_377] : memref<26x1000xf32, #tpu.memory_space<vmem>>[vector<16xi32>, vector<16xi32>], vector<16xf32>,
        %parallel_loop3A_460 = arith.constant 16 : i32
        %parallel_loop3A_461 = arith.muli %parallel_loop3A_373, %parallel_loop3A_460 : i32
        %parallel_loop3A_462 = arith.constant 9 : i32
        %parallel_loop3A_463 = arith.constant 0 : i32
        %parallel_loop3A_464 = arith.index_cast %parallel_loop3A_462 : i32 to index
        %parallel_loop3A_465 = arith.index_cast %parallel_loop3A_463 : i32 to index
        %parallel_loop3A_466 = arith.index_cast %parallel_loop3A_461 : i32 to index
        %parallel_loop3A_467 = tpu.vector_load %arg15[%parallel_loop3A_464, %parallel_loop3A_465, %parallel_loop3A_466] {strides = array<i32>} : memref<26x1x1024xf32, #tpu.memory_space<vmem>>, vector<16xf32>,
        tpu.vector_store %arg15[%parallel_loop3A_464, %parallel_loop3A_465, %parallel_loop3A_466], %parallel_loop3A_459 {strides = array<i32>} : memref<26x1x1024xf32, #tpu.memory_space<vmem>>, vector<16xf32>,
        %parallel_loop3A_468 = tpu.vector_load_idx %arg9[%broadcast_in_dim3A_21, %parallel_loop3A_377] : memref<26x1000xf32, #tpu.memory_space<vmem>>[vector<16xi32>, vector<16xi32>], vector<16xf32>,
        %parallel_loop3A_469 = arith.constant 16 : i32
        %parallel_loop3A_470 = arith.muli %parallel_loop3A_373, %parallel_loop3A_469 : i32
        %parallel_loop3A_471 = arith.constant 10 : i32
        %parallel_loop3A_472 = arith.constant 0 : i32
        %parallel_loop3A_473 = arith.index_cast %parallel_loop3A_471 : i32 to index
        %parallel_loop3A_474 = arith.index_cast %parallel_loop3A_472 : i32 to index
        %parallel_loop3A_475 = arith.index_cast %parallel_loop3A_470 : i32 to index
        %parallel_loop3A_476 = tpu.vector_load %arg15[%parallel_loop3A_473, %parallel_loop3A_474, %parallel_loop3A_475] {strides = array<i32>} : memref<26x1x1024xf32, #tpu.memory_space<vmem>>, vector<16xf32>,
        tpu.vector_store %arg15[%parallel_loop3A_473, %parallel_loop3A_474, %parallel_loop3A_475], %parallel_loop3A_468 {strides = array<i32>} : memref<26x1x1024xf32, #tpu.memory_space<vmem>>, vector<16xf32>,
        %parallel_loop3A_477 = tpu.vector_load_idx %arg9[%broadcast_in_dim3A_23, %parallel_loop3A_377] : memref<26x1000xf32, #tpu.memory_space<vmem>>[vector<16xi32>, vector<16xi32>], vector<16xf32>,
        %parallel_loop3A_478 = arith.constant 16 : i32
        %parallel_loop3A_479 = arith.muli %parallel_loop3A_373, %parallel_loop3A_478 : i32
        %parallel_loop3A_480 = arith.constant 11 : i32
        %parallel_loop3A_481 = arith.constant 0 : i32
        %parallel_loop3A_482 = arith.index_cast %parallel_loop3A_480 : i32 to index
        %parallel_loop3A_483 = arith.index_cast %parallel_loop3A_481 : i32 to index
        %parallel_loop3A_484 = arith.index_cast %parallel_loop3A_479 : i32 to index
        %parallel_loop3A_485 = tpu.vector_load %arg15[%parallel_loop3A_482, %parallel_loop3A_483, %parallel_loop3A_484] {strides = array<i32>} : memref<26x1x1024xf32, #tpu.memory_space<vmem>>, vector<16xf32>,
        tpu.vector_store %arg15[%parallel_loop3A_482, %parallel_loop3A_483, %parallel_loop3A_484], %parallel_loop3A_477 {strides = array<i32>} : memref<26x1x1024xf32, #tpu.memory_space<vmem>>, vector<16xf32>,
        %parallel_loop3A_486 = tpu.vector_load_idx %arg9[%broadcast_in_dim3A_25, %parallel_loop3A_377] : memref<26x1000xf32, #tpu.memory_space<vmem>>[vector<16xi32>, vector<16xi32>], vector<16xf32>,
        %parallel_loop3A_487 = arith.constant 16 : i32
        %parallel_loop3A_488 = arith.muli %parallel_loop3A_373, %parallel_loop3A_487 : i32
        %parallel_loop3A_489 = arith.constant 12 : i32
        %parallel_loop3A_490 = arith.constant 0 : i32
        %parallel_loop3A_491 = arith.index_cast %parallel_loop3A_489 : i32 to index
        %parallel_loop3A_492 = arith.index_cast %parallel_loop3A_490 : i32 to index
        %parallel_loop3A_493 = arith.index_cast %parallel_loop3A_488 : i32 to index
        %parallel_loop3A_494 = tpu.vector_load %arg15[%parallel_loop3A_491, %parallel_loop3A_492, %parallel_loop3A_493] {strides = array<i32>} : memref<26x1x1024xf32, #tpu.memory_space<vmem>>, vector<16xf32>,
        tpu.vector_store %arg15[%parallel_loop3A_491, %parallel_loop3A_492, %parallel_loop3A_493], %parallel_loop3A_486 {strides = array<i32>} : memref<26x1x1024xf32, #tpu.memory_space<vmem>>, vector<16xf32>,
        %parallel_loop3A_495 = tpu.vector_load_idx %arg9[%broadcast_in_dim3A_27, %parallel_loop3A_377] : memref<26x1000xf32, #tpu.memory_space<vmem>>[vector<16xi32>, vector<16xi32>], vector<16xf32>,
        %parallel_loop3A_496 = arith.constant 16 : i32
        %parallel_loop3A_497 = arith.muli %parallel_loop3A_373, %parallel_loop3A_496 : i32
        %parallel_loop3A_498 = arith.constant 13 : i32
        %parallel_loop3A_499 = arith.constant 0 : i32
        %parallel_loop3A_500 = arith.index_cast %parallel_loop3A_498 : i32 to index
        %parallel_loop3A_501 = arith.index_cast %parallel_loop3A_499 : i32 to index
        %parallel_loop3A_502 = arith.index_cast %parallel_loop3A_497 : i32 to index
        %parallel_loop3A_503 = tpu.vector_load %arg15[%parallel_loop3A_500, %parallel_loop3A_501, %parallel_loop3A_502] {strides = array<i32>} : memref<26x1x1024xf32, #tpu.memory_space<vmem>>, vector<16xf32>,
        tpu.vector_store %arg15[%parallel_loop3A_500, %parallel_loop3A_501, %parallel_loop3A_502], %parallel_loop3A_495 {strides = array<i32>} : memref<26x1x1024xf32, #tpu.memory_space<vmem>>, vector<16xf32>,
        %parallel_loop3A_504 = tpu.vector_load_idx %arg9[%broadcast_in_dim3A_29, %parallel_loop3A_377] : memref<26x1000xf32, #tpu.memory_space<vmem>>[vector<16xi32>, vector<16xi32>], vector<16xf32>,
        %parallel_loop3A_505 = arith.constant 16 : i32
        %parallel_loop3A_506 = arith.muli %parallel_loop3A_373, %parallel_loop3A_505 : i32
        %parallel_loop3A_507 = arith.constant 14 : i32
        %parallel_loop3A_508 = arith.constant 0 : i32
        %parallel_loop3A_509 = arith.index_cast %parallel_loop3A_507 : i32 to index
        %parallel_loop3A_510 = arith.index_cast %parallel_loop3A_508 : i32 to index
        %parallel_loop3A_511 = arith.index_cast %parallel_loop3A_506 : i32 to index
        %parallel_loop3A_512 = tpu.vector_load %arg15[%parallel_loop3A_509, %parallel_loop3A_510, %parallel_loop3A_511] {strides = array<i32>} : memref<26x1x1024xf32, #tpu.memory_space<vmem>>, vector<16xf32>,
        tpu.vector_store %arg15[%parallel_loop3A_509, %parallel_loop3A_510, %parallel_loop3A_511], %parallel_loop3A_504 {strides = array<i32>} : memref<26x1x1024xf32, #tpu.memory_space<vmem>>, vector<16xf32>,
        %parallel_loop3A_513 = tpu.vector_load_idx %arg9[%broadcast_in_dim3A_31, %parallel_loop3A_377] : memref<26x1000xf32, #tpu.memory_space<vmem>>[vector<16xi32>, vector<16xi32>], vector<16xf32>,
        %parallel_loop3A_514 = arith.constant 16 : i32
        %parallel_loop3A_515 = arith.muli %parallel_loop3A_373, %parallel_loop3A_514 : i32
        %parallel_loop3A_516 = arith.constant 15 : i32
        %parallel_loop3A_517 = arith.constant 0 : i32
        %parallel_loop3A_518 = arith.index_cast %parallel_loop3A_516 : i32 to index
        %parallel_loop3A_519 = arith.index_cast %parallel_loop3A_517 : i32 to index
        %parallel_loop3A_520 = arith.index_cast %parallel_loop3A_515 : i32 to index
        %parallel_loop3A_521 = tpu.vector_load %arg15[%parallel_loop3A_518, %parallel_loop3A_519, %parallel_loop3A_520] {strides = array<i32>} : memref<26x1x1024xf32, #tpu.memory_space<vmem>>, vector<16xf32>,
        tpu.vector_store %arg15[%parallel_loop3A_518, %parallel_loop3A_519, %parallel_loop3A_520], %parallel_loop3A_513 {strides = array<i32>} : memref<26x1x1024xf32, #tpu.memory_space<vmem>>, vector<16xf32>,
        %parallel_loop3A_522 = tpu.vector_load_idx %arg9[%broadcast_in_dim3A_33, %parallel_loop3A_377] : memref<26x1000xf32, #tpu.memory_space<vmem>>[vector<16xi32>, vector<16xi32>], vector<16xf32>,
        %parallel_loop3A_523 = arith.constant 16 : i32
        %parallel_loop3A_524 = arith.muli %parallel_loop3A_373, %parallel_loop3A_523 : i32
        %parallel_loop3A_525 = arith.constant 16 : i32
        %parallel_loop3A_526 = arith.constant 0 : i32
        %parallel_loop3A_527 = arith.index_cast %parallel_loop3A_525 : i32 to index
        %parallel_loop3A_528 = arith.index_cast %parallel_loop3A_526 : i32 to index
        %parallel_loop3A_529 = arith.index_cast %parallel_loop3A_524 : i32 to index
        %parallel_loop3A_530 = tpu.vector_load %arg15[%parallel_loop3A_527, %parallel_loop3A_528, %parallel_loop3A_529] {strides = array<i32>} : memref<26x1x1024xf32, #tpu.memory_space<vmem>>, vector<16xf32>,
        tpu.vector_store %arg15[%parallel_loop3A_527, %parallel_loop3A_528, %parallel_loop3A_529], %parallel_loop3A_522 {strides = array<i32>} : memref<26x1x1024xf32, #tpu.memory_space<vmem>>, vector<16xf32>,
        %parallel_loop3A_531 = tpu.vector_load_idx %arg9[%broadcast_in_dim3A_35, %parallel_loop3A_377] : memref<26x1000xf32, #tpu.memory_space<vmem>>[vector<16xi32>, vector<16xi32>], vector<16xf32>,
        %parallel_loop3A_532 = arith.constant 16 : i32
        %parallel_loop3A_533 = arith.muli %parallel_loop3A_373, %parallel_loop3A_532 : i32
        %parallel_loop3A_534 = arith.constant 17 : i32
        %parallel_loop3A_535 = arith.constant 0 : i32
        %parallel_loop3A_536 = arith.index_cast %parallel_loop3A_534 : i32 to index
        %parallel_loop3A_537 = arith.index_cast %parallel_loop3A_535 : i32 to index
        %parallel_loop3A_538 = arith.index_cast %parallel_loop3A_533 : i32 to index
        %parallel_loop3A_539 = tpu.vector_load %arg15[%parallel_loop3A_536, %parallel_loop3A_537, %parallel_loop3A_538] {strides = array<i32>} : memref<26x1x1024xf32, #tpu.memory_space<vmem>>, vector<16xf32>,
        tpu.vector_store %arg15[%parallel_loop3A_536, %parallel_loop3A_537, %parallel_loop3A_538], %parallel_loop3A_531 {strides = array<i32>} : memref<26x1x1024xf32, #tpu.memory_space<vmem>>, vector<16xf32>,
        %parallel_loop3A_540 = tpu.vector_load_idx %arg9[%broadcast_in_dim3A_37, %parallel_loop3A_377] : memref<26x1000xf32, #tpu.memory_space<vmem>>[vector<16xi32>, vector<16xi32>], vector<16xf32>,
        %parallel_loop3A_541 = arith.constant 16 : i32
        %parallel_loop3A_542 = arith.muli %parallel_loop3A_373, %parallel_loop3A_541 : i32
        %parallel_loop3A_543 = arith.constant 18 : i32
        %parallel_loop3A_544 = arith.constant 0 : i32
        %parallel_loop3A_545 = arith.index_cast %parallel_loop3A_543 : i32 to index
        %parallel_loop3A_546 = arith.index_cast %parallel_loop3A_544 : i32 to index
        %parallel_loop3A_547 = arith.index_cast %parallel_loop3A_542 : i32 to index
        %parallel_loop3A_548 = tpu.vector_load %arg15[%parallel_loop3A_545, %parallel_loop3A_546, %parallel_loop3A_547] {strides = array<i32>} : memref<26x1x1024xf32, #tpu.memory_space<vmem>>, vector<16xf32>,
        tpu.vector_store %arg15[%parallel_loop3A_545, %parallel_loop3A_546, %parallel_loop3A_547], %parallel_loop3A_540 {strides = array<i32>} : memref<26x1x1024xf32, #tpu.memory_space<vmem>>, vector<16xf32>,
        %parallel_loop3A_549 = tpu.vector_load_idx %arg9[%broadcast_in_dim3A_39, %parallel_loop3A_377] : memref<26x1000xf32, #tpu.memory_space<vmem>>[vector<16xi32>, vector<16xi32>], vector<16xf32>,
        %parallel_loop3A_550 = arith.constant 16 : i32
        %parallel_loop3A_551 = arith.muli %parallel_loop3A_373, %parallel_loop3A_550 : i32
        %parallel_loop3A_552 = arith.constant 19 : i32
        %parallel_loop3A_553 = arith.constant 0 : i32
        %parallel_loop3A_554 = arith.index_cast %parallel_loop3A_552 : i32 to index
        %parallel_loop3A_555 = arith.index_cast %parallel_loop3A_553 : i32 to index
        %parallel_loop3A_556 = arith.index_cast %parallel_loop3A_551 : i32 to index
        %parallel_loop3A_557 = tpu.vector_load %arg15[%parallel_loop3A_554, %parallel_loop3A_555, %parallel_loop3A_556] {strides = array<i32>} : memref<26x1x1024xf32, #tpu.memory_space<vmem>>, vector<16xf32>,
        tpu.vector_store %arg15[%parallel_loop3A_554, %parallel_loop3A_555, %parallel_loop3A_556], %parallel_loop3A_549 {strides = array<i32>} : memref<26x1x1024xf32, #tpu.memory_space<vmem>>, vector<16xf32>,
        %parallel_loop3A_558 = tpu.vector_load_idx %arg9[%broadcast_in_dim3A_41, %parallel_loop3A_377] : memref<26x1000xf32, #tpu.memory_space<vmem>>[vector<16xi32>, vector<16xi32>], vector<16xf32>,
        %parallel_loop3A_559 = arith.constant 16 : i32
        %parallel_loop3A_560 = arith.muli %parallel_loop3A_373, %parallel_loop3A_559 : i32
        %parallel_loop3A_561 = arith.constant 20 : i32
        %parallel_loop3A_562 = arith.constant 0 : i32
        %parallel_loop3A_563 = arith.index_cast %parallel_loop3A_561 : i32 to index
        %parallel_loop3A_564 = arith.index_cast %parallel_loop3A_562 : i32 to index
        %parallel_loop3A_565 = arith.index_cast %parallel_loop3A_560 : i32 to index
        %parallel_loop3A_566 = tpu.vector_load %arg15[%parallel_loop3A_563, %parallel_loop3A_564, %parallel_loop3A_565] {strides = array<i32>} : memref<26x1x1024xf32, #tpu.memory_space<vmem>>, vector<16xf32>,
        tpu.vector_store %arg15[%parallel_loop3A_563, %parallel_loop3A_564, %parallel_loop3A_565], %parallel_loop3A_558 {strides = array<i32>} : memref<26x1x1024xf32, #tpu.memory_space<vmem>>, vector<16xf32>,
        %parallel_loop3A_567 = tpu.vector_load_idx %arg9[%broadcast_in_dim3A_43, %parallel_loop3A_377] : memref<26x1000xf32, #tpu.memory_space<vmem>>[vector<16xi32>, vector<16xi32>], vector<16xf32>,
        %parallel_loop3A_568 = arith.constant 16 : i32
        %parallel_loop3A_569 = arith.muli %parallel_loop3A_373, %parallel_loop3A_568 : i32
        %parallel_loop3A_570 = arith.constant 21 : i32
        %parallel_loop3A_571 = arith.constant 0 : i32
        %parallel_loop3A_572 = arith.index_cast %parallel_loop3A_570 : i32 to index
        %parallel_loop3A_573 = arith.index_cast %parallel_loop3A_571 : i32 to index
        %parallel_loop3A_574 = arith.index_cast %parallel_loop3A_569 : i32 to index
        %parallel_loop3A_575 = tpu.vector_load %arg15[%parallel_loop3A_572, %parallel_loop3A_573, %parallel_loop3A_574] {strides = array<i32>} : memref<26x1x1024xf32, #tpu.memory_space<vmem>>, vector<16xf32>,
        tpu.vector_store %arg15[%parallel_loop3A_572, %parallel_loop3A_573, %parallel_loop3A_574], %parallel_loop3A_567 {strides = array<i32>} : memref<26x1x1024xf32, #tpu.memory_space<vmem>>, vector<16xf32>,
        %parallel_loop3A_576 = tpu.vector_load_idx %arg9[%broadcast_in_dim3A_45, %parallel_loop3A_377] : memref<26x1000xf32, #tpu.memory_space<vmem>>[vector<16xi32>, vector<16xi32>], vector<16xf32>,
        %parallel_loop3A_577 = arith.constant 16 : i32
        %parallel_loop3A_578 = arith.muli %parallel_loop3A_373, %parallel_loop3A_577 : i32
        %parallel_loop3A_579 = arith.constant 22 : i32
        %parallel_loop3A_580 = arith.constant 0 : i32
        %parallel_loop3A_581 = arith.index_cast %parallel_loop3A_579 : i32 to index
        %parallel_loop3A_582 = arith.index_cast %parallel_loop3A_580 : i32 to index
        %parallel_loop3A_583 = arith.index_cast %parallel_loop3A_578 : i32 to index
        %parallel_loop3A_584 = tpu.vector_load %arg15[%parallel_loop3A_581, %parallel_loop3A_582, %parallel_loop3A_583] {strides = array<i32>} : memref<26x1x1024xf32, #tpu.memory_space<vmem>>, vector<16xf32>,
        tpu.vector_store %arg15[%parallel_loop3A_581, %parallel_loop3A_582, %parallel_loop3A_583], %parallel_loop3A_576 {strides = array<i32>} : memref<26x1x1024xf32, #tpu.memory_space<vmem>>, vector<16xf32>,
        %parallel_loop3A_585 = tpu.vector_load_idx %arg9[%broadcast_in_dim3A_47, %parallel_loop3A_377] : memref<26x1000xf32, #tpu.memory_space<vmem>>[vector<16xi32>, vector<16xi32>], vector<16xf32>,
        %parallel_loop3A_586 = arith.constant 16 : i32
        %parallel_loop3A_587 = arith.muli %parallel_loop3A_373, %parallel_loop3A_586 : i32
        %parallel_loop3A_588 = arith.constant 23 : i32
        %parallel_loop3A_589 = arith.constant 0 : i32
        %parallel_loop3A_590 = arith.index_cast %parallel_loop3A_588 : i32 to index
        %parallel_loop3A_591 = arith.index_cast %parallel_loop3A_589 : i32 to index
        %parallel_loop3A_592 = arith.index_cast %parallel_loop3A_587 : i32 to index
        %parallel_loop3A_593 = tpu.vector_load %arg15[%parallel_loop3A_590, %parallel_loop3A_591, %parallel_loop3A_592] {strides = array<i32>} : memref<26x1x1024xf32, #tpu.memory_space<vmem>>, vector<16xf32>,
        tpu.vector_store %arg15[%parallel_loop3A_590, %parallel_loop3A_591, %parallel_loop3A_592], %parallel_loop3A_585 {strides = array<i32>} : memref<26x1x1024xf32, #tpu.memory_space<vmem>>, vector<16xf32>,
        %parallel_loop3A_594 = tpu.vector_load_idx %arg9[%broadcast_in_dim3A_49, %parallel_loop3A_377] : memref<26x1000xf32, #tpu.memory_space<vmem>>[vector<16xi32>, vector<16xi32>], vector<16xf32>,
        %parallel_loop3A_595 = arith.constant 16 : i32
        %parallel_loop3A_596 = arith.muli %parallel_loop3A_373, %parallel_loop3A_595 : i32
        %parallel_loop3A_597 = arith.constant 24 : i32
        %parallel_loop3A_598 = arith.constant 0 : i32
        %parallel_loop3A_599 = arith.index_cast %parallel_loop3A_597 : i32 to index
        %parallel_loop3A_600 = arith.index_cast %parallel_loop3A_598 : i32 to index
        %parallel_loop3A_601 = arith.index_cast %parallel_loop3A_596 : i32 to index
        %parallel_loop3A_602 = tpu.vector_load %arg15[%parallel_loop3A_599, %parallel_loop3A_600, %parallel_loop3A_601] {strides = array<i32>} : memref<26x1x1024xf32, #tpu.memory_space<vmem>>, vector<16xf32>,
        tpu.vector_store %arg15[%parallel_loop3A_599, %parallel_loop3A_600, %parallel_loop3A_601], %parallel_loop3A_594 {strides = array<i32>} : memref<26x1x1024xf32, #tpu.memory_space<vmem>>, vector<16xf32>,
        %parallel_loop3A_603 = tpu.vector_load_idx %arg9[%broadcast_in_dim3A_51, %parallel_loop3A_377] : memref<26x1000xf32, #tpu.memory_space<vmem>>[vector<16xi32>, vector<16xi32>], vector<16xf32>,
        %parallel_loop3A_604 = arith.constant 16 : i32
        %parallel_loop3A_605 = arith.muli %parallel_loop3A_373, %parallel_loop3A_604 : i32
        %parallel_loop3A_606 = arith.constant 25 : i32
        %parallel_loop3A_607 = arith.constant 0 : i32
        %parallel_loop3A_608 = arith.index_cast %parallel_loop3A_606 : i32 to index
        %parallel_loop3A_609 = arith.index_cast %parallel_loop3A_607 : i32 to index
        %parallel_loop3A_610 = arith.index_cast %parallel_loop3A_605 : i32 to index
        %parallel_loop3A_611 = tpu.vector_load %arg15[%parallel_loop3A_608, %parallel_loop3A_609, %parallel_loop3A_610] {strides = array<i32>} : memref<26x1x1024xf32, #tpu.memory_space<vmem>>, vector<16xf32>,
        tpu.vector_store %arg15[%parallel_loop3A_608, %parallel_loop3A_609, %parallel_loop3A_610], %parallel_loop3A_603 {strides = array<i32>} : memref<26x1x1024xf32, #tpu.memory_space<vmem>>, vector<16xf32>,
        %parallel_loop3A_612 = tpu.vector_load_idx %arg10[%parallel_loop3A_377] : memref<1000xf32, #tpu.memory_space<vmem>>[vector<16xi32>], vector<16xf32>,
        %parallel_loop3A_613 = arith.constant 16 : i32
        %parallel_loop3A_614 = arith.muli %parallel_loop3A_373, %parallel_loop3A_613 : i32
        %parallel_loop3A_615 = arith.constant 0 : i32
        %parallel_loop3A_616 = arith.index_cast %parallel_loop3A_615 : i32 to index
        %parallel_loop3A_617 = arith.index_cast %parallel_loop3A_614 : i32 to index
        %parallel_loop3A_618 = tpu.vector_load %arg17[%parallel_loop3A_616, %parallel_loop3A_617] {strides = array<i32>} : memref<1x1024xf32, #tpu.memory_space<vmem>>, vector<16xf32>,
        tpu.vector_store %arg17[%parallel_loop3A_616, %parallel_loop3A_617], %parallel_loop3A_612 {strides = array<i32>} : memref<1x1024xf32, #tpu.memory_space<vmem>>, vector<16xf32>,
        %parallel_loop3A_619 = tpu.vector_load_idx %arg11[%parallel_loop3A_377] : memref<1000xf32, #tpu.memory_space<vmem>>[vector<16xi32>], vector<16xf32>,
        %parallel_loop3A_620 = arith.constant 16 : i32
        %parallel_loop3A_621 = arith.muli %parallel_loop3A_373, %parallel_loop3A_620 : i32
        %parallel_loop3A_622 = arith.constant 0 : i32
        %parallel_loop3A_623 = arith.index_cast %parallel_loop3A_622 : i32 to index
        %parallel_loop3A_624 = arith.index_cast %parallel_loop3A_621 : i32 to index
        %parallel_loop3A_625 = tpu.vector_load %arg19[%parallel_loop3A_623, %parallel_loop3A_624] {strides = array<i32>} : memref<1x1024xf32, #tpu.memory_space<vmem>>, vector<16xf32>,
        tpu.vector_store %arg19[%parallel_loop3A_623, %parallel_loop3A_624], %parallel_loop3A_619 {strides = array<i32>} : memref<1x1024xf32, #tpu.memory_space<vmem>>, vector<16xf32>,
      } {sc.loop_unroll_factor = 2 : i64, sc.parallel_access}
      %mul3A_301 = arith.constant 1024 : i32
      %mul3A_302 = arith.muli %sub3A_253, %mul3A_301 : i32
      %add3A_303 = arith.constant 0 : i32
      %add3A_304 = arith.addi %mul3A_302, %add3A_303 : i32
      %dma_start3A_305 = arith.constant 0 : i32
      %dma_start3A_306 = tpu.memref_slice %arg6[%dma_start3A_305, %select_n3A_250, %add3A_304] : memref<26x26x16384xf32, #tpu.memory_space<hbm>> -> memref<26x1x1024xf32, #tpu.memory_space<hbm>>
      %dma_start3A_307 = arith.constant 0 : i32
      %dma_start3A_308 = tpu.memref_slice %arg6[%dma_start3A_307, %select_n3A_250, %add3A_304] : memref<26x26x16384xf32, #tpu.memory_space<hbm>> -> memref<26x1x1024xf32, #tpu.memory_space<hbm>>
      tpu.enqueue_dma source(%arg15 : memref<26x1x1024xf32, #tpu.memory_space<vmem>>) target(%dma_start3A_308 : memref<26x1x1024xf32, #tpu.memory_space<hbm>>) target_semaphore(%arg24 : memref<!tpu.dma_semaphore, #tpu.memory_space<semaphore_mem>>)
      %dma_start3A_309 = tpu.memref_slice %arg7[%select_n3A_250, %add3A_304] : memref<26x16384xf32, #tpu.memory_space<hbm>> -> memref<1x1024xf32, #tpu.memory_space<hbm>>
      %dma_start3A_310 = tpu.memref_slice %arg7[%select_n3A_250, %add3A_304] : memref<26x16384xf32, #tpu.memory_space<hbm>> -> memref<1x1024xf32, #tpu.memory_space<hbm>>
      tpu.enqueue_dma source(%arg17 : memref<1x1024xf32, #tpu.memory_space<vmem>>) target(%dma_start3A_310 : memref<1x1024xf32, #tpu.memory_space<hbm>>) target_semaphore(%arg24 : memref<!tpu.dma_semaphore, #tpu.memory_space<semaphore_mem>>)
      %dma_start3A_311 = tpu.memref_slice %arg8[%select_n3A_250, %add3A_304] : memref<26x16384xf32, #tpu.memory_space<hbm>> -> memref<1x1024xf32, #tpu.memory_space<hbm>>
      %dma_start3A_312 = tpu.memref_slice %arg8[%select_n3A_250, %add3A_304] : memref<26x16384xf32, #tpu.memory_space<hbm>> -> memref<1x1024xf32, #tpu.memory_space<hbm>>
      tpu.enqueue_dma source(%arg19 : memref<1x1024xf32, #tpu.memory_space<vmem>>) target(%dma_start3A_312 : memref<1x1024xf32, #tpu.memory_space<hbm>>) target_semaphore(%arg24 : memref<!tpu.dma_semaphore, #tpu.memory_space<semaphore_mem>>)
      %jit3A_313 = arith.constant 16 : i32
      %div3A_314 = arith.divsi %add3A_225, %jit3A_313 : i32
      %sign3A_315 = arith.constant 0 : i32
      %sign3A_316 = arith.cmpi sgt, %add3A_225, %sign3A_315 : i32
      %sign3A_317 = arith.extui %sign3A_316 : i1 to i32
      %sign3A_318 = arith.constant 0 : i32
      %sign3A_319 = arith.cmpi slt, %add3A_225, %sign3A_318 : i32
      %sign3A_320 = arith.extui %sign3A_319 : i1 to i32
      %sign3A_321 = arith.subi %sign3A_317, %sign3A_320 : i32
      %sign3A_322 = arith.constant 0 : i32
      %sign3A_323 = arith.cmpi sgt, %jit3A_313, %sign3A_322 : i32
      %sign3A_324 = arith.extui %sign3A_323 : i1 to i32
      %sign3A_325 = arith.constant 0 : i32
      %sign3A_326 = arith.cmpi slt, %jit3A_313, %sign3A_325 : i32
      %sign3A_327 = arith.extui %sign3A_326 : i1 to i32
      %sign3A_328 = arith.subi %sign3A_324, %sign3A_327 : i32
      %ne3A_329 = arith.cmpi ne, %sign3A_321, %sign3A_328 : i32
      %rem3A_330 = arith.remsi %add3A_225, %jit3A_313 : i32
      %ne3A_331 = arith.constant 0 : i32
      %ne3A_332 = arith.cmpi ne, %rem3A_330, %ne3A_331 : i32
      %and3A_333 = arith.andi %ne3A_329, %ne3A_332 : i1
      %sub3A_334 = arith.constant 1 : i32
      %sub3A_335 = arith.subi %div3A_314, %sub3A_334 : i32
      %select_n3A_336 = arith.select %and3A_333, %sub3A_335, %div3A_314 : i32
      %add3A_337 = arith.constant 1 : i32
      %add3A_338 = arith.addi %add3A_225, %add3A_337 : i32
      %lt3A_339 = arith.cmpi slt, %add3A_338, %select_n3A_97 : i32
      %convert_element_type3A_340 = arith.extui %lt3A_339 : i1 to i32
      %cond3A_341 = arith.constant 0 : i32
      %cond3A_342 = arith.cmpi ne, %convert_element_type3A_340, %cond3A_341 : i32
      scf.if %cond3A_342 {
        %add3A_373 = arith.constant 1 : i32
        %add3A_374 = arith.addi %add3A_225, %add3A_373 : i32
        %eq3A_375 = arith.constant 0 : i32
        %eq3A_376 = arith.cmpi eq, %while3A_221, %eq3A_375 : i32
        %jit3A_377 = arith.constant 16 : i32
        %div3A_378 = arith.divsi %add3A_374, %jit3A_377 : i32
        %sign3A_379 = arith.constant 0 : i32
        %sign3A_380 = arith.cmpi sgt, %add3A_374, %sign3A_379 : i32
        %sign3A_381 = arith.extui %sign3A_380 : i1 to i32
        %sign3A_382 = arith.constant 0 : i32
        %sign3A_383 = arith.cmpi slt, %add3A_374, %sign3A_382 : i32
        %sign3A_384 = arith.extui %sign3A_383 : i1 to i32
        %sign3A_385 = arith.subi %sign3A_381, %sign3A_384 : i32
        %sign3A_386 = arith.constant 0 : i32
        %sign3A_387 = arith.cmpi sgt, %jit3A_377, %sign3A_386 : i32
        %sign3A_388 = arith.extui %sign3A_387 : i1 to i32
        %sign3A_389 = arith.constant 0 : i32
        %sign3A_390 = arith.cmpi slt, %jit3A_377, %sign3A_389 : i32
        %sign3A_391 = arith.extui %sign3A_390 : i1 to i32
        %sign3A_392 = arith.subi %sign3A_388, %sign3A_391 : i32
        %ne3A_393 = arith.cmpi ne, %sign3A_385, %sign3A_392 : i32
        %rem3A_394 = arith.remsi %add3A_374, %jit3A_377 : i32
        %ne3A_395 = arith.constant 0 : i32
        %ne3A_396 = arith.cmpi ne, %rem3A_394, %ne3A_395 : i32
        %and3A_397 = arith.andi %ne3A_393, %ne3A_396 : i1
        %sub3A_398 = arith.constant 1 : i32
        %sub3A_399 = arith.subi %div3A_378, %sub3A_398 : i32
        %select_n3A_400 = arith.select %and3A_397, %sub3A_399, %div3A_378 : i32
        %mul3A_401 = arith.constant 16 : i32
        %mul3A_402 = arith.muli %mul3A_401, %select_n3A_400 : i32
        %sub3A_403 = arith.subi %add3A_374, %mul3A_402 : i32
        %ne3A_404 = arith.cmpi ne, %select_n3A_400, %select_n3A_336 : i32
        %convert_element_type3A_405 = arith.extui %ne3A_404 : i1 to i32
        %cond3A_406 = arith.constant 0 : i32
        %cond3A_407 = arith.cmpi ne, %convert_element_type3A_405, %cond3A_406 : i32
        scf.if %cond3A_407 {
          %mul3A_468 = arith.constant 26 : i32
          %mul3A_469 = vector.broadcast %mul3A_468 : i32 to vector<16xi32>
          %mul3A_470 = arith.muli %iota3A, %mul3A_469 : vector<16xi32>
          %add3A_471 = vector.broadcast %select_n3A_400 : i32 to vector<16xi32>
          %add3A_472 = arith.addi %mul3A_470, %add3A_471 : vector<16xi32>
          %swap3A = arith.constant 0 : index
          %swap3A_473 = tpu.vector_load %arg14[%swap3A] {strides = array<i32>} : memref<32xi32, #tpu.memory_space<vmem>>, vector<16xi32>,
          tpu.vector_store %arg14[%swap3A], %add3A_472 {strides = array<i32>} : memref<32xi32, #tpu.memory_space<vmem>>, vector<16xi32>,
          %add3A_474 = arith.constant 16 : i32
          %add3A_475 = vector.broadcast %add3A_474 : i32 to vector<16xi32>
          %add3A_476 = arith.addi %iota3A, %add3A_475 : vector<16xi32>
          %mul3A_477 = arith.constant 26 : i32
          %mul3A_478 = vector.broadcast %mul3A_477 : i32 to vector<16xi32>
          %mul3A_479 = arith.muli %add3A_476, %mul3A_478 : vector<16xi32>
          %add3A_480 = vector.broadcast %select_n3A_400 : i32 to vector<16xi32>
          %add3A_481 = arith.addi %mul3A_479, %add3A_480 : vector<16xi32>
          %swap3A_482 = arith.constant 16 : index
          %swap3A_483 = tpu.vector_load %arg14[%swap3A_482] {strides = array<i32>} : memref<32xi32, #tpu.memory_space<vmem>>, vector<16xi32>,
          tpu.vector_store %arg14[%swap3A_482], %add3A_481 {strides = array<i32>} : memref<32xi32, #tpu.memory_space<vmem>>, vector<16xi32>,
          %dma_start3A_484 = arith.constant 0 : i32
          %dma_start3A_485 = tpu.memref_slice %arg14[%dma_start3A_484] : memref<32xi32, #tpu.memory_space<vmem>> -> memref<26xi32, #tpu.memory_space<vmem>>
          %dma_start3A_486 = arith.constant 0 : i32
          %dma_start3A_487 = arith.constant 0 : i32
          %dma_start3A_488 = tpu.memref_slice %arg2[%dma_start3A_486, %dma_start3A_487] : memref<676x1000xf32, #tpu.memory_space<hbm>> -> memref<676x1000xf32, #tpu.memory_space<hbm>>
          tpu.enqueue_indirect_dma source(%dma_start3A_488 : memref<676x1000xf32, #tpu.memory_space<hbm>>) target(%arg9 : memref<26x1000xf32, #tpu.memory_space<vmem>>) offsets(%dma_start3A_485 : memref<26xi32, #tpu.memory_space<vmem>>) semaphore(%arg21 : memref<!tpu.dma_semaphore, #tpu.memory_space<semaphore_mem>>)
          %mul3A_489 = arith.constant 1000 : i32
          %mul3A_490 = arith.muli %select_n3A_400, %mul3A_489 : i32
          "tpu.region"() ({
            %run_scoped3A = tpu.sem_alloc : memref<!tpu.dma_semaphore, #tpu.memory_space<semaphore_mem>>
            %dma_start3A_498 = tpu.memref_slice %arg3[%mul3A_490] : memref<26000xf32, #tpu.memory_space<hbm>> -> memref<1000xf32, #tpu.memory_space<hbm>>
            %dma_start3A_499 = tpu.memref_slice %arg3[%mul3A_490] : memref<26000xf32, #tpu.memory_space<hbm>> -> memref<1000xf32, #tpu.memory_space<hbm>>
            tpu.enqueue_dma source(%dma_start3A_499 : memref<1000xf32, #tpu.memory_space<hbm>>) target(%arg10 : memref<1000xf32, #tpu.memory_space<vmem>>) target_semaphore(%run_scoped3A : memref<!tpu.dma_semaphore, #tpu.memory_space<semaphore_mem>>)
            %dma_wait3A_500 = tpu.memref_slice %arg3[%mul3A_490] : memref<26000xf32, #tpu.memory_space<hbm>> -> memref<1000xf32, #tpu.memory_space<hbm>>
            %dma_wait3A_501 = tpu.memref_slice %arg3[%mul3A_490] : memref<26000xf32, #tpu.memory_space<hbm>> -> memref<1000xf32, #tpu.memory_space<hbm>>
            tpu.wait_dma2 semaphore(%run_scoped3A : memref<!tpu.dma_semaphore, #tpu.memory_space<semaphore_mem>>) src(%dma_wait3A_501 : memref<1000xf32, #tpu.memory_space<hbm>>) dst(%arg10 : memref<1000xf32, #tpu.memory_space<vmem>>)
            tpu.yield
          }) : () -> ()
          %mul3A_491 = arith.constant 1000 : i32
          %mul3A_492 = arith.muli %select_n3A_400, %mul3A_491 : i32
          "tpu.region"() ({
            %run_scoped3A = tpu.sem_alloc : memref<!tpu.dma_semaphore, #tpu.memory_space<semaphore_mem>>
            %dma_start3A_498 = tpu.memref_slice %arg4[%mul3A_492] : memref<26000xf32, #tpu.memory_space<hbm>> -> memref<1000xf32, #tpu.memory_space<hbm>>
            %dma_start3A_499 = tpu.memref_slice %arg4[%mul3A_492] : memref<26000xf32, #tpu.memory_space<hbm>> -> memref<1000xf32, #tpu.memory_space<hbm>>
            tpu.enqueue_dma source(%dma_start3A_499 : memref<1000xf32, #tpu.memory_space<hbm>>) target(%arg11 : memref<1000xf32, #tpu.memory_space<vmem>>) target_semaphore(%run_scoped3A : memref<!tpu.dma_semaphore, #tpu.memory_space<semaphore_mem>>)
            %dma_wait3A_500 = tpu.memref_slice %arg4[%mul3A_492] : memref<26000xf32, #tpu.memory_space<hbm>> -> memref<1000xf32, #tpu.memory_space<hbm>>
            %dma_wait3A_501 = tpu.memref_slice %arg4[%mul3A_492] : memref<26000xf32, #tpu.memory_space<hbm>> -> memref<1000xf32, #tpu.memory_space<hbm>>
            tpu.wait_dma2 semaphore(%run_scoped3A : memref<!tpu.dma_semaphore, #tpu.memory_space<semaphore_mem>>) src(%dma_wait3A_501 : memref<1000xf32, #tpu.memory_space<hbm>>) dst(%arg11 : memref<1000xf32, #tpu.memory_space<vmem>>)
            tpu.yield
          }) : () -> ()
          %dma_wait3A_493 = arith.constant 0 : i32
          %dma_wait3A_494 = tpu.memref_slice %arg14[%dma_wait3A_493] : memref<32xi32, #tpu.memory_space<vmem>> -> memref<26xi32, #tpu.memory_space<vmem>>
          %dma_wait3A_495 = arith.constant 0 : i32
          %dma_wait3A_496 = arith.constant 0 : i32
          %dma_wait3A_497 = tpu.memref_slice %arg2[%dma_wait3A_495, %dma_wait3A_496] : memref<676x1000xf32, #tpu.memory_space<hbm>> -> memref<676x1000xf32, #tpu.memory_space<hbm>>
          tpu.wait_indirect_dma semaphore(%arg21 : memref<!tpu.dma_semaphore, #tpu.memory_space<semaphore_mem>>) src(%dma_wait3A_497 : memref<676x1000xf32, #tpu.memory_space<hbm>>) dst(%arg9 : memref<26x1000xf32, #tpu.memory_space<vmem>>)
        } else {
        }
        %jit3A_408 = arith.constant 16 : i32
        %div3A_409 = arith.divsi %add3A_374, %jit3A_408 : i32
        %sign3A_410 = arith.constant 0 : i32
        %sign3A_411 = arith.cmpi sgt, %add3A_374, %sign3A_410 : i32
        %sign3A_412 = arith.extui %sign3A_411 : i1 to i32
        %sign3A_413 = arith.constant 0 : i32
        %sign3A_414 = arith.cmpi slt, %add3A_374, %sign3A_413 : i32
        %sign3A_415 = arith.extui %sign3A_414 : i1 to i32
        %sign3A_416 = arith.subi %sign3A_412, %sign3A_415 : i32
        %sign3A_417 = arith.constant 0 : i32
        %sign3A_418 = arith.cmpi sgt, %jit3A_408, %sign3A_417 : i32
        %sign3A_419 = arith.extui %sign3A_418 : i1 to i32
        %sign3A_420 = arith.constant 0 : i32
        %sign3A_421 = arith.cmpi slt, %jit3A_408, %sign3A_420 : i32
        %sign3A_422 = arith.extui %sign3A_421 : i1 to i32
        %sign3A_423 = arith.subi %sign3A_419, %sign3A_422 : i32
        %ne3A_424 = arith.cmpi ne, %sign3A_416, %sign3A_423 : i32
        %rem3A_425 = arith.remsi %add3A_374, %jit3A_408 : i32
        %ne3A_426 = arith.constant 0 : i32
        %ne3A_427 = arith.cmpi ne, %rem3A_425, %ne3A_426 : i32
        %and3A_428 = arith.andi %ne3A_424, %ne3A_427 : i1
        %sub3A_429 = arith.constant 1 : i32
        %sub3A_430 = arith.subi %div3A_409, %sub3A_429 : i32
        %select_n3A_431 = arith.select %and3A_428, %sub3A_430, %div3A_409 : i32
        %mul3A_432 = arith.constant 16 : i32
        %mul3A_433 = arith.muli %mul3A_432, %select_n3A_431 : i32
        %sub3A_434 = arith.subi %add3A_374, %mul3A_433 : i32
        %mul3A_435 = arith.constant 16384 : i32
        %mul3A_436 = arith.muli %select_n3A_431, %mul3A_435 : i32
        %mul3A_437 = arith.constant 1024 : i32
        %mul3A_438 = arith.muli %sub3A_434, %mul3A_437 : i32
        %add3A_439 = arith.addi %mul3A_436, %mul3A_438 : i32
        %dma_wait3A_440 = tpu.memref_slice %arg5[%add3A_439] : memref<425984xi32, #tpu.memory_space<hbm>> -> memref<1024xi32, #tpu.memory_space<hbm>>
        %dma_wait3A_441 = tpu.memref_slice %arg5[%add3A_439] : memref<425984xi32, #tpu.memory_space<hbm>> -> memref<1024xi32, #tpu.memory_space<hbm>>
        tpu.wait_dma2 semaphore(%arg23 : memref<!tpu.dma_semaphore, #tpu.memory_space<semaphore_mem>>) src(%dma_wait3A_441 : memref<1024xi32, #tpu.memory_space<hbm>>) dst(%arg13 : memref<1024xi32, #tpu.memory_space<vmem>>)
        %add3A_442 = arith.constant 1 : i32
        %add3A_443 = arith.addi %add3A_374, %add3A_442 : i32
        %lt3A_444 = arith.cmpi slt, %add3A_443, %select_n3A_97 : i32
        %convert_element_type3A_445 = arith.extui %lt3A_444 : i1 to i32
        %cond3A_446 = arith.constant 0 : i32
        %cond3A_447 = arith.cmpi ne, %convert_element_type3A_445, %cond3A_446 : i32
        scf.if %cond3A_447 {
          %add3A_468 = arith.constant 1 : i32
          %add3A_469 = arith.addi %add3A_374, %add3A_468 : i32
          %jit3A_470 = arith.constant 16 : i32
          %div3A_471 = arith.divsi %add3A_469, %jit3A_470 : i32
          %sign3A_472 = arith.constant 0 : i32
          %sign3A_473 = arith.cmpi sgt, %add3A_469, %sign3A_472 : i32
          %sign3A_474 = arith.extui %sign3A_473 : i1 to i32
          %sign3A_475 = arith.constant 0 : i32
          %sign3A_476 = arith.cmpi slt, %add3A_469, %sign3A_475 : i32
          %sign3A_477 = arith.extui %sign3A_476 : i1 to i32
          %sign3A_478 = arith.subi %sign3A_474, %sign3A_477 : i32
          %sign3A_479 = arith.constant 0 : i32
          %sign3A_480 = arith.cmpi sgt, %jit3A_470, %sign3A_479 : i32
          %sign3A_481 = arith.extui %sign3A_480 : i1 to i32
          %sign3A_482 = arith.constant 0 : i32
          %sign3A_483 = arith.cmpi slt, %jit3A_470, %sign3A_482 : i32
          %sign3A_484 = arith.extui %sign3A_483 : i1 to i32
          %sign3A_485 = arith.subi %sign3A_481, %sign3A_484 : i32
          %ne3A_486 = arith.cmpi ne, %sign3A_478, %sign3A_485 : i32
          %rem3A_487 = arith.remsi %add3A_469, %jit3A_470 : i32
          %ne3A_488 = arith.constant 0 : i32
          %ne3A_489 = arith.cmpi ne, %rem3A_487, %ne3A_488 : i32
          %and3A_490 = arith.andi %ne3A_486, %ne3A_489 : i1
          %sub3A_491 = arith.constant 1 : i32
          %sub3A_492 = arith.subi %div3A_471, %sub3A_491 : i32
          %select_n3A_493 = arith.select %and3A_490, %sub3A_492, %div3A_471 : i32
          %mul3A_494 = arith.constant 16 : i32
          %mul3A_495 = arith.muli %mul3A_494, %select_n3A_493 : i32
          %sub3A_496 = arith.subi %add3A_469, %mul3A_495 : i32
          %mul3A_497 = arith.constant 16384 : i32
          %mul3A_498 = arith.muli %select_n3A_493, %mul3A_497 : i32
          %mul3A_499 = arith.constant 1024 : i32
          %mul3A_500 = arith.muli %sub3A_496, %mul3A_499 : i32
          %add3A_501 = arith.addi %mul3A_498, %mul3A_500 : i32
          %dma_start3A_502 = tpu.memref_slice %arg5[%add3A_501] : memref<425984xi32, #tpu.memory_space<hbm>> -> memref<1024xi32, #tpu.memory_space<hbm>>
          %dma_start3A_503 = tpu.memref_slice %arg5[%add3A_501] : memref<425984xi32, #tpu.memory_space<hbm>> -> memref<1024xi32, #tpu.memory_space<hbm>>
          tpu.enqueue_dma source(%dma_start3A_503 : memref<1024xi32, #tpu.memory_space<hbm>>) target(%arg12 : memref<1024xi32, #tpu.memory_space<vmem>>) target_semaphore(%arg22 : memref<!tpu.dma_semaphore, #tpu.memory_space<semaphore_mem>>)
        } else {
        }
        %not3A_448 = arith.constant true
        %not3A_449 = arith.xori %eq3A_376, %not3A_448 : i1
        %convert_element_type3A_450 = arith.extui %not3A_449 : i1 to i32
        %cond3A_451 = arith.constant 0 : i32
        %cond3A_452 = arith.cmpi ne, %convert_element_type3A_450, %cond3A_451 : i32
        scf.if %cond3A_452 {
          %mul3A_468 = arith.constant 1024 : i32
          %mul3A_469 = arith.muli %sub3A_403, %mul3A_468 : i32
          %add3A_470 = arith.constant 0 : i32
          %add3A_471 = arith.addi %mul3A_469, %add3A_470 : i32
          %dma_wait3A_472 = arith.constant 0 : i32
          %dma_wait3A_473 = tpu.memref_slice %arg6[%dma_wait3A_472, %select_n3A_400, %add3A_471] : memref<26x26x16384xf32, #tpu.memory_space<hbm>> -> memref<26x1x1024xf32, #tpu.memory_space<hbm>>
          %dma_wait3A_474 = arith.constant 0 : i32
          %dma_wait3A_475 = tpu.memref_slice %arg6[%dma_wait3A_474, %select_n3A_400, %add3A_471] : memref<26x26x16384xf32, #tpu.memory_space<hbm>> -> memref<26x1x1024xf32, #tpu.memory_space<hbm>>
          tpu.wait_dma2 semaphore(%arg25 : memref<!tpu.dma_semaphore, #tpu.memory_space<semaphore_mem>>) src(%arg16 : memref<26x1x1024xf32, #tpu.memory_space<vmem>>) dst(%dma_wait3A_475 : memref<26x1x1024xf32, #tpu.memory_space<hbm>>)
          %dma_wait3A_476 = tpu.memref_slice %arg7[%select_n3A_400, %add3A_471] : memref<26x16384xf32, #tpu.memory_space<hbm>> -> memref<1x1024xf32, #tpu.memory_space<hbm>>
          %dma_wait3A_477 = tpu.memref_slice %arg7[%select_n3A_400, %add3A_471] : memref<26x16384xf32, #tpu.memory_space<hbm>> -> memref<1x1024xf32, #tpu.memory_space<hbm>>
          tpu.wait_dma2 semaphore(%arg25 : memref<!tpu.dma_semaphore, #tpu.memory_space<semaphore_mem>>) src(%arg18 : memref<1x1024xf32, #tpu.memory_space<vmem>>) dst(%dma_wait3A_477 : memref<1x1024xf32, #tpu.memory_space<hbm>>)
          %dma_wait3A_478 = tpu.memref_slice %arg8[%select_n3A_400, %add3A_471] : memref<26x16384xf32, #tpu.memory_space<hbm>> -> memref<1x1024xf32, #tpu.memory_space<hbm>>
          %dma_wait3A_479 = tpu.memref_slice %arg8[%select_n3A_400, %add3A_471] : memref<26x16384xf32, #tpu.memory_space<hbm>> -> memref<1x1024xf32, #tpu.memory_space<hbm>>
          tpu.wait_dma2 semaphore(%arg25 : memref<!tpu.dma_semaphore, #tpu.memory_space<semaphore_mem>>) src(%arg20 : memref<1x1024xf32, #tpu.memory_space<vmem>>) dst(%dma_wait3A_479 : memref<1x1024xf32, #tpu.memory_space<hbm>>)
        } else {
        }
        %parallel_loop3A_453 = arith.constant 0 : i32
        %parallel_loop3A_454 = arith.constant 64 : i32
        %parallel_loop3A_455 = arith.constant 1 : i32
        scf.for %parallel_loop3A_468 = %parallel_loop3A_453 to %parallel_loop3A_454 step %parallel_loop3A_455  : i32 {
          %parallel_loop3A_469 = arith.constant 16 : i32
          %parallel_loop3A_470 = arith.muli %parallel_loop3A_468, %parallel_loop3A_469 : i32
          %parallel_loop3A_471 = arith.index_cast %parallel_loop3A_470 : i32 to index
          %parallel_loop3A_472 = tpu.vector_load %arg13[%parallel_loop3A_471] {strides = array<i32>} : memref<1024xi32, #tpu.memory_space<vmem>>, vector<16xi32>,
          %parallel_loop3A_473 = tpu.vector_load_idx %arg9[%broadcast_in_dim3A_1, %parallel_loop3A_472] : memref<26x1000xf32, #tpu.memory_space<vmem>>[vector<16xi32>, vector<16xi32>], vector<16xf32>,
          %parallel_loop3A_474 = arith.constant 16 : i32
          %parallel_loop3A_475 = arith.muli %parallel_loop3A_468, %parallel_loop3A_474 : i32
          %parallel_loop3A_476 = arith.constant 0 : i32
          %parallel_loop3A_477 = arith.constant 0 : i32
          %parallel_loop3A_478 = arith.index_cast %parallel_loop3A_476 : i32 to index
          %parallel_loop3A_479 = arith.index_cast %parallel_loop3A_477 : i32 to index
          %parallel_loop3A_480 = arith.index_cast %parallel_loop3A_475 : i32 to index
          %parallel_loop3A_481 = tpu.vector_load %arg16[%parallel_loop3A_478, %parallel_loop3A_479, %parallel_loop3A_480] {strides = array<i32>} : memref<26x1x1024xf32, #tpu.memory_space<vmem>>, vector<16xf32>,
          tpu.vector_store %arg16[%parallel_loop3A_478, %parallel_loop3A_479, %parallel_loop3A_480], %parallel_loop3A_473 {strides = array<i32>} : memref<26x1x1024xf32, #tpu.memory_space<vmem>>, vector<16xf32>,
          %parallel_loop3A_482 = tpu.vector_load_idx %arg9[%broadcast_in_dim3A_3, %parallel_loop3A_472] : memref<26x1000xf32, #tpu.memory_space<vmem>>[vector<16xi32>, vector<16xi32>], vector<16xf32>,
          %parallel_loop3A_483 = arith.constant 16 : i32
          %parallel_loop3A_484 = arith.muli %parallel_loop3A_468, %parallel_loop3A_483 : i32
          %parallel_loop3A_485 = arith.constant 1 : i32
          %parallel_loop3A_486 = arith.constant 0 : i32
          %parallel_loop3A_487 = arith.index_cast %parallel_loop3A_485 : i32 to index
          %parallel_loop3A_488 = arith.index_cast %parallel_loop3A_486 : i32 to index
          %parallel_loop3A_489 = arith.index_cast %parallel_loop3A_484 : i32 to index
          %parallel_loop3A_490 = tpu.vector_load %arg16[%parallel_loop3A_487, %parallel_loop3A_488, %parallel_loop3A_489] {strides = array<i32>} : memref<26x1x1024xf32, #tpu.memory_space<vmem>>, vector<16xf32>,
          tpu.vector_store %arg16[%parallel_loop3A_487, %parallel_loop3A_488, %parallel_loop3A_489], %parallel_loop3A_482 {strides = array<i32>} : memref<26x1x1024xf32, #tpu.memory_space<vmem>>, vector<16xf32>,
          %parallel_loop3A_491 = tpu.vector_load_idx %arg9[%broadcast_in_dim3A_5, %parallel_loop3A_472] : memref<26x1000xf32, #tpu.memory_space<vmem>>[vector<16xi32>, vector<16xi32>], vector<16xf32>,
          %parallel_loop3A_492 = arith.constant 16 : i32
          %parallel_loop3A_493 = arith.muli %parallel_loop3A_468, %parallel_loop3A_492 : i32
          %parallel_loop3A_494 = arith.constant 2 : i32
          %parallel_loop3A_495 = arith.constant 0 : i32
          %parallel_loop3A_496 = arith.index_cast %parallel_loop3A_494 : i32 to index
          %parallel_loop3A_497 = arith.index_cast %parallel_loop3A_495 : i32 to index
          %parallel_loop3A_498 = arith.index_cast %parallel_loop3A_493 : i32 to index
          %parallel_loop3A_499 = tpu.vector_load %arg16[%parallel_loop3A_496, %parallel_loop3A_497, %parallel_loop3A_498] {strides = array<i32>} : memref<26x1x1024xf32, #tpu.memory_space<vmem>>, vector<16xf32>,
          tpu.vector_store %arg16[%parallel_loop3A_496, %parallel_loop3A_497, %parallel_loop3A_498], %parallel_loop3A_491 {strides = array<i32>} : memref<26x1x1024xf32, #tpu.memory_space<vmem>>, vector<16xf32>,
          %parallel_loop3A_500 = tpu.vector_load_idx %arg9[%broadcast_in_dim3A_7, %parallel_loop3A_472] : memref<26x1000xf32, #tpu.memory_space<vmem>>[vector<16xi32>, vector<16xi32>], vector<16xf32>,
          %parallel_loop3A_501 = arith.constant 16 : i32
          %parallel_loop3A_502 = arith.muli %parallel_loop3A_468, %parallel_loop3A_501 : i32
          %parallel_loop3A_503 = arith.constant 3 : i32
          %parallel_loop3A_504 = arith.constant 0 : i32
          %parallel_loop3A_505 = arith.index_cast %parallel_loop3A_503 : i32 to index
          %parallel_loop3A_506 = arith.index_cast %parallel_loop3A_504 : i32 to index
          %parallel_loop3A_507 = arith.index_cast %parallel_loop3A_502 : i32 to index
          %parallel_loop3A_508 = tpu.vector_load %arg16[%parallel_loop3A_505, %parallel_loop3A_506, %parallel_loop3A_507] {strides = array<i32>} : memref<26x1x1024xf32, #tpu.memory_space<vmem>>, vector<16xf32>,
          tpu.vector_store %arg16[%parallel_loop3A_505, %parallel_loop3A_506, %parallel_loop3A_507], %parallel_loop3A_500 {strides = array<i32>} : memref<26x1x1024xf32, #tpu.memory_space<vmem>>, vector<16xf32>,
          %parallel_loop3A_509 = tpu.vector_load_idx %arg9[%broadcast_in_dim3A_9, %parallel_loop3A_472] : memref<26x1000xf32, #tpu.memory_space<vmem>>[vector<16xi32>, vector<16xi32>], vector<16xf32>,
          %parallel_loop3A_510 = arith.constant 16 : i32
          %parallel_loop3A_511 = arith.muli %parallel_loop3A_468, %parallel_loop3A_510 : i32
          %parallel_loop3A_512 = arith.constant 4 : i32
          %parallel_loop3A_513 = arith.constant 0 : i32
          %parallel_loop3A_514 = arith.index_cast %parallel_loop3A_512 : i32 to index
          %parallel_loop3A_515 = arith.index_cast %parallel_loop3A_513 : i32 to index
          %parallel_loop3A_516 = arith.index_cast %parallel_loop3A_511 : i32 to index
          %parallel_loop3A_517 = tpu.vector_load %arg16[%parallel_loop3A_514, %parallel_loop3A_515, %parallel_loop3A_516] {strides = array<i32>} : memref<26x1x1024xf32, #tpu.memory_space<vmem>>, vector<16xf32>,
          tpu.vector_store %arg16[%parallel_loop3A_514, %parallel_loop3A_515, %parallel_loop3A_516], %parallel_loop3A_509 {strides = array<i32>} : memref<26x1x1024xf32, #tpu.memory_space<vmem>>, vector<16xf32>,
          %parallel_loop3A_518 = tpu.vector_load_idx %arg9[%broadcast_in_dim3A_11, %parallel_loop3A_472] : memref<26x1000xf32, #tpu.memory_space<vmem>>[vector<16xi32>, vector<16xi32>], vector<16xf32>,
          %parallel_loop3A_519 = arith.constant 16 : i32
          %parallel_loop3A_520 = arith.muli %parallel_loop3A_468, %parallel_loop3A_519 : i32
          %parallel_loop3A_521 = arith.constant 5 : i32
          %parallel_loop3A_522 = arith.constant 0 : i32
          %parallel_loop3A_523 = arith.index_cast %parallel_loop3A_521 : i32 to index
          %parallel_loop3A_524 = arith.index_cast %parallel_loop3A_522 : i32 to index
          %parallel_loop3A_525 = arith.index_cast %parallel_loop3A_520 : i32 to index
          %parallel_loop3A_526 = tpu.vector_load %arg16[%parallel_loop3A_523, %parallel_loop3A_524, %parallel_loop3A_525] {strides = array<i32>} : memref<26x1x1024xf32, #tpu.memory_space<vmem>>, vector<16xf32>,
          tpu.vector_store %arg16[%parallel_loop3A_523, %parallel_loop3A_524, %parallel_loop3A_525], %parallel_loop3A_518 {strides = array<i32>} : memref<26x1x1024xf32, #tpu.memory_space<vmem>>, vector<16xf32>,
          %parallel_loop3A_527 = tpu.vector_load_idx %arg9[%broadcast_in_dim3A_13, %parallel_loop3A_472] : memref<26x1000xf32, #tpu.memory_space<vmem>>[vector<16xi32>, vector<16xi32>], vector<16xf32>,
          %parallel_loop3A_528 = arith.constant 16 : i32
          %parallel_loop3A_529 = arith.muli %parallel_loop3A_468, %parallel_loop3A_528 : i32
          %parallel_loop3A_530 = arith.constant 6 : i32
          %parallel_loop3A_531 = arith.constant 0 : i32
          %parallel_loop3A_532 = arith.index_cast %parallel_loop3A_530 : i32 to index
          %parallel_loop3A_533 = arith.index_cast %parallel_loop3A_531 : i32 to index
          %parallel_loop3A_534 = arith.index_cast %parallel_loop3A_529 : i32 to index
          %parallel_loop3A_535 = tpu.vector_load %arg16[%parallel_loop3A_532, %parallel_loop3A_533, %parallel_loop3A_534] {strides = array<i32>} : memref<26x1x1024xf32, #tpu.memory_space<vmem>>, vector<16xf32>,
          tpu.vector_store %arg16[%parallel_loop3A_532, %parallel_loop3A_533, %parallel_loop3A_534], %parallel_loop3A_527 {strides = array<i32>} : memref<26x1x1024xf32, #tpu.memory_space<vmem>>, vector<16xf32>,
          %parallel_loop3A_536 = tpu.vector_load_idx %arg9[%broadcast_in_dim3A_15, %parallel_loop3A_472] : memref<26x1000xf32, #tpu.memory_space<vmem>>[vector<16xi32>, vector<16xi32>], vector<16xf32>,
          %parallel_loop3A_537 = arith.constant 16 : i32
          %parallel_loop3A_538 = arith.muli %parallel_loop3A_468, %parallel_loop3A_537 : i32
          %parallel_loop3A_539 = arith.constant 7 : i32
          %parallel_loop3A_540 = arith.constant 0 : i32
          %parallel_loop3A_541 = arith.index_cast %parallel_loop3A_539 : i32 to index
          %parallel_loop3A_542 = arith.index_cast %parallel_loop3A_540 : i32 to index
          %parallel_loop3A_543 = arith.index_cast %parallel_loop3A_538 : i32 to index
          %parallel_loop3A_544 = tpu.vector_load %arg16[%parallel_loop3A_541, %parallel_loop3A_542, %parallel_loop3A_543] {strides = array<i32>} : memref<26x1x1024xf32, #tpu.memory_space<vmem>>, vector<16xf32>,
          tpu.vector_store %arg16[%parallel_loop3A_541, %parallel_loop3A_542, %parallel_loop3A_543], %parallel_loop3A_536 {strides = array<i32>} : memref<26x1x1024xf32, #tpu.memory_space<vmem>>, vector<16xf32>,
          %parallel_loop3A_545 = tpu.vector_load_idx %arg9[%broadcast_in_dim3A_17, %parallel_loop3A_472] : memref<26x1000xf32, #tpu.memory_space<vmem>>[vector<16xi32>, vector<16xi32>], vector<16xf32>,
          %parallel_loop3A_546 = arith.constant 16 : i32
          %parallel_loop3A_547 = arith.muli %parallel_loop3A_468, %parallel_loop3A_546 : i32
          %parallel_loop3A_548 = arith.constant 8 : i32
          %parallel_loop3A_549 = arith.constant 0 : i32
          %parallel_loop3A_550 = arith.index_cast %parallel_loop3A_548 : i32 to index
          %parallel_loop3A_551 = arith.index_cast %parallel_loop3A_549 : i32 to index
          %parallel_loop3A_552 = arith.index_cast %parallel_loop3A_547 : i32 to index
          %parallel_loop3A_553 = tpu.vector_load %arg16[%parallel_loop3A_550, %parallel_loop3A_551, %parallel_loop3A_552] {strides = array<i32>} : memref<26x1x1024xf32, #tpu.memory_space<vmem>>, vector<16xf32>,
          tpu.vector_store %arg16[%parallel_loop3A_550, %parallel_loop3A_551, %parallel_loop3A_552], %parallel_loop3A_545 {strides = array<i32>} : memref<26x1x1024xf32, #tpu.memory_space<vmem>>, vector<16xf32>,
          %parallel_loop3A_554 = tpu.vector_load_idx %arg9[%broadcast_in_dim3A_19, %parallel_loop3A_472] : memref<26x1000xf32, #tpu.memory_space<vmem>>[vector<16xi32>, vector<16xi32>], vector<16xf32>,
          %parallel_loop3A_555 = arith.constant 16 : i32
          %parallel_loop3A_556 = arith.muli %parallel_loop3A_468, %parallel_loop3A_555 : i32
          %parallel_loop3A_557 = arith.constant 9 : i32
          %parallel_loop3A_558 = arith.constant 0 : i32
          %parallel_loop3A_559 = arith.index_cast %parallel_loop3A_557 : i32 to index
          %parallel_loop3A_560 = arith.index_cast %parallel_loop3A_558 : i32 to index
          %parallel_loop3A_561 = arith.index_cast %parallel_loop3A_556 : i32 to index
          %parallel_loop3A_562 = tpu.vector_load %arg16[%parallel_loop3A_559, %parallel_loop3A_560, %parallel_loop3A_561] {strides = array<i32>} : memref<26x1x1024xf32, #tpu.memory_space<vmem>>, vector<16xf32>,
          tpu.vector_store %arg16[%parallel_loop3A_559, %parallel_loop3A_560, %parallel_loop3A_561], %parallel_loop3A_554 {strides = array<i32>} : memref<26x1x1024xf32, #tpu.memory_space<vmem>>, vector<16xf32>,
          %parallel_loop3A_563 = tpu.vector_load_idx %arg9[%broadcast_in_dim3A_21, %parallel_loop3A_472] : memref<26x1000xf32, #tpu.memory_space<vmem>>[vector<16xi32>, vector<16xi32>], vector<16xf32>,
          %parallel_loop3A_564 = arith.constant 16 : i32
          %parallel_loop3A_565 = arith.muli %parallel_loop3A_468, %parallel_loop3A_564 : i32
          %parallel_loop3A_566 = arith.constant 10 : i32
          %parallel_loop3A_567 = arith.constant 0 : i32
          %parallel_loop3A_568 = arith.index_cast %parallel_loop3A_566 : i32 to index
          %parallel_loop3A_569 = arith.index_cast %parallel_loop3A_567 : i32 to index
          %parallel_loop3A_570 = arith.index_cast %parallel_loop3A_565 : i32 to index
          %parallel_loop3A_571 = tpu.vector_load %arg16[%parallel_loop3A_568, %parallel_loop3A_569, %parallel_loop3A_570] {strides = array<i32>} : memref<26x1x1024xf32, #tpu.memory_space<vmem>>, vector<16xf32>,
          tpu.vector_store %arg16[%parallel_loop3A_568, %parallel_loop3A_569, %parallel_loop3A_570], %parallel_loop3A_563 {strides = array<i32>} : memref<26x1x1024xf32, #tpu.memory_space<vmem>>, vector<16xf32>,
          %parallel_loop3A_572 = tpu.vector_load_idx %arg9[%broadcast_in_dim3A_23, %parallel_loop3A_472] : memref<26x1000xf32, #tpu.memory_space<vmem>>[vector<16xi32>, vector<16xi32>], vector<16xf32>,
          %parallel_loop3A_573 = arith.constant 16 : i32
          %parallel_loop3A_574 = arith.muli %parallel_loop3A_468, %parallel_loop3A_573 : i32
          %parallel_loop3A_575 = arith.constant 11 : i32
          %parallel_loop3A_576 = arith.constant 0 : i32
          %parallel_loop3A_577 = arith.index_cast %parallel_loop3A_575 : i32 to index
          %parallel_loop3A_578 = arith.index_cast %parallel_loop3A_576 : i32 to index
          %parallel_loop3A_579 = arith.index_cast %parallel_loop3A_574 : i32 to index
          %parallel_loop3A_580 = tpu.vector_load %arg16[%parallel_loop3A_577, %parallel_loop3A_578, %parallel_loop3A_579] {strides = array<i32>} : memref<26x1x1024xf32, #tpu.memory_space<vmem>>, vector<16xf32>,
          tpu.vector_store %arg16[%parallel_loop3A_577, %parallel_loop3A_578, %parallel_loop3A_579], %parallel_loop3A_572 {strides = array<i32>} : memref<26x1x1024xf32, #tpu.memory_space<vmem>>, vector<16xf32>,
          %parallel_loop3A_581 = tpu.vector_load_idx %arg9[%broadcast_in_dim3A_25, %parallel_loop3A_472] : memref<26x1000xf32, #tpu.memory_space<vmem>>[vector<16xi32>, vector<16xi32>], vector<16xf32>,
          %parallel_loop3A_582 = arith.constant 16 : i32
          %parallel_loop3A_583 = arith.muli %parallel_loop3A_468, %parallel_loop3A_582 : i32
          %parallel_loop3A_584 = arith.constant 12 : i32
          %parallel_loop3A_585 = arith.constant 0 : i32
          %parallel_loop3A_586 = arith.index_cast %parallel_loop3A_584 : i32 to index
          %parallel_loop3A_587 = arith.index_cast %parallel_loop3A_585 : i32 to index
          %parallel_loop3A_588 = arith.index_cast %parallel_loop3A_583 : i32 to index
          %parallel_loop3A_589 = tpu.vector_load %arg16[%parallel_loop3A_586, %parallel_loop3A_587, %parallel_loop3A_588] {strides = array<i32>} : memref<26x1x1024xf32, #tpu.memory_space<vmem>>, vector<16xf32>,
          tpu.vector_store %arg16[%parallel_loop3A_586, %parallel_loop3A_587, %parallel_loop3A_588], %parallel_loop3A_581 {strides = array<i32>} : memref<26x1x1024xf32, #tpu.memory_space<vmem>>, vector<16xf32>,
          %parallel_loop3A_590 = tpu.vector_load_idx %arg9[%broadcast_in_dim3A_27, %parallel_loop3A_472] : memref<26x1000xf32, #tpu.memory_space<vmem>>[vector<16xi32>, vector<16xi32>], vector<16xf32>,
          %parallel_loop3A_591 = arith.constant 16 : i32
          %parallel_loop3A_592 = arith.muli %parallel_loop3A_468, %parallel_loop3A_591 : i32
          %parallel_loop3A_593 = arith.constant 13 : i32
          %parallel_loop3A_594 = arith.constant 0 : i32
          %parallel_loop3A_595 = arith.index_cast %parallel_loop3A_593 : i32 to index
          %parallel_loop3A_596 = arith.index_cast %parallel_loop3A_594 : i32 to index
          %parallel_loop3A_597 = arith.index_cast %parallel_loop3A_592 : i32 to index
          %parallel_loop3A_598 = tpu.vector_load %arg16[%parallel_loop3A_595, %parallel_loop3A_596, %parallel_loop3A_597] {strides = array<i32>} : memref<26x1x1024xf32, #tpu.memory_space<vmem>>, vector<16xf32>,
          tpu.vector_store %arg16[%parallel_loop3A_595, %parallel_loop3A_596, %parallel_loop3A_597], %parallel_loop3A_590 {strides = array<i32>} : memref<26x1x1024xf32, #tpu.memory_space<vmem>>, vector<16xf32>,
          %parallel_loop3A_599 = tpu.vector_load_idx %arg9[%broadcast_in_dim3A_29, %parallel_loop3A_472] : memref<26x1000xf32, #tpu.memory_space<vmem>>[vector<16xi32>, vector<16xi32>], vector<16xf32>,
          %parallel_loop3A_600 = arith.constant 16 : i32
          %parallel_loop3A_601 = arith.muli %parallel_loop3A_468, %parallel_loop3A_600 : i32
          %parallel_loop3A_602 = arith.constant 14 : i32
          %parallel_loop3A_603 = arith.constant 0 : i32
          %parallel_loop3A_604 = arith.index_cast %parallel_loop3A_602 : i32 to index
          %parallel_loop3A_605 = arith.index_cast %parallel_loop3A_603 : i32 to index
          %parallel_loop3A_606 = arith.index_cast %parallel_loop3A_601 : i32 to index
          %parallel_loop3A_607 = tpu.vector_load %arg16[%parallel_loop3A_604, %parallel_loop3A_605, %parallel_loop3A_606] {strides = array<i32>} : memref<26x1x1024xf32, #tpu.memory_space<vmem>>, vector<16xf32>,
          tpu.vector_store %arg16[%parallel_loop3A_604, %parallel_loop3A_605, %parallel_loop3A_606], %parallel_loop3A_599 {strides = array<i32>} : memref<26x1x1024xf32, #tpu.memory_space<vmem>>, vector<16xf32>,
          %parallel_loop3A_608 = tpu.vector_load_idx %arg9[%broadcast_in_dim3A_31, %parallel_loop3A_472] : memref<26x1000xf32, #tpu.memory_space<vmem>>[vector<16xi32>, vector<16xi32>], vector<16xf32>,
          %parallel_loop3A_609 = arith.constant 16 : i32
          %parallel_loop3A_610 = arith.muli %parallel_loop3A_468, %parallel_loop3A_609 : i32
          %parallel_loop3A_611 = arith.constant 15 : i32
          %parallel_loop3A_612 = arith.constant 0 : i32
          %parallel_loop3A_613 = arith.index_cast %parallel_loop3A_611 : i32 to index
          %parallel_loop3A_614 = arith.index_cast %parallel_loop3A_612 : i32 to index
          %parallel_loop3A_615 = arith.index_cast %parallel_loop3A_610 : i32 to index
          %parallel_loop3A_616 = tpu.vector_load %arg16[%parallel_loop3A_613, %parallel_loop3A_614, %parallel_loop3A_615] {strides = array<i32>} : memref<26x1x1024xf32, #tpu.memory_space<vmem>>, vector<16xf32>,
          tpu.vector_store %arg16[%parallel_loop3A_613, %parallel_loop3A_614, %parallel_loop3A_615], %parallel_loop3A_608 {strides = array<i32>} : memref<26x1x1024xf32, #tpu.memory_space<vmem>>, vector<16xf32>,
          %parallel_loop3A_617 = tpu.vector_load_idx %arg9[%broadcast_in_dim3A_33, %parallel_loop3A_472] : memref<26x1000xf32, #tpu.memory_space<vmem>>[vector<16xi32>, vector<16xi32>], vector<16xf32>,
          %parallel_loop3A_618 = arith.constant 16 : i32
          %parallel_loop3A_619 = arith.muli %parallel_loop3A_468, %parallel_loop3A_618 : i32
          %parallel_loop3A_620 = arith.constant 16 : i32
          %parallel_loop3A_621 = arith.constant 0 : i32
          %parallel_loop3A_622 = arith.index_cast %parallel_loop3A_620 : i32 to index
          %parallel_loop3A_623 = arith.index_cast %parallel_loop3A_621 : i32 to index
          %parallel_loop3A_624 = arith.index_cast %parallel_loop3A_619 : i32 to index
          %parallel_loop3A_625 = tpu.vector_load %arg16[%parallel_loop3A_622, %parallel_loop3A_623, %parallel_loop3A_624] {strides = array<i32>} : memref<26x1x1024xf32, #tpu.memory_space<vmem>>, vector<16xf32>,
          tpu.vector_store %arg16[%parallel_loop3A_622, %parallel_loop3A_623, %parallel_loop3A_624], %parallel_loop3A_617 {strides = array<i32>} : memref<26x1x1024xf32, #tpu.memory_space<vmem>>, vector<16xf32>,
          %parallel_loop3A_626 = tpu.vector_load_idx %arg9[%broadcast_in_dim3A_35, %parallel_loop3A_472] : memref<26x1000xf32, #tpu.memory_space<vmem>>[vector<16xi32>, vector<16xi32>], vector<16xf32>,
          %parallel_loop3A_627 = arith.constant 16 : i32
          %parallel_loop3A_628 = arith.muli %parallel_loop3A_468, %parallel_loop3A_627 : i32
          %parallel_loop3A_629 = arith.constant 17 : i32
          %parallel_loop3A_630 = arith.constant 0 : i32
          %parallel_loop3A_631 = arith.index_cast %parallel_loop3A_629 : i32 to index
          %parallel_loop3A_632 = arith.index_cast %parallel_loop3A_630 : i32 to index
          %parallel_loop3A_633 = arith.index_cast %parallel_loop3A_628 : i32 to index
          %parallel_loop3A_634 = tpu.vector_load %arg16[%parallel_loop3A_631, %parallel_loop3A_632, %parallel_loop3A_633] {strides = array<i32>} : memref<26x1x1024xf32, #tpu.memory_space<vmem>>, vector<16xf32>,
          tpu.vector_store %arg16[%parallel_loop3A_631, %parallel_loop3A_632, %parallel_loop3A_633], %parallel_loop3A_626 {strides = array<i32>} : memref<26x1x1024xf32, #tpu.memory_space<vmem>>, vector<16xf32>,
          %parallel_loop3A_635 = tpu.vector_load_idx %arg9[%broadcast_in_dim3A_37, %parallel_loop3A_472] : memref<26x1000xf32, #tpu.memory_space<vmem>>[vector<16xi32>, vector<16xi32>], vector<16xf32>,
          %parallel_loop3A_636 = arith.constant 16 : i32
          %parallel_loop3A_637 = arith.muli %parallel_loop3A_468, %parallel_loop3A_636 : i32
          %parallel_loop3A_638 = arith.constant 18 : i32
          %parallel_loop3A_639 = arith.constant 0 : i32
          %parallel_loop3A_640 = arith.index_cast %parallel_loop3A_638 : i32 to index
          %parallel_loop3A_641 = arith.index_cast %parallel_loop3A_639 : i32 to index
          %parallel_loop3A_642 = arith.index_cast %parallel_loop3A_637 : i32 to index
          %parallel_loop3A_643 = tpu.vector_load %arg16[%parallel_loop3A_640, %parallel_loop3A_641, %parallel_loop3A_642] {strides = array<i32>} : memref<26x1x1024xf32, #tpu.memory_space<vmem>>, vector<16xf32>,
          tpu.vector_store %arg16[%parallel_loop3A_640, %parallel_loop3A_641, %parallel_loop3A_642], %parallel_loop3A_635 {strides = array<i32>} : memref<26x1x1024xf32, #tpu.memory_space<vmem>>, vector<16xf32>,
          %parallel_loop3A_644 = tpu.vector_load_idx %arg9[%broadcast_in_dim3A_39, %parallel_loop3A_472] : memref<26x1000xf32, #tpu.memory_space<vmem>>[vector<16xi32>, vector<16xi32>], vector<16xf32>,
          %parallel_loop3A_645 = arith.constant 16 : i32
          %parallel_loop3A_646 = arith.muli %parallel_loop3A_468, %parallel_loop3A_645 : i32
          %parallel_loop3A_647 = arith.constant 19 : i32
          %parallel_loop3A_648 = arith.constant 0 : i32
          %parallel_loop3A_649 = arith.index_cast %parallel_loop3A_647 : i32 to index
          %parallel_loop3A_650 = arith.index_cast %parallel_loop3A_648 : i32 to index
          %parallel_loop3A_651 = arith.index_cast %parallel_loop3A_646 : i32 to index
          %parallel_loop3A_652 = tpu.vector_load %arg16[%parallel_loop3A_649, %parallel_loop3A_650, %parallel_loop3A_651] {strides = array<i32>} : memref<26x1x1024xf32, #tpu.memory_space<vmem>>, vector<16xf32>,
          tpu.vector_store %arg16[%parallel_loop3A_649, %parallel_loop3A_650, %parallel_loop3A_651], %parallel_loop3A_644 {strides = array<i32>} : memref<26x1x1024xf32, #tpu.memory_space<vmem>>, vector<16xf32>,
          %parallel_loop3A_653 = tpu.vector_load_idx %arg9[%broadcast_in_dim3A_41, %parallel_loop3A_472] : memref<26x1000xf32, #tpu.memory_space<vmem>>[vector<16xi32>, vector<16xi32>], vector<16xf32>,
          %parallel_loop3A_654 = arith.constant 16 : i32
          %parallel_loop3A_655 = arith.muli %parallel_loop3A_468, %parallel_loop3A_654 : i32
          %parallel_loop3A_656 = arith.constant 20 : i32
          %parallel_loop3A_657 = arith.constant 0 : i32
          %parallel_loop3A_658 = arith.index_cast %parallel_loop3A_656 : i32 to index
          %parallel_loop3A_659 = arith.index_cast %parallel_loop3A_657 : i32 to index
          %parallel_loop3A_660 = arith.index_cast %parallel_loop3A_655 : i32 to index
          %parallel_loop3A_661 = tpu.vector_load %arg16[%parallel_loop3A_658, %parallel_loop3A_659, %parallel_loop3A_660] {strides = array<i32>} : memref<26x1x1024xf32, #tpu.memory_space<vmem>>, vector<16xf32>,
          tpu.vector_store %arg16[%parallel_loop3A_658, %parallel_loop3A_659, %parallel_loop3A_660], %parallel_loop3A_653 {strides = array<i32>} : memref<26x1x1024xf32, #tpu.memory_space<vmem>>, vector<16xf32>,
          %parallel_loop3A_662 = tpu.vector_load_idx %arg9[%broadcast_in_dim3A_43, %parallel_loop3A_472] : memref<26x1000xf32, #tpu.memory_space<vmem>>[vector<16xi32>, vector<16xi32>], vector<16xf32>,
          %parallel_loop3A_663 = arith.constant 16 : i32
          %parallel_loop3A_664 = arith.muli %parallel_loop3A_468, %parallel_loop3A_663 : i32
          %parallel_loop3A_665 = arith.constant 21 : i32
          %parallel_loop3A_666 = arith.constant 0 : i32
          %parallel_loop3A_667 = arith.index_cast %parallel_loop3A_665 : i32 to index
          %parallel_loop3A_668 = arith.index_cast %parallel_loop3A_666 : i32 to index
          %parallel_loop3A_669 = arith.index_cast %parallel_loop3A_664 : i32 to index
          %parallel_loop3A_670 = tpu.vector_load %arg16[%parallel_loop3A_667, %parallel_loop3A_668, %parallel_loop3A_669] {strides = array<i32>} : memref<26x1x1024xf32, #tpu.memory_space<vmem>>, vector<16xf32>,
          tpu.vector_store %arg16[%parallel_loop3A_667, %parallel_loop3A_668, %parallel_loop3A_669], %parallel_loop3A_662 {strides = array<i32>} : memref<26x1x1024xf32, #tpu.memory_space<vmem>>, vector<16xf32>,
          %parallel_loop3A_671 = tpu.vector_load_idx %arg9[%broadcast_in_dim3A_45, %parallel_loop3A_472] : memref<26x1000xf32, #tpu.memory_space<vmem>>[vector<16xi32>, vector<16xi32>], vector<16xf32>,
          %parallel_loop3A_672 = arith.constant 16 : i32
          %parallel_loop3A_673 = arith.muli %parallel_loop3A_468, %parallel_loop3A_672 : i32
          %parallel_loop3A_674 = arith.constant 22 : i32
          %parallel_loop3A_675 = arith.constant 0 : i32
          %parallel_loop3A_676 = arith.index_cast %parallel_loop3A_674 : i32 to index
          %parallel_loop3A_677 = arith.index_cast %parallel_loop3A_675 : i32 to index
          %parallel_loop3A_678 = arith.index_cast %parallel_loop3A_673 : i32 to index
          %parallel_loop3A_679 = tpu.vector_load %arg16[%parallel_loop3A_676, %parallel_loop3A_677, %parallel_loop3A_678] {strides = array<i32>} : memref<26x1x1024xf32, #tpu.memory_space<vmem>>, vector<16xf32>,
          tpu.vector_store %arg16[%parallel_loop3A_676, %parallel_loop3A_677, %parallel_loop3A_678], %parallel_loop3A_671 {strides = array<i32>} : memref<26x1x1024xf32, #tpu.memory_space<vmem>>, vector<16xf32>,
          %parallel_loop3A_680 = tpu.vector_load_idx %arg9[%broadcast_in_dim3A_47, %parallel_loop3A_472] : memref<26x1000xf32, #tpu.memory_space<vmem>>[vector<16xi32>, vector<16xi32>], vector<16xf32>,
          %parallel_loop3A_681 = arith.constant 16 : i32
          %parallel_loop3A_682 = arith.muli %parallel_loop3A_468, %parallel_loop3A_681 : i32
          %parallel_loop3A_683 = arith.constant 23 : i32
          %parallel_loop3A_684 = arith.constant 0 : i32
          %parallel_loop3A_685 = arith.index_cast %parallel_loop3A_683 : i32 to index
          %parallel_loop3A_686 = arith.index_cast %parallel_loop3A_684 : i32 to index
          %parallel_loop3A_687 = arith.index_cast %parallel_loop3A_682 : i32 to index
          %parallel_loop3A_688 = tpu.vector_load %arg16[%parallel_loop3A_685, %parallel_loop3A_686, %parallel_loop3A_687] {strides = array<i32>} : memref<26x1x1024xf32, #tpu.memory_space<vmem>>, vector<16xf32>,
          tpu.vector_store %arg16[%parallel_loop3A_685, %parallel_loop3A_686, %parallel_loop3A_687], %parallel_loop3A_680 {strides = array<i32>} : memref<26x1x1024xf32, #tpu.memory_space<vmem>>, vector<16xf32>,
          %parallel_loop3A_689 = tpu.vector_load_idx %arg9[%broadcast_in_dim3A_49, %parallel_loop3A_472] : memref<26x1000xf32, #tpu.memory_space<vmem>>[vector<16xi32>, vector<16xi32>], vector<16xf32>,
          %parallel_loop3A_690 = arith.constant 16 : i32
          %parallel_loop3A_691 = arith.muli %parallel_loop3A_468, %parallel_loop3A_690 : i32
          %parallel_loop3A_692 = arith.constant 24 : i32
          %parallel_loop3A_693 = arith.constant 0 : i32
          %parallel_loop3A_694 = arith.index_cast %parallel_loop3A_692 : i32 to index
          %parallel_loop3A_695 = arith.index_cast %parallel_loop3A_693 : i32 to index
          %parallel_loop3A_696 = arith.index_cast %parallel_loop3A_691 : i32 to index
          %parallel_loop3A_697 = tpu.vector_load %arg16[%parallel_loop3A_694, %parallel_loop3A_695, %parallel_loop3A_696] {strides = array<i32>} : memref<26x1x1024xf32, #tpu.memory_space<vmem>>, vector<16xf32>,
          tpu.vector_store %arg16[%parallel_loop3A_694, %parallel_loop3A_695, %parallel_loop3A_696], %parallel_loop3A_689 {strides = array<i32>} : memref<26x1x1024xf32, #tpu.memory_space<vmem>>, vector<16xf32>,
          %parallel_loop3A_698 = tpu.vector_load_idx %arg9[%broadcast_in_dim3A_51, %parallel_loop3A_472] : memref<26x1000xf32, #tpu.memory_space<vmem>>[vector<16xi32>, vector<16xi32>], vector<16xf32>,
          %parallel_loop3A_699 = arith.constant 16 : i32
          %parallel_loop3A_700 = arith.muli %parallel_loop3A_468, %parallel_loop3A_699 : i32
          %parallel_loop3A_701 = arith.constant 25 : i32
          %parallel_loop3A_702 = arith.constant 0 : i32
          %parallel_loop3A_703 = arith.index_cast %parallel_loop3A_701 : i32 to index
          %parallel_loop3A_704 = arith.index_cast %parallel_loop3A_702 : i32 to index
          %parallel_loop3A_705 = arith.index_cast %parallel_loop3A_700 : i32 to index
          %parallel_loop3A_706 = tpu.vector_load %arg16[%parallel_loop3A_703, %parallel_loop3A_704, %parallel_loop3A_705] {strides = array<i32>} : memref<26x1x1024xf32, #tpu.memory_space<vmem>>, vector<16xf32>,
          tpu.vector_store %arg16[%parallel_loop3A_703, %parallel_loop3A_704, %parallel_loop3A_705], %parallel_loop3A_698 {strides = array<i32>} : memref<26x1x1024xf32, #tpu.memory_space<vmem>>, vector<16xf32>,
          %parallel_loop3A_707 = tpu.vector_load_idx %arg10[%parallel_loop3A_472] : memref<1000xf32, #tpu.memory_space<vmem>>[vector<16xi32>], vector<16xf32>,
          %parallel_loop3A_708 = arith.constant 16 : i32
          %parallel_loop3A_709 = arith.muli %parallel_loop3A_468, %parallel_loop3A_708 : i32
          %parallel_loop3A_710 = arith.constant 0 : i32
          %parallel_loop3A_711 = arith.index_cast %parallel_loop3A_710 : i32 to index
          %parallel_loop3A_712 = arith.index_cast %parallel_loop3A_709 : i32 to index
          %parallel_loop3A_713 = tpu.vector_load %arg18[%parallel_loop3A_711, %parallel_loop3A_712] {strides = array<i32>} : memref<1x1024xf32, #tpu.memory_space<vmem>>, vector<16xf32>,
          tpu.vector_store %arg18[%parallel_loop3A_711, %parallel_loop3A_712], %parallel_loop3A_707 {strides = array<i32>} : memref<1x1024xf32, #tpu.memory_space<vmem>>, vector<16xf32>,
          %parallel_loop3A_714 = tpu.vector_load_idx %arg11[%parallel_loop3A_472] : memref<1000xf32, #tpu.memory_space<vmem>>[vector<16xi32>], vector<16xf32>,
          %parallel_loop3A_715 = arith.constant 16 : i32
          %parallel_loop3A_716 = arith.muli %parallel_loop3A_468, %parallel_loop3A_715 : i32
          %parallel_loop3A_717 = arith.constant 0 : i32
          %parallel_loop3A_718 = arith.index_cast %parallel_loop3A_717 : i32 to index
          %parallel_loop3A_719 = arith.index_cast %parallel_loop3A_716 : i32 to index
          %parallel_loop3A_720 = tpu.vector_load %arg20[%parallel_loop3A_718, %parallel_loop3A_719] {strides = array<i32>} : memref<1x1024xf32, #tpu.memory_space<vmem>>, vector<16xf32>,
          tpu.vector_store %arg20[%parallel_loop3A_718, %parallel_loop3A_719], %parallel_loop3A_714 {strides = array<i32>} : memref<1x1024xf32, #tpu.memory_space<vmem>>, vector<16xf32>,
        } {sc.loop_unroll_factor = 2 : i64, sc.parallel_access}
        %mul3A_456 = arith.constant 1024 : i32
        %mul3A_457 = arith.muli %sub3A_403, %mul3A_456 : i32
        %add3A_458 = arith.constant 0 : i32
        %add3A_459 = arith.addi %mul3A_457, %add3A_458 : i32
        %dma_start3A_460 = arith.constant 0 : i32
        %dma_start3A_461 = tpu.memref_slice %arg6[%dma_start3A_460, %select_n3A_400, %add3A_459] : memref<26x26x16384xf32, #tpu.memory_space<hbm>> -> memref<26x1x1024xf32, #tpu.memory_space<hbm>>
        %dma_start3A_462 = arith.constant 0 : i32
        %dma_start3A_463 = tpu.memref_slice %arg6[%dma_start3A_462, %select_n3A_400, %add3A_459] : memref<26x26x16384xf32, #tpu.memory_space<hbm>> -> memref<26x1x1024xf32, #tpu.memory_space<hbm>>
        tpu.enqueue_dma source(%arg16 : memref<26x1x1024xf32, #tpu.memory_space<vmem>>) target(%dma_start3A_463 : memref<26x1x1024xf32, #tpu.memory_space<hbm>>) target_semaphore(%arg25 : memref<!tpu.dma_semaphore, #tpu.memory_space<semaphore_mem>>)
        %dma_start3A_464 = tpu.memref_slice %arg7[%select_n3A_400, %add3A_459] : memref<26x16384xf32, #tpu.memory_space<hbm>> -> memref<1x1024xf32, #tpu.memory_space<hbm>>
        %dma_start3A_465 = tpu.memref_slice %arg7[%select_n3A_400, %add3A_459] : memref<26x16384xf32, #tpu.memory_space<hbm>> -> memref<1x1024xf32, #tpu.memory_space<hbm>>
        tpu.enqueue_dma source(%arg18 : memref<1x1024xf32, #tpu.memory_space<vmem>>) target(%dma_start3A_465 : memref<1x1024xf32, #tpu.memory_space<hbm>>) target_semaphore(%arg25 : memref<!tpu.dma_semaphore, #tpu.memory_space<semaphore_mem>>)
        %dma_start3A_466 = tpu.memref_slice %arg8[%select_n3A_400, %add3A_459] : memref<26x16384xf32, #tpu.memory_space<hbm>> -> memref<1x1024xf32, #tpu.memory_space<hbm>>
        %dma_start3A_467 = tpu.memref_slice %arg8[%select_n3A_400, %add3A_459] : memref<26x16384xf32, #tpu.memory_space<hbm>> -> memref<1x1024xf32, #tpu.memory_space<hbm>>
        tpu.enqueue_dma source(%arg20 : memref<1x1024xf32, #tpu.memory_space<vmem>>) target(%dma_start3A_467 : memref<1x1024xf32, #tpu.memory_space<hbm>>) target_semaphore(%arg25 : memref<!tpu.dma_semaphore, #tpu.memory_space<semaphore_mem>>)
      } else {
      }
      %add3A_343 = arith.constant 1 : i32
      %add3A_344 = arith.addi %add3A_225, %add3A_343 : i32
      %jit3A_345 = arith.constant 16 : i32
      %div3A_346 = arith.divsi %add3A_344, %jit3A_345 : i32
      %sign3A_347 = arith.constant 0 : i32
      %sign3A_348 = arith.cmpi sgt, %add3A_344, %sign3A_347 : i32
      %sign3A_349 = arith.extui %sign3A_348 : i1 to i32
      %sign3A_350 = arith.constant 0 : i32
      %sign3A_351 = arith.cmpi slt, %add3A_344, %sign3A_350 : i32
      %sign3A_352 = arith.extui %sign3A_351 : i1 to i32
      %sign3A_353 = arith.subi %sign3A_349, %sign3A_352 : i32
      %sign3A_354 = arith.constant 0 : i32
      %sign3A_355 = arith.cmpi sgt, %jit3A_345, %sign3A_354 : i32
      %sign3A_356 = arith.extui %sign3A_355 : i1 to i32
      %sign3A_357 = arith.constant 0 : i32
      %sign3A_358 = arith.cmpi slt, %jit3A_345, %sign3A_357 : i32
      %sign3A_359 = arith.extui %sign3A_358 : i1 to i32
      %sign3A_360 = arith.subi %sign3A_356, %sign3A_359 : i32
      %ne3A_361 = arith.cmpi ne, %sign3A_353, %sign3A_360 : i32
      %rem3A_362 = arith.remsi %add3A_344, %jit3A_345 : i32
      %ne3A_363 = arith.constant 0 : i32
      %ne3A_364 = arith.cmpi ne, %rem3A_362, %ne3A_363 : i32
      %and3A_365 = arith.andi %ne3A_361, %ne3A_364 : i1
      %sub3A_366 = arith.constant 1 : i32
      %sub3A_367 = arith.subi %div3A_346, %sub3A_366 : i32
      %select_n3A_368 = arith.select %and3A_365, %sub3A_367, %div3A_346 : i32
      %add3A_369 = arith.constant 1 : i32
      %add3A_370 = arith.addi %add3A_225, %add3A_369 : i32
      %lt3A_371 = arith.cmpi slt, %add3A_370, %select_n3A_97 : i32
      %select_n3A_372 = arith.select %lt3A_371, %select_n3A_368, %select_n3A_336 : i32
      scf.yield %select_n3A_372 : i32
    }
    %while3A_167 = arith.constant 1 : i32
    %while3A_168 = scf.for %while3A_221 = %while3A_164 to %while3A_160 step %while3A_167 iter_args(%while3A_222 = %while3A_166) -> (i32)  : i32 {
      %mul3A_223 = arith.constant 2 : i32
      %mul3A_224 = arith.muli %mul3A_223, %while3A_221 : i32
      %add3A_225 = arith.addi %select_n3A, %mul3A_224 : i32
      %eq3A = arith.constant 0 : i32
      %eq3A_226 = arith.cmpi eq, %while3A_221, %eq3A : i32
      %jit3A_227 = arith.constant 16 : i32
      %div3A_228 = arith.divsi %add3A_225, %jit3A_227 : i32
      %sign3A_229 = arith.constant 0 : i32
      %sign3A_230 = arith.cmpi sgt, %add3A_225, %sign3A_229 : i32
      %sign3A_231 = arith.extui %sign3A_230 : i1 to i32
      %sign3A_232 = arith.constant 0 : i32
      %sign3A_233 = arith.cmpi slt, %add3A_225, %sign3A_232 : i32
      %sign3A_234 = arith.extui %sign3A_233 : i1 to i32
      %sign3A_235 = arith.subi %sign3A_231, %sign3A_234 : i32
      %sign3A_236 = arith.constant 0 : i32
      %sign3A_237 = arith.cmpi sgt, %jit3A_227, %sign3A_236 : i32
      %sign3A_238 = arith.extui %sign3A_237 : i1 to i32
      %sign3A_239 = arith.constant 0 : i32
      %sign3A_240 = arith.cmpi slt, %jit3A_227, %sign3A_239 : i32
      %sign3A_241 = arith.extui %sign3A_240 : i1 to i32
      %sign3A_242 = arith.subi %sign3A_238, %sign3A_241 : i32
      %ne3A_243 = arith.cmpi ne, %sign3A_235, %sign3A_242 : i32
      %rem3A_244 = arith.remsi %add3A_225, %jit3A_227 : i32
      %ne3A_245 = arith.constant 0 : i32
      %ne3A_246 = arith.cmpi ne, %rem3A_244, %ne3A_245 : i32
      %and3A_247 = arith.andi %ne3A_243, %ne3A_246 : i1
      %sub3A_248 = arith.constant 1 : i32
      %sub3A_249 = arith.subi %div3A_228, %sub3A_248 : i32
      %select_n3A_250 = arith.select %and3A_247, %sub3A_249, %div3A_228 : i32
      %mul3A_251 = arith.constant 16 : i32
      %mul3A_252 = arith.muli %mul3A_251, %select_n3A_250 : i32
      %sub3A_253 = arith.subi %add3A_225, %mul3A_252 : i32
      %ne3A_254 = arith.cmpi ne, %select_n3A_250, %while3A_222 : i32
      %convert_element_type3A = arith.extui %ne3A_254 : i1 to i32
      %cond3A = arith.constant 0 : i32
      %cond3A_255 = arith.cmpi ne, %convert_element_type3A, %cond3A : i32
      scf.if %cond3A_255 {
        %mul3A_373 = arith.constant 26 : i32
        %mul3A_374 = vector.broadcast %mul3A_373 : i32 to vector<16xi32>
        %mul3A_375 = arith.muli %iota3A, %mul3A_374 : vector<16xi32>
        %add3A_376 = vector.broadcast %select_n3A_250 : i32 to vector<16xi32>
        %add3A_377 = arith.addi %mul3A_375, %add3A_376 : vector<16xi32>
        %swap3A = arith.constant 0 : index
        %swap3A_378 = tpu.vector_load %arg14[%swap3A] {strides = array<i32>} : memref<32xi32, #tpu.memory_space<vmem>>, vector<16xi32>,
        tpu.vector_store %arg14[%swap3A], %add3A_377 {strides = array<i32>} : memref<32xi32, #tpu.memory_space<vmem>>, vector<16xi32>,
        %add3A_379 = arith.constant 16 : i32
        %add3A_380 = vector.broadcast %add3A_379 : i32 to vector<16xi32>
        %add3A_381 = arith.addi %iota3A, %add3A_380 : vector<16xi32>
        %mul3A_382 = arith.constant 26 : i32
        %mul3A_383 = vector.broadcast %mul3A_382 : i32 to vector<16xi32>
        %mul3A_384 = arith.muli %add3A_381, %mul3A_383 : vector<16xi32>
        %add3A_385 = vector.broadcast %select_n3A_250 : i32 to vector<16xi32>
        %add3A_386 = arith.addi %mul3A_384, %add3A_385 : vector<16xi32>
        %swap3A_387 = arith.constant 16 : index
        %swap3A_388 = tpu.vector_load %arg14[%swap3A_387] {strides = array<i32>} : memref<32xi32, #tpu.memory_space<vmem>>, vector<16xi32>,
        tpu.vector_store %arg14[%swap3A_387], %add3A_386 {strides = array<i32>} : memref<32xi32, #tpu.memory_space<vmem>>, vector<16xi32>,
        %dma_start3A_389 = arith.constant 0 : i32
        %dma_start3A_390 = tpu.memref_slice %arg14[%dma_start3A_389] : memref<32xi32, #tpu.memory_space<vmem>> -> memref<26xi32, #tpu.memory_space<vmem>>
        %dma_start3A_391 = arith.constant 0 : i32
        %dma_start3A_392 = arith.constant 0 : i32
        %dma_start3A_393 = tpu.memref_slice %arg2[%dma_start3A_391, %dma_start3A_392] : memref<676x1000xf32, #tpu.memory_space<hbm>> -> memref<676x1000xf32, #tpu.memory_space<hbm>>
        tpu.enqueue_indirect_dma source(%dma_start3A_393 : memref<676x1000xf32, #tpu.memory_space<hbm>>) target(%arg9 : memref<26x1000xf32, #tpu.memory_space<vmem>>) offsets(%dma_start3A_390 : memref<26xi32, #tpu.memory_space<vmem>>) semaphore(%arg21 : memref<!tpu.dma_semaphore, #tpu.memory_space<semaphore_mem>>)
        %mul3A_394 = arith.constant 1000 : i32
        %mul3A_395 = arith.muli %select_n3A_250, %mul3A_394 : i32
        "tpu.region"() ({
          %run_scoped3A = tpu.sem_alloc : memref<!tpu.dma_semaphore, #tpu.memory_space<semaphore_mem>>
          %dma_start3A_403 = tpu.memref_slice %arg3[%mul3A_395] : memref<26000xf32, #tpu.memory_space<hbm>> -> memref<1000xf32, #tpu.memory_space<hbm>>
          %dma_start3A_404 = tpu.memref_slice %arg3[%mul3A_395] : memref<26000xf32, #tpu.memory_space<hbm>> -> memref<1000xf32, #tpu.memory_space<hbm>>
          tpu.enqueue_dma source(%dma_start3A_404 : memref<1000xf32, #tpu.memory_space<hbm>>) target(%arg10 : memref<1000xf32, #tpu.memory_space<vmem>>) target_semaphore(%run_scoped3A : memref<!tpu.dma_semaphore, #tpu.memory_space<semaphore_mem>>)
          %dma_wait3A_405 = tpu.memref_slice %arg3[%mul3A_395] : memref<26000xf32, #tpu.memory_space<hbm>> -> memref<1000xf32, #tpu.memory_space<hbm>>
          %dma_wait3A_406 = tpu.memref_slice %arg3[%mul3A_395] : memref<26000xf32, #tpu.memory_space<hbm>> -> memref<1000xf32, #tpu.memory_space<hbm>>
          tpu.wait_dma2 semaphore(%run_scoped3A : memref<!tpu.dma_semaphore, #tpu.memory_space<semaphore_mem>>) src(%dma_wait3A_406 : memref<1000xf32, #tpu.memory_space<hbm>>) dst(%arg10 : memref<1000xf32, #tpu.memory_space<vmem>>)
          tpu.yield
        }) : () -> ()
        %mul3A_396 = arith.constant 1000 : i32
        %mul3A_397 = arith.muli %select_n3A_250, %mul3A_396 : i32
        "tpu.region"() ({
          %run_scoped3A = tpu.sem_alloc : memref<!tpu.dma_semaphore, #tpu.memory_space<semaphore_mem>>
          %dma_start3A_403 = tpu.memref_slice %arg4[%mul3A_397] : memref<26000xf32, #tpu.memory_space<hbm>> -> memref<1000xf32, #tpu.memory_space<hbm>>
          %dma_start3A_404 = tpu.memref_slice %arg4[%mul3A_397] : memref<26000xf32, #tpu.memory_space<hbm>> -> memref<1000xf32, #tpu.memory_space<hbm>>
          tpu.enqueue_dma source(%dma_start3A_404 : memref<1000xf32, #tpu.memory_space<hbm>>) target(%arg11 : memref<1000xf32, #tpu.memory_space<vmem>>) target_semaphore(%run_scoped3A : memref<!tpu.dma_semaphore, #tpu.memory_space<semaphore_mem>>)
          %dma_wait3A_405 = tpu.memref_slice %arg4[%mul3A_397] : memref<26000xf32, #tpu.memory_space<hbm>> -> memref<1000xf32, #tpu.memory_space<hbm>>
          %dma_wait3A_406 = tpu.memref_slice %arg4[%mul3A_397] : memref<26000xf32, #tpu.memory_space<hbm>> -> memref<1000xf32, #tpu.memory_space<hbm>>
          tpu.wait_dma2 semaphore(%run_scoped3A : memref<!tpu.dma_semaphore, #tpu.memory_space<semaphore_mem>>) src(%dma_wait3A_406 : memref<1000xf32, #tpu.memory_space<hbm>>) dst(%arg11 : memref<1000xf32, #tpu.memory_space<vmem>>)
          tpu.yield
        }) : () -> ()
        %dma_wait3A_398 = arith.constant 0 : i32
        %dma_wait3A_399 = tpu.memref_slice %arg14[%dma_wait3A_398] : memref<32xi32, #tpu.memory_space<vmem>> -> memref<26xi32, #tpu.memory_space<vmem>>
        %dma_wait3A_400 = arith.constant 0 : i32
        %dma_wait3A_401 = arith.constant 0 : i32
        %dma_wait3A_402 = tpu.memref_slice %arg2[%dma_wait3A_400, %dma_wait3A_401] : memref<676x1000xf32, #tpu.memory_space<hbm>> -> memref<676x1000xf32, #tpu.memory_space<hbm>>
        tpu.wait_indirect_dma semaphore(%arg21 : memref<!tpu.dma_semaphore, #tpu.memory_space<semaphore_mem>>) src(%dma_wait3A_402 : memref<676x1000xf32, #tpu.memory_space<hbm>>) dst(%arg9 : memref<26x1000xf32, #tpu.memory_space<vmem>>)
      } else {
      }
      %jit3A_256 = arith.constant 16 : i32
      %div3A_257 = arith.divsi %add3A_225, %jit3A_256 : i32
      %sign3A_258 = arith.constant 0 : i32
      %sign3A_259 = arith.cmpi sgt, %add3A_225, %sign3A_258 : i32
      %sign3A_260 = arith.extui %sign3A_259 : i1 to i32
      %sign3A_261 = arith.constant 0 : i32
      %sign3A_262 = arith.cmpi slt, %add3A_225, %sign3A_261 : i32
      %sign3A_263 = arith.extui %sign3A_262 : i1 to i32
      %sign3A_264 = arith.subi %sign3A_260, %sign3A_263 : i32
      %sign3A_265 = arith.constant 0 : i32
      %sign3A_266 = arith.cmpi sgt, %jit3A_256, %sign3A_265 : i32
      %sign3A_267 = arith.extui %sign3A_266 : i1 to i32
      %sign3A_268 = arith.constant 0 : i32
      %sign3A_269 = arith.cmpi slt, %jit3A_256, %sign3A_268 : i32
      %sign3A_270 = arith.extui %sign3A_269 : i1 to i32
      %sign3A_271 = arith.subi %sign3A_267, %sign3A_270 : i32
      %ne3A_272 = arith.cmpi ne, %sign3A_264, %sign3A_271 : i32
      %rem3A_273 = arith.remsi %add3A_225, %jit3A_256 : i32
      %ne3A_274 = arith.constant 0 : i32
      %ne3A_275 = arith.cmpi ne, %rem3A_273, %ne3A_274 : i32
      %and3A_276 = arith.andi %ne3A_272, %ne3A_275 : i1
      %sub3A_277 = arith.constant 1 : i32
      %sub3A_278 = arith.subi %div3A_257, %sub3A_277 : i32
      %select_n3A_279 = arith.select %and3A_276, %sub3A_278, %div3A_257 : i32
      %mul3A_280 = arith.constant 16 : i32
      %mul3A_281 = arith.muli %mul3A_280, %select_n3A_279 : i32
      %sub3A_282 = arith.subi %add3A_225, %mul3A_281 : i32
      %mul3A_283 = arith.constant 16384 : i32
      %mul3A_284 = arith.muli %select_n3A_279, %mul3A_283 : i32
      %mul3A_285 = arith.constant 1024 : i32
      %mul3A_286 = arith.muli %sub3A_282, %mul3A_285 : i32
      %add3A_287 = arith.addi %mul3A_284, %mul3A_286 : i32
      %dma_wait3A_288 = tpu.memref_slice %arg5[%add3A_287] : memref<425984xi32, #tpu.memory_space<hbm>> -> memref<1024xi32, #tpu.memory_space<hbm>>
      %dma_wait3A_289 = tpu.memref_slice %arg5[%add3A_287] : memref<425984xi32, #tpu.memory_space<hbm>> -> memref<1024xi32, #tpu.memory_space<hbm>>
      tpu.wait_dma2 semaphore(%arg22 : memref<!tpu.dma_semaphore, #tpu.memory_space<semaphore_mem>>) src(%dma_wait3A_289 : memref<1024xi32, #tpu.memory_space<hbm>>) dst(%arg12 : memref<1024xi32, #tpu.memory_space<vmem>>)
      %add3A_290 = arith.constant 1 : i32
      %add3A_291 = arith.addi %add3A_225, %add3A_290 : i32
      %lt3A = arith.cmpi slt, %add3A_291, %select_n3A_97 : i32
      %convert_element_type3A_292 = arith.extui %lt3A : i1 to i32
      %cond3A_293 = arith.constant 0 : i32
      %cond3A_294 = arith.cmpi ne, %convert_element_type3A_292, %cond3A_293 : i32
      scf.if %cond3A_294 {
        %add3A_373 = arith.constant 1 : i32
        %add3A_374 = arith.addi %add3A_225, %add3A_373 : i32
        %jit3A_375 = arith.constant 16 : i32
        %div3A_376 = arith.divsi %add3A_374, %jit3A_375 : i32
        %sign3A_377 = arith.constant 0 : i32
        %sign3A_378 = arith.cmpi sgt, %add3A_374, %sign3A_377 : i32
        %sign3A_379 = arith.extui %sign3A_378 : i1 to i32
        %sign3A_380 = arith.constant 0 : i32
        %sign3A_381 = arith.cmpi slt, %add3A_374, %sign3A_380 : i32
        %sign3A_382 = arith.extui %sign3A_381 : i1 to i32
        %sign3A_383 = arith.subi %sign3A_379, %sign3A_382 : i32
        %sign3A_384 = arith.constant 0 : i32
        %sign3A_385 = arith.cmpi sgt, %jit3A_375, %sign3A_384 : i32
        %sign3A_386 = arith.extui %sign3A_385 : i1 to i32
        %sign3A_387 = arith.constant 0 : i32
        %sign3A_388 = arith.cmpi slt, %jit3A_375, %sign3A_387 : i32
        %sign3A_389 = arith.extui %sign3A_388 : i1 to i32
        %sign3A_390 = arith.subi %sign3A_386, %sign3A_389 : i32
        %ne3A_391 = arith.cmpi ne, %sign3A_383, %sign3A_390 : i32
        %rem3A_392 = arith.remsi %add3A_374, %jit3A_375 : i32
        %ne3A_393 = arith.constant 0 : i32
        %ne3A_394 = arith.cmpi ne, %rem3A_392, %ne3A_393 : i32
        %and3A_395 = arith.andi %ne3A_391, %ne3A_394 : i1
        %sub3A_396 = arith.constant 1 : i32
        %sub3A_397 = arith.subi %div3A_376, %sub3A_396 : i32
        %select_n3A_398 = arith.select %and3A_395, %sub3A_397, %div3A_376 : i32
        %mul3A_399 = arith.constant 16 : i32
        %mul3A_400 = arith.muli %mul3A_399, %select_n3A_398 : i32
        %sub3A_401 = arith.subi %add3A_374, %mul3A_400 : i32
        %mul3A_402 = arith.constant 16384 : i32
        %mul3A_403 = arith.muli %select_n3A_398, %mul3A_402 : i32
        %mul3A_404 = arith.constant 1024 : i32
        %mul3A_405 = arith.muli %sub3A_401, %mul3A_404 : i32
        %add3A_406 = arith.addi %mul3A_403, %mul3A_405 : i32
        %dma_start3A_407 = tpu.memref_slice %arg5[%add3A_406] : memref<425984xi32, #tpu.memory_space<hbm>> -> memref<1024xi32, #tpu.memory_space<hbm>>
        %dma_start3A_408 = tpu.memref_slice %arg5[%add3A_406] : memref<425984xi32, #tpu.memory_space<hbm>> -> memref<1024xi32, #tpu.memory_space<hbm>>
        tpu.enqueue_dma source(%dma_start3A_408 : memref<1024xi32, #tpu.memory_space<hbm>>) target(%arg13 : memref<1024xi32, #tpu.memory_space<vmem>>) target_semaphore(%arg23 : memref<!tpu.dma_semaphore, #tpu.memory_space<semaphore_mem>>)
      } else {
      }
      %not3A = arith.constant true
      %not3A_295 = arith.xori %eq3A_226, %not3A : i1
      %convert_element_type3A_296 = arith.extui %not3A_295 : i1 to i32
      %cond3A_297 = arith.constant 0 : i32
      %cond3A_298 = arith.cmpi ne, %convert_element_type3A_296, %cond3A_297 : i32
      scf.if %cond3A_298 {
        %mul3A_373 = arith.constant 1024 : i32
        %mul3A_374 = arith.muli %sub3A_253, %mul3A_373 : i32
        %add3A_375 = arith.constant 0 : i32
        %add3A_376 = arith.addi %mul3A_374, %add3A_375 : i32
        %dma_wait3A_377 = arith.constant 0 : i32
        %dma_wait3A_378 = tpu.memref_slice %arg6[%dma_wait3A_377, %select_n3A_250, %add3A_376] : memref<26x26x16384xf32, #tpu.memory_space<hbm>> -> memref<26x1x1024xf32, #tpu.memory_space<hbm>>
        %dma_wait3A_379 = arith.constant 0 : i32
        %dma_wait3A_380 = tpu.memref_slice %arg6[%dma_wait3A_379, %select_n3A_250, %add3A_376] : memref<26x26x16384xf32, #tpu.memory_space<hbm>> -> memref<26x1x1024xf32, #tpu.memory_space<hbm>>
        tpu.wait_dma2 semaphore(%arg24 : memref<!tpu.dma_semaphore, #tpu.memory_space<semaphore_mem>>) src(%arg15 : memref<26x1x1024xf32, #tpu.memory_space<vmem>>) dst(%dma_wait3A_380 : memref<26x1x1024xf32, #tpu.memory_space<hbm>>)
        %dma_wait3A_381 = tpu.memref_slice %arg7[%select_n3A_250, %add3A_376] : memref<26x16384xf32, #tpu.memory_space<hbm>> -> memref<1x1024xf32, #tpu.memory_space<hbm>>
        %dma_wait3A_382 = tpu.memref_slice %arg7[%select_n3A_250, %add3A_376] : memref<26x16384xf32, #tpu.memory_space<hbm>> -> memref<1x1024xf32, #tpu.memory_space<hbm>>
        tpu.wait_dma2 semaphore(%arg24 : memref<!tpu.dma_semaphore, #tpu.memory_space<semaphore_mem>>) src(%arg17 : memref<1x1024xf32, #tpu.memory_space<vmem>>) dst(%dma_wait3A_382 : memref<1x1024xf32, #tpu.memory_space<hbm>>)
        %dma_wait3A_383 = tpu.memref_slice %arg8[%select_n3A_250, %add3A_376] : memref<26x16384xf32, #tpu.memory_space<hbm>> -> memref<1x1024xf32, #tpu.memory_space<hbm>>
        %dma_wait3A_384 = tpu.memref_slice %arg8[%select_n3A_250, %add3A_376] : memref<26x16384xf32, #tpu.memory_space<hbm>> -> memref<1x1024xf32, #tpu.memory_space<hbm>>
        tpu.wait_dma2 semaphore(%arg24 : memref<!tpu.dma_semaphore, #tpu.memory_space<semaphore_mem>>) src(%arg19 : memref<1x1024xf32, #tpu.memory_space<vmem>>) dst(%dma_wait3A_384 : memref<1x1024xf32, #tpu.memory_space<hbm>>)
      } else {
      }
      %parallel_loop3A = arith.constant 0 : i32
      %parallel_loop3A_299 = arith.constant 64 : i32
      %parallel_loop3A_300 = arith.constant 1 : i32
      scf.for %parallel_loop3A_373 = %parallel_loop3A to %parallel_loop3A_299 step %parallel_loop3A_300  : i32 {
        %parallel_loop3A_374 = arith.constant 16 : i32
        %parallel_loop3A_375 = arith.muli %parallel_loop3A_373, %parallel_loop3A_374 : i32
        %parallel_loop3A_376 = arith.index_cast %parallel_loop3A_375 : i32 to index
        %parallel_loop3A_377 = tpu.vector_load %arg12[%parallel_loop3A_376] {strides = array<i32>} : memref<1024xi32, #tpu.memory_space<vmem>>, vector<16xi32>,
        %parallel_loop3A_378 = tpu.vector_load_idx %arg9[%broadcast_in_dim3A_1, %parallel_loop3A_377] : memref<26x1000xf32, #tpu.memory_space<vmem>>[vector<16xi32>, vector<16xi32>], vector<16xf32>,
        %parallel_loop3A_379 = arith.constant 16 : i32
        %parallel_loop3A_380 = arith.muli %parallel_loop3A_373, %parallel_loop3A_379 : i32
        %parallel_loop3A_381 = arith.constant 0 : i32
        %parallel_loop3A_382 = arith.constant 0 : i32
        %parallel_loop3A_383 = arith.index_cast %parallel_loop3A_381 : i32 to index
        %parallel_loop3A_384 = arith.index_cast %parallel_loop3A_382 : i32 to index
        %parallel_loop3A_385 = arith.index_cast %parallel_loop3A_380 : i32 to index
        %parallel_loop3A_386 = tpu.vector_load %arg15[%parallel_loop3A_383, %parallel_loop3A_384, %parallel_loop3A_385] {strides = array<i32>} : memref<26x1x1024xf32, #tpu.memory_space<vmem>>, vector<16xf32>,
        tpu.vector_store %arg15[%parallel_loop3A_383, %parallel_loop3A_384, %parallel_loop3A_385], %parallel_loop3A_378 {strides = array<i32>} : memref<26x1x1024xf32, #tpu.memory_space<vmem>>, vector<16xf32>,
        %parallel_loop3A_387 = tpu.vector_load_idx %arg9[%broadcast_in_dim3A_3, %parallel_loop3A_377] : memref<26x1000xf32, #tpu.memory_space<vmem>>[vector<16xi32>, vector<16xi32>], vector<16xf32>,
        %parallel_loop3A_388 = arith.constant 16 : i32
        %parallel_loop3A_389 = arith.muli %parallel_loop3A_373, %parallel_loop3A_388 : i32
        %parallel_loop3A_390 = arith.constant 1 : i32
        %parallel_loop3A_391 = arith.constant 0 : i32
        %parallel_loop3A_392 = arith.index_cast %parallel_loop3A_390 : i32 to index
        %parallel_loop3A_393 = arith.index_cast %parallel_loop3A_391 : i32 to index
        %parallel_loop3A_394 = arith.index_cast %parallel_loop3A_389 : i32 to index
        %parallel_loop3A_395 = tpu.vector_load %arg15[%parallel_loop3A_392, %parallel_loop3A_393, %parallel_loop3A_394] {strides = array<i32>} : memref<26x1x1024xf32, #tpu.memory_space<vmem>>, vector<16xf32>,
        tpu.vector_store %arg15[%parallel_loop3A_392, %parallel_loop3A_393, %parallel_loop3A_394], %parallel_loop3A_387 {strides = array<i32>} : memref<26x1x1024xf32, #tpu.memory_space<vmem>>, vector<16xf32>,
        %parallel_loop3A_396 = tpu.vector_load_idx %arg9[%broadcast_in_dim3A_5, %parallel_loop3A_377] : memref<26x1000xf32, #tpu.memory_space<vmem>>[vector<16xi32>, vector<16xi32>], vector<16xf32>,
        %parallel_loop3A_397 = arith.constant 16 : i32
        %parallel_loop3A_398 = arith.muli %parallel_loop3A_373, %parallel_loop3A_397 : i32
        %parallel_loop3A_399 = arith.constant 2 : i32
        %parallel_loop3A_400 = arith.constant 0 : i32
        %parallel_loop3A_401 = arith.index_cast %parallel_loop3A_399 : i32 to index
        %parallel_loop3A_402 = arith.index_cast %parallel_loop3A_400 : i32 to index
        %parallel_loop3A_403 = arith.index_cast %parallel_loop3A_398 : i32 to index
        %parallel_loop3A_404 = tpu.vector_load %arg15[%parallel_loop3A_401, %parallel_loop3A_402, %parallel_loop3A_403] {strides = array<i32>} : memref<26x1x1024xf32, #tpu.memory_space<vmem>>, vector<16xf32>,
        tpu.vector_store %arg15[%parallel_loop3A_401, %parallel_loop3A_402, %parallel_loop3A_403], %parallel_loop3A_396 {strides = array<i32>} : memref<26x1x1024xf32, #tpu.memory_space<vmem>>, vector<16xf32>,
        %parallel_loop3A_405 = tpu.vector_load_idx %arg9[%broadcast_in_dim3A_7, %parallel_loop3A_377] : memref<26x1000xf32, #tpu.memory_space<vmem>>[vector<16xi32>, vector<16xi32>], vector<16xf32>,
        %parallel_loop3A_406 = arith.constant 16 : i32
        %parallel_loop3A_407 = arith.muli %parallel_loop3A_373, %parallel_loop3A_406 : i32
        %parallel_loop3A_408 = arith.constant 3 : i32
        %parallel_loop3A_409 = arith.constant 0 : i32
        %parallel_loop3A_410 = arith.index_cast %parallel_loop3A_408 : i32 to index
        %parallel_loop3A_411 = arith.index_cast %parallel_loop3A_409 : i32 to index
        %parallel_loop3A_412 = arith.index_cast %parallel_loop3A_407 : i32 to index
        %parallel_loop3A_413 = tpu.vector_load %arg15[%parallel_loop3A_410, %parallel_loop3A_411, %parallel_loop3A_412] {strides = array<i32>} : memref<26x1x1024xf32, #tpu.memory_space<vmem>>, vector<16xf32>,
        tpu.vector_store %arg15[%parallel_loop3A_410, %parallel_loop3A_411, %parallel_loop3A_412], %parallel_loop3A_405 {strides = array<i32>} : memref<26x1x1024xf32, #tpu.memory_space<vmem>>, vector<16xf32>,
        %parallel_loop3A_414 = tpu.vector_load_idx %arg9[%broadcast_in_dim3A_9, %parallel_loop3A_377] : memref<26x1000xf32, #tpu.memory_space<vmem>>[vector<16xi32>, vector<16xi32>], vector<16xf32>,
        %parallel_loop3A_415 = arith.constant 16 : i32
        %parallel_loop3A_416 = arith.muli %parallel_loop3A_373, %parallel_loop3A_415 : i32
        %parallel_loop3A_417 = arith.constant 4 : i32
        %parallel_loop3A_418 = arith.constant 0 : i32
        %parallel_loop3A_419 = arith.index_cast %parallel_loop3A_417 : i32 to index
        %parallel_loop3A_420 = arith.index_cast %parallel_loop3A_418 : i32 to index
        %parallel_loop3A_421 = arith.index_cast %parallel_loop3A_416 : i32 to index
        %parallel_loop3A_422 = tpu.vector_load %arg15[%parallel_loop3A_419, %parallel_loop3A_420, %parallel_loop3A_421] {strides = array<i32>} : memref<26x1x1024xf32, #tpu.memory_space<vmem>>, vector<16xf32>,
        tpu.vector_store %arg15[%parallel_loop3A_419, %parallel_loop3A_420, %parallel_loop3A_421], %parallel_loop3A_414 {strides = array<i32>} : memref<26x1x1024xf32, #tpu.memory_space<vmem>>, vector<16xf32>,
        %parallel_loop3A_423 = tpu.vector_load_idx %arg9[%broadcast_in_dim3A_11, %parallel_loop3A_377] : memref<26x1000xf32, #tpu.memory_space<vmem>>[vector<16xi32>, vector<16xi32>], vector<16xf32>,
        %parallel_loop3A_424 = arith.constant 16 : i32
        %parallel_loop3A_425 = arith.muli %parallel_loop3A_373, %parallel_loop3A_424 : i32
        %parallel_loop3A_426 = arith.constant 5 : i32
        %parallel_loop3A_427 = arith.constant 0 : i32
        %parallel_loop3A_428 = arith.index_cast %parallel_loop3A_426 : i32 to index
        %parallel_loop3A_429 = arith.index_cast %parallel_loop3A_427 : i32 to index
        %parallel_loop3A_430 = arith.index_cast %parallel_loop3A_425 : i32 to index
        %parallel_loop3A_431 = tpu.vector_load %arg15[%parallel_loop3A_428, %parallel_loop3A_429, %parallel_loop3A_430] {strides = array<i32>} : memref<26x1x1024xf32, #tpu.memory_space<vmem>>, vector<16xf32>,
        tpu.vector_store %arg15[%parallel_loop3A_428, %parallel_loop3A_429, %parallel_loop3A_430], %parallel_loop3A_423 {strides = array<i32>} : memref<26x1x1024xf32, #tpu.memory_space<vmem>>, vector<16xf32>,
        %parallel_loop3A_432 = tpu.vector_load_idx %arg9[%broadcast_in_dim3A_13, %parallel_loop3A_377] : memref<26x1000xf32, #tpu.memory_space<vmem>>[vector<16xi32>, vector<16xi32>], vector<16xf32>,
        %parallel_loop3A_433 = arith.constant 16 : i32
        %parallel_loop3A_434 = arith.muli %parallel_loop3A_373, %parallel_loop3A_433 : i32
        %parallel_loop3A_435 = arith.constant 6 : i32
        %parallel_loop3A_436 = arith.constant 0 : i32
        %parallel_loop3A_437 = arith.index_cast %parallel_loop3A_435 : i32 to index
        %parallel_loop3A_438 = arith.index_cast %parallel_loop3A_436 : i32 to index
        %parallel_loop3A_439 = arith.index_cast %parallel_loop3A_434 : i32 to index
        %parallel_loop3A_440 = tpu.vector_load %arg15[%parallel_loop3A_437, %parallel_loop3A_438, %parallel_loop3A_439] {strides = array<i32>} : memref<26x1x1024xf32, #tpu.memory_space<vmem>>, vector<16xf32>,
        tpu.vector_store %arg15[%parallel_loop3A_437, %parallel_loop3A_438, %parallel_loop3A_439], %parallel_loop3A_432 {strides = array<i32>} : memref<26x1x1024xf32, #tpu.memory_space<vmem>>, vector<16xf32>,
        %parallel_loop3A_441 = tpu.vector_load_idx %arg9[%broadcast_in_dim3A_15, %parallel_loop3A_377] : memref<26x1000xf32, #tpu.memory_space<vmem>>[vector<16xi32>, vector<16xi32>], vector<16xf32>,
        %parallel_loop3A_442 = arith.constant 16 : i32
        %parallel_loop3A_443 = arith.muli %parallel_loop3A_373, %parallel_loop3A_442 : i32
        %parallel_loop3A_444 = arith.constant 7 : i32
        %parallel_loop3A_445 = arith.constant 0 : i32
        %parallel_loop3A_446 = arith.index_cast %parallel_loop3A_444 : i32 to index
        %parallel_loop3A_447 = arith.index_cast %parallel_loop3A_445 : i32 to index
        %parallel_loop3A_448 = arith.index_cast %parallel_loop3A_443 : i32 to index
        %parallel_loop3A_449 = tpu.vector_load %arg15[%parallel_loop3A_446, %parallel_loop3A_447, %parallel_loop3A_448] {strides = array<i32>} : memref<26x1x1024xf32, #tpu.memory_space<vmem>>, vector<16xf32>,
        tpu.vector_store %arg15[%parallel_loop3A_446, %parallel_loop3A_447, %parallel_loop3A_448], %parallel_loop3A_441 {strides = array<i32>} : memref<26x1x1024xf32, #tpu.memory_space<vmem>>, vector<16xf32>,
        %parallel_loop3A_450 = tpu.vector_load_idx %arg9[%broadcast_in_dim3A_17, %parallel_loop3A_377] : memref<26x1000xf32, #tpu.memory_space<vmem>>[vector<16xi32>, vector<16xi32>], vector<16xf32>,
        %parallel_loop3A_451 = arith.constant 16 : i32
        %parallel_loop3A_452 = arith.muli %parallel_loop3A_373, %parallel_loop3A_451 : i32
        %parallel_loop3A_453 = arith.constant 8 : i32
        %parallel_loop3A_454 = arith.constant 0 : i32
        %parallel_loop3A_455 = arith.index_cast %parallel_loop3A_453 : i32 to index
        %parallel_loop3A_456 = arith.index_cast %parallel_loop3A_454 : i32 to index
        %parallel_loop3A_457 = arith.index_cast %parallel_loop3A_452 : i32 to index
        %parallel_loop3A_458 = tpu.vector_load %arg15[%parallel_loop3A_455, %parallel_loop3A_456, %parallel_loop3A_457] {strides = array<i32>} : memref<26x1x1024xf32, #tpu.memory_space<vmem>>, vector<16xf32>,
        tpu.vector_store %arg15[%parallel_loop3A_455, %parallel_loop3A_456, %parallel_loop3A_457], %parallel_loop3A_450 {strides = array<i32>} : memref<26x1x1024xf32, #tpu.memory_space<vmem>>, vector<16xf32>,
        %parallel_loop3A_459 = tpu.vector_load_idx %arg9[%broadcast_in_dim3A_19, %parallel_loop3A_377] : memref<26x1000xf32, #tpu.memory_space<vmem>>[vector<16xi32>, vector<16xi32>], vector<16xf32>,
        %parallel_loop3A_460 = arith.constant 16 : i32
        %parallel_loop3A_461 = arith.muli %parallel_loop3A_373, %parallel_loop3A_460 : i32
        %parallel_loop3A_462 = arith.constant 9 : i32
        %parallel_loop3A_463 = arith.constant 0 : i32
        %parallel_loop3A_464 = arith.index_cast %parallel_loop3A_462 : i32 to index
        %parallel_loop3A_465 = arith.index_cast %parallel_loop3A_463 : i32 to index
        %parallel_loop3A_466 = arith.index_cast %parallel_loop3A_461 : i32 to index
        %parallel_loop3A_467 = tpu.vector_load %arg15[%parallel_loop3A_464, %parallel_loop3A_465, %parallel_loop3A_466] {strides = array<i32>} : memref<26x1x1024xf32, #tpu.memory_space<vmem>>, vector<16xf32>,
        tpu.vector_store %arg15[%parallel_loop3A_464, %parallel_loop3A_465, %parallel_loop3A_466], %parallel_loop3A_459 {strides = array<i32>} : memref<26x1x1024xf32, #tpu.memory_space<vmem>>, vector<16xf32>,
        %parallel_loop3A_468 = tpu.vector_load_idx %arg9[%broadcast_in_dim3A_21, %parallel_loop3A_377] : memref<26x1000xf32, #tpu.memory_space<vmem>>[vector<16xi32>, vector<16xi32>], vector<16xf32>,
        %parallel_loop3A_469 = arith.constant 16 : i32
        %parallel_loop3A_470 = arith.muli %parallel_loop3A_373, %parallel_loop3A_469 : i32
        %parallel_loop3A_471 = arith.constant 10 : i32
        %parallel_loop3A_472 = arith.constant 0 : i32
        %parallel_loop3A_473 = arith.index_cast %parallel_loop3A_471 : i32 to index
        %parallel_loop3A_474 = arith.index_cast %parallel_loop3A_472 : i32 to index
        %parallel_loop3A_475 = arith.index_cast %parallel_loop3A_470 : i32 to index
        %parallel_loop3A_476 = tpu.vector_load %arg15[%parallel_loop3A_473, %parallel_loop3A_474, %parallel_loop3A_475] {strides = array<i32>} : memref<26x1x1024xf32, #tpu.memory_space<vmem>>, vector<16xf32>,
        tpu.vector_store %arg15[%parallel_loop3A_473, %parallel_loop3A_474, %parallel_loop3A_475], %parallel_loop3A_468 {strides = array<i32>} : memref<26x1x1024xf32, #tpu.memory_space<vmem>>, vector<16xf32>,
        %parallel_loop3A_477 = tpu.vector_load_idx %arg9[%broadcast_in_dim3A_23, %parallel_loop3A_377] : memref<26x1000xf32, #tpu.memory_space<vmem>>[vector<16xi32>, vector<16xi32>], vector<16xf32>,
        %parallel_loop3A_478 = arith.constant 16 : i32
        %parallel_loop3A_479 = arith.muli %parallel_loop3A_373, %parallel_loop3A_478 : i32
        %parallel_loop3A_480 = arith.constant 11 : i32
        %parallel_loop3A_481 = arith.constant 0 : i32
        %parallel_loop3A_482 = arith.index_cast %parallel_loop3A_480 : i32 to index
        %parallel_loop3A_483 = arith.index_cast %parallel_loop3A_481 : i32 to index
        %parallel_loop3A_484 = arith.index_cast %parallel_loop3A_479 : i32 to index
        %parallel_loop3A_485 = tpu.vector_load %arg15[%parallel_loop3A_482, %parallel_loop3A_483, %parallel_loop3A_484] {strides = array<i32>} : memref<26x1x1024xf32, #tpu.memory_space<vmem>>, vector<16xf32>,
        tpu.vector_store %arg15[%parallel_loop3A_482, %parallel_loop3A_483, %parallel_loop3A_484], %parallel_loop3A_477 {strides = array<i32>} : memref<26x1x1024xf32, #tpu.memory_space<vmem>>, vector<16xf32>,
        %parallel_loop3A_486 = tpu.vector_load_idx %arg9[%broadcast_in_dim3A_25, %parallel_loop3A_377] : memref<26x1000xf32, #tpu.memory_space<vmem>>[vector<16xi32>, vector<16xi32>], vector<16xf32>,
        %parallel_loop3A_487 = arith.constant 16 : i32
        %parallel_loop3A_488 = arith.muli %parallel_loop3A_373, %parallel_loop3A_487 : i32
        %parallel_loop3A_489 = arith.constant 12 : i32
        %parallel_loop3A_490 = arith.constant 0 : i32
        %parallel_loop3A_491 = arith.index_cast %parallel_loop3A_489 : i32 to index
        %parallel_loop3A_492 = arith.index_cast %parallel_loop3A_490 : i32 to index
        %parallel_loop3A_493 = arith.index_cast %parallel_loop3A_488 : i32 to index
        %parallel_loop3A_494 = tpu.vector_load %arg15[%parallel_loop3A_491, %parallel_loop3A_492, %parallel_loop3A_493] {strides = array<i32>} : memref<26x1x1024xf32, #tpu.memory_space<vmem>>, vector<16xf32>,
        tpu.vector_store %arg15[%parallel_loop3A_491, %parallel_loop3A_492, %parallel_loop3A_493], %parallel_loop3A_486 {strides = array<i32>} : memref<26x1x1024xf32, #tpu.memory_space<vmem>>, vector<16xf32>,
        %parallel_loop3A_495 = tpu.vector_load_idx %arg9[%broadcast_in_dim3A_27, %parallel_loop3A_377] : memref<26x1000xf32, #tpu.memory_space<vmem>>[vector<16xi32>, vector<16xi32>], vector<16xf32>,
        %parallel_loop3A_496 = arith.constant 16 : i32
        %parallel_loop3A_497 = arith.muli %parallel_loop3A_373, %parallel_loop3A_496 : i32
        %parallel_loop3A_498 = arith.constant 13 : i32
        %parallel_loop3A_499 = arith.constant 0 : i32
        %parallel_loop3A_500 = arith.index_cast %parallel_loop3A_498 : i32 to index
        %parallel_loop3A_501 = arith.index_cast %parallel_loop3A_499 : i32 to index
        %parallel_loop3A_502 = arith.index_cast %parallel_loop3A_497 : i32 to index
        %parallel_loop3A_503 = tpu.vector_load %arg15[%parallel_loop3A_500, %parallel_loop3A_501, %parallel_loop3A_502] {strides = array<i32>} : memref<26x1x1024xf32, #tpu.memory_space<vmem>>, vector<16xf32>,
        tpu.vector_store %arg15[%parallel_loop3A_500, %parallel_loop3A_501, %parallel_loop3A_502], %parallel_loop3A_495 {strides = array<i32>} : memref<26x1x1024xf32, #tpu.memory_space<vmem>>, vector<16xf32>,
        %parallel_loop3A_504 = tpu.vector_load_idx %arg9[%broadcast_in_dim3A_29, %parallel_loop3A_377] : memref<26x1000xf32, #tpu.memory_space<vmem>>[vector<16xi32>, vector<16xi32>], vector<16xf32>,
        %parallel_loop3A_505 = arith.constant 16 : i32
        %parallel_loop3A_506 = arith.muli %parallel_loop3A_373, %parallel_loop3A_505 : i32
        %parallel_loop3A_507 = arith.constant 14 : i32
        %parallel_loop3A_508 = arith.constant 0 : i32
        %parallel_loop3A_509 = arith.index_cast %parallel_loop3A_507 : i32 to index
        %parallel_loop3A_510 = arith.index_cast %parallel_loop3A_508 : i32 to index
        %parallel_loop3A_511 = arith.index_cast %parallel_loop3A_506 : i32 to index
        %parallel_loop3A_512 = tpu.vector_load %arg15[%parallel_loop3A_509, %parallel_loop3A_510, %parallel_loop3A_511] {strides = array<i32>} : memref<26x1x1024xf32, #tpu.memory_space<vmem>>, vector<16xf32>,
        tpu.vector_store %arg15[%parallel_loop3A_509, %parallel_loop3A_510, %parallel_loop3A_511], %parallel_loop3A_504 {strides = array<i32>} : memref<26x1x1024xf32, #tpu.memory_space<vmem>>, vector<16xf32>,
        %parallel_loop3A_513 = tpu.vector_load_idx %arg9[%broadcast_in_dim3A_31, %parallel_loop3A_377] : memref<26x1000xf32, #tpu.memory_space<vmem>>[vector<16xi32>, vector<16xi32>], vector<16xf32>,
        %parallel_loop3A_514 = arith.constant 16 : i32
        %parallel_loop3A_515 = arith.muli %parallel_loop3A_373, %parallel_loop3A_514 : i32
        %parallel_loop3A_516 = arith.constant 15 : i32
        %parallel_loop3A_517 = arith.constant 0 : i32
        %parallel_loop3A_518 = arith.index_cast %parallel_loop3A_516 : i32 to index
        %parallel_loop3A_519 = arith.index_cast %parallel_loop3A_517 : i32 to index
        %parallel_loop3A_520 = arith.index_cast %parallel_loop3A_515 : i32 to index
        %parallel_loop3A_521 = tpu.vector_load %arg15[%parallel_loop3A_518, %parallel_loop3A_519, %parallel_loop3A_520] {strides = array<i32>} : memref<26x1x1024xf32, #tpu.memory_space<vmem>>, vector<16xf32>,
        tpu.vector_store %arg15[%parallel_loop3A_518, %parallel_loop3A_519, %parallel_loop3A_520], %parallel_loop3A_513 {strides = array<i32>} : memref<26x1x1024xf32, #tpu.memory_space<vmem>>, vector<16xf32>,
        %parallel_loop3A_522 = tpu.vector_load_idx %arg9[%broadcast_in_dim3A_33, %parallel_loop3A_377] : memref<26x1000xf32, #tpu.memory_space<vmem>>[vector<16xi32>, vector<16xi32>], vector<16xf32>,
        %parallel_loop3A_523 = arith.constant 16 : i32
        %parallel_loop3A_524 = arith.muli %parallel_loop3A_373, %parallel_loop3A_523 : i32
        %parallel_loop3A_525 = arith.constant 16 : i32
        %parallel_loop3A_526 = arith.constant 0 : i32
        %parallel_loop3A_527 = arith.index_cast %parallel_loop3A_525 : i32 to index
        %parallel_loop3A_528 = arith.index_cast %parallel_loop3A_526 : i32 to index
        %parallel_loop3A_529 = arith.index_cast %parallel_loop3A_524 : i32 to index
        %parallel_loop3A_530 = tpu.vector_load %arg15[%parallel_loop3A_527, %parallel_loop3A_528, %parallel_loop3A_529] {strides = array<i32>} : memref<26x1x1024xf32, #tpu.memory_space<vmem>>, vector<16xf32>,
        tpu.vector_store %arg15[%parallel_loop3A_527, %parallel_loop3A_528, %parallel_loop3A_529], %parallel_loop3A_522 {strides = array<i32>} : memref<26x1x1024xf32, #tpu.memory_space<vmem>>, vector<16xf32>,
        %parallel_loop3A_531 = tpu.vector_load_idx %arg9[%broadcast_in_dim3A_35, %parallel_loop3A_377] : memref<26x1000xf32, #tpu.memory_space<vmem>>[vector<16xi32>, vector<16xi32>], vector<16xf32>,
        %parallel_loop3A_532 = arith.constant 16 : i32
        %parallel_loop3A_533 = arith.muli %parallel_loop3A_373, %parallel_loop3A_532 : i32
        %parallel_loop3A_534 = arith.constant 17 : i32
        %parallel_loop3A_535 = arith.constant 0 : i32
        %parallel_loop3A_536 = arith.index_cast %parallel_loop3A_534 : i32 to index
        %parallel_loop3A_537 = arith.index_cast %parallel_loop3A_535 : i32 to index
        %parallel_loop3A_538 = arith.index_cast %parallel_loop3A_533 : i32 to index
        %parallel_loop3A_539 = tpu.vector_load %arg15[%parallel_loop3A_536, %parallel_loop3A_537, %parallel_loop3A_538] {strides = array<i32>} : memref<26x1x1024xf32, #tpu.memory_space<vmem>>, vector<16xf32>,
        tpu.vector_store %arg15[%parallel_loop3A_536, %parallel_loop3A_537, %parallel_loop3A_538], %parallel_loop3A_531 {strides = array<i32>} : memref<26x1x1024xf32, #tpu.memory_space<vmem>>, vector<16xf32>,
        %parallel_loop3A_540 = tpu.vector_load_idx %arg9[%broadcast_in_dim3A_37, %parallel_loop3A_377] : memref<26x1000xf32, #tpu.memory_space<vmem>>[vector<16xi32>, vector<16xi32>], vector<16xf32>,
        %parallel_loop3A_541 = arith.constant 16 : i32
        %parallel_loop3A_542 = arith.muli %parallel_loop3A_373, %parallel_loop3A_541 : i32
        %parallel_loop3A_543 = arith.constant 18 : i32
        %parallel_loop3A_544 = arith.constant 0 : i32
        %parallel_loop3A_545 = arith.index_cast %parallel_loop3A_543 : i32 to index
        %parallel_loop3A_546 = arith.index_cast %parallel_loop3A_544 : i32 to index
        %parallel_loop3A_547 = arith.index_cast %parallel_loop3A_542 : i32 to index
        %parallel_loop3A_548 = tpu.vector_load %arg15[%parallel_loop3A_545, %parallel_loop3A_546, %parallel_loop3A_547] {strides = array<i32>} : memref<26x1x1024xf32, #tpu.memory_space<vmem>>, vector<16xf32>,
        tpu.vector_store %arg15[%parallel_loop3A_545, %parallel_loop3A_546, %parallel_loop3A_547], %parallel_loop3A_540 {strides = array<i32>} : memref<26x1x1024xf32, #tpu.memory_space<vmem>>, vector<16xf32>,
        %parallel_loop3A_549 = tpu.vector_load_idx %arg9[%broadcast_in_dim3A_39, %parallel_loop3A_377] : memref<26x1000xf32, #tpu.memory_space<vmem>>[vector<16xi32>, vector<16xi32>], vector<16xf32>,
        %parallel_loop3A_550 = arith.constant 16 : i32
        %parallel_loop3A_551 = arith.muli %parallel_loop3A_373, %parallel_loop3A_550 : i32
        %parallel_loop3A_552 = arith.constant 19 : i32
        %parallel_loop3A_553 = arith.constant 0 : i32
        %parallel_loop3A_554 = arith.index_cast %parallel_loop3A_552 : i32 to index
        %parallel_loop3A_555 = arith.index_cast %parallel_loop3A_553 : i32 to index
        %parallel_loop3A_556 = arith.index_cast %parallel_loop3A_551 : i32 to index
        %parallel_loop3A_557 = tpu.vector_load %arg15[%parallel_loop3A_554, %parallel_loop3A_555, %parallel_loop3A_556] {strides = array<i32>} : memref<26x1x1024xf32, #tpu.memory_space<vmem>>, vector<16xf32>,
        tpu.vector_store %arg15[%parallel_loop3A_554, %parallel_loop3A_555, %parallel_loop3A_556], %parallel_loop3A_549 {strides = array<i32>} : memref<26x1x1024xf32, #tpu.memory_space<vmem>>, vector<16xf32>,
        %parallel_loop3A_558 = tpu.vector_load_idx %arg9[%broadcast_in_dim3A_41, %parallel_loop3A_377] : memref<26x1000xf32, #tpu.memory_space<vmem>>[vector<16xi32>, vector<16xi32>], vector<16xf32>,
        %parallel_loop3A_559 = arith.constant 16 : i32
        %parallel_loop3A_560 = arith.muli %parallel_loop3A_373, %parallel_loop3A_559 : i32
        %parallel_loop3A_561 = arith.constant 20 : i32
        %parallel_loop3A_562 = arith.constant 0 : i32
        %parallel_loop3A_563 = arith.index_cast %parallel_loop3A_561 : i32 to index
        %parallel_loop3A_564 = arith.index_cast %parallel_loop3A_562 : i32 to index
        %parallel_loop3A_565 = arith.index_cast %parallel_loop3A_560 : i32 to index
        %parallel_loop3A_566 = tpu.vector_load %arg15[%parallel_loop3A_563, %parallel_loop3A_564, %parallel_loop3A_565] {strides = array<i32>} : memref<26x1x1024xf32, #tpu.memory_space<vmem>>, vector<16xf32>,
        tpu.vector_store %arg15[%parallel_loop3A_563, %parallel_loop3A_564, %parallel_loop3A_565], %parallel_loop3A_558 {strides = array<i32>} : memref<26x1x1024xf32, #tpu.memory_space<vmem>>, vector<16xf32>,
        %parallel_loop3A_567 = tpu.vector_load_idx %arg9[%broadcast_in_dim3A_43, %parallel_loop3A_377] : memref<26x1000xf32, #tpu.memory_space<vmem>>[vector<16xi32>, vector<16xi32>], vector<16xf32>,
        %parallel_loop3A_568 = arith.constant 16 : i32
        %parallel_loop3A_569 = arith.muli %parallel_loop3A_373, %parallel_loop3A_568 : i32
        %parallel_loop3A_570 = arith.constant 21 : i32
        %parallel_loop3A_571 = arith.constant 0 : i32
        %parallel_loop3A_572 = arith.index_cast %parallel_loop3A_570 : i32 to index
        %parallel_loop3A_573 = arith.index_cast %parallel_loop3A_571 : i32 to index
        %parallel_loop3A_574 = arith.index_cast %parallel_loop3A_569 : i32 to index
        %parallel_loop3A_575 = tpu.vector_load %arg15[%parallel_loop3A_572, %parallel_loop3A_573, %parallel_loop3A_574] {strides = array<i32>} : memref<26x1x1024xf32, #tpu.memory_space<vmem>>, vector<16xf32>,
        tpu.vector_store %arg15[%parallel_loop3A_572, %parallel_loop3A_573, %parallel_loop3A_574], %parallel_loop3A_567 {strides = array<i32>} : memref<26x1x1024xf32, #tpu.memory_space<vmem>>, vector<16xf32>,
        %parallel_loop3A_576 = tpu.vector_load_idx %arg9[%broadcast_in_dim3A_45, %parallel_loop3A_377] : memref<26x1000xf32, #tpu.memory_space<vmem>>[vector<16xi32>, vector<16xi32>], vector<16xf32>,
        %parallel_loop3A_577 = arith.constant 16 : i32
        %parallel_loop3A_578 = arith.muli %parallel_loop3A_373, %parallel_loop3A_577 : i32
        %parallel_loop3A_579 = arith.constant 22 : i32
        %parallel_loop3A_580 = arith.constant 0 : i32
        %parallel_loop3A_581 = arith.index_cast %parallel_loop3A_579 : i32 to index
        %parallel_loop3A_582 = arith.index_cast %parallel_loop3A_580 : i32 to index
        %parallel_loop3A_583 = arith.index_cast %parallel_loop3A_578 : i32 to index
        %parallel_loop3A_584 = tpu.vector_load %arg15[%parallel_loop3A_581, %parallel_loop3A_582, %parallel_loop3A_583] {strides = array<i32>} : memref<26x1x1024xf32, #tpu.memory_space<vmem>>, vector<16xf32>,
        tpu.vector_store %arg15[%parallel_loop3A_581, %parallel_loop3A_582, %parallel_loop3A_583], %parallel_loop3A_576 {strides = array<i32>} : memref<26x1x1024xf32, #tpu.memory_space<vmem>>, vector<16xf32>,
        %parallel_loop3A_585 = tpu.vector_load_idx %arg9[%broadcast_in_dim3A_47, %parallel_loop3A_377] : memref<26x1000xf32, #tpu.memory_space<vmem>>[vector<16xi32>, vector<16xi32>], vector<16xf32>,
        %parallel_loop3A_586 = arith.constant 16 : i32
        %parallel_loop3A_587 = arith.muli %parallel_loop3A_373, %parallel_loop3A_586 : i32
        %parallel_loop3A_588 = arith.constant 23 : i32
        %parallel_loop3A_589 = arith.constant 0 : i32
        %parallel_loop3A_590 = arith.index_cast %parallel_loop3A_588 : i32 to index
        %parallel_loop3A_591 = arith.index_cast %parallel_loop3A_589 : i32 to index
        %parallel_loop3A_592 = arith.index_cast %parallel_loop3A_587 : i32 to index
        %parallel_loop3A_593 = tpu.vector_load %arg15[%parallel_loop3A_590, %parallel_loop3A_591, %parallel_loop3A_592] {strides = array<i32>} : memref<26x1x1024xf32, #tpu.memory_space<vmem>>, vector<16xf32>,
        tpu.vector_store %arg15[%parallel_loop3A_590, %parallel_loop3A_591, %parallel_loop3A_592], %parallel_loop3A_585 {strides = array<i32>} : memref<26x1x1024xf32, #tpu.memory_space<vmem>>, vector<16xf32>,
        %parallel_loop3A_594 = tpu.vector_load_idx %arg9[%broadcast_in_dim3A_49, %parallel_loop3A_377] : memref<26x1000xf32, #tpu.memory_space<vmem>>[vector<16xi32>, vector<16xi32>], vector<16xf32>,
        %parallel_loop3A_595 = arith.constant 16 : i32
        %parallel_loop3A_596 = arith.muli %parallel_loop3A_373, %parallel_loop3A_595 : i32
        %parallel_loop3A_597 = arith.constant 24 : i32
        %parallel_loop3A_598 = arith.constant 0 : i32
        %parallel_loop3A_599 = arith.index_cast %parallel_loop3A_597 : i32 to index
        %parallel_loop3A_600 = arith.index_cast %parallel_loop3A_598 : i32 to index
        %parallel_loop3A_601 = arith.index_cast %parallel_loop3A_596 : i32 to index
        %parallel_loop3A_602 = tpu.vector_load %arg15[%parallel_loop3A_599, %parallel_loop3A_600, %parallel_loop3A_601] {strides = array<i32>} : memref<26x1x1024xf32, #tpu.memory_space<vmem>>, vector<16xf32>,
        tpu.vector_store %arg15[%parallel_loop3A_599, %parallel_loop3A_600, %parallel_loop3A_601], %parallel_loop3A_594 {strides = array<i32>} : memref<26x1x1024xf32, #tpu.memory_space<vmem>>, vector<16xf32>,
        %parallel_loop3A_603 = tpu.vector_load_idx %arg9[%broadcast_in_dim3A_51, %parallel_loop3A_377] : memref<26x1000xf32, #tpu.memory_space<vmem>>[vector<16xi32>, vector<16xi32>], vector<16xf32>,
        %parallel_loop3A_604 = arith.constant 16 : i32
        %parallel_loop3A_605 = arith.muli %parallel_loop3A_373, %parallel_loop3A_604 : i32
        %parallel_loop3A_606 = arith.constant 25 : i32
        %parallel_loop3A_607 = arith.constant 0 : i32
        %parallel_loop3A_608 = arith.index_cast %parallel_loop3A_606 : i32 to index
        %parallel_loop3A_609 = arith.index_cast %parallel_loop3A_607 : i32 to index
        %parallel_loop3A_610 = arith.index_cast %parallel_loop3A_605 : i32 to index
        %parallel_loop3A_611 = tpu.vector_load %arg15[%parallel_loop3A_608, %parallel_loop3A_609, %parallel_loop3A_610] {strides = array<i32>} : memref<26x1x1024xf32, #tpu.memory_space<vmem>>, vector<16xf32>,
        tpu.vector_store %arg15[%parallel_loop3A_608, %parallel_loop3A_609, %parallel_loop3A_610], %parallel_loop3A_603 {strides = array<i32>} : memref<26x1x1024xf32, #tpu.memory_space<vmem>>, vector<16xf32>,
        %parallel_loop3A_612 = tpu.vector_load_idx %arg10[%parallel_loop3A_377] : memref<1000xf32, #tpu.memory_space<vmem>>[vector<16xi32>], vector<16xf32>,
        %parallel_loop3A_613 = arith.constant 16 : i32
        %parallel_loop3A_614 = arith.muli %parallel_loop3A_373, %parallel_loop3A_613 : i32
        %parallel_loop3A_615 = arith.constant 0 : i32
        %parallel_loop3A_616 = arith.index_cast %parallel_loop3A_615 : i32 to index
        %parallel_loop3A_617 = arith.index_cast %parallel_loop3A_614 : i32 to index
        %parallel_loop3A_618 = tpu.vector_load %arg17[%parallel_loop3A_616, %parallel_loop3A_617] {strides = array<i32>} : memref<1x1024xf32, #tpu.memory_space<vmem>>, vector<16xf32>,
        tpu.vector_store %arg17[%parallel_loop3A_616, %parallel_loop3A_617], %parallel_loop3A_612 {strides = array<i32>} : memref<1x1024xf32, #tpu.memory_space<vmem>>, vector<16xf32>,
        %parallel_loop3A_619 = tpu.vector_load_idx %arg11[%parallel_loop3A_377] : memref<1000xf32, #tpu.memory_space<vmem>>[vector<16xi32>], vector<16xf32>,
        %parallel_loop3A_620 = arith.constant 16 : i32
        %parallel_loop3A_621 = arith.muli %parallel_loop3A_373, %parallel_loop3A_620 : i32
        %parallel_loop3A_622 = arith.constant 0 : i32
        %parallel_loop3A_623 = arith.index_cast %parallel_loop3A_622 : i32 to index
        %parallel_loop3A_624 = arith.index_cast %parallel_loop3A_621 : i32 to index
        %parallel_loop3A_625 = tpu.vector_load %arg19[%parallel_loop3A_623, %parallel_loop3A_624] {strides = array<i32>} : memref<1x1024xf32, #tpu.memory_space<vmem>>, vector<16xf32>,
        tpu.vector_store %arg19[%parallel_loop3A_623, %parallel_loop3A_624], %parallel_loop3A_619 {strides = array<i32>} : memref<1x1024xf32, #tpu.memory_space<vmem>>, vector<16xf32>,
      } {sc.loop_unroll_factor = 2 : i64, sc.parallel_access}
      %mul3A_301 = arith.constant 1024 : i32
      %mul3A_302 = arith.muli %sub3A_253, %mul3A_301 : i32
      %add3A_303 = arith.constant 0 : i32
      %add3A_304 = arith.addi %mul3A_302, %add3A_303 : i32
      %dma_start3A_305 = arith.constant 0 : i32
      %dma_start3A_306 = tpu.memref_slice %arg6[%dma_start3A_305, %select_n3A_250, %add3A_304] : memref<26x26x16384xf32, #tpu.memory_space<hbm>> -> memref<26x1x1024xf32, #tpu.memory_space<hbm>>
      %dma_start3A_307 = arith.constant 0 : i32
      %dma_start3A_308 = tpu.memref_slice %arg6[%dma_start3A_307, %select_n3A_250, %add3A_304] : memref<26x26x16384xf32, #tpu.memory_space<hbm>> -> memref<26x1x1024xf32, #tpu.memory_space<hbm>>
      tpu.enqueue_dma source(%arg15 : memref<26x1x1024xf32, #tpu.memory_space<vmem>>) target(%dma_start3A_308 : memref<26x1x1024xf32, #tpu.memory_space<hbm>>) target_semaphore(%arg24 : memref<!tpu.dma_semaphore, #tpu.memory_space<semaphore_mem>>)
      %dma_start3A_309 = tpu.memref_slice %arg7[%select_n3A_250, %add3A_304] : memref<26x16384xf32, #tpu.memory_space<hbm>> -> memref<1x1024xf32, #tpu.memory_space<hbm>>
      %dma_start3A_310 = tpu.memref_slice %arg7[%select_n3A_250, %add3A_304] : memref<26x16384xf32, #tpu.memory_space<hbm>> -> memref<1x1024xf32, #tpu.memory_space<hbm>>
      tpu.enqueue_dma source(%arg17 : memref<1x1024xf32, #tpu.memory_space<vmem>>) target(%dma_start3A_310 : memref<1x1024xf32, #tpu.memory_space<hbm>>) target_semaphore(%arg24 : memref<!tpu.dma_semaphore, #tpu.memory_space<semaphore_mem>>)
      %dma_start3A_311 = tpu.memref_slice %arg8[%select_n3A_250, %add3A_304] : memref<26x16384xf32, #tpu.memory_space<hbm>> -> memref<1x1024xf32, #tpu.memory_space<hbm>>
      %dma_start3A_312 = tpu.memref_slice %arg8[%select_n3A_250, %add3A_304] : memref<26x16384xf32, #tpu.memory_space<hbm>> -> memref<1x1024xf32, #tpu.memory_space<hbm>>
      tpu.enqueue_dma source(%arg19 : memref<1x1024xf32, #tpu.memory_space<vmem>>) target(%dma_start3A_312 : memref<1x1024xf32, #tpu.memory_space<hbm>>) target_semaphore(%arg24 : memref<!tpu.dma_semaphore, #tpu.memory_space<semaphore_mem>>)
      %jit3A_313 = arith.constant 16 : i32
      %div3A_314 = arith.divsi %add3A_225, %jit3A_313 : i32
      %sign3A_315 = arith.constant 0 : i32
      %sign3A_316 = arith.cmpi sgt, %add3A_225, %sign3A_315 : i32
      %sign3A_317 = arith.extui %sign3A_316 : i1 to i32
      %sign3A_318 = arith.constant 0 : i32
      %sign3A_319 = arith.cmpi slt, %add3A_225, %sign3A_318 : i32
      %sign3A_320 = arith.extui %sign3A_319 : i1 to i32
      %sign3A_321 = arith.subi %sign3A_317, %sign3A_320 : i32
      %sign3A_322 = arith.constant 0 : i32
      %sign3A_323 = arith.cmpi sgt, %jit3A_313, %sign3A_322 : i32
      %sign3A_324 = arith.extui %sign3A_323 : i1 to i32
      %sign3A_325 = arith.constant 0 : i32
      %sign3A_326 = arith.cmpi slt, %jit3A_313, %sign3A_325 : i32
      %sign3A_327 = arith.extui %sign3A_326 : i1 to i32
      %sign3A_328 = arith.subi %sign3A_324, %sign3A_327 : i32
      %ne3A_329 = arith.cmpi ne, %sign3A_321, %sign3A_328 : i32
      %rem3A_330 = arith.remsi %add3A_225, %jit3A_313 : i32
      %ne3A_331 = arith.constant 0 : i32
      %ne3A_332 = arith.cmpi ne, %rem3A_330, %ne3A_331 : i32
      %and3A_333 = arith.andi %ne3A_329, %ne3A_332 : i1
      %sub3A_334 = arith.constant 1 : i32
      %sub3A_335 = arith.subi %div3A_314, %sub3A_334 : i32
      %select_n3A_336 = arith.select %and3A_333, %sub3A_335, %div3A_314 : i32
      %add3A_337 = arith.constant 1 : i32
      %add3A_338 = arith.addi %add3A_225, %add3A_337 : i32
      %lt3A_339 = arith.cmpi slt, %add3A_338, %select_n3A_97 : i32
      %convert_element_type3A_340 = arith.extui %lt3A_339 : i1 to i32
      %cond3A_341 = arith.constant 0 : i32
      %cond3A_342 = arith.cmpi ne, %convert_element_type3A_340, %cond3A_341 : i32
      scf.if %cond3A_342 {
        %add3A_373 = arith.constant 1 : i32
        %add3A_374 = arith.addi %add3A_225, %add3A_373 : i32
        %eq3A_375 = arith.constant 0 : i32
        %eq3A_376 = arith.cmpi eq, %while3A_221, %eq3A_375 : i32
        %jit3A_377 = arith.constant 16 : i32
        %div3A_378 = arith.divsi %add3A_374, %jit3A_377 : i32
        %sign3A_379 = arith.constant 0 : i32
        %sign3A_380 = arith.cmpi sgt, %add3A_374, %sign3A_379 : i32
        %sign3A_381 = arith.extui %sign3A_380 : i1 to i32
        %sign3A_382 = arith.constant 0 : i32
        %sign3A_383 = arith.cmpi slt, %add3A_374, %sign3A_382 : i32
        %sign3A_384 = arith.extui %sign3A_383 : i1 to i32
        %sign3A_385 = arith.subi %sign3A_381, %sign3A_384 : i32
        %sign3A_386 = arith.constant 0 : i32
        %sign3A_387 = arith.cmpi sgt, %jit3A_377, %sign3A_386 : i32
        %sign3A_388 = arith.extui %sign3A_387 : i1 to i32
        %sign3A_389 = arith.constant 0 : i32
        %sign3A_390 = arith.cmpi slt, %jit3A_377, %sign3A_389 : i32
        %sign3A_391 = arith.extui %sign3A_390 : i1 to i32
        %sign3A_392 = arith.subi %sign3A_388, %sign3A_391 : i32
        %ne3A_393 = arith.cmpi ne, %sign3A_385, %sign3A_392 : i32
        %rem3A_394 = arith.remsi %add3A_374, %jit3A_377 : i32
        %ne3A_395 = arith.constant 0 : i32
        %ne3A_396 = arith.cmpi ne, %rem3A_394, %ne3A_395 : i32
        %and3A_397 = arith.andi %ne3A_393, %ne3A_396 : i1
        %sub3A_398 = arith.constant 1 : i32
        %sub3A_399 = arith.subi %div3A_378, %sub3A_398 : i32
        %select_n3A_400 = arith.select %and3A_397, %sub3A_399, %div3A_378 : i32
        %mul3A_401 = arith.constant 16 : i32
        %mul3A_402 = arith.muli %mul3A_401, %select_n3A_400 : i32
        %sub3A_403 = arith.subi %add3A_374, %mul3A_402 : i32
        %ne3A_404 = arith.cmpi ne, %select_n3A_400, %select_n3A_336 : i32
        %convert_element_type3A_405 = arith.extui %ne3A_404 : i1 to i32
        %cond3A_406 = arith.constant 0 : i32
        %cond3A_407 = arith.cmpi ne, %convert_element_type3A_405, %cond3A_406 : i32
        scf.if %cond3A_407 {
          %mul3A_468 = arith.constant 26 : i32
          %mul3A_469 = vector.broadcast %mul3A_468 : i32 to vector<16xi32>
          %mul3A_470 = arith.muli %iota3A, %mul3A_469 : vector<16xi32>
          %add3A_471 = vector.broadcast %select_n3A_400 : i32 to vector<16xi32>
          %add3A_472 = arith.addi %mul3A_470, %add3A_471 : vector<16xi32>
          %swap3A = arith.constant 0 : index
          %swap3A_473 = tpu.vector_load %arg14[%swap3A] {strides = array<i32>} : memref<32xi32, #tpu.memory_space<vmem>>, vector<16xi32>,
          tpu.vector_store %arg14[%swap3A], %add3A_472 {strides = array<i32>} : memref<32xi32, #tpu.memory_space<vmem>>, vector<16xi32>,
          %add3A_474 = arith.constant 16 : i32
          %add3A_475 = vector.broadcast %add3A_474 : i32 to vector<16xi32>
          %add3A_476 = arith.addi %iota3A, %add3A_475 : vector<16xi32>
          %mul3A_477 = arith.constant 26 : i32
          %mul3A_478 = vector.broadcast %mul3A_477 : i32 to vector<16xi32>
          %mul3A_479 = arith.muli %add3A_476, %mul3A_478 : vector<16xi32>
          %add3A_480 = vector.broadcast %select_n3A_400 : i32 to vector<16xi32>
          %add3A_481 = arith.addi %mul3A_479, %add3A_480 : vector<16xi32>
          %swap3A_482 = arith.constant 16 : index
          %swap3A_483 = tpu.vector_load %arg14[%swap3A_482] {strides = array<i32>} : memref<32xi32, #tpu.memory_space<vmem>>, vector<16xi32>,
          tpu.vector_store %arg14[%swap3A_482], %add3A_481 {strides = array<i32>} : memref<32xi32, #tpu.memory_space<vmem>>, vector<16xi32>,
          %dma_start3A_484 = arith.constant 0 : i32
          %dma_start3A_485 = tpu.memref_slice %arg14[%dma_start3A_484] : memref<32xi32, #tpu.memory_space<vmem>> -> memref<26xi32, #tpu.memory_space<vmem>>
          %dma_start3A_486 = arith.constant 0 : i32
          %dma_start3A_487 = arith.constant 0 : i32
          %dma_start3A_488 = tpu.memref_slice %arg2[%dma_start3A_486, %dma_start3A_487] : memref<676x1000xf32, #tpu.memory_space<hbm>> -> memref<676x1000xf32, #tpu.memory_space<hbm>>
          tpu.enqueue_indirect_dma source(%dma_start3A_488 : memref<676x1000xf32, #tpu.memory_space<hbm>>) target(%arg9 : memref<26x1000xf32, #tpu.memory_space<vmem>>) offsets(%dma_start3A_485 : memref<26xi32, #tpu.memory_space<vmem>>) semaphore(%arg21 : memref<!tpu.dma_semaphore, #tpu.memory_space<semaphore_mem>>)
          %mul3A_489 = arith.constant 1000 : i32
          %mul3A_490 = arith.muli %select_n3A_400, %mul3A_489 : i32
          "tpu.region"() ({
            %run_scoped3A = tpu.sem_alloc : memref<!tpu.dma_semaphore, #tpu.memory_space<semaphore_mem>>
            %dma_start3A_498 = tpu.memref_slice %arg3[%mul3A_490] : memref<26000xf32, #tpu.memory_space<hbm>> -> memref<1000xf32, #tpu.memory_space<hbm>>
            %dma_start3A_499 = tpu.memref_slice %arg3[%mul3A_490] : memref<26000xf32, #tpu.memory_space<hbm>> -> memref<1000xf32, #tpu.memory_space<hbm>>
            tpu.enqueue_dma source(%dma_start3A_499 : memref<1000xf32, #tpu.memory_space<hbm>>) target(%arg10 : memref<1000xf32, #tpu.memory_space<vmem>>) target_semaphore(%run_scoped3A : memref<!tpu.dma_semaphore, #tpu.memory_space<semaphore_mem>>)
            %dma_wait3A_500 = tpu.memref_slice %arg3[%mul3A_490] : memref<26000xf32, #tpu.memory_space<hbm>> -> memref<1000xf32, #tpu.memory_space<hbm>>
            %dma_wait3A_501 = tpu.memref_slice %arg3[%mul3A_490] : memref<26000xf32, #tpu.memory_space<hbm>> -> memref<1000xf32, #tpu.memory_space<hbm>>
            tpu.wait_dma2 semaphore(%run_scoped3A : memref<!tpu.dma_semaphore, #tpu.memory_space<semaphore_mem>>) src(%dma_wait3A_501 : memref<1000xf32, #tpu.memory_space<hbm>>) dst(%arg10 : memref<1000xf32, #tpu.memory_space<vmem>>)
            tpu.yield
          }) : () -> ()
          %mul3A_491 = arith.constant 1000 : i32
          %mul3A_492 = arith.muli %select_n3A_400, %mul3A_491 : i32
          "tpu.region"() ({
            %run_scoped3A = tpu.sem_alloc : memref<!tpu.dma_semaphore, #tpu.memory_space<semaphore_mem>>
            %dma_start3A_498 = tpu.memref_slice %arg4[%mul3A_492] : memref<26000xf32, #tpu.memory_space<hbm>> -> memref<1000xf32, #tpu.memory_space<hbm>>
            %dma_start3A_499 = tpu.memref_slice %arg4[%mul3A_492] : memref<26000xf32, #tpu.memory_space<hbm>> -> memref<1000xf32, #tpu.memory_space<hbm>>
            tpu.enqueue_dma source(%dma_start3A_499 : memref<1000xf32, #tpu.memory_space<hbm>>) target(%arg11 : memref<1000xf32, #tpu.memory_space<vmem>>) target_semaphore(%run_scoped3A : memref<!tpu.dma_semaphore, #tpu.memory_space<semaphore_mem>>)
            %dma_wait3A_500 = tpu.memref_slice %arg4[%mul3A_492] : memref<26000xf32, #tpu.memory_space<hbm>> -> memref<1000xf32, #tpu.memory_space<hbm>>
            %dma_wait3A_501 = tpu.memref_slice %arg4[%mul3A_492] : memref<26000xf32, #tpu.memory_space<hbm>> -> memref<1000xf32, #tpu.memory_space<hbm>>
            tpu.wait_dma2 semaphore(%run_scoped3A : memref<!tpu.dma_semaphore, #tpu.memory_space<semaphore_mem>>) src(%dma_wait3A_501 : memref<1000xf32, #tpu.memory_space<hbm>>) dst(%arg11 : memref<1000xf32, #tpu.memory_space<vmem>>)
            tpu.yield
          }) : () -> ()
          %dma_wait3A_493 = arith.constant 0 : i32
          %dma_wait3A_494 = tpu.memref_slice %arg14[%dma_wait3A_493] : memref<32xi32, #tpu.memory_space<vmem>> -> memref<26xi32, #tpu.memory_space<vmem>>
          %dma_wait3A_495 = arith.constant 0 : i32
          %dma_wait3A_496 = arith.constant 0 : i32
          %dma_wait3A_497 = tpu.memref_slice %arg2[%dma_wait3A_495, %dma_wait3A_496] : memref<676x1000xf32, #tpu.memory_space<hbm>> -> memref<676x1000xf32, #tpu.memory_space<hbm>>
          tpu.wait_indirect_dma semaphore(%arg21 : memref<!tpu.dma_semaphore, #tpu.memory_space<semaphore_mem>>) src(%dma_wait3A_497 : memref<676x1000xf32, #tpu.memory_space<hbm>>) dst(%arg9 : memref<26x1000xf32, #tpu.memory_space<vmem>>)
        } else {
        }
        %jit3A_408 = arith.constant 16 : i32
        %div3A_409 = arith.divsi %add3A_374, %jit3A_408 : i32
        %sign3A_410 = arith.constant 0 : i32
        %sign3A_411 = arith.cmpi sgt, %add3A_374, %sign3A_410 : i32
        %sign3A_412 = arith.extui %sign3A_411 : i1 to i32
        %sign3A_413 = arith.constant 0 : i32
        %sign3A_414 = arith.cmpi slt, %add3A_374, %sign3A_413 : i32
        %sign3A_415 = arith.extui %sign3A_414 : i1 to i32
        %sign3A_416 = arith.subi %sign3A_412, %sign3A_415 : i32
        %sign3A_417 = arith.constant 0 : i32
        %sign3A_418 = arith.cmpi sgt, %jit3A_408, %sign3A_417 : i32
        %sign3A_419 = arith.extui %sign3A_418 : i1 to i32
        %sign3A_420 = arith.constant 0 : i32
        %sign3A_421 = arith.cmpi slt, %jit3A_408, %sign3A_420 : i32
        %sign3A_422 = arith.extui %sign3A_421 : i1 to i32
        %sign3A_423 = arith.subi %sign3A_419, %sign3A_422 : i32
        %ne3A_424 = arith.cmpi ne, %sign3A_416, %sign3A_423 : i32
        %rem3A_425 = arith.remsi %add3A_374, %jit3A_408 : i32
        %ne3A_426 = arith.constant 0 : i32
        %ne3A_427 = arith.cmpi ne, %rem3A_425, %ne3A_426 : i32
        %and3A_428 = arith.andi %ne3A_424, %ne3A_427 : i1
        %sub3A_429 = arith.constant 1 : i32
        %sub3A_430 = arith.subi %div3A_409, %sub3A_429 : i32
        %select_n3A_431 = arith.select %and3A_428, %sub3A_430, %div3A_409 : i32
        %mul3A_432 = arith.constant 16 : i32
        %mul3A_433 = arith.muli %mul3A_432, %select_n3A_431 : i32
        %sub3A_434 = arith.subi %add3A_374, %mul3A_433 : i32
        %mul3A_435 = arith.constant 16384 : i32
        %mul3A_436 = arith.muli %select_n3A_431, %mul3A_435 : i32
        %mul3A_437 = arith.constant 1024 : i32
        %mul3A_438 = arith.muli %sub3A_434, %mul3A_437 : i32
        %add3A_439 = arith.addi %mul3A_436, %mul3A_438 : i32
        %dma_wait3A_440 = tpu.memref_slice %arg5[%add3A_439] : memref<425984xi32, #tpu.memory_space<hbm>> -> memref<1024xi32, #tpu.memory_space<hbm>>
        %dma_wait3A_441 = tpu.memref_slice %arg5[%add3A_439] : memref<425984xi32, #tpu.memory_space<hbm>> -> memref<1024xi32, #tpu.memory_space<hbm>>
        tpu.wait_dma2 semaphore(%arg23 : memref<!tpu.dma_semaphore, #tpu.memory_space<semaphore_mem>>) src(%dma_wait3A_441 : memref<1024xi32, #tpu.memory_space<hbm>>) dst(%arg13 : memref<1024xi32, #tpu.memory_space<vmem>>)
        %add3A_442 = arith.constant 1 : i32
        %add3A_443 = arith.addi %add3A_374, %add3A_442 : i32
        %lt3A_444 = arith.cmpi slt, %add3A_443, %select_n3A_97 : i32
        %convert_element_type3A_445 = arith.extui %lt3A_444 : i1 to i32
        %cond3A_446 = arith.constant 0 : i32
        %cond3A_447 = arith.cmpi ne, %convert_element_type3A_445, %cond3A_446 : i32
        scf.if %cond3A_447 {
          %add3A_468 = arith.constant 1 : i32
          %add3A_469 = arith.addi %add3A_374, %add3A_468 : i32
          %jit3A_470 = arith.constant 16 : i32
          %div3A_471 = arith.divsi %add3A_469, %jit3A_470 : i32
          %sign3A_472 = arith.constant 0 : i32
          %sign3A_473 = arith.cmpi sgt, %add3A_469, %sign3A_472 : i32
          %sign3A_474 = arith.extui %sign3A_473 : i1 to i32
          %sign3A_475 = arith.constant 0 : i32
          %sign3A_476 = arith.cmpi slt, %add3A_469, %sign3A_475 : i32
          %sign3A_477 = arith.extui %sign3A_476 : i1 to i32
          %sign3A_478 = arith.subi %sign3A_474, %sign3A_477 : i32
          %sign3A_479 = arith.constant 0 : i32
          %sign3A_480 = arith.cmpi sgt, %jit3A_470, %sign3A_479 : i32
          %sign3A_481 = arith.extui %sign3A_480 : i1 to i32
          %sign3A_482 = arith.constant 0 : i32
          %sign3A_483 = arith.cmpi slt, %jit3A_470, %sign3A_482 : i32
          %sign3A_484 = arith.extui %sign3A_483 : i1 to i32
          %sign3A_485 = arith.subi %sign3A_481, %sign3A_484 : i32
          %ne3A_486 = arith.cmpi ne, %sign3A_478, %sign3A_485 : i32
          %rem3A_487 = arith.remsi %add3A_469, %jit3A_470 : i32
          %ne3A_488 = arith.constant 0 : i32
          %ne3A_489 = arith.cmpi ne, %rem3A_487, %ne3A_488 : i32
          %and3A_490 = arith.andi %ne3A_486, %ne3A_489 : i1
          %sub3A_491 = arith.constant 1 : i32
          %sub3A_492 = arith.subi %div3A_471, %sub3A_491 : i32
          %select_n3A_493 = arith.select %and3A_490, %sub3A_492, %div3A_471 : i32
          %mul3A_494 = arith.constant 16 : i32
          %mul3A_495 = arith.muli %mul3A_494, %select_n3A_493 : i32
          %sub3A_496 = arith.subi %add3A_469, %mul3A_495 : i32
          %mul3A_497 = arith.constant 16384 : i32
          %mul3A_498 = arith.muli %select_n3A_493, %mul3A_497 : i32
          %mul3A_499 = arith.constant 1024 : i32
          %mul3A_500 = arith.muli %sub3A_496, %mul3A_499 : i32
          %add3A_501 = arith.addi %mul3A_498, %mul3A_500 : i32
          %dma_start3A_502 = tpu.memref_slice %arg5[%add3A_501] : memref<425984xi32, #tpu.memory_space<hbm>> -> memref<1024xi32, #tpu.memory_space<hbm>>
          %dma_start3A_503 = tpu.memref_slice %arg5[%add3A_501] : memref<425984xi32, #tpu.memory_space<hbm>> -> memref<1024xi32, #tpu.memory_space<hbm>>
          tpu.enqueue_dma source(%dma_start3A_503 : memref<1024xi32, #tpu.memory_space<hbm>>) target(%arg12 : memref<1024xi32, #tpu.memory_space<vmem>>) target_semaphore(%arg22 : memref<!tpu.dma_semaphore, #tpu.memory_space<semaphore_mem>>)
        } else {
        }
        %not3A_448 = arith.constant true
        %not3A_449 = arith.xori %eq3A_376, %not3A_448 : i1
        %convert_element_type3A_450 = arith.extui %not3A_449 : i1 to i32
        %cond3A_451 = arith.constant 0 : i32
        %cond3A_452 = arith.cmpi ne, %convert_element_type3A_450, %cond3A_451 : i32
        scf.if %cond3A_452 {
          %mul3A_468 = arith.constant 1024 : i32
          %mul3A_469 = arith.muli %sub3A_403, %mul3A_468 : i32
          %add3A_470 = arith.constant 0 : i32
          %add3A_471 = arith.addi %mul3A_469, %add3A_470 : i32
          %dma_wait3A_472 = arith.constant 0 : i32
          %dma_wait3A_473 = tpu.memref_slice %arg6[%dma_wait3A_472, %select_n3A_400, %add3A_471] : memref<26x26x16384xf32, #tpu.memory_space<hbm>> -> memref<26x1x1024xf32, #tpu.memory_space<hbm>>
          %dma_wait3A_474 = arith.constant 0 : i32
          %dma_wait3A_475 = tpu.memref_slice %arg6[%dma_wait3A_474, %select_n3A_400, %add3A_471] : memref<26x26x16384xf32, #tpu.memory_space<hbm>> -> memref<26x1x1024xf32, #tpu.memory_space<hbm>>
          tpu.wait_dma2 semaphore(%arg25 : memref<!tpu.dma_semaphore, #tpu.memory_space<semaphore_mem>>) src(%arg16 : memref<26x1x1024xf32, #tpu.memory_space<vmem>>) dst(%dma_wait3A_475 : memref<26x1x1024xf32, #tpu.memory_space<hbm>>)
          %dma_wait3A_476 = tpu.memref_slice %arg7[%select_n3A_400, %add3A_471] : memref<26x16384xf32, #tpu.memory_space<hbm>> -> memref<1x1024xf32, #tpu.memory_space<hbm>>
          %dma_wait3A_477 = tpu.memref_slice %arg7[%select_n3A_400, %add3A_471] : memref<26x16384xf32, #tpu.memory_space<hbm>> -> memref<1x1024xf32, #tpu.memory_space<hbm>>
          tpu.wait_dma2 semaphore(%arg25 : memref<!tpu.dma_semaphore, #tpu.memory_space<semaphore_mem>>) src(%arg18 : memref<1x1024xf32, #tpu.memory_space<vmem>>) dst(%dma_wait3A_477 : memref<1x1024xf32, #tpu.memory_space<hbm>>)
          %dma_wait3A_478 = tpu.memref_slice %arg8[%select_n3A_400, %add3A_471] : memref<26x16384xf32, #tpu.memory_space<hbm>> -> memref<1x1024xf32, #tpu.memory_space<hbm>>
          %dma_wait3A_479 = tpu.memref_slice %arg8[%select_n3A_400, %add3A_471] : memref<26x16384xf32, #tpu.memory_space<hbm>> -> memref<1x1024xf32, #tpu.memory_space<hbm>>
          tpu.wait_dma2 semaphore(%arg25 : memref<!tpu.dma_semaphore, #tpu.memory_space<semaphore_mem>>) src(%arg20 : memref<1x1024xf32, #tpu.memory_space<vmem>>) dst(%dma_wait3A_479 : memref<1x1024xf32, #tpu.memory_space<hbm>>)
        } else {
        }
        %parallel_loop3A_453 = arith.constant 0 : i32
        %parallel_loop3A_454 = arith.constant 64 : i32
        %parallel_loop3A_455 = arith.constant 1 : i32
        scf.for %parallel_loop3A_468 = %parallel_loop3A_453 to %parallel_loop3A_454 step %parallel_loop3A_455  : i32 {
          %parallel_loop3A_469 = arith.constant 16 : i32
          %parallel_loop3A_470 = arith.muli %parallel_loop3A_468, %parallel_loop3A_469 : i32
          %parallel_loop3A_471 = arith.index_cast %parallel_loop3A_470 : i32 to index
          %parallel_loop3A_472 = tpu.vector_load %arg13[%parallel_loop3A_471] {strides = array<i32>} : memref<1024xi32, #tpu.memory_space<vmem>>, vector<16xi32>,
          %parallel_loop3A_473 = tpu.vector_load_idx %arg9[%broadcast_in_dim3A_1, %parallel_loop3A_472] : memref<26x1000xf32, #tpu.memory_space<vmem>>[vector<16xi32>, vector<16xi32>], vector<16xf32>,
          %parallel_loop3A_474 = arith.constant 16 : i32
          %parallel_loop3A_475 = arith.muli %parallel_loop3A_468, %parallel_loop3A_474 : i32
          %parallel_loop3A_476 = arith.constant 0 : i32
          %parallel_loop3A_477 = arith.constant 0 : i32
          %parallel_loop3A_478 = arith.index_cast %parallel_loop3A_476 : i32 to index
          %parallel_loop3A_479 = arith.index_cast %parallel_loop3A_477 : i32 to index
          %parallel_loop3A_480 = arith.index_cast %parallel_loop3A_475 : i32 to index
          %parallel_loop3A_481 = tpu.vector_load %arg16[%parallel_loop3A_478, %parallel_loop3A_479, %parallel_loop3A_480] {strides = array<i32>} : memref<26x1x1024xf32, #tpu.memory_space<vmem>>, vector<16xf32>,
          tpu.vector_store %arg16[%parallel_loop3A_478, %parallel_loop3A_479, %parallel_loop3A_480], %parallel_loop3A_473 {strides = array<i32>} : memref<26x1x1024xf32, #tpu.memory_space<vmem>>, vector<16xf32>,
          %parallel_loop3A_482 = tpu.vector_load_idx %arg9[%broadcast_in_dim3A_3, %parallel_loop3A_472] : memref<26x1000xf32, #tpu.memory_space<vmem>>[vector<16xi32>, vector<16xi32>], vector<16xf32>,
          %parallel_loop3A_483 = arith.constant 16 : i32
          %parallel_loop3A_484 = arith.muli %parallel_loop3A_468, %parallel_loop3A_483 : i32
          %parallel_loop3A_485 = arith.constant 1 : i32
          %parallel_loop3A_486 = arith.constant 0 : i32
          %parallel_loop3A_487 = arith.index_cast %parallel_loop3A_485 : i32 to index
          %parallel_loop3A_488 = arith.index_cast %parallel_loop3A_486 : i32 to index
          %parallel_loop3A_489 = arith.index_cast %parallel_loop3A_484 : i32 to index
          %parallel_loop3A_490 = tpu.vector_load %arg16[%parallel_loop3A_487, %parallel_loop3A_488, %parallel_loop3A_489] {strides = array<i32>} : memref<26x1x1024xf32, #tpu.memory_space<vmem>>, vector<16xf32>,
          tpu.vector_store %arg16[%parallel_loop3A_487, %parallel_loop3A_488, %parallel_loop3A_489], %parallel_loop3A_482 {strides = array<i32>} : memref<26x1x1024xf32, #tpu.memory_space<vmem>>, vector<16xf32>,
          %parallel_loop3A_491 = tpu.vector_load_idx %arg9[%broadcast_in_dim3A_5, %parallel_loop3A_472] : memref<26x1000xf32, #tpu.memory_space<vmem>>[vector<16xi32>, vector<16xi32>], vector<16xf32>,
          %parallel_loop3A_492 = arith.constant 16 : i32
          %parallel_loop3A_493 = arith.muli %parallel_loop3A_468, %parallel_loop3A_492 : i32
          %parallel_loop3A_494 = arith.constant 2 : i32
          %parallel_loop3A_495 = arith.constant 0 : i32
          %parallel_loop3A_496 = arith.index_cast %parallel_loop3A_494 : i32 to index
          %parallel_loop3A_497 = arith.index_cast %parallel_loop3A_495 : i32 to index
          %parallel_loop3A_498 = arith.index_cast %parallel_loop3A_493 : i32 to index
          %parallel_loop3A_499 = tpu.vector_load %arg16[%parallel_loop3A_496, %parallel_loop3A_497, %parallel_loop3A_498] {strides = array<i32>} : memref<26x1x1024xf32, #tpu.memory_space<vmem>>, vector<16xf32>,
          tpu.vector_store %arg16[%parallel_loop3A_496, %parallel_loop3A_497, %parallel_loop3A_498], %parallel_loop3A_491 {strides = array<i32>} : memref<26x1x1024xf32, #tpu.memory_space<vmem>>, vector<16xf32>,
          %parallel_loop3A_500 = tpu.vector_load_idx %arg9[%broadcast_in_dim3A_7, %parallel_loop3A_472] : memref<26x1000xf32, #tpu.memory_space<vmem>>[vector<16xi32>, vector<16xi32>], vector<16xf32>,
          %parallel_loop3A_501 = arith.constant 16 : i32
          %parallel_loop3A_502 = arith.muli %parallel_loop3A_468, %parallel_loop3A_501 : i32
          %parallel_loop3A_503 = arith.constant 3 : i32
          %parallel_loop3A_504 = arith.constant 0 : i32
          %parallel_loop3A_505 = arith.index_cast %parallel_loop3A_503 : i32 to index
          %parallel_loop3A_506 = arith.index_cast %parallel_loop3A_504 : i32 to index
          %parallel_loop3A_507 = arith.index_cast %parallel_loop3A_502 : i32 to index
          %parallel_loop3A_508 = tpu.vector_load %arg16[%parallel_loop3A_505, %parallel_loop3A_506, %parallel_loop3A_507] {strides = array<i32>} : memref<26x1x1024xf32, #tpu.memory_space<vmem>>, vector<16xf32>,
          tpu.vector_store %arg16[%parallel_loop3A_505, %parallel_loop3A_506, %parallel_loop3A_507], %parallel_loop3A_500 {strides = array<i32>} : memref<26x1x1024xf32, #tpu.memory_space<vmem>>, vector<16xf32>,
          %parallel_loop3A_509 = tpu.vector_load_idx %arg9[%broadcast_in_dim3A_9, %parallel_loop3A_472] : memref<26x1000xf32, #tpu.memory_space<vmem>>[vector<16xi32>, vector<16xi32>], vector<16xf32>,
          %parallel_loop3A_510 = arith.constant 16 : i32
          %parallel_loop3A_511 = arith.muli %parallel_loop3A_468, %parallel_loop3A_510 : i32
          %parallel_loop3A_512 = arith.constant 4 : i32
          %parallel_loop3A_513 = arith.constant 0 : i32
          %parallel_loop3A_514 = arith.index_cast %parallel_loop3A_512 : i32 to index
          %parallel_loop3A_515 = arith.index_cast %parallel_loop3A_513 : i32 to index
          %parallel_loop3A_516 = arith.index_cast %parallel_loop3A_511 : i32 to index
          %parallel_loop3A_517 = tpu.vector_load %arg16[%parallel_loop3A_514, %parallel_loop3A_515, %parallel_loop3A_516] {strides = array<i32>} : memref<26x1x1024xf32, #tpu.memory_space<vmem>>, vector<16xf32>,
          tpu.vector_store %arg16[%parallel_loop3A_514, %parallel_loop3A_515, %parallel_loop3A_516], %parallel_loop3A_509 {strides = array<i32>} : memref<26x1x1024xf32, #tpu.memory_space<vmem>>, vector<16xf32>,
          %parallel_loop3A_518 = tpu.vector_load_idx %arg9[%broadcast_in_dim3A_11, %parallel_loop3A_472] : memref<26x1000xf32, #tpu.memory_space<vmem>>[vector<16xi32>, vector<16xi32>], vector<16xf32>,
          %parallel_loop3A_519 = arith.constant 16 : i32
          %parallel_loop3A_520 = arith.muli %parallel_loop3A_468, %parallel_loop3A_519 : i32
          %parallel_loop3A_521 = arith.constant 5 : i32
          %parallel_loop3A_522 = arith.constant 0 : i32
          %parallel_loop3A_523 = arith.index_cast %parallel_loop3A_521 : i32 to index
          %parallel_loop3A_524 = arith.index_cast %parallel_loop3A_522 : i32 to index
          %parallel_loop3A_525 = arith.index_cast %parallel_loop3A_520 : i32 to index
          %parallel_loop3A_526 = tpu.vector_load %arg16[%parallel_loop3A_523, %parallel_loop3A_524, %parallel_loop3A_525] {strides = array<i32>} : memref<26x1x1024xf32, #tpu.memory_space<vmem>>, vector<16xf32>,
          tpu.vector_store %arg16[%parallel_loop3A_523, %parallel_loop3A_524, %parallel_loop3A_525], %parallel_loop3A_518 {strides = array<i32>} : memref<26x1x1024xf32, #tpu.memory_space<vmem>>, vector<16xf32>,
          %parallel_loop3A_527 = tpu.vector_load_idx %arg9[%broadcast_in_dim3A_13, %parallel_loop3A_472] : memref<26x1000xf32, #tpu.memory_space<vmem>>[vector<16xi32>, vector<16xi32>], vector<16xf32>,
          %parallel_loop3A_528 = arith.constant 16 : i32
          %parallel_loop3A_529 = arith.muli %parallel_loop3A_468, %parallel_loop3A_528 : i32
          %parallel_loop3A_530 = arith.constant 6 : i32
          %parallel_loop3A_531 = arith.constant 0 : i32
          %parallel_loop3A_532 = arith.index_cast %parallel_loop3A_530 : i32 to index
          %parallel_loop3A_533 = arith.index_cast %parallel_loop3A_531 : i32 to index
          %parallel_loop3A_534 = arith.index_cast %parallel_loop3A_529 : i32 to index
          %parallel_loop3A_535 = tpu.vector_load %arg16[%parallel_loop3A_532, %parallel_loop3A_533, %parallel_loop3A_534] {strides = array<i32>} : memref<26x1x1024xf32, #tpu.memory_space<vmem>>, vector<16xf32>,
          tpu.vector_store %arg16[%parallel_loop3A_532, %parallel_loop3A_533, %parallel_loop3A_534], %parallel_loop3A_527 {strides = array<i32>} : memref<26x1x1024xf32, #tpu.memory_space<vmem>>, vector<16xf32>,
          %parallel_loop3A_536 = tpu.vector_load_idx %arg9[%broadcast_in_dim3A_15, %parallel_loop3A_472] : memref<26x1000xf32, #tpu.memory_space<vmem>>[vector<16xi32>, vector<16xi32>], vector<16xf32>,
          %parallel_loop3A_537 = arith.constant 16 : i32
          %parallel_loop3A_538 = arith.muli %parallel_loop3A_468, %parallel_loop3A_537 : i32
          %parallel_loop3A_539 = arith.constant 7 : i32
          %parallel_loop3A_540 = arith.constant 0 : i32
          %parallel_loop3A_541 = arith.index_cast %parallel_loop3A_539 : i32 to index
          %parallel_loop3A_542 = arith.index_cast %parallel_loop3A_540 : i32 to index
          %parallel_loop3A_543 = arith.index_cast %parallel_loop3A_538 : i32 to index
          %parallel_loop3A_544 = tpu.vector_load %arg16[%parallel_loop3A_541, %parallel_loop3A_542, %parallel_loop3A_543] {strides = array<i32>} : memref<26x1x1024xf32, #tpu.memory_space<vmem>>, vector<16xf32>,
          tpu.vector_store %arg16[%parallel_loop3A_541, %parallel_loop3A_542, %parallel_loop3A_543], %parallel_loop3A_536 {strides = array<i32>} : memref<26x1x1024xf32, #tpu.memory_space<vmem>>, vector<16xf32>,
          %parallel_loop3A_545 = tpu.vector_load_idx %arg9[%broadcast_in_dim3A_17, %parallel_loop3A_472] : memref<26x1000xf32, #tpu.memory_space<vmem>>[vector<16xi32>, vector<16xi32>], vector<16xf32>,
          %parallel_loop3A_546 = arith.constant 16 : i32
          %parallel_loop3A_547 = arith.muli %parallel_loop3A_468, %parallel_loop3A_546 : i32
          %parallel_loop3A_548 = arith.constant 8 : i32
          %parallel_loop3A_549 = arith.constant 0 : i32
          %parallel_loop3A_550 = arith.index_cast %parallel_loop3A_548 : i32 to index
          %parallel_loop3A_551 = arith.index_cast %parallel_loop3A_549 : i32 to index
          %parallel_loop3A_552 = arith.index_cast %parallel_loop3A_547 : i32 to index
          %parallel_loop3A_553 = tpu.vector_load %arg16[%parallel_loop3A_550, %parallel_loop3A_551, %parallel_loop3A_552] {strides = array<i32>} : memref<26x1x1024xf32, #tpu.memory_space<vmem>>, vector<16xf32>,
          tpu.vector_store %arg16[%parallel_loop3A_550, %parallel_loop3A_551, %parallel_loop3A_552], %parallel_loop3A_545 {strides = array<i32>} : memref<26x1x1024xf32, #tpu.memory_space<vmem>>, vector<16xf32>,
          %parallel_loop3A_554 = tpu.vector_load_idx %arg9[%broadcast_in_dim3A_19, %parallel_loop3A_472] : memref<26x1000xf32, #tpu.memory_space<vmem>>[vector<16xi32>, vector<16xi32>], vector<16xf32>,
          %parallel_loop3A_555 = arith.constant 16 : i32
          %parallel_loop3A_556 = arith.muli %parallel_loop3A_468, %parallel_loop3A_555 : i32
          %parallel_loop3A_557 = arith.constant 9 : i32
          %parallel_loop3A_558 = arith.constant 0 : i32
          %parallel_loop3A_559 = arith.index_cast %parallel_loop3A_557 : i32 to index
          %parallel_loop3A_560 = arith.index_cast %parallel_loop3A_558 : i32 to index
          %parallel_loop3A_561 = arith.index_cast %parallel_loop3A_556 : i32 to index
          %parallel_loop3A_562 = tpu.vector_load %arg16[%parallel_loop3A_559, %parallel_loop3A_560, %parallel_loop3A_561] {strides = array<i32>} : memref<26x1x1024xf32, #tpu.memory_space<vmem>>, vector<16xf32>,
          tpu.vector_store %arg16[%parallel_loop3A_559, %parallel_loop3A_560, %parallel_loop3A_561], %parallel_loop3A_554 {strides = array<i32>} : memref<26x1x1024xf32, #tpu.memory_space<vmem>>, vector<16xf32>,
          %parallel_loop3A_563 = tpu.vector_load_idx %arg9[%broadcast_in_dim3A_21, %parallel_loop3A_472] : memref<26x1000xf32, #tpu.memory_space<vmem>>[vector<16xi32>, vector<16xi32>], vector<16xf32>,
          %parallel_loop3A_564 = arith.constant 16 : i32
          %parallel_loop3A_565 = arith.muli %parallel_loop3A_468, %parallel_loop3A_564 : i32
          %parallel_loop3A_566 = arith.constant 10 : i32
          %parallel_loop3A_567 = arith.constant 0 : i32
          %parallel_loop3A_568 = arith.index_cast %parallel_loop3A_566 : i32 to index
          %parallel_loop3A_569 = arith.index_cast %parallel_loop3A_567 : i32 to index
          %parallel_loop3A_570 = arith.index_cast %parallel_loop3A_565 : i32 to index
          %parallel_loop3A_571 = tpu.vector_load %arg16[%parallel_loop3A_568, %parallel_loop3A_569, %parallel_loop3A_570] {strides = array<i32>} : memref<26x1x1024xf32, #tpu.memory_space<vmem>>, vector<16xf32>,
          tpu.vector_store %arg16[%parallel_loop3A_568, %parallel_loop3A_569, %parallel_loop3A_570], %parallel_loop3A_563 {strides = array<i32>} : memref<26x1x1024xf32, #tpu.memory_space<vmem>>, vector<16xf32>,
          %parallel_loop3A_572 = tpu.vector_load_idx %arg9[%broadcast_in_dim3A_23, %parallel_loop3A_472] : memref<26x1000xf32, #tpu.memory_space<vmem>>[vector<16xi32>, vector<16xi32>], vector<16xf32>,
          %parallel_loop3A_573 = arith.constant 16 : i32
          %parallel_loop3A_574 = arith.muli %parallel_loop3A_468, %parallel_loop3A_573 : i32
          %parallel_loop3A_575 = arith.constant 11 : i32
          %parallel_loop3A_576 = arith.constant 0 : i32
          %parallel_loop3A_577 = arith.index_cast %parallel_loop3A_575 : i32 to index
          %parallel_loop3A_578 = arith.index_cast %parallel_loop3A_576 : i32 to index
          %parallel_loop3A_579 = arith.index_cast %parallel_loop3A_574 : i32 to index
          %parallel_loop3A_580 = tpu.vector_load %arg16[%parallel_loop3A_577, %parallel_loop3A_578, %parallel_loop3A_579] {strides = array<i32>} : memref<26x1x1024xf32, #tpu.memory_space<vmem>>, vector<16xf32>,
          tpu.vector_store %arg16[%parallel_loop3A_577, %parallel_loop3A_578, %parallel_loop3A_579], %parallel_loop3A_572 {strides = array<i32>} : memref<26x1x1024xf32, #tpu.memory_space<vmem>>, vector<16xf32>,
          %parallel_loop3A_581 = tpu.vector_load_idx %arg9[%broadcast_in_dim3A_25, %parallel_loop3A_472] : memref<26x1000xf32, #tpu.memory_space<vmem>>[vector<16xi32>, vector<16xi32>], vector<16xf32>,
          %parallel_loop3A_582 = arith.constant 16 : i32
          %parallel_loop3A_583 = arith.muli %parallel_loop3A_468, %parallel_loop3A_582 : i32
          %parallel_loop3A_584 = arith.constant 12 : i32
          %parallel_loop3A_585 = arith.constant 0 : i32
          %parallel_loop3A_586 = arith.index_cast %parallel_loop3A_584 : i32 to index
          %parallel_loop3A_587 = arith.index_cast %parallel_loop3A_585 : i32 to index
          %parallel_loop3A_588 = arith.index_cast %parallel_loop3A_583 : i32 to index
          %parallel_loop3A_589 = tpu.vector_load %arg16[%parallel_loop3A_586, %parallel_loop3A_587, %parallel_loop3A_588] {strides = array<i32>} : memref<26x1x1024xf32, #tpu.memory_space<vmem>>, vector<16xf32>,
          tpu.vector_store %arg16[%parallel_loop3A_586, %parallel_loop3A_587, %parallel_loop3A_588], %parallel_loop3A_581 {strides = array<i32>} : memref<26x1x1024xf32, #tpu.memory_space<vmem>>, vector<16xf32>,
          %parallel_loop3A_590 = tpu.vector_load_idx %arg9[%broadcast_in_dim3A_27, %parallel_loop3A_472] : memref<26x1000xf32, #tpu.memory_space<vmem>>[vector<16xi32>, vector<16xi32>], vector<16xf32>,
          %parallel_loop3A_591 = arith.constant 16 : i32
          %parallel_loop3A_592 = arith.muli %parallel_loop3A_468, %parallel_loop3A_591 : i32
          %parallel_loop3A_593 = arith.constant 13 : i32
          %parallel_loop3A_594 = arith.constant 0 : i32
          %parallel_loop3A_595 = arith.index_cast %parallel_loop3A_593 : i32 to index
          %parallel_loop3A_596 = arith.index_cast %parallel_loop3A_594 : i32 to index
          %parallel_loop3A_597 = arith.index_cast %parallel_loop3A_592 : i32 to index
          %parallel_loop3A_598 = tpu.vector_load %arg16[%parallel_loop3A_595, %parallel_loop3A_596, %parallel_loop3A_597] {strides = array<i32>} : memref<26x1x1024xf32, #tpu.memory_space<vmem>>, vector<16xf32>,
          tpu.vector_store %arg16[%parallel_loop3A_595, %parallel_loop3A_596, %parallel_loop3A_597], %parallel_loop3A_590 {strides = array<i32>} : memref<26x1x1024xf32, #tpu.memory_space<vmem>>, vector<16xf32>,
          %parallel_loop3A_599 = tpu.vector_load_idx %arg9[%broadcast_in_dim3A_29, %parallel_loop3A_472] : memref<26x1000xf32, #tpu.memory_space<vmem>>[vector<16xi32>, vector<16xi32>], vector<16xf32>,
          %parallel_loop3A_600 = arith.constant 16 : i32
          %parallel_loop3A_601 = arith.muli %parallel_loop3A_468, %parallel_loop3A_600 : i32
          %parallel_loop3A_602 = arith.constant 14 : i32
          %parallel_loop3A_603 = arith.constant 0 : i32
          %parallel_loop3A_604 = arith.index_cast %parallel_loop3A_602 : i32 to index
          %parallel_loop3A_605 = arith.index_cast %parallel_loop3A_603 : i32 to index
          %parallel_loop3A_606 = arith.index_cast %parallel_loop3A_601 : i32 to index
          %parallel_loop3A_607 = tpu.vector_load %arg16[%parallel_loop3A_604, %parallel_loop3A_605, %parallel_loop3A_606] {strides = array<i32>} : memref<26x1x1024xf32, #tpu.memory_space<vmem>>, vector<16xf32>,
          tpu.vector_store %arg16[%parallel_loop3A_604, %parallel_loop3A_605, %parallel_loop3A_606], %parallel_loop3A_599 {strides = array<i32>} : memref<26x1x1024xf32, #tpu.memory_space<vmem>>, vector<16xf32>,
          %parallel_loop3A_608 = tpu.vector_load_idx %arg9[%broadcast_in_dim3A_31, %parallel_loop3A_472] : memref<26x1000xf32, #tpu.memory_space<vmem>>[vector<16xi32>, vector<16xi32>], vector<16xf32>,
          %parallel_loop3A_609 = arith.constant 16 : i32
          %parallel_loop3A_610 = arith.muli %parallel_loop3A_468, %parallel_loop3A_609 : i32
          %parallel_loop3A_611 = arith.constant 15 : i32
          %parallel_loop3A_612 = arith.constant 0 : i32
          %parallel_loop3A_613 = arith.index_cast %parallel_loop3A_611 : i32 to index
          %parallel_loop3A_614 = arith.index_cast %parallel_loop3A_612 : i32 to index
          %parallel_loop3A_615 = arith.index_cast %parallel_loop3A_610 : i32 to index
          %parallel_loop3A_616 = tpu.vector_load %arg16[%parallel_loop3A_613, %parallel_loop3A_614, %parallel_loop3A_615] {strides = array<i32>} : memref<26x1x1024xf32, #tpu.memory_space<vmem>>, vector<16xf32>,
          tpu.vector_store %arg16[%parallel_loop3A_613, %parallel_loop3A_614, %parallel_loop3A_615], %parallel_loop3A_608 {strides = array<i32>} : memref<26x1x1024xf32, #tpu.memory_space<vmem>>, vector<16xf32>,
          %parallel_loop3A_617 = tpu.vector_load_idx %arg9[%broadcast_in_dim3A_33, %parallel_loop3A_472] : memref<26x1000xf32, #tpu.memory_space<vmem>>[vector<16xi32>, vector<16xi32>], vector<16xf32>,
          %parallel_loop3A_618 = arith.constant 16 : i32
          %parallel_loop3A_619 = arith.muli %parallel_loop3A_468, %parallel_loop3A_618 : i32
          %parallel_loop3A_620 = arith.constant 16 : i32
          %parallel_loop3A_621 = arith.constant 0 : i32
          %parallel_loop3A_622 = arith.index_cast %parallel_loop3A_620 : i32 to index
          %parallel_loop3A_623 = arith.index_cast %parallel_loop3A_621 : i32 to index
          %parallel_loop3A_624 = arith.index_cast %parallel_loop3A_619 : i32 to index
          %parallel_loop3A_625 = tpu.vector_load %arg16[%parallel_loop3A_622, %parallel_loop3A_623, %parallel_loop3A_624] {strides = array<i32>} : memref<26x1x1024xf32, #tpu.memory_space<vmem>>, vector<16xf32>,
          tpu.vector_store %arg16[%parallel_loop3A_622, %parallel_loop3A_623, %parallel_loop3A_624], %parallel_loop3A_617 {strides = array<i32>} : memref<26x1x1024xf32, #tpu.memory_space<vmem>>, vector<16xf32>,
          %parallel_loop3A_626 = tpu.vector_load_idx %arg9[%broadcast_in_dim3A_35, %parallel_loop3A_472] : memref<26x1000xf32, #tpu.memory_space<vmem>>[vector<16xi32>, vector<16xi32>], vector<16xf32>,
          %parallel_loop3A_627 = arith.constant 16 : i32
          %parallel_loop3A_628 = arith.muli %parallel_loop3A_468, %parallel_loop3A_627 : i32
          %parallel_loop3A_629 = arith.constant 17 : i32
          %parallel_loop3A_630 = arith.constant 0 : i32
          %parallel_loop3A_631 = arith.index_cast %parallel_loop3A_629 : i32 to index
          %parallel_loop3A_632 = arith.index_cast %parallel_loop3A_630 : i32 to index
          %parallel_loop3A_633 = arith.index_cast %parallel_loop3A_628 : i32 to index
          %parallel_loop3A_634 = tpu.vector_load %arg16[%parallel_loop3A_631, %parallel_loop3A_632, %parallel_loop3A_633] {strides = array<i32>} : memref<26x1x1024xf32, #tpu.memory_space<vmem>>, vector<16xf32>,
          tpu.vector_store %arg16[%parallel_loop3A_631, %parallel_loop3A_632, %parallel_loop3A_633], %parallel_loop3A_626 {strides = array<i32>} : memref<26x1x1024xf32, #tpu.memory_space<vmem>>, vector<16xf32>,
          %parallel_loop3A_635 = tpu.vector_load_idx %arg9[%broadcast_in_dim3A_37, %parallel_loop3A_472] : memref<26x1000xf32, #tpu.memory_space<vmem>>[vector<16xi32>, vector<16xi32>], vector<16xf32>,
          %parallel_loop3A_636 = arith.constant 16 : i32
          %parallel_loop3A_637 = arith.muli %parallel_loop3A_468, %parallel_loop3A_636 : i32
          %parallel_loop3A_638 = arith.constant 18 : i32
          %parallel_loop3A_639 = arith.constant 0 : i32
          %parallel_loop3A_640 = arith.index_cast %parallel_loop3A_638 : i32 to index
          %parallel_loop3A_641 = arith.index_cast %parallel_loop3A_639 : i32 to index
          %parallel_loop3A_642 = arith.index_cast %parallel_loop3A_637 : i32 to index
          %parallel_loop3A_643 = tpu.vector_load %arg16[%parallel_loop3A_640, %parallel_loop3A_641, %parallel_loop3A_642] {strides = array<i32>} : memref<26x1x1024xf32, #tpu.memory_space<vmem>>, vector<16xf32>,
          tpu.vector_store %arg16[%parallel_loop3A_640, %parallel_loop3A_641, %parallel_loop3A_642], %parallel_loop3A_635 {strides = array<i32>} : memref<26x1x1024xf32, #tpu.memory_space<vmem>>, vector<16xf32>,
          %parallel_loop3A_644 = tpu.vector_load_idx %arg9[%broadcast_in_dim3A_39, %parallel_loop3A_472] : memref<26x1000xf32, #tpu.memory_space<vmem>>[vector<16xi32>, vector<16xi32>], vector<16xf32>,
          %parallel_loop3A_645 = arith.constant 16 : i32
          %parallel_loop3A_646 = arith.muli %parallel_loop3A_468, %parallel_loop3A_645 : i32
          %parallel_loop3A_647 = arith.constant 19 : i32
          %parallel_loop3A_648 = arith.constant 0 : i32
          %parallel_loop3A_649 = arith.index_cast %parallel_loop3A_647 : i32 to index
          %parallel_loop3A_650 = arith.index_cast %parallel_loop3A_648 : i32 to index
          %parallel_loop3A_651 = arith.index_cast %parallel_loop3A_646 : i32 to index
          %parallel_loop3A_652 = tpu.vector_load %arg16[%parallel_loop3A_649, %parallel_loop3A_650, %parallel_loop3A_651] {strides = array<i32>} : memref<26x1x1024xf32, #tpu.memory_space<vmem>>, vector<16xf32>,
          tpu.vector_store %arg16[%parallel_loop3A_649, %parallel_loop3A_650, %parallel_loop3A_651], %parallel_loop3A_644 {strides = array<i32>} : memref<26x1x1024xf32, #tpu.memory_space<vmem>>, vector<16xf32>,
          %parallel_loop3A_653 = tpu.vector_load_idx %arg9[%broadcast_in_dim3A_41, %parallel_loop3A_472] : memref<26x1000xf32, #tpu.memory_space<vmem>>[vector<16xi32>, vector<16xi32>], vector<16xf32>,
          %parallel_loop3A_654 = arith.constant 16 : i32
          %parallel_loop3A_655 = arith.muli %parallel_loop3A_468, %parallel_loop3A_654 : i32
          %parallel_loop3A_656 = arith.constant 20 : i32
          %parallel_loop3A_657 = arith.constant 0 : i32
          %parallel_loop3A_658 = arith.index_cast %parallel_loop3A_656 : i32 to index
          %parallel_loop3A_659 = arith.index_cast %parallel_loop3A_657 : i32 to index
          %parallel_loop3A_660 = arith.index_cast %parallel_loop3A_655 : i32 to index
          %parallel_loop3A_661 = tpu.vector_load %arg16[%parallel_loop3A_658, %parallel_loop3A_659, %parallel_loop3A_660] {strides = array<i32>} : memref<26x1x1024xf32, #tpu.memory_space<vmem>>, vector<16xf32>,
          tpu.vector_store %arg16[%parallel_loop3A_658, %parallel_loop3A_659, %parallel_loop3A_660], %parallel_loop3A_653 {strides = array<i32>} : memref<26x1x1024xf32, #tpu.memory_space<vmem>>, vector<16xf32>,
          %parallel_loop3A_662 = tpu.vector_load_idx %arg9[%broadcast_in_dim3A_43, %parallel_loop3A_472] : memref<26x1000xf32, #tpu.memory_space<vmem>>[vector<16xi32>, vector<16xi32>], vector<16xf32>,
          %parallel_loop3A_663 = arith.constant 16 : i32
          %parallel_loop3A_664 = arith.muli %parallel_loop3A_468, %parallel_loop3A_663 : i32
          %parallel_loop3A_665 = arith.constant 21 : i32
          %parallel_loop3A_666 = arith.constant 0 : i32
          %parallel_loop3A_667 = arith.index_cast %parallel_loop3A_665 : i32 to index
          %parallel_loop3A_668 = arith.index_cast %parallel_loop3A_666 : i32 to index
          %parallel_loop3A_669 = arith.index_cast %parallel_loop3A_664 : i32 to index
          %parallel_loop3A_670 = tpu.vector_load %arg16[%parallel_loop3A_667, %parallel_loop3A_668, %parallel_loop3A_669] {strides = array<i32>} : memref<26x1x1024xf32, #tpu.memory_space<vmem>>, vector<16xf32>,
          tpu.vector_store %arg16[%parallel_loop3A_667, %parallel_loop3A_668, %parallel_loop3A_669], %parallel_loop3A_662 {strides = array<i32>} : memref<26x1x1024xf32, #tpu.memory_space<vmem>>, vector<16xf32>,
          %parallel_loop3A_671 = tpu.vector_load_idx %arg9[%broadcast_in_dim3A_45, %parallel_loop3A_472] : memref<26x1000xf32, #tpu.memory_space<vmem>>[vector<16xi32>, vector<16xi32>], vector<16xf32>,
          %parallel_loop3A_672 = arith.constant 16 : i32
          %parallel_loop3A_673 = arith.muli %parallel_loop3A_468, %parallel_loop3A_672 : i32
          %parallel_loop3A_674 = arith.constant 22 : i32
          %parallel_loop3A_675 = arith.constant 0 : i32
          %parallel_loop3A_676 = arith.index_cast %parallel_loop3A_674 : i32 to index
          %parallel_loop3A_677 = arith.index_cast %parallel_loop3A_675 : i32 to index
          %parallel_loop3A_678 = arith.index_cast %parallel_loop3A_673 : i32 to index
          %parallel_loop3A_679 = tpu.vector_load %arg16[%parallel_loop3A_676, %parallel_loop3A_677, %parallel_loop3A_678] {strides = array<i32>} : memref<26x1x1024xf32, #tpu.memory_space<vmem>>, vector<16xf32>,
          tpu.vector_store %arg16[%parallel_loop3A_676, %parallel_loop3A_677, %parallel_loop3A_678], %parallel_loop3A_671 {strides = array<i32>} : memref<26x1x1024xf32, #tpu.memory_space<vmem>>, vector<16xf32>,
          %parallel_loop3A_680 = tpu.vector_load_idx %arg9[%broadcast_in_dim3A_47, %parallel_loop3A_472] : memref<26x1000xf32, #tpu.memory_space<vmem>>[vector<16xi32>, vector<16xi32>], vector<16xf32>,
          %parallel_loop3A_681 = arith.constant 16 : i32
          %parallel_loop3A_682 = arith.muli %parallel_loop3A_468, %parallel_loop3A_681 : i32
          %parallel_loop3A_683 = arith.constant 23 : i32
          %parallel_loop3A_684 = arith.constant 0 : i32
          %parallel_loop3A_685 = arith.index_cast %parallel_loop3A_683 : i32 to index
          %parallel_loop3A_686 = arith.index_cast %parallel_loop3A_684 : i32 to index
          %parallel_loop3A_687 = arith.index_cast %parallel_loop3A_682 : i32 to index
          %parallel_loop3A_688 = tpu.vector_load %arg16[%parallel_loop3A_685, %parallel_loop3A_686, %parallel_loop3A_687] {strides = array<i32>} : memref<26x1x1024xf32, #tpu.memory_space<vmem>>, vector<16xf32>,
          tpu.vector_store %arg16[%parallel_loop3A_685, %parallel_loop3A_686, %parallel_loop3A_687], %parallel_loop3A_680 {strides = array<i32>} : memref<26x1x1024xf32, #tpu.memory_space<vmem>>, vector<16xf32>,
          %parallel_loop3A_689 = tpu.vector_load_idx %arg9[%broadcast_in_dim3A_49, %parallel_loop3A_472] : memref<26x1000xf32, #tpu.memory_space<vmem>>[vector<16xi32>, vector<16xi32>], vector<16xf32>,
          %parallel_loop3A_690 = arith.constant 16 : i32
          %parallel_loop3A_691 = arith.muli %parallel_loop3A_468, %parallel_loop3A_690 : i32
          %parallel_loop3A_692 = arith.constant 24 : i32
          %parallel_loop3A_693 = arith.constant 0 : i32
          %parallel_loop3A_694 = arith.index_cast %parallel_loop3A_692 : i32 to index
          %parallel_loop3A_695 = arith.index_cast %parallel_loop3A_693 : i32 to index
          %parallel_loop3A_696 = arith.index_cast %parallel_loop3A_691 : i32 to index
          %parallel_loop3A_697 = tpu.vector_load %arg16[%parallel_loop3A_694, %parallel_loop3A_695, %parallel_loop3A_696] {strides = array<i32>} : memref<26x1x1024xf32, #tpu.memory_space<vmem>>, vector<16xf32>,
          tpu.vector_store %arg16[%parallel_loop3A_694, %parallel_loop3A_695, %parallel_loop3A_696], %parallel_loop3A_689 {strides = array<i32>} : memref<26x1x1024xf32, #tpu.memory_space<vmem>>, vector<16xf32>,
          %parallel_loop3A_698 = tpu.vector_load_idx %arg9[%broadcast_in_dim3A_51, %parallel_loop3A_472] : memref<26x1000xf32, #tpu.memory_space<vmem>>[vector<16xi32>, vector<16xi32>], vector<16xf32>,
          %parallel_loop3A_699 = arith.constant 16 : i32
          %parallel_loop3A_700 = arith.muli %parallel_loop3A_468, %parallel_loop3A_699 : i32
          %parallel_loop3A_701 = arith.constant 25 : i32
          %parallel_loop3A_702 = arith.constant 0 : i32
          %parallel_loop3A_703 = arith.index_cast %parallel_loop3A_701 : i32 to index
          %parallel_loop3A_704 = arith.index_cast %parallel_loop3A_702 : i32 to index
          %parallel_loop3A_705 = arith.index_cast %parallel_loop3A_700 : i32 to index
          %parallel_loop3A_706 = tpu.vector_load %arg16[%parallel_loop3A_703, %parallel_loop3A_704, %parallel_loop3A_705] {strides = array<i32>} : memref<26x1x1024xf32, #tpu.memory_space<vmem>>, vector<16xf32>,
          tpu.vector_store %arg16[%parallel_loop3A_703, %parallel_loop3A_704, %parallel_loop3A_705], %parallel_loop3A_698 {strides = array<i32>} : memref<26x1x1024xf32, #tpu.memory_space<vmem>>, vector<16xf32>,
          %parallel_loop3A_707 = tpu.vector_load_idx %arg10[%parallel_loop3A_472] : memref<1000xf32, #tpu.memory_space<vmem>>[vector<16xi32>], vector<16xf32>,
          %parallel_loop3A_708 = arith.constant 16 : i32
          %parallel_loop3A_709 = arith.muli %parallel_loop3A_468, %parallel_loop3A_708 : i32
          %parallel_loop3A_710 = arith.constant 0 : i32
          %parallel_loop3A_711 = arith.index_cast %parallel_loop3A_710 : i32 to index
          %parallel_loop3A_712 = arith.index_cast %parallel_loop3A_709 : i32 to index
          %parallel_loop3A_713 = tpu.vector_load %arg18[%parallel_loop3A_711, %parallel_loop3A_712] {strides = array<i32>} : memref<1x1024xf32, #tpu.memory_space<vmem>>, vector<16xf32>,
          tpu.vector_store %arg18[%parallel_loop3A_711, %parallel_loop3A_712], %parallel_loop3A_707 {strides = array<i32>} : memref<1x1024xf32, #tpu.memory_space<vmem>>, vector<16xf32>,
          %parallel_loop3A_714 = tpu.vector_load_idx %arg11[%parallel_loop3A_472] : memref<1000xf32, #tpu.memory_space<vmem>>[vector<16xi32>], vector<16xf32>,
          %parallel_loop3A_715 = arith.constant 16 : i32
          %parallel_loop3A_716 = arith.muli %parallel_loop3A_468, %parallel_loop3A_715 : i32
          %parallel_loop3A_717 = arith.constant 0 : i32
          %parallel_loop3A_718 = arith.index_cast %parallel_loop3A_717 : i32 to index
          %parallel_loop3A_719 = arith.index_cast %parallel_loop3A_716 : i32 to index
          %parallel_loop3A_720 = tpu.vector_load %arg20[%parallel_loop3A_718, %parallel_loop3A_719] {strides = array<i32>} : memref<1x1024xf32, #tpu.memory_space<vmem>>, vector<16xf32>,
          tpu.vector_store %arg20[%parallel_loop3A_718, %parallel_loop3A_719], %parallel_loop3A_714 {strides = array<i32>} : memref<1x1024xf32, #tpu.memory_space<vmem>>, vector<16xf32>,
        } {sc.loop_unroll_factor = 2 : i64, sc.parallel_access}
        %mul3A_456 = arith.constant 1024 : i32
        %mul3A_457 = arith.muli %sub3A_403, %mul3A_456 : i32
        %add3A_458 = arith.constant 0 : i32
        %add3A_459 = arith.addi %mul3A_457, %add3A_458 : i32
        %dma_start3A_460 = arith.constant 0 : i32
        %dma_start3A_461 = tpu.memref_slice %arg6[%dma_start3A_460, %select_n3A_400, %add3A_459] : memref<26x26x16384xf32, #tpu.memory_space<hbm>> -> memref<26x1x1024xf32, #tpu.memory_space<hbm>>
        %dma_start3A_462 = arith.constant 0 : i32
        %dma_start3A_463 = tpu.memref_slice %arg6[%dma_start3A_462, %select_n3A_400, %add3A_459] : memref<26x26x16384xf32, #tpu.memory_space<hbm>> -> memref<26x1x1024xf32, #tpu.memory_space<hbm>>
        tpu.enqueue_dma source(%arg16 : memref<26x1x1024xf32, #tpu.memory_space<vmem>>) target(%dma_start3A_463 : memref<26x1x1024xf32, #tpu.memory_space<hbm>>) target_semaphore(%arg25 : memref<!tpu.dma_semaphore, #tpu.memory_space<semaphore_mem>>)
        %dma_start3A_464 = tpu.memref_slice %arg7[%select_n3A_400, %add3A_459] : memref<26x16384xf32, #tpu.memory_space<hbm>> -> memref<1x1024xf32, #tpu.memory_space<hbm>>
        %dma_start3A_465 = tpu.memref_slice %arg7[%select_n3A_400, %add3A_459] : memref<26x16384xf32, #tpu.memory_space<hbm>> -> memref<1x1024xf32, #tpu.memory_space<hbm>>
        tpu.enqueue_dma source(%arg18 : memref<1x1024xf32, #tpu.memory_space<vmem>>) target(%dma_start3A_465 : memref<1x1024xf32, #tpu.memory_space<hbm>>) target_semaphore(%arg25 : memref<!tpu.dma_semaphore, #tpu.memory_space<semaphore_mem>>)
        %dma_start3A_466 = tpu.memref_slice %arg8[%select_n3A_400, %add3A_459] : memref<26x16384xf32, #tpu.memory_space<hbm>> -> memref<1x1024xf32, #tpu.memory_space<hbm>>
        %dma_start3A_467 = tpu.memref_slice %arg8[%select_n3A_400, %add3A_459] : memref<26x16384xf32, #tpu.memory_space<hbm>> -> memref<1x1024xf32, #tpu.memory_space<hbm>>
        tpu.enqueue_dma source(%arg20 : memref<1x1024xf32, #tpu.memory_space<vmem>>) target(%dma_start3A_467 : memref<1x1024xf32, #tpu.memory_space<hbm>>) target_semaphore(%arg25 : memref<!tpu.dma_semaphore, #tpu.memory_space<semaphore_mem>>)
      } else {
      }
      %add3A_343 = arith.constant 1 : i32
      %add3A_344 = arith.addi %add3A_225, %add3A_343 : i32
      %jit3A_345 = arith.constant 16 : i32
      %div3A_346 = arith.divsi %add3A_344, %jit3A_345 : i32
      %sign3A_347 = arith.constant 0 : i32
      %sign3A_348 = arith.cmpi sgt, %add3A_344, %sign3A_347 : i32
      %sign3A_349 = arith.extui %sign3A_348 : i1 to i32
      %sign3A_350 = arith.constant 0 : i32
      %sign3A_351 = arith.cmpi slt, %add3A_344, %sign3A_350 : i32
      %sign3A_352 = arith.extui %sign3A_351 : i1 to i32
      %sign3A_353 = arith.subi %sign3A_349, %sign3A_352 : i32
      %sign3A_354 = arith.constant 0 : i32
      %sign3A_355 = arith.cmpi sgt, %jit3A_345, %sign3A_354 : i32
      %sign3A_356 = arith.extui %sign3A_355 : i1 to i32
      %sign3A_357 = arith.constant 0 : i32
      %sign3A_358 = arith.cmpi slt, %jit3A_345, %sign3A_357 : i32
      %sign3A_359 = arith.extui %sign3A_358 : i1 to i32
      %sign3A_360 = arith.subi %sign3A_356, %sign3A_359 : i32
      %ne3A_361 = arith.cmpi ne, %sign3A_353, %sign3A_360 : i32
      %rem3A_362 = arith.remsi %add3A_344, %jit3A_345 : i32
      %ne3A_363 = arith.constant 0 : i32
      %ne3A_364 = arith.cmpi ne, %rem3A_362, %ne3A_363 : i32
      %and3A_365 = arith.andi %ne3A_361, %ne3A_364 : i1
      %sub3A_366 = arith.constant 1 : i32
      %sub3A_367 = arith.subi %div3A_346, %sub3A_366 : i32
      %select_n3A_368 = arith.select %and3A_365, %sub3A_367, %div3A_346 : i32
      %add3A_369 = arith.constant 1 : i32
      %add3A_370 = arith.addi %add3A_225, %add3A_369 : i32
      %lt3A_371 = arith.cmpi slt, %add3A_370, %select_n3A_97 : i32
      %select_n3A_372 = arith.select %lt3A_371, %select_n3A_368, %select_n3A_336 : i32
      scf.yield %select_n3A_372 : i32
    }
    %sub3A_169 = arith.constant 1 : i32
    %sub3A_170 = arith.subi %select_n3A_97, %sub3A_169 : i32
    %jit3A_171 = arith.constant 16 : i32
    %div3A_172 = arith.divsi %sub3A_170, %jit3A_171 : i32
    %sign3A_173 = arith.constant 0 : i32
    %sign3A_174 = arith.cmpi sgt, %sub3A_170, %sign3A_173 : i32
    %sign3A_175 = arith.extui %sign3A_174 : i1 to i32
    %sign3A_176 = arith.constant 0 : i32
    %sign3A_177 = arith.cmpi slt, %sub3A_170, %sign3A_176 : i32
    %sign3A_178 = arith.extui %sign3A_177 : i1 to i32
    %sign3A_179 = arith.subi %sign3A_175, %sign3A_178 : i32
    %sign3A_180 = arith.constant 0 : i32
    %sign3A_181 = arith.cmpi sgt, %jit3A_171, %sign3A_180 : i32
    %sign3A_182 = arith.extui %sign3A_181 : i1 to i32
    %sign3A_183 = arith.constant 0 : i32
    %sign3A_184 = arith.cmpi slt, %jit3A_171, %sign3A_183 : i32
    %sign3A_185 = arith.extui %sign3A_184 : i1 to i32
    %sign3A_186 = arith.subi %sign3A_182, %sign3A_185 : i32
    %ne3A_187 = arith.cmpi ne, %sign3A_179, %sign3A_186 : i32
    %rem3A_188 = arith.remsi %sub3A_170, %jit3A_171 : i32
    %ne3A_189 = arith.constant 0 : i32
    %ne3A_190 = arith.cmpi ne, %rem3A_188, %ne3A_189 : i32
    %and3A_191 = arith.andi %ne3A_187, %ne3A_190 : i1
    %sub3A_192 = arith.constant 1 : i32
    %sub3A_193 = arith.subi %div3A_172, %sub3A_192 : i32
    %select_n3A_194 = arith.select %and3A_191, %sub3A_193, %div3A_172 : i32
    %mul3A_195 = arith.constant 16 : i32
    %mul3A_196 = arith.muli %mul3A_195, %select_n3A_194 : i32
    %sub3A_197 = arith.subi %sub3A_170, %mul3A_196 : i32
    %mul3A_198 = arith.constant 1024 : i32
    %mul3A_199 = arith.muli %sub3A_197, %mul3A_198 : i32
    %add3A_200 = arith.constant 0 : i32
    %add3A_201 = arith.addi %mul3A_199, %add3A_200 : i32
    %dma_wait3A = arith.constant 0 : i32
    %dma_wait3A_202 = tpu.memref_slice %arg6[%dma_wait3A, %select_n3A_194, %add3A_201] : memref<26x26x16384xf32, #tpu.memory_space<hbm>> -> memref<26x1x1024xf32, #tpu.memory_space<hbm>>
    %dma_wait3A_203 = arith.constant 0 : i32
    %dma_wait3A_204 = tpu.memref_slice %arg6[%dma_wait3A_203, %select_n3A_194, %add3A_201] : memref<26x26x16384xf32, #tpu.memory_space<hbm>> -> memref<26x1x1024xf32, #tpu.memory_space<hbm>>
    tpu.wait_dma2 semaphore(%arg24 : memref<!tpu.dma_semaphore, #tpu.memory_space<semaphore_mem>>) src(%arg15 : memref<26x1x1024xf32, #tpu.memory_space<vmem>>) dst(%dma_wait3A_204 : memref<26x1x1024xf32, #tpu.memory_space<hbm>>)
    %dma_wait3A_205 = tpu.memref_slice %arg7[%select_n3A_194, %add3A_201] : memref<26x16384xf32, #tpu.memory_space<hbm>> -> memref<1x1024xf32, #tpu.memory_space<hbm>>
    %dma_wait3A_206 = tpu.memref_slice %arg7[%select_n3A_194, %add3A_201] : memref<26x16384xf32, #tpu.memory_space<hbm>> -> memref<1x1024xf32, #tpu.memory_space<hbm>>
    tpu.wait_dma2 semaphore(%arg24 : memref<!tpu.dma_semaphore, #tpu.memory_space<semaphore_mem>>) src(%arg17 : memref<1x1024xf32, #tpu.memory_space<vmem>>) dst(%dma_wait3A_206 : memref<1x1024xf32, #tpu.memory_space<hbm>>)
    %dma_wait3A_207 = tpu.memref_slice %arg8[%select_n3A_194, %add3A_201] : memref<26x16384xf32, #tpu.memory_space<hbm>> -> memref<1x1024xf32, #tpu.memory_space<hbm>>
    %dma_wait3A_208 = tpu.memref_slice %arg8[%select_n3A_194, %add3A_201] : memref<26x16384xf32, #tpu.memory_space<hbm>> -> memref<1x1024xf32, #tpu.memory_space<hbm>>
    tpu.wait_dma2 semaphore(%arg24 : memref<!tpu.dma_semaphore, #tpu.memory_space<semaphore_mem>>) src(%arg19 : memref<1x1024xf32, #tpu.memory_space<vmem>>) dst(%dma_wait3A_208 : memref<1x1024xf32, #tpu.memory_space<hbm>>)
    %mul3A_209 = arith.constant 1024 : i32
    %mul3A_210 = arith.muli %sub3A_197, %mul3A_209 : i32
    %add3A_211 = arith.constant 0 : i32
    %add3A_212 = arith.addi %mul3A_210, %add3A_211 : i32
    %dma_wait3A_213 = arith.constant 0 : i32
    %dma_wait3A_214 = tpu.memref_slice %arg6[%dma_wait3A_213, %select_n3A_194, %add3A_212] : memref<26x26x16384xf32, #tpu.memory_space<hbm>> -> memref<26x1x1024xf32, #tpu.memory_space<hbm>>
    %dma_wait3A_215 = arith.constant 0 : i32
    %dma_wait3A_216 = tpu.memref_slice %arg6[%dma_wait3A_215, %select_n3A_194, %add3A_212] : memref<26x26x16384xf32, #tpu.memory_space<hbm>> -> memref<26x1x1024xf32, #tpu.memory_space<hbm>>
    tpu.wait_dma2 semaphore(%arg25 : memref<!tpu.dma_semaphore, #tpu.memory_space<semaphore_mem>>) src(%arg16 : memref<26x1x1024xf32, #tpu.memory_space<vmem>>) dst(%dma_wait3A_216 : memref<26x1x1024xf32, #tpu.memory_space<hbm>>)
    %dma_wait3A_217 = tpu.memref_slice %arg7[%select_n3A_194, %add3A_212] : memref<26x16384xf32, #tpu.memory_space<hbm>> -> memref<1x1024xf32, #tpu.memory_space<hbm>>
    %dma_wait3A_218 = tpu.memref_slice %arg7[%select_n3A_194, %add3A_212] : memref<26x16384xf32, #tpu.memory_space<hbm>> -> memref<1x1024xf32, #tpu.memory_space<hbm>>
    tpu.wait_dma2 semaphore(%arg25 : memref<!tpu.dma_semaphore, #tpu.memory_space<semaphore_mem>>) src(%arg18 : memref<1x1024xf32, #tpu.memory_space<vmem>>) dst(%dma_wait3A_218 : memref<1x1024xf32, #tpu.memory_space<hbm>>)
    %dma_wait3A_219 = tpu.memref_slice %arg8[%select_n3A_194, %add3A_212] : memref<26x16384xf32, #tpu.memory_space<hbm>> -> memref<1x1024xf32, #tpu.memory_space<hbm>>
    %dma_wait3A_220 = tpu.memref_slice %arg8[%select_n3A_194, %add3A_212] : memref<26x16384xf32, #tpu.memory_space<hbm>> -> memref<1x1024xf32, #tpu.memory_space<hbm>>
    tpu.wait_dma2 semaphore(%arg25 : memref<!tpu.dma_semaphore, #tpu.memory_space<semaphore_mem>>) src(%arg20 : memref<1x1024xf32, #tpu.memory_space<vmem>>) dst(%dma_wait3A_220 : memref<1x1024xf32, #tpu.memory_space<hbm>>)
    return
  }
}

</mosaic_0001>

<sc_bundles>
// kernel: kernel.3.cloned.1.call-start
scs
__scs_entry_jumppad:
0x0: {  	(pc) =	sbr.rel $0x88, $3  }
0x1: {  	(tag) =	ssettag $0x0;
	lr =	simm.s32 $0x1  }
0x2: {  	[smem:$0x3F9D] =	sst lr;
	_ =	strace $0xD0000000  }
0x3: {  	_ = 	snop  }
0x4: {  	_ = 	snop  }
0x5: {  	_ = 	snop  }
0x6: {  	_ = 	snop  }
0x7: {  	_ = 	snop  }
__scs_overlays_trampoline_lowered:
0x8: {  	[smem:$0x3FAC] =	sst s0  }
0x9: {  	[smem:$0x3FAD] =	sst s1  }
0xa: {  	[smem:$0x3FAE] =	sst s2  }
0xb: {  	[smem:$0x3FAF] =	sst s3  }
0xc: {  	[smem:$0x3FB0] =	sst s4  }
0xd: {  	[smem:$0x3FB1] =	sst s5  }
0xe: {  	[smem:$0x3FB2] =	sst s6  }
0xf: {  	[smem:$0x3FB3] =	sst s7  }
0x10: {  	[smem:$0x3FB4] =	sst s8  }
0x11: {  	[smem:$0x3FB5] =	sst s9;
	s0 =	simm.s32 @!p0 $0x0  }
0x12: {  	s1 =	sld [smem:$0x3F9B];
	s0 =	simm.s32 @p0 $0x1  }
0x13: {  	[smem:$0x3FB6] =	sst s0;
	s0 =	simm.s32 @!p1 $0x0  }
0x14: {  	s2 =	sld [smem:$0x3F9A];
	s0 =	simm.s32 @p1 $0x1  }
0x15: {  	[smem:$0x3FB7] =	sst s0;
	s0 =	simm.s32 @!p2 $0x0  }
0x16: {  	s3 =	sld [smem:$0x3FDB];
	s0 =	simm.s32 @p2 $0x1  }
0x17: {  	s4 =	simm.s32 $0x1BF5;
	[smem:$0x3FB9] =	sst s0  }
0x18: {  	s0 =	sld [smem:$0x3F9C];
	_ =	swait.ge [sflag:s4], $0x0  }
0x19: {  	s7 =	sld [smem:$0x3F9D]  }
0x1a: {  	s8 =	sadd.s32 $0xFFFFE003, lr  }
0x1b: {  	s9 =	sadd.s32 $0xFFFFFEF7, lr;
	s5 =	simm.s32 $0xFFFFFFFF;
	p2 =	slt.u32 s8, $0xFFFFF086  }
0x1c: {  	p1 =	slt.u32 s9, $0xF7A;
	s5 =	simm.s32 @!p2 $0x0  }
0x1d: {  	s5 =	simm.s32 @p1 $0x1;
	p0 =	seq.s32 s7, s2  }
0x1e: {  	s7 =	smul.u32 @!p0 $0xF7A, s2;
	p2 =	seq.s32 @!p0 s5, $0x0  }
0x1f: {  	s9 =	smul.u32 $0xF7A, s1;
	s8 =	simm.s32 @!p0 $0x1BF5;
	p2 =	por !p2, p0  }
0x20: {  	[sflag:s8] =	ssyncset.s32 @!p0 $0xFFFFF086;
	s6 =	sadd.s32 @!p0 s3, s7;
	s7 =	simm.s32 @!p0 $0x108  }
0x21: {  	s3 =	sadd.s32 s3, s9;
	s6 =	sadd.s32 @!p0 $0x88, s6;
	s7 =	simm.s32 @p2 $0x1082  }
0x22: {  	[simem:s7], [sflag:s8] =	dma.local @!p0 [hbm:s6], $0xF7A  }
0x23: {  	s9 =	sor.u32 $0xD0000000, s2;
	s6 =	simm.s32 $0x108;
	_ =	swait.ge @!p0 [sflag:s8], $0x0  }
0x24: {  	s3 =	sadd.s32 $0x88, s3;
	s6 =	simm.s32 @!p1 $0x1082;
	[sflag:s4] =	ssyncset.s32 $0xFFFFF086  }
0x25: {  	[simem:s6], [sflag:s4] =	dma.local [hbm:s3], $0xF7A  }
0x26: {  	[smem:$0x3F9D] =	sst s1;
	(tag) =	ssettag s2;
	_ =	strace s9  }
0x27: {  	s1 =	sld [smem:$0x3FAD]  }
0x28: {  	s2 =	sld [smem:$0x3FAE]  }
0x29: {  	s4 =	sld [smem:$0x3FB0]  }
0x2a: {  	p0 =	seq.s32 s5, $0x0;
	s5 =	sld [smem:$0x3FB1]  }
0x2b: {  	s6 =	sld [smem:$0x3FB2]  }
0x2c: {  	s7 =	sld [smem:$0x3FB3]  }
0x2d: {  	s3 =	simm.s32 $0x108;
	s8 =	sld [smem:$0x3FB4]  }
0x2e: {  	s3 =	simm.s32 @!p0 $0x1082;
	s9 =	sld [smem:$0x3FB5]  }
0x2f: {  	lr =	sadd.s32 s0, s3;
	s0 =	sld [smem:$0x3FAC]  }
0x30: {  	s3 =	sld [smem:$0x3FAF]  }
0x31: {  	[smem:$0x3FB8] =	sst s10  }
0x32: {  	s10 =	sld [smem:$0x3FB6];
	_ =	sdelay $0x3  }
0x33: {  	p0 =	seq.s32 s10, $0x1;
	s10 =	sld [smem:$0x3FB8];
	_ =	sdelay $0x3  }
0x34: {  	[smem:$0x3FB8] =	sst s10  }
0x35: {  	s10 =	sld [smem:$0x3FB7];
	_ =	sdelay $0x3  }
0x36: {  	p1 =	seq.s32 s10, $0x1;
	s10 =	sld [smem:$0x3FB8];
	_ =	sdelay $0x3  }
0x37: {  	[smem:$0x3FB8] =	sst s10  }
0x38: {  	s10 =	sld [smem:$0x3FB9]  }
0x39: {  	_ = 	snop;
	(pc) =	sbr.ind lr, $3  }
0x3a: {  	_ = 	snop  }
0x3b: {  	_ = 	snop  }
0x3c: {  	p2 =	seq.s32 s10, $0x1;
	s10 =	sld [smem:$0x3FB8]  }
0x3d: {  	_ =	shalt  }
0x3e: {  	_ =	shalt  }
0x3f: {  	_ =	shalt  }
0x40: {  	_ =	shalt  }
0x41: {  	_ =	shalt  }
0x42: {  	_ =	shalt  }
0x43: {  	_ =	shalt  }
0x44: {  	_ =	shalt  }
0x45: {  	_ =	shalt  }
0x46: {  	_ =	shalt  }
0x47: {  	_ =	shalt  }
0x48: {  	_ =	shalt  }
0x49: {  	_ =	shalt  }
0x4a: {  	_ =	shalt  }
0x4b: {  	_ =	shalt  }
0x4c: {  	_ =	shalt  }
0x4d: {  	_ =	shalt  }
0x4e: {  	_ =	shalt  }
0x4f: {  	_ =	shalt  }
0x50: {  	_ =	shalt  }
0x51: {  	_ =	shalt  }
0x52: {  	_ =	shalt  }
0x53: {  	_ =	shalt  }
0x54: {  	_ =	shalt  }
0x55: {  	_ =	shalt  }
0x56: {  	_ =	shalt  }
0x57: {  	_ =	shalt  }
0x58: {  	_ =	shalt  }
0x59: {  	_ =	shalt  }
0x5a: {  	_ =	shalt  }
0x5b: {  	_ =	shalt  }
0x5c: {  	_ =	shalt  }
0x5d: {  	_ =	shalt  }
0x5e: {  	_ =	shalt  }
0x5f: {  	_ =	shalt  }
0x60: {  	_ =	shalt  }
0x61: {  	_ =	shalt  }
0x62: {  	_ =	shalt  }
0x63: {  	_ =	shalt  }
0x64: {  	_ =	shalt  }
0x65: {  	_ =	shalt  }
0x66: {  	_ =	shalt  }
0x67: {  	_ =	shalt  }
0x68: {  	_ =	shalt  }
0x69: {  	_ =	shalt  }
0x6a: {  	_ =	shalt  }
0x6b: {  	_ =	shalt  }
0x6c: {  	_ =	shalt  }
0x6d: {  	_ =	shalt  }
0x6e: {  	_ =	shalt  }
0x6f: {  	_ =	shalt  }
0x70: {  	_ =	shalt  }
0x71: {  	_ =	shalt  }
0x72: {  	_ =	shalt  }
0x73: {  	_ =	shalt  }
0x74: {  	_ =	shalt  }
0x75: {  	_ =	shalt  }
0x76: {  	_ =	shalt  }
0x77: {  	_ =	shalt  }
0x78: {  	_ =	shalt  }
0x79: {  	_ =	shalt  }
0x7a: {  	_ =	shalt  }
0x7b: {  	_ =	shalt  }
0x7c: {  	_ =	shalt  }
0x7d: {  	_ =	shalt  }
0x7e: {  	_ =	shalt  }
0x7f: {  	_ =	shalt  }
0x80: {  	_ =	shalt  }
0x81: {  	_ =	shalt  }
0x82: {  	_ =	shalt  }
0x83: {  	_ =	shalt  }
0x84: {  	_ =	shalt  }
0x85: {  	_ =	shalt  }
0x86: {  	_ =	shalt  }
0x87: {  	_ =	shalt  }
.Lfunc_end0:
.L_simem_size_0:
called_computation_lowered:
.L_overlay_start_0:
0x88: {  	s2 =	sld [smem:$0x3FD9]  }
0x89: {  	s3 =	sld [smem:$0x3FFE];
	_ =	sdelay $0x1  }
0x8a: {  	s1 =	srdreg.scid  }
0x8b: {  	s0 =	sand.u32 $0x1, s1  }
0x8c: {  	s14 =	sshll.u32 s0, $0xA;
	s2 =	sadd.s32 s3, s2  }
0x8d: {  	s2 =	sadd.s32 s2, s14  }
0x8e: {  	[smem:$0x3FC4] =	sst s2  }
0x8f: {  	_ = 	snop  }
0x90: {  	s2 =	sld [smem:$0x3FD0];
	_ =	sdelay $0x2  }
0x91: {  	s15 =	simm.s32 $0xA;
	s4 =	simm.s32 $0x10  }
0x92: {  	[smem:s4], [sflag:s15] =	dma.local [hbm:s2], $0x1  }
0x93: {  	_ =	swait.eq [sflag:s15], $0x1  }
0x94: {  	s16 =	sld [smem:$0x10];
	[sflag:s15] =	ssyncset.done $0x0  }
0x95: {  	s17 =	sld [smem:$0x11];
	[sflag:s15] =	ssyncadd.s32 $0xFFFFFFFF  }
0x96: {  	s18 =	sld [smem:$0x12];
	(tm) =	ssettm $0x1  }
0x97: {  	s5 =	sld [smem:$0x3FFB];
	_ =	sdelay $0x3  }
0x98: {  	_ =	strace s5  }
0x99: {  	s5 =	sld [smem:$0x3FFC];
	_ =	sdelay $0x3  }
0x9a: {  	_ =	strace s5  }
0x9b: {  	s5 =	sld [smem:$0x3FFD];
	_ =	sdelay $0x3  }
0x9c: {  	_ =	strace s5  }
0x9d: {  	_ =	strace $0x8FFFFFFF  }
0x9e: {  	s19 =	sld [smem:$0x3FDB];
	_ =	sdelay $0x1  }
0x9f: {  	s6 =	simm.s32 $_scs_section_size  }
0xa0: {  	s7 =	simm.s32 $_size__tile_overlayer_lowered;
	s8 =	simm.s32 $_tile_overlayer_lowered  }
0xa1: {  	s22 =	simm.s32 $0x1BFF;
	s21 =	sshll.u32 s8, $0x1;
	s5 =	sadd.s32 s6, s19  }
0xa2: {  	s9 =	simm.s32 $0x0;
	s20 =	sshll.u32 s7, $0x1;
	s7 =	sadd.s32 s21, s5  }
0xa3: {  	[timem:s9], [sflag:s22] =	dma.local [hbm:s7], s20  }
0xa4: {  	_ =	swait.ge [sflag:s22], s20  }
0xa5: {  	s6 =	ssub.s32 $0x0, s20;
	[sflag:s22] =	ssyncset.done $0x0  }
0xa6: {  	[sflag:s22] =	ssyncadd.s32 s6;
	_ =	sdelay $0x1  }
0xa7: {  	s23 =	simm.s32 $0x1B8B  }
0xa8: {  	_ =	swait.ge [sflag:s23], $0x1  }
0xa9: {  	[sflag:s23] =	ssyncset.done $0x0  }
0xaa: {  	s25 =	simm.s32 $0x1B8E;
	s24 =	sld [smem:$0x3FFE];
	[sflag:s23] =	ssyncadd.s32 $0xFFFFFFFF  }
0xab: {  	s26 =	simm.s32 $execute0_lowered;
	[smem:$0x3FD2] =	sst s25  }
0xac: {  	s7 =	sshll.u32 s26, $0x1;
	_ =	strace $0x80000046;
	[dreg:$0x1] =	wrdreg $0xFFFFFFFF  }
0xad: {  	s28 =	simm.s32 $_size_execute0_lowered;
	s5 =	sadd.s32 s5, s7;
	[dreg:$0x0] =	wrdreg $0x0  }
0xae: {  	s7 =	sshll.u32 s28, $0x1;
	[dreg:$0x2] =	wrdreg s5  }
0xaf: {  	[dreg:$0x3] =	wrdreg s7  }
0xb0: {  	[dreg:$0x4] =	wrdreg $0xC0  }
0xb1: {  	_ =	task [dreg:s9], $0x5FFFF  }
0xb2: {  	[dreg:$0x1] =	wrdreg $0xFFFFFFFF  }
0xb3: {  	[dreg:$0x0] =	wrdreg $0x60  }
0xb4: {  	[dreg:$0x2] =	wrdreg s18  }
0xb5: {  	[dreg:$0x3] =	wrdreg s24  }
0xb6: {  	[dreg:$0x4] =	wrdreg s17  }
0xb7: {  	[dreg:$0x5] =	wrdreg s16  }
0xb8: {  	[dreg:$0x6] =	wrdreg $0x9  }
0xb9: {  	_ =	task.clear_ibuf [dreg:s9], $0x7FFFF;
	_ =	strace $0x90000046  }
0xba: {  	s29 =	simm.s32 $0x9;
	_ =	strace $0x80000048  }
0xbb: {  	_ =	swait.ge [sflag:s29], $0x1  }
0xbc: {  	[sflag:s29] =	ssyncadd.s32 $0xFFFFFFFF  }
0xbd: {  	_ =	strace $0x90000048  }
0xbe: {  	_ =	sfence  }
0xbf: {  	s30 =	sld [smem:$0x0];
	_ =	sdelay $0x2  }
0xc0: {  	s31 =	sshll.u32 s1, $0xD;
	s1 =	sshrl.u32 s1, $0x2  }
0xc1: {  	s3 =	sand.u32 $0x4000, s31;
	s1 =	sadd.s32 s1, s30  }
0xc2: {  	s0 =	sor.u32 s3, s0;
	s1 =	sshll.u32 s1, $0x11  }
0xc3: {  	s0 =	sor.u32 s1, s0  }
0xc4: {  	s0 =	sadd.s32 $0x8F2B, s0  }
0xc5: {  	[sflag:s0] =	ssyncadd.remote.s32 $0x1  }
0xc6: {  	_ =	sfence.sel $0xFFFF  }
0xc7: {  	[dreg:$0x0] =	wrdreg $0xFFFFFFFF;
	(pc) =	sbr.abs _section_cstart, $3  }
0xc8: {  	[dreg:$0x1] =	wrdreg $0xFFFFFFFF  }
0xc9: {  	_ =	task.clear_ibuf [dreg:s9], $0x2FFFF;
	_ =	strace $0x9FFFFFFF  }
0xca: {  	(tm) =	ssettm $0x7FFFFFFF  }
0xcb: {  	_ =	shalt  }
tec
execute0_lowered:
.L_overlay_start_1:
0x0: {  	(tag) =	ssettag $0x1  }
0x1: {  	s0 =	srdreg.scid;
	s1 =	rddreg [dreg:$0x0]  }
0x2: {  	s2 =	rddreg [dreg:$0x1];
	s5 =	stileid.u32  }
0x3: {  	s3 =	rddreg [dreg:$0x2];
	s16 =	simm.s32 $0x2;
	s17 =	simm.s32 $0x6590  }
0x4: {  	s18 =	simm.s32 $0x6978;
	s19 =	simm.s32 $0x400;
	s0 =	sand.u32 $0x1, s0  }
0x5: {  	s20 =	simm.s32 $0x68000;
	s21 =	simm.s32 $0x7580;
	s4 =	sshll.u32 s0, $0x4  }
0x6: {  	s22 =	simm.s32 $0x14580;
	s23 =	simm.s32 $0x14D80;
	s12 =	sor.u32 s5, s4  }
0x7: {  	s24 =	simm.s32 $0x3;
	s8 =	sadd.s32 $0x2000, s2;
	s6 =	smul.u32 $0x1A0, s12  }
0x8: {  	s9 =	sadd.s32 $0x1200, s2;
	s10 =	sadd.s32 $0x2E00, s2;
	s11 =	sadd.s32 $0x154E00, s2  }
0x9: {  	s0 =	ssub.s32 $0x2, s0;
	s4 =	rddreg [dreg:$0x3];
	s7 =	sadd.s32 $0x1A0, s6  }
0xa: {  	s5 =	simm.s32 $0x0;
	s6 =	sshrl.u32 s6, $0x5;
	s7 =	sshrl.u32 s7, $0x5  }
0xb: {  	s31 =	sshrl.u32 s0, $0x1;
	[smem:$0x7FF] =	sst s5;
	s13 =	ssub.s32 s7, s6  }
0xc: {  	s12 =	smul.u32 $0x680, s12;
	s0 =	ssub.s32 s0, s31;
	s30 =	sadd.s32 $0x1, s13  }
0xd: {  	_ =	strace $0x80000047;
	s14 =	sand.u32 $0x8000, s30;
	s15 =	sand.u32 $0x1, s30  }
0xe: {  	p0 =	slt.s32 s13, $0x0;
	s14 =	sshrl.u32 s14, $0xF;
	p1 =	seq.s32 s15, $0x1  }
.Ltmp0:
0xf: {  	s2 =	sadd.s32 s14, s30;
	p0 =	por !p0, !p1;
	(pc) =	sbr.rel .LBB2_1-.Ltmp0, $4  }
0x10: {  	s13 =	simm.s32 $0x1;
	s2 =	sshll.u32 s2, $0x10;
	p0 =	por !p0, !p0  }
0x11: {  	s0 =	smax.u32 s0, $0x1;
	s2 =	sshra.s32 s2, $0x11;
	s13 =	simm.s32 @!p0 $0x0  }
0x12: {  	s12 =	sadd.s32 s3, s12;
	[dreg:$0x6] =	wrdreg s0;
	s13 =	ssub.s32 s2, s13  }
0x13: {  	[dreg:$0x5] =	wrdreg s12;
	s12 =	simm.s32 $0x0;
	p0 =	slt.s32 s13, $0x1  }
.LBB2_10:
0x14: {  	s0 =	simm.s32 $0x4  }
0x15: {  	_ =	swait.ge [sflag:s0], $0x6800  }
0x16: {  	[sflag:s0] =	ssyncset.done $0x0  }
0x17: {  	[sflag:s0] =	ssyncadd.s32 $0xFFFF9800  }
0x18: {  	_ =	swait.ge [sflag:s0], $0x400  }
0x19: {  	[sflag:s0] =	ssyncset.done $0x0  }
0x1a: {  	[sflag:s0] =	ssyncadd.s32 $0xFFFFFC00  }
0x1b: {  	_ =	swait.ge [sflag:s0], $0x400  }
0x1c: {  	[sflag:s0] =	ssyncset.done $0x0  }
0x1d: {  	s2 =	simm.s32 $0x5;
	[sflag:s0] =	ssyncadd.s32 $0xFFFFFC00  }
0x1e: {  	_ =	swait.ge [sflag:s2], $0x6800  }
0x1f: {  	[sflag:s2] =	ssyncset.done $0x0  }
0x20: {  	[sflag:s2] =	ssyncadd.s32 $0xFFFF9800  }
0x21: {  	_ =	swait.ge [sflag:s2], $0x400  }
0x22: {  	[sflag:s2] =	ssyncset.done $0x0  }
0x23: {  	[sflag:s2] =	ssyncadd.s32 $0xFFFFFC00  }
0x24: {  	_ =	swait.ge [sflag:s2], $0x400  }
0x25: {  	s12 =	rddreg [dreg:$0x7]  }
0x26: {  	s31 =	rddreg [dreg:$0x6];
	s12 =	sadd.s32 $0x1, s12  }
0x27: {  	p1 =	sne.s32 s12, s31  }
.Ltmp1:
0x28: {  	_ = 	snop;
	(pc) =	sbr.rel @!p1 .LBB2_11-.Ltmp1, $3  }
0x29: {  	_ =	sdelay $0x1  }
0x2a: {  	[sflag:s2] =	ssyncset.done $0x0  }
0x2b: {  	[sflag:s2] =	ssyncadd.s32 $0xFFFFFC00  }
.LBB2_1:
.Ltmp2:
0x2c: {  	(pc) =	sbr.rel @!p0 .LBB2_2-.Ltmp2, $4  }
.Ltmp3:
0x2d: {  	(pc) =	sbr.rel @p0 .LBB2_10-.Ltmp3, $4  }
0x2e: {  	s0 =	rddreg [dreg:$0x5];
	s2 =	simm.s32 $0x6D60  }
0x2f: {  	[tilespmem:s2], [sflag:$0x2] =	stream.linear.gather [hbm4b:s0+s5], $0x400, $0x38;
	[tilespmem:$0x15580] =	vst v63  }
0x30: {  	[dreg:$0x7] =	wrdreg s12;
	s14 =	simm.s32 $0xFFFFFFFF;
	s2 =	simm.s32 $0x0  }
0x31: {  	_ = 	snop  }
.LBB2_5:
0x32: {  	s14 =	smov.u32 s12  }
.LBB2_9:
0x33: {  	s2 =	sadd.s32 $0x1, s2  }
0x34: {  	p1 =	sne.s32 s2, s13  }
.Ltmp4:
0x35: {  	_ = 	snop;
	(pc) =	sbr.rel @!p1 .LBB2_10-.Ltmp4, $1  }
0x36: {  	_ =	sdelay $0x3  }
.LBB2_2:
0x37: {  	s0 =	sshll.u32 s2, $0x1  }
0x38: {  	s15 =	sadd.s32 s6, s0  }
0x39: {  	s12 =	sshrl.u32 s15, $0x4  }
0x3a: {  	p1 =	seq.s32 s12, s14  }
0x3b: {  	v0 =	vlaneseq.u32 @!p1  }
0x3c: {  	v0 =	vmul.u32 @!p1 $0x1A, v0;
	_ =	sdelay $0x1  }
0x3d: {  	v1 =	vadd.s32 @!p1 s12, v0;
	v0 =	vadd.s32 @!p1 $0x1A0, v0  }
0x3e: {  	s0 =	simm.s32 @!p1 $0x1A;
	[tilespmem:$0x7560] =	vst @!p1 v1;
	v0 =	vadd.s32 @!p1 s12, v0  }
0x3f: {  	s14 =	simm.s32 @!p1 $0x7560;
	s25 =	simm.s32 @!p1 $0x0;
	s26 =	smul.u32 @!p1 $0x3E8, s12;
	[tilespmem:$0x7570] =	vst @!p1 v0  }
0x40: {  	[tilespmem:s25], [sflag:$0x1] =	stream.indirect.gather @!p1 [hbm4b:s1+s0], $0x3E8, s14, s0, $0xb8;
	[tilespmem:$0x15580] =	vst v63  }
0x41: {  	s0 =	sshrl.u32 @!p1 s26, $0x3  }
0x42: {  	s26 =	simm.s32 @!p1 $0x6590;
	s14 =	sadd.s32 @!p1 s8, s0  }
0x43: {  	[tilespmem:s26], [sflag:$0x6] =	stream.linear.gather @!p1 [hbm4b:s14+s25], $0x3E8, $0x38;
	[tilespmem:$0x15580] =	vst v63  }
0x44: {  	s14 =	simm.s32 @!p1 $0x6  }
0x45: {  	_ =	swait.ge @!p1 [sflag:s14], $0x3E8  }
0x46: {  	[sflag:s14] =	ssyncset.done @!p1 $0x0  }
0x47: {  	s0 =	sadd.s32 @!p1 s9, s0;
	s26 =	simm.s32 @!p1 $0x6978;
	[sflag:s14] =	ssyncadd.s32 @!p1 $0xFFFFFC18  }
0x48: {  	[tilespmem:s26], [sflag:$0x6] =	stream.linear.gather @!p1 [hbm4b:s0+s25], $0x3E8, $0x38;
	[tilespmem:$0x15580] =	vst v63  }
0x49: {  	_ =	swait.ge @!p1 [sflag:s14], $0x3E8  }
0x4a: {  	[sflag:s14] =	ssyncset.done @!p1 $0x0  }
0x4b: {  	s0 =	simm.s32 @!p1 $0x1;
	[sflag:s14] =	ssyncadd.s32 @!p1 $0xFFFFFC18  }
0x4c: {  	_ =	swait.ge @!p1 [sflag:s0], $0x6590  }
0x4d: {  	[sflag:s0] =	ssyncset.done @!p1 $0x0  }
0x4e: {  	[sflag:s0] =	ssyncadd.s32 @!p1 $0xFFFF9A70;
	s0 =	sadd.s32 $0x1, s15  }
0x4f: {  	p2 =	sge.u32 s0, s7  }
0x50: {  	p1 =	seq.s32 s2, $0x0;
	_ =	swait.ge [sflag:s16], $0x400;
	s14 =	sshll.u32 @!p2 s0, $0x7  }
0x51: {  	[sflag:s16] =	ssyncset.done $0x0;
	s25 =	simm.s32 @!p2 $0x0;
	s14 =	sand.u32 @!p2 $0x1FFFFF80, s14  }
0x52: {  	s26 =	simm.s32 @!p2 $0x7160;
	[sflag:s16] =	ssyncadd.s32 $0xFFFFFC00;
	s14 =	sadd.s32 @!p2 s3, s14  }
0x53: {  	[tilespmem:s26], [sflag:$0x3] =	stream.linear.gather @!p2 [hbm4b:s14+s25], $0x400, $0x38;
	[tilespmem:$0x15580] =	vst v63  }
0x54: {  	s14 =	simm.s32 @!p1 $0x4  }
0x55: {  	_ =	swait.ge @!p1 [sflag:s14], $0x6800  }
0x56: {  	[sflag:s14] =	ssyncset.done @!p1 $0x0  }
0x57: {  	[sflag:s14] =	ssyncadd.s32 @!p1 $0xFFFF9800  }
0x58: {  	_ =	swait.ge @!p1 [sflag:s14], $0x400  }
0x59: {  	[sflag:s14] =	ssyncset.done @!p1 $0x0  }
0x5a: {  	[sflag:s14] =	ssyncadd.s32 @!p1 $0xFFFFFC00  }
0x5b: {  	_ =	swait.ge @!p1 [sflag:s14], $0x400  }
0x5c: {  	[sflag:s14] =	ssyncset.done @!p1 $0x0  }
0x5d: {  	s29 =	simm.s32 $0x0;
	[sflag:s14] =	ssyncadd.s32 @!p1 $0xFFFFFC00  }
0x5e: {  	v6 =	vld [tilespmem:s29+$0x6D70];
	_ =	sdelay $0x3  }
0x5f: {  	v11 =	vld [tilespmem:s29+$0x6D60];
	_ =	sdelay $0x3  }
0x60: {  	v0 =	vld.idx.msk [tilespmem:v6+s5+$0x0], $0xffff  }
0x61: {  	v1 =	vadd.s32 $0x3E8, v6;
	_ =	sdelay $0x2  }
0x62: {  	v2 =	vld.idx.msk [tilespmem:v11+s5+$0x0], $0xffff  }
0x63: {  	v3 =	vadd.s32 $0x3E8, v11;
	[tilespmem:s29+$0x7590] =	vst v0  }
0x64: {  	v0 =	vld.idx.msk [tilespmem:v1+s5+$0x0], $0xffff  }
0x65: {  	v1 =	vadd.s32 $0x7D0, v6;
	_ =	sdelay $0x1  }
0x66: {  	[tilespmem:s29+$0x7580] =	vst v2  }
0x67: {  	v2 =	vld.idx.msk [tilespmem:v3+s5+$0x0], $0xffff  }
0x68: {  	v3 =	vadd.s32 $0x7D0, v11;
	[tilespmem:s29+$0x7990] =	vst v0  }
0x69: {  	v0 =	vld.idx.msk [tilespmem:v1+s5+$0x0], $0xffff  }
0x6a: {  	v1 =	vadd.s32 $0xBB8, v6;
	_ =	sdelay $0x1  }
0x6b: {  	[tilespmem:s29+$0x7980] =	vst v2  }
0x6c: {  	v2 =	vld.idx.msk [tilespmem:v3+s5+$0x0], $0xffff  }
0x6d: {  	v3 =	vadd.s32 $0xBB8, v11;
	[tilespmem:s29+$0x7D90] =	vst v0  }
0x6e: {  	v0 =	vld.idx.msk [tilespmem:v1+s5+$0x0], $0xffff  }
0x6f: {  	v1 =	vadd.s32 $0xFA0, v6;
	_ =	sdelay $0x1  }
0x70: {  	[tilespmem:s29+$0x7D80] =	vst v2  }
0x71: {  	v2 =	vld.idx.msk [tilespmem:v3+s5+$0x0], $0xffff  }
0x72: {  	v3 =	vadd.s32 $0xFA0, v11;
	[tilespmem:s29+$0x8190] =	vst v0  }
0x73: {  	v0 =	vld.idx.msk [tilespmem:v1+s5+$0x0], $0xffff  }
0x74: {  	v1 =	vadd.s32 $0x1388, v6;
	_ =	sdelay $0x1  }
0x75: {  	[tilespmem:s29+$0x8180] =	vst v2  }
0x76: {  	v2 =	vld.idx.msk [tilespmem:v3+s5+$0x0], $0xffff  }
0x77: {  	v3 =	vadd.s32 $0x1388, v11;
	[tilespmem:s29+$0x8590] =	vst v0  }
0x78: {  	v0 =	vld.idx.msk [tilespmem:v1+s5+$0x0], $0xffff  }
0x79: {  	v1 =	vadd.s32 $0x1770, v6;
	_ =	sdelay $0x1  }
0x7a: {  	[tilespmem:s29+$0x8580] =	vst v2  }
0x7b: {  	v2 =	vld.idx.msk [tilespmem:v3+s5+$0x0], $0xffff  }
0x7c: {  	v3 =	vadd.s32 $0x1770, v11;
	[tilespmem:s29+$0x8990] =	vst v0  }
0x7d: {  	v0 =	vld.idx.msk [tilespmem:v1+s5+$0x0], $0xffff  }
0x7e: {  	v1 =	vadd.s32 $0x1B58, v6;
	_ =	sdelay $0x1  }
0x7f: {  	[tilespmem:s29+$0x8980] =	vst v2  }
0x80: {  	s14 =	simm.s32 $0x20;
	v2 =	vld.idx.msk [tilespmem:v3+s5+$0x0], $0xffff  }
0x81: {  	[tilespmem:s29+$0x8D90] =	vst v0;
	v0 =	vld [tilespmem:s14+$0x6D70]  }
0x82: {  	v3 =	vadd.s32 $0x1B58, v11;
	v4 =	vld.idx.msk [tilespmem:v1+s5+$0x0], $0xffff  }
0x83: {  	v5 =	vadd.s32 $0x1F40, v6  }
0x84: {  	v49 =	vld [tilespmem:s14+$0x6D60];
	_ =	sdelay $0x1  }
0x85: {  	[tilespmem:s29+$0x8D80] =	vst v2  }
0x86: {  	v2 =	vld.idx.msk [tilespmem:v3+s5+$0x0], $0xffff;
	[tilespmem:s29+$0x9190] =	vst v4  }
0x87: {  	v3 =	vadd.s32 $0x1F40, v11;
	v4 =	vld.idx.msk [tilespmem:v5+s5+$0x0], $0xffff  }
0x88: {  	v7 =	vadd.s32 $0x2328, v6;
	v5 =	vld.idx.msk [tilespmem:v0+s5+$0x0], $0xffff  }
0x89: {  	v8 =	vadd.s32 $0x3E8, v0;
	_ =	sdelay $0x1  }
0x8a: {  	[tilespmem:s29+$0x9180] =	vst v2;
	v2 =	vld.idx.msk [tilespmem:v49+s5+$0x0], $0xffff  }
0x8b: {  	v9 =	vadd.s32 $0x3E8, v49;
	v3 =	vld.idx.msk [tilespmem:v3+s5+$0x0], $0xffff;
	[tilespmem:s29+$0x9590] =	vst v4  }
0x8c: {  	v4 =	vadd.s32 $0x2328, v11;
	v7 =	vld.idx.msk [tilespmem:v7+s5+$0x0], $0xffff;
	[tilespmem:s14+$0x7590] =	vst v5  }
0x8d: {  	v5 =	vld.idx.msk [tilespmem:v8+s5+$0x0], $0xffff;
	v8 =	vadd.s32 $0x2710, v6;
	_ =	sdelay $0x1  }
0x8e: {  	v10 =	vadd.s32 $0x7D0, v0;
	[tilespmem:s14+$0x7580] =	vst v2  }
0x8f: {  	v2 =	vld.idx.msk [tilespmem:v9+s5+$0x0], $0xffff;
	[tilespmem:s29+$0x9580] =	vst v3  }
0x90: {  	v3 =	vadd.s32 $0x7D0, v49;
	v4 =	vld.idx.msk [tilespmem:v4+s5+$0x0], $0xffff;
	[tilespmem:s29+$0x9990] =	vst v7  }
0x91: {  	v7 =	vadd.s32 $0x2710, v11;
	v8 =	vld.idx.msk [tilespmem:v8+s5+$0x0], $0xffff  }
0x92: {  	v9 =	vadd.s32 $0x2AF8, v6;
	[tilespmem:s14+$0x7990] =	vst v5  }
0x93: {  	v5 =	vld.idx.msk [tilespmem:v10+s5+$0x0], $0xffff  }
0x94: {  	[tilespmem:s14+$0x7980] =	vst v2;
	v10 =	vadd.s32 $0xBB8, v0  }
0x95: {  	v2 =	vld.idx.msk [tilespmem:v3+s5+$0x0], $0xffff;
	[tilespmem:s29+$0x9980] =	vst v4  }
0x96: {  	v3 =	vadd.s32 $0xBB8, v49;
	v4 =	vld.idx.msk [tilespmem:v7+s5+$0x0], $0xffff;
	[tilespmem:s29+$0x9D90] =	vst v8  }
0x97: {  	v7 =	vadd.s32 $0x2AF8, v11;
	v8 =	vld.idx.msk [tilespmem:v9+s5+$0x0], $0xffff  }
0x98: {  	[tilespmem:s14+$0x7D90] =	vst v5;
	v9 =	vadd.s32 $0x2EE0, v6  }
0x99: {  	v5 =	vld.idx.msk [tilespmem:v10+s5+$0x0], $0xffff  }
0x9a: {  	[tilespmem:s14+$0x7D80] =	vst v2;
	v10 =	vadd.s32 $0xFA0, v0  }
0x9b: {  	v2 =	vld.idx.msk [tilespmem:v3+s5+$0x0], $0xffff;
	[tilespmem:s29+$0x9D80] =	vst v4  }
0x9c: {  	v3 =	vadd.s32 $0xFA0, v49;
	v4 =	vld.idx.msk [tilespmem:v7+s5+$0x0], $0xffff;
	[tilespmem:s29+$0xA190] =	vst v8  }
0x9d: {  	v7 =	vadd.s32 $0x2EE0, v11;
	v8 =	vld.idx.msk [tilespmem:v9+s5+$0x0], $0xffff  }
0x9e: {  	[tilespmem:s14+$0x8190] =	vst v5;
	v9 =	vadd.s32 $0x32C8, v6  }
0x9f: {  	v5 =	vld.idx.msk [tilespmem:v10+s5+$0x0], $0xffff  }
0xa0: {  	[tilespmem:s14+$0x8180] =	vst v2;
	v10 =	vadd.s32 $0x1388, v0  }
0xa1: {  	v2 =	vld.idx.msk [tilespmem:v3+s5+$0x0], $0xffff;
	[tilespmem:s29+$0xA180] =	vst v4  }
0xa2: {  	v3 =	vadd.s32 $0x1388, v49;
	v4 =	vld.idx.msk [tilespmem:v7+s5+$0x0], $0xffff;
	[tilespmem:s29+$0xA590] =	vst v8  }
0xa3: {  	v7 =	vadd.s32 $0x32C8, v11;
	v8 =	vld.idx.msk [tilespmem:v9+s5+$0x0], $0xffff  }
0xa4: {  	[tilespmem:s14+$0x8590] =	vst v5;
	v9 =	vadd.s32 $0x36B0, v6  }
0xa5: {  	v5 =	vld.idx.msk [tilespmem:v10+s5+$0x0], $0xffff  }
0xa6: {  	[tilespmem:s14+$0x8580] =	vst v2;
	v10 =	vadd.s32 $0x1770, v0  }
0xa7: {  	v2 =	vld.idx.msk [tilespmem:v3+s5+$0x0], $0xffff;
	[tilespmem:s29+$0xA580] =	vst v4  }
0xa8: {  	v3 =	vadd.s32 $0x1770, v49;
	v4 =	vld.idx.msk [tilespmem:v7+s5+$0x0], $0xffff;
	[tilespmem:s29+$0xA990] =	vst v8  }
0xa9: {  	v7 =	vadd.s32 $0x36B0, v11;
	v8 =	vld.idx.msk [tilespmem:v9+s5+$0x0], $0xffff  }
0xaa: {  	[tilespmem:s14+$0x8990] =	vst v5;
	v9 =	vadd.s32 $0x3A98, v6  }
0xab: {  	v5 =	vld.idx.msk [tilespmem:v10+s5+$0x0], $0xffff  }
0xac: {  	[tilespmem:s14+$0x8980] =	vst v2;
	v10 =	vadd.s32 $0x1B58, v0  }
0xad: {  	v12 =	vld.idx.msk [tilespmem:v3+s5+$0x0], $0xffff;
	[tilespmem:s29+$0xA980] =	vst v4  }
0xae: {  	v4 =	vld.idx.msk [tilespmem:v7+s5+$0x0], $0xffff;
	[tilespmem:s29+$0xAD90] =	vst v8  }
0xaf: {  	s30 =	simm.s32 $0x40;
	v7 =	vld.idx.msk [tilespmem:v9+s5+$0x0], $0xffff  }
0xb0: {  	v3 =	vld [tilespmem:s30+$0x6D70];
	v8 =	vadd.s32 $0x3E80, v6;
	[tilespmem:s14+$0x8D90] =	vst v5  }
0xb1: {  	v9 =	vadd.s32 $0x1B58, v49;
	v5 =	vld.idx.msk [tilespmem:v10+s5+$0x0], $0xffff  }
0xb2: {  	v50 =	vld [tilespmem:s30+$0x6D60];
	v10 =	vadd.s32 $0x1F40, v0  }
0xb3: {  	v13 =	vadd.s32 $0x3A98, v11  }
0xb4: {  	[tilespmem:s29+$0xB190] =	vst v7  }
0xb5: {  	[tilespmem:s14+$0x8D80] =	vst v12;
	v7 =	vld.idx.msk [tilespmem:v8+s5+$0x0], $0xffff  }
0xb6: {  	v8 =	vld.idx.msk [tilespmem:v9+s5+$0x0], $0xffff;
	[tilespmem:s14+$0x9190] =	vst v5;
	v5 =	vadd.s32 $0x4268, v6  }
0xb7: {  	[tilespmem:s29+$0xAD80] =	vst v4;
	v9 =	vadd.s32 $0x1F40, v49;
	v4 =	vld.idx.msk [tilespmem:v10+s5+$0x0], $0xffff  }
0xb8: {  	v12 =	vadd.s32 $0x2328, v0;
	v10 =	vld.idx.msk [tilespmem:v13+s5+$0x0], $0xffff  }
0xb9: {  	v14 =	vld.idx.msk [tilespmem:v3+s5+$0x0], $0xffff;
	v13 =	vadd.s32 $0x3E80, v11  }
0xba: {  	v15 =	vld.idx.msk [tilespmem:v50+s5+$0x0], $0xffff;
	v16 =	vadd.s32 $0x3E8, v3;
	[tilespmem:s29+$0xB590] =	vst v7  }
0xbb: {  	v7 =	vadd.s32 $0x3E8, v50;
	[tilespmem:s14+$0x9180] =	vst v8;
	v5 =	vld.idx.msk [tilespmem:v5+s5+$0x0], $0xffff  }
0xbc: {  	v8 =	vld.idx.msk [tilespmem:v9+s5+$0x0], $0xffff;
	[tilespmem:s14+$0x9590] =	vst v4;
	v4 =	vadd.s32 $0x4650, v6  }
0xbd: {  	v9 =	vadd.s32 $0x2328, v49;
	[tilespmem:s29+$0xB180] =	vst v10;
	v10 =	vld.idx.msk [tilespmem:v12+s5+$0x0], $0xffff  }
0xbe: {  	[tilespmem:s30+$0x7590] =	vst v14;
	v12 =	vld.idx.msk [tilespmem:v13+s5+$0x0], $0xffff;
	v13 =	vadd.s32 $0x2710, v0  }
0xbf: {  	[tilespmem:s30+$0x7580] =	vst v15;
	v14 =	vadd.s32 $0x4268, v11;
	v16 =	vld.idx.msk [tilespmem:v16+s5+$0x0], $0xffff  }
0xc0: {  	v15 =	vadd.s32 $0x7D0, v3;
	v7 =	vld.idx.msk [tilespmem:v7+s5+$0x0], $0xffff;
	[tilespmem:s29+$0xB990] =	vst v5  }
0xc1: {  	v5 =	vadd.s32 $0x7D0, v50;
	[tilespmem:s14+$0x9580] =	vst v8;
	v4 =	vld.idx.msk [tilespmem:v4+s5+$0x0], $0xffff  }
0xc2: {  	v8 =	vld.idx.msk [tilespmem:v9+s5+$0x0], $0xffff;
	[tilespmem:s14+$0x9990] =	vst v10;
	v9 =	vadd.s32 $0x4A38, v6  }
0xc3: {  	v10 =	vadd.s32 $0x2710, v49;
	[tilespmem:s29+$0xB580] =	vst v12;
	v13 =	vld.idx.msk [tilespmem:v13+s5+$0x0], $0xffff  }
0xc4: {  	[tilespmem:s30+$0x7990] =	vst v16;
	v12 =	vld.idx.msk [tilespmem:v14+s5+$0x0], $0xffff;
	v14 =	vadd.s32 $0x2AF8, v0  }
0xc5: {  	v16 =	vadd.s32 $0x4650, v11;
	v15 =	vld.idx.msk [tilespmem:v15+s5+$0x0], $0xffff;
	[tilespmem:s30+$0x7980] =	vst v7  }
0xc6: {  	v7 =	vadd.s32 $0xBB8, v3;
	v5 =	vld.idx.msk [tilespmem:v5+s5+$0x0], $0xffff;
	[tilespmem:s29+$0xBD90] =	vst v4  }
0xc7: {  	v4 =	vadd.s32 $0xBB8, v50;
	[tilespmem:s14+$0x9980] =	vst v8;
	v8 =	vld.idx.msk [tilespmem:v9+s5+$0x0], $0xffff  }
0xc8: {  	v9 =	vld.idx.msk [tilespmem:v10+s5+$0x0], $0xffff;
	[tilespmem:s14+$0x9D90] =	vst v13;
	v10 =	vadd.s32 $0x4E20, v6  }
0xc9: {  	v13 =	vadd.s32 $0x2AF8, v49;
	[tilespmem:s29+$0xB980] =	vst v12;
	v14 =	vld.idx.msk [tilespmem:v14+s5+$0x0], $0xffff  }
0xca: {  	[tilespmem:s30+$0x7D90] =	vst v15;
	v15 =	vadd.s32 $0x2EE0, v0;
	v12 =	vld.idx.msk [tilespmem:v16+s5+$0x0], $0xffff  }
0xcb: {  	v16 =	vadd.s32 $0x4A38, v11;
	v7 =	vld.idx.msk [tilespmem:v7+s5+$0x0], $0xffff;
	[tilespmem:s30+$0x7D80] =	vst v5  }
0xcc: {  	v5 =	vadd.s32 $0xFA0, v3;
	v4 =	vld.idx.msk [tilespmem:v4+s5+$0x0], $0xffff;
	[tilespmem:s29+$0xC190] =	vst v8  }
0xcd: {  	v8 =	vadd.s32 $0xFA0, v50;
	[tilespmem:s14+$0x9D80] =	vst v9;
	v9 =	vld.idx.msk [tilespmem:v10+s5+$0x0], $0xffff  }
0xce: {  	v10 =	vld.idx.msk [tilespmem:v13+s5+$0x0], $0xffff;
	[tilespmem:s14+$0xA190] =	vst v14;
	v13 =	vadd.s32 $0x5208, v6  }
0xcf: {  	v14 =	vadd.s32 $0x2EE0, v49;
	[tilespmem:s29+$0xBD80] =	vst v12;
	v15 =	vld.idx.msk [tilespmem:v15+s5+$0x0], $0xffff  }
0xd0: {  	v12 =	vadd.s32 $0x32C8, v0;
	[tilespmem:s30+$0x8190] =	vst v7;
	v7 =	vld.idx.msk [tilespmem:v16+s5+$0x0], $0xffff  }
0xd1: {  	v16 =	vadd.s32 $0x4E20, v11;
	v5 =	vld.idx.msk [tilespmem:v5+s5+$0x0], $0xffff;
	[tilespmem:s30+$0x8180] =	vst v4  }
0xd2: {  	v4 =	vld.idx.msk [tilespmem:v8+s5+$0x0], $0xffff;
	v8 =	vadd.s32 $0x1388, v3;
	[tilespmem:s29+$0xC590] =	vst v9  }
0xd3: {  	v9 =	vadd.s32 $0x1388, v50;
	[tilespmem:s14+$0xA180] =	vst v10;
	v10 =	vld.idx.msk [tilespmem:v13+s5+$0x0], $0xffff  }
0xd4: {  	v13 =	vld.idx.msk [tilespmem:v14+s5+$0x0], $0xffff;
	[tilespmem:s14+$0xA590] =	vst v15;
	v14 =	vadd.s32 $0x55F0, v6  }
0xd5: {  	v15 =	vadd.s32 $0x32C8, v49;
	[tilespmem:s29+$0xC180] =	vst v7;
	v12 =	vld.idx.msk [tilespmem:v12+s5+$0x0], $0xffff  }
0xd6: {  	v7 =	vadd.s32 $0x36B0, v0;
	[tilespmem:s30+$0x8590] =	vst v5;
	v5 =	vld.idx.msk [tilespmem:v16+s5+$0x0], $0xffff  }
0xd7: {  	v16 =	vadd.s32 $0x5208, v11;
	v8 =	vld.idx.msk [tilespmem:v8+s5+$0x0], $0xffff;
	[tilespmem:s30+$0x8580] =	vst v4  }
0xd8: {  	v4 =	vld.idx.msk [tilespmem:v9+s5+$0x0], $0xffff;
	v9 =	vadd.s32 $0x1770, v3;
	[tilespmem:s29+$0xC990] =	vst v10  }
0xd9: {  	v10 =	vadd.s32 $0x1770, v50;
	[tilespmem:s14+$0xA580] =	vst v13;
	v13 =	vld.idx.msk [tilespmem:v14+s5+$0x0], $0xffff  }
0xda: {  	v14 =	vld.idx.msk [tilespmem:v15+s5+$0x0], $0xffff;
	[tilespmem:s14+$0xA990] =	vst v12;
	v12 =	vadd.s32 $0x59D8, v6  }
0xdb: {  	v15 =	vadd.s32 $0x36B0, v49;
	[tilespmem:s29+$0xC580] =	vst v5;
	v7 =	vld.idx.msk [tilespmem:v7+s5+$0x0], $0xffff  }
0xdc: {  	v5 =	vld.idx.msk [tilespmem:v16+s5+$0x0], $0xffff;
	[tilespmem:s30+$0x8990] =	vst v8  }
0xdd: {  	v8 =	vadd.s32 $0x3A98, v0;
	v9 =	vld.idx.msk [tilespmem:v9+s5+$0x0], $0xffff;
	[tilespmem:s30+$0x8980] =	vst v4  }
0xde: {  	v10 =	vld.idx.msk [tilespmem:v10+s5+$0x0], $0xffff;
	[tilespmem:s29+$0xCD90] =	vst v13  }
0xdf: {  	v16 =	vadd.s32 $0x55F0, v11;
	[tilespmem:s14+$0xA980] =	vst v14;
	v12 =	vld.idx.msk [tilespmem:v12+s5+$0x0], $0xffff  }
0xe0: {  	s25 =	simm.s32 $0x60;
	v4 =	vadd.s32 $0x1B58, v3;
	v13 =	vld.idx.msk [tilespmem:v15+s5+$0x0], $0xffff;
	[tilespmem:s14+$0xAD90] =	vst v7  }
0xe1: {  	v14 =	vadd.s32 $0x1B58, v50;
	[tilespmem:s29+$0xC980] =	vst v5;
	v5 =	vld [tilespmem:s25+$0x6D70]  }
0xe2: {  	v7 =	vld.idx.msk [tilespmem:v8+s5+$0x0], $0xffff;
	v8 =	vadd.s32 $0x5DC0, v6  }
0xe3: {  	v51 =	vld [tilespmem:s25+$0x6D60];
	v17 =	vadd.s32 $0x3A98, v49  }
0xe4: {  	[tilespmem:s30+$0x8D90] =	vst v9;
	v9 =	vld.idx.msk [tilespmem:v16+s5+$0x0], $0xffff;
	v16 =	vadd.s32 $0x3E80, v0  }
0xe5: {  	v15 =	vld.idx.msk [tilespmem:v4+s5+$0x0], $0xffff;
	[tilespmem:s30+$0x8D80] =	vst v10  }
0xe6: {  	v18 =	vadd.s32 $0x1F40, v3;
	v10 =	vld.idx.msk [tilespmem:v14+s5+$0x0], $0xffff;
	[tilespmem:s29+$0xD190] =	vst v12  }
0xe7: {  	v12 =	vadd.s32 $0x59D8, v11;
	[tilespmem:s14+$0xAD80] =	vst v13;
	v8 =	vld.idx.msk [tilespmem:v8+s5+$0x0], $0xffff  }
0xe8: {  	v13 =	vadd.s32 $0x61A8, v6;
	[tilespmem:s14+$0xB190] =	vst v7;
	v14 =	vld.idx.msk [tilespmem:v17+s5+$0x0], $0xffff  }
0xe9: {  	v7 =	vld.idx.msk [tilespmem:v16+s5+$0x0], $0xffff;
	[tilespmem:s29+$0xCD80] =	vst v9  }
0xea: {  	[tilespmem:s30+$0x9190] =	vst v15;
	v15 =	vadd.s32 $0x4268, v0;
	v17 =	vld.idx.msk [tilespmem:v5+s5+$0x0], $0xffff  }
0xeb: {  	v16 =	vadd.s32 $0x1F40, v50;
	v9 =	vld.idx.msk [tilespmem:v18+s5+$0x0], $0xffff;
	[tilespmem:s30+$0x9180] =	vst v10  }
0xec: {  	v19 =	vadd.s32 $0x3E8, v5;
	v12 =	vld.idx.msk [tilespmem:v12+s5+$0x0], $0xffff;
	[tilespmem:s29+$0xD590] =	vst v8  }
0xed: {  	v18 =	vadd.s32 $0x2328, v3;
	[tilespmem:s14+$0xB180] =	vst v14;
	v10 =	vld.idx.msk [tilespmem:v13+s5+$0x0], $0xffff  }
0xee: {  	v8 =	vadd.s32 $0x3E80, v49;
	v13 =	vld.idx.msk [tilespmem:v51+s5+$0x0], $0xffff;
	[tilespmem:s14+$0xB590] =	vst v7  }
0xef: {  	v7 =	vld.idx.msk [tilespmem:v15+s5+$0x0], $0xffff;
	[tilespmem:s25+$0x7590] =	vst v17  }
0xf0: {  	v14 =	vadd.s32 $0x3E8, v51;
	v15 =	vld.idx.msk [tilespmem:v16+s5+$0x0], $0xffff;
	[tilespmem:s30+$0x9590] =	vst v9  }
0xf1: {  	v16 =	vadd.s32 $0x4650, v0;
	v17 =	vld.idx.msk [tilespmem:v19+s5+$0x0], $0xffff;
	[tilespmem:s29+$0xD180] =	vst v12  }
0xf2: {  	v9 =	vld.idx.msk [tilespmem:v18+s5+$0x0], $0xffff;
	v12 =	vadd.s32 $0x2328, v50;
	[tilespmem:s29+$0xD990] =	vst v10  }
0xf3: {  	v19 =	vadd.s32 $0x7D0, v5;
	v8 =	vld.idx.msk [tilespmem:v8+s5+$0x0], $0xffff;
	[tilespmem:s25+$0x7580] =	vst v13  }
0xf4: {  	v18 =	vadd.s32 $0x2710, v3;
	v13 =	vld.idx.msk [tilespmem:v6+s17+$0x0], $0xffff;
	[tilespmem:s14+$0xB990] =	vst v7  }
0xf5: {  	v10 =	vadd.s32 $0x4268, v49;
	v14 =	vld.idx.msk [tilespmem:v14+s5+$0x0], $0xffff;
	[tilespmem:s30+$0x9580] =	vst v15  }
0xf6: {  	v7 =	vld.idx.msk [tilespmem:v16+s5+$0x0], $0xffff;
	[tilespmem:s25+$0x7990] =	vst v17  }
0xf7: {  	v15 =	vadd.s32 $0x7D0, v51;
	v12 =	vld.idx.msk [tilespmem:v12+s5+$0x0], $0xffff;
	[tilespmem:s30+$0x9990] =	vst v9  }
0xf8: {  	v17 =	vld.idx.msk [tilespmem:v19+s5+$0x0], $0xffff;
	[tilespmem:s14+$0xB580] =	vst v8;
	v8 =	vadd.s32 $0x4A38, v0  }
0xf9: {  	v16 =	vadd.s32 $0x2710, v50;
	v9 =	vld.idx.msk [tilespmem:v18+s5+$0x0], $0xffff  }
0xfa: {  	v18 =	vadd.s32 $0x2AF8, v3;
	v10 =	vld.idx.msk [tilespmem:v10+s5+$0x0], $0xffff;
	[tilespmem:s29+$0x14590] =	vst v13  }
0xfb: {  	v13 =	vadd.s32 $0x4650, v49;
	[tilespmem:s25+$0x7980] =	vst v14;
	v6 =	vld.idx.msk [tilespmem:v6+s18+$0x0], $0xffff  }
0xfc: {  	v14 =	vld.idx.msk [tilespmem:v15+s5+$0x0], $0xffff;
	v15 =	vadd.s32 $0xBB8, v5;
	[tilespmem:s14+$0xBD90] =	vst v7  }
0xfd: {  	v7 =	vadd.s32 $0x5DC0, v11;
	[tilespmem:s30+$0x9980] =	vst v12;
	v8 =	vld.idx.msk [tilespmem:v8+s5+$0x0], $0xffff  }
0xfe: {  	v12 =	vadd.s32 $0xBB8, v51;
	v16 =	vld.idx.msk [tilespmem:v16+s5+$0x0], $0xffff;
	[tilespmem:s30+$0x9D90] =	vst v9  }
0xff: {  	v9 =	vld.idx.msk [tilespmem:v18+s5+$0x0], $0xffff;
	[tilespmem:s14+$0xB980] =	vst v10;
	v10 =	vadd.s32 $0x4E20, v0  }
0x100: {  	[tilespmem:s25+$0x7D90] =	vst v17;
	v18 =	vadd.s32 $0x2AF8, v50;
	v13 =	vld.idx.msk [tilespmem:v13+s5+$0x0], $0xffff  }
0x101: {  	v17 =	vadd.s32 $0x2EE0, v3;
	v15 =	vld.idx.msk [tilespmem:v15+s5+$0x0], $0xffff;
	[tilespmem:s29+$0x14D90] =	vst v6  }
0x102: {  	v6 =	vadd.s32 $0x4A38, v49;
	[tilespmem:s25+$0x7D80] =	vst v14;
	v7 =	vld.idx.msk [tilespmem:v7+s5+$0x0], $0xffff  }
0x103: {  	v14 =	vadd.s32 $0xFA0, v5;
	v12 =	vld.idx.msk [tilespmem:v12+s5+$0x0], $0xffff;
	[tilespmem:s14+$0xC190] =	vst v8  }
0x104: {  	v8 =	vadd.s32 $0x61A8, v11;
	[tilespmem:s30+$0x9D80] =	vst v16;
	v10 =	vld.idx.msk [tilespmem:v10+s5+$0x0], $0xffff  }
0x105: {  	v16 =	vadd.s32 $0xFA0, v51;
	v18 =	vld.idx.msk [tilespmem:v18+s5+$0x0], $0xffff;
	[tilespmem:s30+$0xA190] =	vst v9  }
0x106: {  	v9 =	vld.idx.msk [tilespmem:v17+s5+$0x0], $0xffff;
	[tilespmem:s14+$0xBD80] =	vst v13;
	v13 =	vadd.s32 $0x5208, v0  }
0x107: {  	v17 =	vadd.s32 $0x2EE0, v50;
	[tilespmem:s25+$0x8190] =	vst v15;
	v6 =	vld.idx.msk [tilespmem:v6+s5+$0x0], $0xffff  }
0x108: {  	v15 =	vadd.s32 $0x32C8, v3;
	[tilespmem:s29+$0xD580] =	vst v7;
	v14 =	vld.idx.msk [tilespmem:v14+s5+$0x0], $0xffff  }
0x109: {  	v7 =	vadd.s32 $0x4E20, v49;
	[tilespmem:s25+$0x8180] =	vst v12;
	v8 =	vld.idx.msk [tilespmem:v8+s5+$0x0], $0xffff  }
0x10a: {  	v12 =	vld.idx.msk [tilespmem:v16+s5+$0x0], $0xffff;
	v16 =	vadd.s32 $0x1388, v5;
	[tilespmem:s14+$0xC590] =	vst v10  }
0x10b: {  	[tilespmem:s30+$0xA180] =	vst v18;
	v10 =	vld.idx.msk [tilespmem:v13+s5+$0x0], $0xffff  }
0x10c: {  	v13 =	vadd.s32 $0x1388, v51;
	v18 =	vld.idx.msk [tilespmem:v17+s5+$0x0], $0xffff;
	[tilespmem:s30+$0xA590] =	vst v9  }
0x10d: {  	v20 =	vld.idx.msk [tilespmem:v15+s5+$0x0], $0xffff;
	[tilespmem:s14+$0xC180] =	vst v6;
	v15 =	vadd.s32 $0x55F0, v0  }
0x10e: {  	v23 =	vadd.s32 $0x5208, v49;
	v25 =	vadd.s32 $0x32C8, v50;
	[tilespmem:s25+$0x8590] =	vst v14;
	v14 =	vld.idx.msk [tilespmem:v7+s5+$0x0], $0xffff  }
0x10f: {  	v42 =	vadd.s32 $0x55F0, v49;
	v56 =	vadd.s32 $0x59D8, v49;
	v27 =	vadd.s32 $0x36B0, v3;
	v26 =	vld.idx.msk [tilespmem:v16+s5+$0x0], $0xffff;
	[tilespmem:s29+$0xD980] =	vst v8  }
0x110: {  	v55 =	vadd.s32 $0x5DC0, v49;
	v52 =	vadd.s32 $0x61A8, v49;
	v41 =	vadd.s32 $0x36B0, v50;
	[tilespmem:s25+$0x8580] =	vst v12;
	v28 =	vld.idx.msk [tilespmem:v11+s17+$0x0], $0xffff  }
0x111: {  	v24 =	vadd.s32 $0x3A98, v50;
	v22 =	vadd.s32 $0x3E80, v50;
	v30 =	vadd.s32 $0x1770, v5;
	v29 =	vld.idx.msk [tilespmem:v13+s5+$0x0], $0xffff;
	[tilespmem:s14+$0xC990] =	vst v10  }
0x112: {  	v21 =	vadd.s32 $0x4268, v50;
	v59 =	vadd.s32 $0x4650, v50;
	v39 =	vadd.s32 $0x1770, v51;
	[tilespmem:s30+$0xA580] =	vst v18;
	v18 =	vld.idx.msk [tilespmem:v15+s5+$0x0], $0xffff  }
0x113: {  	v58 =	vadd.s32 $0x59D8, v50;
	v57 =	vadd.s32 $0x5DC0, v50;
	v53 =	vadd.s32 $0x61A8, v50;
	v25 =	vld.idx.msk [tilespmem:v25+s5+$0x0], $0xffff;
	[tilespmem:s30+$0xA990] =	vst v20  }
0x114: {  	v38 =	vadd.s32 $0x1B58, v51;
	v36 =	vadd.s32 $0x1F40, v51;
	v44 =	vld.idx.msk [tilespmem:v27+s5+$0x0], $0xffff;
	[tilespmem:s14+$0xC580] =	vst v14;
	v14 =	vadd.s32 $0x59D8, v0  }
0x115: {  	v35 =	vadd.s32 $0x2328, v51;
	v34 =	vadd.s32 $0x2710, v51;
	v33 =	vadd.s32 $0x2AF8, v51;
	[tilespmem:s25+$0x8990] =	vst v26;
	v47 =	vld.idx.msk [tilespmem:v23+s5+$0x0], $0xffff  }
0x116: {  	v32 =	vadd.s32 $0x2EE0, v51;
	v31 =	vadd.s32 $0x32C8, v51;
	v45 =	vadd.s32 $0x3A98, v3;
	v48 =	vld.idx.msk [tilespmem:v30+s5+$0x0], $0xffff;
	[tilespmem:s29+$0x14580] =	vst v28  }
0x117: {  	v37 =	vadd.s32 $0x3A98, v51;
	v19 =	vadd.s32 $0x4A38, v50;
	v9 =	vadd.s32 $0x55F0, v50;
	[tilespmem:s25+$0x8980] =	vst v29;
	v43 =	vld.idx.msk [tilespmem:v11+s18+$0x0], $0xffff  }
0x118: {  	v12 =	vadd.s32 $0x4E20, v50;
	v16 =	vadd.s32 $0x61A8, v51;
	v10 =	vadd.s32 $0x5208, v50;
	v39 =	vld.idx.msk [tilespmem:v39+s5+$0x0], $0xffff;
	[tilespmem:s14+$0xCD90] =	vst v18  }
0x119: {  	v13 =	vadd.s32 $0x55F0, v51;
	v15 =	vadd.s32 $0x5208, v51;
	v27 =	vadd.s32 $0x4650, v51;
	[tilespmem:s30+$0xA980] =	vst v25;
	v40 =	vld.idx.msk [tilespmem:v14+s5+$0x0], $0xffff  }
0x11a: {  	v23 =	vadd.s32 $0x4E20, v51;
	v26 =	vadd.s32 $0x59D8, v51;
	v30 =	vadd.s32 $0x36B0, v51;
	v46 =	vld.idx.msk [tilespmem:v41+s5+$0x0], $0xffff;
	[tilespmem:s30+$0xAD90] =	vst v44  }
0x11b: {  	v28 =	vadd.s32 $0x4268, v51;
	v29 =	vadd.s32 $0x3E80, v51;
	v25 =	vadd.s32 $0x4A38, v51;
	v45 =	vld.idx.msk [tilespmem:v45+s5+$0x0], $0xffff;
	[tilespmem:s14+$0xC980] =	vst v47  }
0x11c: {  	s28 =	simm.s32 $0x200;
	s26 =	simm.s32 $0x6;
	v14 =	vadd.s32 $0x5DC0, v51;
	v41 =	vadd.s32 $0x5DC0, v0;
	v47 =	vadd.s32 $0x1B58, v5;
	[tilespmem:s25+$0x8D90] =	vst v48;
	v44 =	vld.idx.msk [tilespmem:v42+s5+$0x0], $0xffff  }
.LBB2_3:
0x11d: {  	_ = 	snop  }
0x11e: {  	[tilespmem:$0x1FFA0] =	vst v10  }
0x11f: {  	[tilespmem:$0x1FFC0] =	vst v51  }
0x120: {  	[tilespmem:$0x1FFE0] =	vst v9  }
0x121: {  	s31 =	sshra.s32 s28, $0x2;
	v42 =	vld.idx.msk [tilespmem:v47+s5+$0x0], $0xffff;
	[tilespmem:s29+$0x14D80] =	vst v43  }
0x122: {  	v60 =	vadd.s32 $0x3E80, v3;
	s29 =	smov.u32 s14;
	v9 =	vmov v49;
	s14 =	smov.u32 s30;
	v49 =	vld [tilespmem:s31+$0x6D70];
	[tilespmem:s25+$0x8D80] =	vst v39  }
0x123: {  	v39 =	vld [tilespmem:s31+$0x6D60];
	[tilespmem:s14+$0xAD80] =	vst v46  }
0x124: {  	v61 =	vadd.s32 $0x1F40, v5;
	[tilespmem:s29+$0xD190] =	vst v40;
	v48 =	vld.idx.msk [tilespmem:v38+s5+$0x0], $0xffff  }
0x125: {  	[tilespmem:s29+$0xCD80] =	vst v44;
	v41 =	vld.idx.msk [tilespmem:v41+s5+$0x0], $0xffff  }
0x126: {  	v62 =	vadd.s32 $0x61A8, v0;
	v18 =	vmov v12;
	v12 =	vmov v55;
	[tilespmem:s14+$0xB190] =	vst v45;
	v55 =	vld.idx.msk [tilespmem:v56+s5+$0x0], $0xffff  }
0x127: {  	[tilespmem:$0x1FFB0] =	vst v50;
	s30 =	smov.u32 s25;
	v45 =	vld.idx.msk [tilespmem:v60+s5+$0x0], $0xffff  }
0x128: {  	v11 =	vmov v53;
	v53 =	vadd.s32 $0x4268, v3;
	[tilespmem:s30+$0x9190] =	vst v42;
	v42 =	vld.idx.msk [tilespmem:v24+s5+$0x0], $0xffff;
	v1 =	vadd.s32 $0x1770, v39  }
0x129: {  	v10 =	vmov v52;
	v52 =	vld.idx.msk [tilespmem:v61+s5+$0x0], $0xffff;
	[tilespmem:$0x1FFD0] =	vst v1  }
0x12a: {  	v40 =	vmov v15;
	v15 =	vmov v26;
	v26 =	vadd.s32 $0x2328, v5;
	v56 =	vld.idx.msk [tilespmem:v49+s5+$0x0], $0xffff;
	[tilespmem:s29+$0xD590] =	vst v41  }
0x12b: {  	[tilespmem:s30+$0x9180] =	vst v48;
	v60 =	vld.idx.msk [tilespmem:v62+s5+$0x0], $0xffff  }
0x12c: {  	v63 =	vadd.s32 $0x3E8, v49;
	v61 =	vld.idx.msk [tilespmem:v39+s5+$0x0], $0xffff;
	[tilespmem:s14+$0xB590] =	vst v45  }
0x12d: {  	[tilespmem:s14+$0xB180] =	vst v42;
	v53 =	vld.idx.msk [tilespmem:v53+s5+$0x0], $0xffff  }
0x12e: {  	v17 =	vmovc v14;
	v14 =	vmov v57;
	v50 =	vadd.s32 $0x3E8, v39;
	v57 =	vadd.s32 $0x1F40, v39;
	v6 =	vld.idx.msk [tilespmem:v36+s5+$0x0], $0xffff;
	[tilespmem:s30+$0x9590] =	vst v52  }
0x12f: {  	v7 =	vadd.s32 $0x4650, v3;
	s25 =	smov.u32 s31;
	v36 =	vmov v57;
	[tilespmem:s29+$0xD180] =	vst v55;
	v57 =	vld.idx.msk [tilespmem:v26+s5+$0x0], $0xffff  }
0x130: {  	v55 =	vld.idx.msk [tilespmem:v22+s5+$0x0], $0xffff;
	[tilespmem:s25+$0x7590] =	vst v56  }
0x131: {  	v8 =	vadd.s32 $0x2710, v5;
	v63 =	vld.idx.msk [tilespmem:v63+s5+$0x0], $0xffff;
	[tilespmem:s29+$0xD990] =	vst v60  }
0x132: {  	[tilespmem:s25+$0x7580] =	vst v61;
	v60 =	vld.idx.msk [tilespmem:v0+s17+$0x0], $0xffff  }
0x133: {  	v61 =	vadd.s32 $0x7D0, v49;
	v50 =	vld.idx.msk [tilespmem:v50+s5+$0x0], $0xffff;
	[tilespmem:s14+$0xB990] =	vst v53  }
0x134: {  	[tilespmem:s30+$0x9580] =	vst v6;
	v6 =	vld.idx.msk [tilespmem:v7+s5+$0x0], $0xffff  }
0x135: {  	v51 =	vadd.s32 $0x7D0, v39;
	v7 =	vld.idx.msk [tilespmem:v35+s5+$0x0], $0xffff;
	[tilespmem:s30+$0x9990] =	vst v57  }
0x136: {  	v53 =	vadd.s32 $0x4A38, v3;
	[tilespmem:s14+$0xB580] =	vst v55;
	v8 =	vld.idx.msk [tilespmem:v8+s5+$0x0], $0xffff  }
0x137: {  	v1 =	vadd.s32 $0x4268, v39;
	v55 =	vld.idx.msk [tilespmem:v21+s5+$0x0], $0xffff;
	[tilespmem:s25+$0x7990] =	vst v63  }
0x138: {  	v21 =	vmov v28;
	v28 =	vmov v1;
	v63 =	vadd.s32 $0x2AF8, v5;
	v1 =	vld.idx.msk [tilespmem:v61+s5+$0x0], $0xffff;
	[tilespmem:s29+$0x14590] =	vst v60  }
0x139: {  	v20 =	vmovc v59;
	[tilespmem:s25+$0x7980] =	vst v50;
	v50 =	vld.idx.msk [tilespmem:v0+s18+$0x0], $0xffff;
	v0 =	vmov v3;
	v3 =	vmov v5;
	v5 =	vmov v49  }
0x13a: {  	v49 =	vld.idx.msk [tilespmem:v51+s5+$0x0], $0xffff;
	[tilespmem:s14+$0xBD90] =	vst v6;
	v61 =	vadd.s32 $0xBB8, v5  }
0x13b: {  	[tilespmem:s30+$0x9980] =	vst v7;
	v6 =	vld.idx.msk [tilespmem:v53+s5+$0x0], $0xffff  }
0x13c: {  	v54 =	vadd.s32 $0xBB8, v39;
	v59 =	vadd.s32 $0x2710, v39;
	v7 =	vld.idx.msk [tilespmem:v34+s5+$0x0], $0xffff;
	[tilespmem:s30+$0x9D90] =	vst v8  }
0x13d: {  	[tilespmem:s14+$0xB980] =	vst v55;
	v8 =	vld.idx.msk [tilespmem:v63+s5+$0x0], $0xffff  }
0x13e: {  	v4 =	vadd.s32 $0x4650, v39;
	v63 =	vadd.s32 $0x4E20, v0;
	[tilespmem:s25+$0x7D90] =	vst v1;
	v1 =	vld.idx.msk [tilespmem:v20+s5+$0x0], $0xffff  }
0x13f: {  	v2 =	vadd.s32 $0x3E80, v39;
	v34 =	vmovc v59;
	v59 =	vmov v27;
	v27 =	vmov v4;
	[tilespmem:s25+$0x7D80] =	vst v49;
	v4 =	vld.idx.msk [tilespmem:v61+s5+$0x0], $0xffff  }
0x140: {  	v22 =	vmovc v29;
	v29 =	vmov v2;
	v2 =	vadd.s32 $0x5DC0, v39;
	v60 =	vadd.s32 $0x2EE0, v3;
	[tilespmem:s29+$0x14D90] =	vst v50;
	v49 =	vld.idx.msk [tilespmem:v12+s5+$0x0], $0xffff  }
0x141: {  	v55 =	vmov v14;
	v14 =	vmov v2;
	v2 =	vld.idx.msk [tilespmem:v54+s5+$0x0], $0xffff;
	[tilespmem:s30+$0x9D80] =	vst v7  }
0x142: {  	v61 =	vadd.s32 $0xFA0, v5;
	[tilespmem:s14+$0xC190] =	vst v6  }
0x143: {  	v6 =	vld.idx.msk [tilespmem:v63+s5+$0x0], $0xffff;
	[tilespmem:s30+$0xA190] =	vst v8  }
0x144: {  	v46 =	vadd.s32 $0xFA0, v39;
	v7 =	vld.idx.msk [tilespmem:v33+s5+$0x0], $0xffff;
	[tilespmem:s14+$0xBD80] =	vst v1  }
0x145: {  	v8 =	vld.idx.msk [tilespmem:v60+s5+$0x0], $0xffff;
	v1 =	vadd.s32 $0x5208, v0;
	[tilespmem:s25+$0x8190] =	vst v4  }
0x146: {  	v62 =	vadd.s32 $0x2AF8, v39;
	v4 =	vld.idx.msk [tilespmem:v19+s5+$0x0], $0xffff;
	[tilespmem:s29+$0xD580] =	vst v49  }
0x147: {  	v33 =	vmov v62;
	v62 =	vadd.s32 $0x32C8, v3;
	v50 =	vld.idx.msk [tilespmem:v61+s5+$0x0], $0xffff;
	[tilespmem:s25+$0x8180] =	vst v2  }
0x148: {  	v2 =	vld.idx.msk [tilespmem:v10+s5+$0x0], $0xffff;
	[tilespmem:s14+$0xC590] =	vst v6  }
0x149: {  	v63 =	vadd.s32 $0x1388, v5;
	v46 =	vld.idx.msk [tilespmem:v46+s5+$0x0], $0xffff;
	[tilespmem:s30+$0xA180] =	vst v7  }
0x14a: {  	v1 =	vld.idx.msk [tilespmem:v1+s5+$0x0], $0xffff;
	[tilespmem:s30+$0xA590] =	vst v8  }
0x14b: {  	v43 =	vadd.s32 $0x1388, v39;
	v6 =	vld.idx.msk [tilespmem:v32+s5+$0x0], $0xffff;
	[tilespmem:s14+$0xC180] =	vst v4  }
0x14c: {  	v7 =	vld.idx.msk [tilespmem:v62+s5+$0x0], $0xffff;
	v4 =	vadd.s32 $0x55F0, v0;
	[tilespmem:s25+$0x8590] =	vst v50  }
0x14d: {  	v8 =	vld.idx.msk [tilespmem:v18+s5+$0x0], $0xffff;
	[tilespmem:s29+$0xD980] =	vst v2  }
0x14e: {  	v54 =	vld.idx.msk [tilespmem:v63+s5+$0x0], $0xffff;
	[tilespmem:s25+$0x8580] =	vst v46  }
0x14f: {  	v2 =	vld.idx.msk [tilespmem:v9+s17+$0x0], $0xffff  }
0x150: {  	[tilespmem:s14+$0xC990] =	vst v1;
	v43 =	vld.idx.msk [tilespmem:v43+s5+$0x0], $0xffff  }
0x151: {  	[tilespmem:s30+$0xA580] =	vst v6;
	v1 =	vld.idx.msk [tilespmem:v4+s5+$0x0], $0xffff  }
0x152: {  	v4 =	vld.idx.msk [tilespmem:v31+s5+$0x0], $0xffff  }
0x153: {  	[tilespmem:s14+$0xC580] =	vst v8;
	v8 =	vld [tilespmem:$0x1FFA0];
	_ =	sdelay $0x7  }
0x154: {  	v8 =	vld.idx.msk [tilespmem:v8+s5+$0x0], $0xffff  }
0x155: {  	[tilespmem:s29+$0x14580] =	vst v2;
	v2 =	vld [tilespmem:$0x1FFB0];
	_ =	sdelay $0x3  }
0x156: {  	v60 =	vadd.s32 $0x36B0, v3  }
0x157: {  	v49 =	vmov v2;
	v2 =	vld [tilespmem:$0x1FFC0]  }
0x158: {  	v61 =	vadd.s32 $0x1770, v5;
	_ =	sdelay $0x1  }
0x159: {  	[tilespmem:s30+$0xA990] =	vst v7  }
0x15a: {  	v6 =	vld.idx.msk [tilespmem:v60+s5+$0x0], $0xffff  }
0x15b: {  	[tilespmem:s25+$0x8990] =	vst v54;
	v50 =	vmov v2;
	v2 =	vld [tilespmem:$0x1FFD0]  }
0x15c: {  	v62 =	vld.idx.msk [tilespmem:v61+s5+$0x0], $0xffff  }
0x15d: {  	[tilespmem:s14+$0xCD90] =	vst v1;
	v1 =	vld [tilespmem:$0x1FFE0];
	_ =	sdelay $0x2  }
0x15e: {  	[tilespmem:$0x1FFF0] =	vst v13;
	v13 =	vmovc v58;
	v38 =	vadd.s32 $0x1B58, v39;
	v58 =	vadd.s32 $0x2328, v39;
	v47 =	vadd.s32 $0x2EE0, v39  }
0x15f: {  	v24 =	vmovc v37;
	v44 =	vadd.s32 $0x32C8, v39;
	v37 =	vadd.s32 $0x3A98, v39;
	v48 =	vadd.s32 $0x4E20, v39;
	[tilespmem:s25+$0x8980] =	vst v43  }
0x160: {  	v41 =	vadd.s32 $0x36B0, v39;
	v45 =	vadd.s32 $0x5208, v39;
	v42 =	vadd.s32 $0x55F0, v39;
	v43 =	vld.idx.msk [tilespmem:v9+s18+$0x0], $0xffff  }
0x161: {  	v52 =	vadd.s32 $0x4A38, v39;
	v26 =	vadd.s32 $0x59D8, v39;
	v56 =	vadd.s32 $0x61A8, v39;
	v51 =	vmovc v39;
	v39 =	vld.idx.msk [tilespmem:v2+s5+$0x0], $0xffff;
	[tilespmem:s30+$0xA980] =	vst v4  }
0x162: {  	v46 =	vld.idx.msk [tilespmem:v30+s5+$0x0], $0xffff;
	[tilespmem:s14+$0xC980] =	vst v8  }
0x163: {  	s26 =	sadd.s32 $0x2, s26;
	v31 =	vmov v44;
	v7 =	vadd.s32 $0x59D8, v0;
	v44 =	vld.idx.msk [tilespmem:v1+s5+$0x0], $0xffff  }
0x164: {  	p3 =	slt.u32 s26, $0x3E;
	v63 =	vadd.s32 $0x3A98, v3;
	v1 =	vld [tilespmem:$0x1FFF0]  }
.Ltmp5:
0x165: {  	_ = 	snop;
	(pc) =	sbr.rel @p3 .LBB2_3-.Ltmp5, $4  }
0x166: {  	v35 =	vmovc v58;
	v58 =	vmov v15;
	v57 =	vmov v17;
	v15 =	vmov v45  }
0x167: {  	v53 =	vmovc v16;
	v16 =	vmovc v56;
	v56 =	vmov v13;
	v13 =	vmov v42;
	v12 =	vmov v23  }
0x168: {  	v23 =	vmovc v48;
	v19 =	vmovc v25;
	v25 =	vmov v52;
	v52 =	vmov v11;
	v10 =	vmov v40;
	v40 =	vld.idx.msk [tilespmem:v7+s5+$0x0], $0xffff;
	[tilespmem:s30+$0xAD90] =	vst v6  }
0x169: {  	s28 =	sadd.s32 $0x80, s28;
	v32 =	vmovc v47;
	v47 =	vadd.s32 $0x1B58, v5;
	v45 =	vld.idx.msk [tilespmem:v63+s5+$0x0], $0xffff;
	[tilespmem:s25+$0x8D90] =	vst v62;
	v30 =	vmovc v41;
	v41 =	vadd.s32 $0x5DC0, v0;
	v9 =	vmov v1  }
0x16a: {  	_ =	sdelay $0x3  }
0x16b: {  	v1 =	vld.idx.msk [tilespmem:v47+s5+$0x0], $0xffff;
	[tilespmem:s25+$0x8D80] =	vst v39  }
0x16c: {  	v2 =	vadd.s32 $0x1F40, v5;
	v4 =	vld.idx.msk [tilespmem:v38+s5+$0x0], $0xffff;
	_ =	sdelay $0x3  }
0x16d: {  	[tilespmem:s25+$0x9190] =	vst v1  }
0x16e: {  	v1 =	vld.idx.msk [tilespmem:v2+s5+$0x0], $0xffff;
	[tilespmem:s25+$0x9180] =	vst v4  }
0x16f: {  	v54 =	vadd.s32 $0x2328, v5;
	v4 =	vld.idx.msk [tilespmem:v36+s5+$0x0], $0xffff;
	_ =	sdelay $0x3  }
0x170: {  	[tilespmem:s25+$0x9590] =	vst v1  }
0x171: {  	v1 =	vld.idx.msk [tilespmem:v54+s5+$0x0], $0xffff;
	[tilespmem:s25+$0x9580] =	vst v4  }
0x172: {  	v60 =	vadd.s32 $0x2710, v5;
	v4 =	vld.idx.msk [tilespmem:v35+s5+$0x0], $0xffff;
	_ =	sdelay $0x3  }
0x173: {  	[tilespmem:s25+$0x9990] =	vst v1  }
0x174: {  	v1 =	vld.idx.msk [tilespmem:v60+s5+$0x0], $0xffff;
	[tilespmem:s25+$0x9980] =	vst v4  }
0x175: {  	v61 =	vadd.s32 $0x2AF8, v5;
	v4 =	vld.idx.msk [tilespmem:v34+s5+$0x0], $0xffff;
	_ =	sdelay $0x3  }
0x176: {  	[tilespmem:s25+$0x9D90] =	vst v1  }
0x177: {  	v1 =	vld.idx.msk [tilespmem:v61+s5+$0x0], $0xffff;
	[tilespmem:s25+$0x9D80] =	vst v4  }
0x178: {  	v62 =	vadd.s32 $0x2EE0, v5;
	v4 =	vld.idx.msk [tilespmem:v33+s5+$0x0], $0xffff;
	_ =	sdelay $0x3  }
0x179: {  	[tilespmem:s25+$0xA190] =	vst v1  }
0x17a: {  	v1 =	vld.idx.msk [tilespmem:v62+s5+$0x0], $0xffff;
	[tilespmem:s25+$0xA180] =	vst v4  }
0x17b: {  	v63 =	vadd.s32 $0x32C8, v5;
	v4 =	vld.idx.msk [tilespmem:v32+s5+$0x0], $0xffff;
	_ =	sdelay $0x3  }
0x17c: {  	[tilespmem:s25+$0xA590] =	vst v1  }
0x17d: {  	v1 =	vld.idx.msk [tilespmem:v63+s5+$0x0], $0xffff;
	[tilespmem:s25+$0xA580] =	vst v4  }
0x17e: {  	v8 =	vadd.s32 $0x36B0, v5;
	v4 =	vld.idx.msk [tilespmem:v31+s5+$0x0], $0xffff;
	_ =	sdelay $0x3  }
0x17f: {  	[tilespmem:s25+$0xA990] =	vst v1  }
0x180: {  	v1 =	vld.idx.msk [tilespmem:v8+s5+$0x0], $0xffff;
	[tilespmem:s25+$0xA980] =	vst v4  }
0x181: {  	v11 =	vadd.s32 $0x3A98, v5;
	v4 =	vld.idx.msk [tilespmem:v30+s5+$0x0], $0xffff;
	_ =	sdelay $0x2  }
0x182: {  	[tilespmem:s30+$0xAD80] =	vst v46  }
0x183: {  	v6 =	vadd.s32 $0x3E80, v3;
	v7 =	vld.idx.msk [tilespmem:v24+s5+$0x0], $0xffff;
	[tilespmem:s25+$0xAD90] =	vst v1  }
0x184: {  	v1 =	vld.idx.msk [tilespmem:v11+s5+$0x0], $0xffff;
	[tilespmem:s25+$0xAD80] =	vst v4  }
0x185: {  	v17 =	vadd.s32 $0x3E80, v5;
	v4 =	vld.idx.msk [tilespmem:v37+s5+$0x0], $0xffff;
	_ =	sdelay $0x1  }
0x186: {  	[tilespmem:s30+$0xB190] =	vst v45  }
0x187: {  	v6 =	vld.idx.msk [tilespmem:v6+s5+$0x0], $0xffff;
	[tilespmem:s30+$0xB180] =	vst v7  }
0x188: {  	v18 =	vadd.s32 $0x4268, v3;
	v8 =	vld.idx.msk [tilespmem:v22+s5+$0x0], $0xffff;
	[tilespmem:s25+$0xB190] =	vst v1  }
0x189: {  	v1 =	vld.idx.msk [tilespmem:v17+s5+$0x0], $0xffff;
	[tilespmem:s25+$0xB180] =	vst v4  }
0x18a: {  	v20 =	vadd.s32 $0x4268, v5;
	v4 =	vld.idx.msk [tilespmem:v29+s5+$0x0], $0xffff;
	_ =	sdelay $0x1  }
0x18b: {  	[tilespmem:s30+$0xB590] =	vst v6  }
0x18c: {  	v6 =	vld.idx.msk [tilespmem:v18+s5+$0x0], $0xffff;
	[tilespmem:s30+$0xB580] =	vst v8  }
0x18d: {  	v22 =	vadd.s32 $0x4650, v3;
	v8 =	vld.idx.msk [tilespmem:v21+s5+$0x0], $0xffff;
	[tilespmem:s25+$0xB590] =	vst v1  }
0x18e: {  	v1 =	vld.idx.msk [tilespmem:v20+s5+$0x0], $0xffff;
	[tilespmem:s25+$0xB580] =	vst v4  }
0x18f: {  	v24 =	vadd.s32 $0x4650, v5;
	v4 =	vld.idx.msk [tilespmem:v28+s5+$0x0], $0xffff;
	_ =	sdelay $0x1  }
0x190: {  	[tilespmem:s30+$0xB990] =	vst v6  }
0x191: {  	v6 =	vld.idx.msk [tilespmem:v22+s5+$0x0], $0xffff;
	[tilespmem:s30+$0xB980] =	vst v8  }
0x192: {  	v8 =	vld.idx.msk [tilespmem:v59+s5+$0x0], $0xffff;
	v29 =	vadd.s32 $0x4A38, v3;
	[tilespmem:s25+$0xB990] =	vst v1  }
0x193: {  	v1 =	vld.idx.msk [tilespmem:v24+s5+$0x0], $0xffff;
	[tilespmem:s25+$0xB980] =	vst v4  }
0x194: {  	v30 =	vadd.s32 $0x4A38, v5;
	v4 =	vld.idx.msk [tilespmem:v27+s5+$0x0], $0xffff;
	_ =	sdelay $0x1  }
0x195: {  	[tilespmem:s30+$0xBD90] =	vst v6  }
0x196: {  	[tilespmem:s30+$0xBD80] =	vst v8;
	v6 =	vld.idx.msk [tilespmem:v29+s5+$0x0], $0xffff  }
0x197: {  	v31 =	vadd.s32 $0x4E20, v3;
	v8 =	vld.idx.msk [tilespmem:v19+s5+$0x0], $0xffff;
	[tilespmem:s25+$0xBD90] =	vst v1  }
0x198: {  	v1 =	vld.idx.msk [tilespmem:v30+s5+$0x0], $0xffff;
	[tilespmem:s25+$0xBD80] =	vst v4  }
0x199: {  	v32 =	vadd.s32 $0x4E20, v5;
	v4 =	vld.idx.msk [tilespmem:v25+s5+$0x0], $0xffff;
	_ =	sdelay $0x1  }
0x19a: {  	[tilespmem:s30+$0xC190] =	vst v6  }
0x19b: {  	[tilespmem:s30+$0xC180] =	vst v8;
	v6 =	vld.idx.msk [tilespmem:v31+s5+$0x0], $0xffff  }
0x19c: {  	v33 =	vadd.s32 $0x5208, v3;
	v8 =	vld.idx.msk [tilespmem:v12+s5+$0x0], $0xffff;
	[tilespmem:s25+$0xC190] =	vst v1  }
0x19d: {  	v1 =	vld.idx.msk [tilespmem:v32+s5+$0x0], $0xffff;
	[tilespmem:s25+$0xC180] =	vst v4  }
0x19e: {  	v34 =	vadd.s32 $0x5208, v5;
	v4 =	vld.idx.msk [tilespmem:v23+s5+$0x0], $0xffff;
	_ =	sdelay $0x1  }
0x19f: {  	[tilespmem:s30+$0xC590] =	vst v6  }
0x1a0: {  	[tilespmem:s30+$0xC580] =	vst v8;
	v6 =	vld.idx.msk [tilespmem:v33+s5+$0x0], $0xffff  }
0x1a1: {  	v35 =	vadd.s32 $0x55F0, v3;
	v8 =	vld.idx.msk [tilespmem:v10+s5+$0x0], $0xffff;
	[tilespmem:s25+$0xC590] =	vst v1  }
0x1a2: {  	v1 =	vld.idx.msk [tilespmem:v34+s5+$0x0], $0xffff;
	[tilespmem:s25+$0xC580] =	vst v4  }
0x1a3: {  	v36 =	vadd.s32 $0x55F0, v5;
	v4 =	vld.idx.msk [tilespmem:v15+s5+$0x0], $0xffff;
	_ =	sdelay $0x1  }
0x1a4: {  	[tilespmem:s30+$0xC990] =	vst v6  }
0x1a5: {  	[tilespmem:s30+$0xC980] =	vst v8;
	v6 =	vld.idx.msk [tilespmem:v35+s5+$0x0], $0xffff  }
0x1a6: {  	v37 =	vadd.s32 $0x59D8, v3;
	v8 =	vld.idx.msk [tilespmem:v9+s5+$0x0], $0xffff;
	[tilespmem:s25+$0xC990] =	vst v1  }
0x1a7: {  	v1 =	vld.idx.msk [tilespmem:v36+s5+$0x0], $0xffff;
	[tilespmem:s25+$0xC980] =	vst v4  }
0x1a8: {  	[tilespmem:s14+$0xCD80] =	vst v44;
	v38 =	vadd.s32 $0x59D8, v5;
	v4 =	vld.idx.msk [tilespmem:v13+s5+$0x0], $0xffff  }
0x1a9: {  	[tilespmem:s29+$0x14D80] =	vst v43;
	v39 =	vld.idx.msk [tilespmem:v56+s5+$0x0], $0xffff  }
0x1aa: {  	[tilespmem:s30+$0xCD90] =	vst v6  }
0x1ab: {  	[tilespmem:s30+$0xCD80] =	vst v8;
	v6 =	vld.idx.msk [tilespmem:v37+s5+$0x0], $0xffff  }
0x1ac: {  	v42 =	vadd.s32 $0x5DC0, v3;
	v8 =	vld.idx.msk [tilespmem:v58+s5+$0x0], $0xffff;
	[tilespmem:s25+$0xCD90] =	vst v1  }
0x1ad: {  	v1 =	vld.idx.msk [tilespmem:v38+s5+$0x0], $0xffff;
	[tilespmem:s25+$0xCD80] =	vst v4  }
0x1ae: {  	v43 =	vadd.s32 $0x5DC0, v5;
	[tilespmem:s14+$0xD180] =	vst v39;
	v4 =	vld.idx.msk [tilespmem:v26+s5+$0x0], $0xffff  }
0x1af: {  	[tilespmem:s14+$0xD190] =	vst v40;
	v46 =	vld.idx.msk [tilespmem:v55+s5+$0x0], $0xffff  }
0x1b0: {  	v44 =	vld.idx.msk [tilespmem:v41+s5+$0x0], $0xffff;
	[tilespmem:s30+$0xD190] =	vst v6  }
0x1b1: {  	v45 =	vadd.s32 $0x61A8, v0;
	[tilespmem:s30+$0xD180] =	vst v8;
	v6 =	vld.idx.msk [tilespmem:v42+s5+$0x0], $0xffff  }
0x1b2: {  	v47 =	vadd.s32 $0x61A8, v3;
	v8 =	vld.idx.msk [tilespmem:v57+s5+$0x0], $0xffff;
	[tilespmem:s25+$0xD190] =	vst v1  }
0x1b3: {  	v1 =	vld.idx.msk [tilespmem:v43+s5+$0x0], $0xffff;
	[tilespmem:s25+$0xD180] =	vst v4  }
0x1b4: {  	v48 =	vadd.s32 $0x61A8, v5;
	[tilespmem:s14+$0xD580] =	vst v46;
	v4 =	vld.idx.msk [tilespmem:v14+s5+$0x0], $0xffff  }
0x1b5: {  	[tilespmem:s14+$0xD590] =	vst v44;
	v54 =	vld.idx.msk [tilespmem:v52+s5+$0x0], $0xffff  }
0x1b6: {  	v9 =	vld.idx.msk [tilespmem:v45+s5+$0x0], $0xffff;
	[tilespmem:s30+$0xD590] =	vst v6  }
0x1b7: {  	[tilespmem:s30+$0xD580] =	vst v8;
	v6 =	vld.idx.msk [tilespmem:v47+s5+$0x0], $0xffff  }
0x1b8: {  	v55 =	vld.idx.msk [tilespmem:v53+s5+$0x0], $0xffff;
	[tilespmem:s25+$0xD590] =	vst v1  }
0x1b9: {  	v1 =	vld.idx.msk [tilespmem:v48+s5+$0x0], $0xffff;
	[tilespmem:s25+$0xD580] =	vst v4  }
0x1ba: {  	[tilespmem:s14+$0xD980] =	vst v54;
	v56 =	vld.idx.msk [tilespmem:v16+s5+$0x0], $0xffff  }
0x1bb: {  	[tilespmem:s14+$0xD990] =	vst v9;
	v58 =	vld.idx.msk [tilespmem:v49+s17+$0x0], $0xffff  }
0x1bc: {  	v57 =	vld.idx.msk [tilespmem:v0+s17+$0x0], $0xffff;
	[tilespmem:s30+$0xD990] =	vst v6  }
0x1bd: {  	[tilespmem:s30+$0xD980] =	vst v55;
	v6 =	vld.idx.msk [tilespmem:v3+s17+$0x0], $0xffff  }
0x1be: {  	v7 =	vld.idx.msk [tilespmem:v50+s17+$0x0], $0xffff;
	[tilespmem:s25+$0xD990] =	vst v1  }
0x1bf: {  	v1 =	vld.idx.msk [tilespmem:v5+s17+$0x0], $0xffff;
	[tilespmem:s25+$0xD980] =	vst v56  }
0x1c0: {  	[tilespmem:s14+$0x14580] =	vst v58;
	v2 =	vld.idx.msk [tilespmem:v51+s17+$0x0], $0xffff  }
0x1c1: {  	v60 =	vld.idx.msk [tilespmem:v49+s18+$0x0], $0xffff;
	[tilespmem:s14+$0x14590] =	vst v57  }
0x1c2: {  	v59 =	vld.idx.msk [tilespmem:v0+s18+$0x0], $0xffff;
	[tilespmem:s30+$0x14590] =	vst v6  }
0x1c3: {  	[tilespmem:s30+$0x14580] =	vst v7;
	v61 =	vld.idx.msk [tilespmem:v3+s18+$0x0], $0xffff  }
0x1c4: {  	v62 =	vld.idx.msk [tilespmem:v50+s18+$0x0], $0xffff;
	[tilespmem:s25+$0x14590] =	vst v1  }
0x1c5: {  	v1 =	vld.idx.msk [tilespmem:v5+s18+$0x0], $0xffff;
	[tilespmem:s25+$0x14580] =	vst v2  }
0x1c6: {  	[tilespmem:s14+$0x14D80] =	vst v60;
	v63 =	vld.idx.msk [tilespmem:v51+s18+$0x0], $0xffff  }
0x1c7: {  	[tilespmem:s14+$0x14D90] =	vst v59  }
0x1c8: {  	[tilespmem:s30+$0x14D90] =	vst v61  }
0x1c9: {  	s29 =	sshll.u32 s15, $0x7;
	[tilespmem:s30+$0x14D80] =	vst v62  }
0x1ca: {  	s14 =	sand.u32 $0x1FFFFF80, s29;
	[tilespmem:s25+$0x14D90] =	vst v1  }
0x1cb: {  	s30 =	sadd.s32 s10, s14;
	[tilespmem:s25+$0x14D80] =	vst v63  }
0x1cc: {  	[hbm4b:s30+s19] =	stream.strided.scatter [tilespmem:s21], [sflag:$0x4], $0x6800, s20, s19, $0x38;
	[tilespmem:$0x15580] =	vst v63  }
.Ltmp6:
0x1cd: {  	_ = 	snop;
	(pc) =	sbr.rel @p2 .LBB2_5-.Ltmp6, $4  }
0x1ce: {  	s31 =	sadd.s32 s4, s14  }
0x1cf: {  	[hbm4b:s31+s5] =	stream.linear.scatter [tilespmem:s22], [sflag:$0x4], $0x400, $0x38;
	[tilespmem:$0x15580] =	vst v63  }
0x1d0: {  	s14 =	sadd.s32 s11, s14  }
0x1d1: {  	[hbm4b:s14+s5] =	stream.linear.scatter [tilespmem:s23], [sflag:$0x4], $0x400, $0x38;
	[tilespmem:$0x15580] =	vst v63  }
0x1d2: {  	s14 =	sshrl.u32 s0, $0x4  }
0x1d3: {  	p2 =	seq.s32 s14, s12  }
0x1d4: {  	v0 =	vlaneseq.u32 @!p2  }
0x1d5: {  	v0 =	vmul.u32 @!p2 $0x1A, v0;
	_ =	sdelay $0x1  }
0x1d6: {  	v1 =	vadd.s32 @!p2 s14, v0;
	v0 =	vadd.s32 @!p2 $0x1A0, v0  }
0x1d7: {  	s12 =	simm.s32 @!p2 $0x1A;
	[tilespmem:$0x7560] =	vst @!p2 v1;
	v0 =	vadd.s32 @!p2 s14, v0  }
0x1d8: {  	s25 =	simm.s32 @!p2 $0x7560;
	s26 =	simm.s32 @!p2 $0x0;
	s28 =	smul.u32 @!p2 $0x7D, s14;
	[tilespmem:$0x7570] =	vst @!p2 v0  }
0x1d9: {  	[tilespmem:s26], [sflag:$0x1] =	stream.indirect.gather @!p2 [hbm4b:s1+s12], $0x3E8, s25, s12, $0xb8;
	[tilespmem:$0x15580] =	vst v63  }
0x1da: {  	s12 =	sadd.s32 @!p2 s8, s28;
	s25 =	simm.s32 @!p2 $0x6590  }
0x1db: {  	[tilespmem:s25], [sflag:$0x6] =	stream.linear.gather @!p2 [hbm4b:s12+s26], $0x3E8, $0x38;
	[tilespmem:$0x15580] =	vst v63  }
0x1dc: {  	s12 =	simm.s32 @!p2 $0x6  }
0x1dd: {  	_ =	swait.ge @!p2 [sflag:s12], $0x3E8  }
0x1de: {  	[sflag:s12] =	ssyncset.done @!p2 $0x0  }
0x1df: {  	s25 =	sadd.s32 @!p2 s9, s28;
	s28 =	simm.s32 @!p2 $0x6978;
	[sflag:s12] =	ssyncadd.s32 @!p2 $0xFFFFFC18  }
0x1e0: {  	[tilespmem:s28], [sflag:$0x6] =	stream.linear.gather @!p2 [hbm4b:s25+s26], $0x3E8, $0x38;
	[tilespmem:$0x15580] =	vst v63  }
0x1e1: {  	_ =	swait.ge @!p2 [sflag:s12], $0x3E8  }
0x1e2: {  	[sflag:s12] =	ssyncset.done @!p2 $0x0  }
0x1e3: {  	[sflag:s12] =	ssyncadd.s32 @!p2 $0xFFFFFC18;
	s12 =	simm.s32 @!p2 $0x1  }
0x1e4: {  	_ =	swait.ge @!p2 [sflag:s12], $0x6590  }
0x1e5: {  	[sflag:s12] =	ssyncset.done @!p2 $0x0  }
0x1e6: {  	[sflag:s12] =	ssyncadd.s32 @!p2 $0xFFFF9A70;
	s12 =	sadd.s32 $0x2, s15  }
0x1e7: {  	p2 =	sge.u32 s12, s7  }
0x1e8: {  	_ =	swait.ge [sflag:s24], $0x400;
	s12 =	sshll.u32 @!p2 s12, $0x7  }
0x1e9: {  	[sflag:s24] =	ssyncset.done $0x0;
	s15 =	simm.s32 @!p2 $0x0;
	s12 =	sand.u32 @!p2 $0x1FFFFF80, s12  }
0x1ea: {  	s25 =	simm.s32 @!p2 $0x6D60;
	[sflag:s24] =	ssyncadd.s32 $0xFFFFFC00;
	s12 =	sadd.s32 @!p2 s3, s12  }
0x1eb: {  	[tilespmem:s25], [sflag:$0x2] =	stream.linear.gather @!p2 [hbm4b:s12+s15], $0x400, $0x38;
	[tilespmem:$0x15580] =	vst v63  }
0x1ec: {  	s12 =	simm.s32 @!p1 $0x5  }
0x1ed: {  	_ =	swait.ge @!p1 [sflag:s12], $0x6800  }
0x1ee: {  	[sflag:s12] =	ssyncset.done @!p1 $0x0  }
0x1ef: {  	[sflag:s12] =	ssyncadd.s32 @!p1 $0xFFFF9800  }
0x1f0: {  	_ =	swait.ge @!p1 [sflag:s12], $0x400  }
0x1f1: {  	[sflag:s12] =	ssyncset.done @!p1 $0x0  }
0x1f2: {  	[sflag:s12] =	ssyncadd.s32 @!p1 $0xFFFFFC00  }
0x1f3: {  	_ =	swait.ge @!p1 [sflag:s12], $0x400  }
0x1f4: {  	[sflag:s12] =	ssyncset.done @!p1 $0x0  }
0x1f5: {  	s15 =	simm.s32 $0x0;
	[sflag:s12] =	ssyncadd.s32 @!p1 $0xFFFFFC00  }
0x1f6: {  	v6 =	vld [tilespmem:s15+$0x7170];
	_ =	sdelay $0x3  }
0x1f7: {  	v11 =	vld [tilespmem:s15+$0x7160];
	_ =	sdelay $0x3  }
0x1f8: {  	v0 =	vld.idx.msk [tilespmem:v6+s5+$0x0], $0xffff  }
0x1f9: {  	v1 =	vadd.s32 $0x3E8, v6;
	_ =	sdelay $0x2  }
0x1fa: {  	v2 =	vld.idx.msk [tilespmem:v11+s5+$0x0], $0xffff  }
0x1fb: {  	v3 =	vadd.s32 $0x3E8, v11;
	[tilespmem:s15+$0xDD90] =	vst v0  }
0x1fc: {  	v0 =	vld.idx.msk [tilespmem:v1+s5+$0x0], $0xffff  }
0x1fd: {  	v1 =	vadd.s32 $0x7D0, v6;
	_ =	sdelay $0x1  }
0x1fe: {  	[tilespmem:s15+$0xDD80] =	vst v2  }
0x1ff: {  	v2 =	vld.idx.msk [tilespmem:v3+s5+$0x0], $0xffff  }
0x200: {  	v3 =	vadd.s32 $0x7D0, v11;
	[tilespmem:s15+$0xE190] =	vst v0  }
0x201: {  	v0 =	vld.idx.msk [tilespmem:v1+s5+$0x0], $0xffff  }
0x202: {  	v1 =	vadd.s32 $0xBB8, v6;
	_ =	sdelay $0x1  }
0x203: {  	[tilespmem:s15+$0xE180] =	vst v2  }
0x204: {  	v2 =	vld.idx.msk [tilespmem:v3+s5+$0x0], $0xffff  }
0x205: {  	v3 =	vadd.s32 $0xBB8, v11;
	[tilespmem:s15+$0xE590] =	vst v0  }
0x206: {  	v0 =	vld.idx.msk [tilespmem:v1+s5+$0x0], $0xffff  }
0x207: {  	v1 =	vadd.s32 $0xFA0, v6;
	_ =	sdelay $0x1  }
0x208: {  	[tilespmem:s15+$0xE580] =	vst v2  }
0x209: {  	v2 =	vld.idx.msk [tilespmem:v3+s5+$0x0], $0xffff  }
0x20a: {  	v3 =	vadd.s32 $0xFA0, v11;
	[tilespmem:s15+$0xE990] =	vst v0  }
0x20b: {  	v0 =	vld.idx.msk [tilespmem:v1+s5+$0x0], $0xffff  }
0x20c: {  	v1 =	vadd.s32 $0x1388, v6;
	_ =	sdelay $0x1  }
0x20d: {  	[tilespmem:s15+$0xE980] =	vst v2  }
0x20e: {  	v2 =	vld.idx.msk [tilespmem:v3+s5+$0x0], $0xffff  }
0x20f: {  	v3 =	vadd.s32 $0x1388, v11;
	[tilespmem:s15+$0xED90] =	vst v0  }
0x210: {  	v0 =	vld.idx.msk [tilespmem:v1+s5+$0x0], $0xffff  }
0x211: {  	v1 =	vadd.s32 $0x1770, v6;
	_ =	sdelay $0x1  }
0x212: {  	[tilespmem:s15+$0xED80] =	vst v2  }
0x213: {  	v2 =	vld.idx.msk [tilespmem:v3+s5+$0x0], $0xffff  }
0x214: {  	v3 =	vadd.s32 $0x1770, v11;
	[tilespmem:s15+$0xF190] =	vst v0  }
0x215: {  	v0 =	vld.idx.msk [tilespmem:v1+s5+$0x0], $0xffff  }
0x216: {  	v1 =	vadd.s32 $0x1B58, v6;
	_ =	sdelay $0x1  }
0x217: {  	[tilespmem:s15+$0xF180] =	vst v2  }
0x218: {  	s12 =	simm.s32 $0x20;
	v2 =	vld.idx.msk [tilespmem:v3+s5+$0x0], $0xffff  }
0x219: {  	[tilespmem:s15+$0xF590] =	vst v0;
	v0 =	vld [tilespmem:s12+$0x7170]  }
0x21a: {  	v3 =	vadd.s32 $0x1B58, v11;
	v4 =	vld.idx.msk [tilespmem:v1+s5+$0x0], $0xffff  }
0x21b: {  	v5 =	vadd.s32 $0x1F40, v6  }
0x21c: {  	v49 =	vld [tilespmem:s12+$0x7160];
	_ =	sdelay $0x1  }
0x21d: {  	[tilespmem:s15+$0xF580] =	vst v2  }
0x21e: {  	v2 =	vld.idx.msk [tilespmem:v3+s5+$0x0], $0xffff;
	[tilespmem:s15+$0xF990] =	vst v4  }
0x21f: {  	v3 =	vadd.s32 $0x1F40, v11;
	v4 =	vld.idx.msk [tilespmem:v5+s5+$0x0], $0xffff  }
0x220: {  	v7 =	vadd.s32 $0x2328, v6;
	v5 =	vld.idx.msk [tilespmem:v0+s5+$0x0], $0xffff  }
0x221: {  	v8 =	vadd.s32 $0x3E8, v0;
	_ =	sdelay $0x1  }
0x222: {  	[tilespmem:s15+$0xF980] =	vst v2;
	v2 =	vld.idx.msk [tilespmem:v49+s5+$0x0], $0xffff  }
0x223: {  	v9 =	vadd.s32 $0x3E8, v49;
	v3 =	vld.idx.msk [tilespmem:v3+s5+$0x0], $0xffff;
	[tilespmem:s15+$0xFD90] =	vst v4  }
0x224: {  	v4 =	vadd.s32 $0x2328, v11;
	v7 =	vld.idx.msk [tilespmem:v7+s5+$0x0], $0xffff;
	[tilespmem:s12+$0xDD90] =	vst v5  }
0x225: {  	v5 =	vld.idx.msk [tilespmem:v8+s5+$0x0], $0xffff;
	v8 =	vadd.s32 $0x2710, v6;
	_ =	sdelay $0x1  }
0x226: {  	v10 =	vadd.s32 $0x7D0, v0;
	[tilespmem:s12+$0xDD80] =	vst v2  }
0x227: {  	v2 =	vld.idx.msk [tilespmem:v9+s5+$0x0], $0xffff;
	[tilespmem:s15+$0xFD80] =	vst v3  }
0x228: {  	v3 =	vadd.s32 $0x7D0, v49;
	v4 =	vld.idx.msk [tilespmem:v4+s5+$0x0], $0xffff;
	[tilespmem:s15+$0x10190] =	vst v7  }
0x229: {  	v7 =	vadd.s32 $0x2710, v11;
	v8 =	vld.idx.msk [tilespmem:v8+s5+$0x0], $0xffff  }
0x22a: {  	v9 =	vadd.s32 $0x2AF8, v6;
	[tilespmem:s12+$0xE190] =	vst v5  }
0x22b: {  	v5 =	vld.idx.msk [tilespmem:v10+s5+$0x0], $0xffff  }
0x22c: {  	[tilespmem:s12+$0xE180] =	vst v2;
	v10 =	vadd.s32 $0xBB8, v0  }
0x22d: {  	v2 =	vld.idx.msk [tilespmem:v3+s5+$0x0], $0xffff;
	[tilespmem:s15+$0x10180] =	vst v4  }
0x22e: {  	v3 =	vadd.s32 $0xBB8, v49;
	v4 =	vld.idx.msk [tilespmem:v7+s5+$0x0], $0xffff;
	[tilespmem:s15+$0x10590] =	vst v8  }
0x22f: {  	v7 =	vadd.s32 $0x2AF8, v11;
	v8 =	vld.idx.msk [tilespmem:v9+s5+$0x0], $0xffff  }
0x230: {  	[tilespmem:s12+$0xE590] =	vst v5;
	v9 =	vadd.s32 $0x2EE0, v6  }
0x231: {  	v5 =	vld.idx.msk [tilespmem:v10+s5+$0x0], $0xffff  }
0x232: {  	[tilespmem:s12+$0xE580] =	vst v2;
	v10 =	vadd.s32 $0xFA0, v0  }
0x233: {  	v2 =	vld.idx.msk [tilespmem:v3+s5+$0x0], $0xffff;
	[tilespmem:s15+$0x10580] =	vst v4  }
0x234: {  	v3 =	vadd.s32 $0xFA0, v49;
	v4 =	vld.idx.msk [tilespmem:v7+s5+$0x0], $0xffff;
	[tilespmem:s15+$0x10990] =	vst v8  }
0x235: {  	v7 =	vadd.s32 $0x2EE0, v11;
	v8 =	vld.idx.msk [tilespmem:v9+s5+$0x0], $0xffff  }
0x236: {  	[tilespmem:s12+$0xE990] =	vst v5;
	v9 =	vadd.s32 $0x32C8, v6  }
0x237: {  	v5 =	vld.idx.msk [tilespmem:v10+s5+$0x0], $0xffff  }
0x238: {  	[tilespmem:s12+$0xE980] =	vst v2;
	v10 =	vadd.s32 $0x1388, v0  }
0x239: {  	v2 =	vld.idx.msk [tilespmem:v3+s5+$0x0], $0xffff;
	[tilespmem:s15+$0x10980] =	vst v4  }
0x23a: {  	v3 =	vadd.s32 $0x1388, v49;
	v4 =	vld.idx.msk [tilespmem:v7+s5+$0x0], $0xffff;
	[tilespmem:s15+$0x10D90] =	vst v8  }
0x23b: {  	v7 =	vadd.s32 $0x32C8, v11;
	v8 =	vld.idx.msk [tilespmem:v9+s5+$0x0], $0xffff  }
0x23c: {  	[tilespmem:s12+$0xED90] =	vst v5;
	v9 =	vadd.s32 $0x36B0, v6  }
0x23d: {  	v5 =	vld.idx.msk [tilespmem:v10+s5+$0x0], $0xffff  }
0x23e: {  	[tilespmem:s12+$0xED80] =	vst v2;
	v10 =	vadd.s32 $0x1770, v0  }
0x23f: {  	v2 =	vld.idx.msk [tilespmem:v3+s5+$0x0], $0xffff;
	[tilespmem:s15+$0x10D80] =	vst v4  }
0x240: {  	v3 =	vadd.s32 $0x1770, v49;
	v4 =	vld.idx.msk [tilespmem:v7+s5+$0x0], $0xffff;
	[tilespmem:s15+$0x11190] =	vst v8  }
0x241: {  	v7 =	vadd.s32 $0x36B0, v11;
	v8 =	vld.idx.msk [tilespmem:v9+s5+$0x0], $0xffff  }
0x242: {  	[tilespmem:s12+$0xF190] =	vst v5;
	v9 =	vadd.s32 $0x3A98, v6  }
0x243: {  	v5 =	vld.idx.msk [tilespmem:v10+s5+$0x0], $0xffff  }
0x244: {  	[tilespmem:s12+$0xF180] =	vst v2;
	v10 =	vadd.s32 $0x1B58, v0  }
0x245: {  	v12 =	vld.idx.msk [tilespmem:v3+s5+$0x0], $0xffff;
	[tilespmem:s15+$0x11180] =	vst v4  }
0x246: {  	v4 =	vld.idx.msk [tilespmem:v7+s5+$0x0], $0xffff;
	[tilespmem:s15+$0x11590] =	vst v8  }
0x247: {  	s29 =	simm.s32 $0x40;
	v7 =	vld.idx.msk [tilespmem:v9+s5+$0x0], $0xffff  }
0x248: {  	v3 =	vld [tilespmem:s29+$0x7170];
	v8 =	vadd.s32 $0x3E80, v6;
	[tilespmem:s12+$0xF590] =	vst v5  }
0x249: {  	v9 =	vadd.s32 $0x1B58, v49;
	v5 =	vld.idx.msk [tilespmem:v10+s5+$0x0], $0xffff  }
0x24a: {  	v50 =	vld [tilespmem:s29+$0x7160];
	v10 =	vadd.s32 $0x1F40, v0  }
0x24b: {  	v13 =	vadd.s32 $0x3A98, v11  }
0x24c: {  	[tilespmem:s15+$0x11990] =	vst v7  }
0x24d: {  	[tilespmem:s12+$0xF580] =	vst v12;
	v7 =	vld.idx.msk [tilespmem:v8+s5+$0x0], $0xffff  }
0x24e: {  	v8 =	vld.idx.msk [tilespmem:v9+s5+$0x0], $0xffff;
	[tilespmem:s12+$0xF990] =	vst v5;
	v5 =	vadd.s32 $0x4268, v6  }
0x24f: {  	[tilespmem:s15+$0x11580] =	vst v4;
	v9 =	vadd.s32 $0x1F40, v49;
	v4 =	vld.idx.msk [tilespmem:v10+s5+$0x0], $0xffff  }
0x250: {  	v12 =	vadd.s32 $0x2328, v0;
	v10 =	vld.idx.msk [tilespmem:v13+s5+$0x0], $0xffff  }
0x251: {  	v14 =	vld.idx.msk [tilespmem:v3+s5+$0x0], $0xffff;
	v13 =	vadd.s32 $0x3E80, v11  }
0x252: {  	v15 =	vld.idx.msk [tilespmem:v50+s5+$0x0], $0xffff;
	v16 =	vadd.s32 $0x3E8, v3;
	[tilespmem:s15+$0x11D90] =	vst v7  }
0x253: {  	v7 =	vadd.s32 $0x3E8, v50;
	[tilespmem:s12+$0xF980] =	vst v8;
	v5 =	vld.idx.msk [tilespmem:v5+s5+$0x0], $0xffff  }
0x254: {  	v8 =	vld.idx.msk [tilespmem:v9+s5+$0x0], $0xffff;
	[tilespmem:s12+$0xFD90] =	vst v4;
	v4 =	vadd.s32 $0x4650, v6  }
0x255: {  	v9 =	vadd.s32 $0x2328, v49;
	[tilespmem:s15+$0x11980] =	vst v10;
	v10 =	vld.idx.msk [tilespmem:v12+s5+$0x0], $0xffff  }
0x256: {  	[tilespmem:s29+$0xDD90] =	vst v14;
	v12 =	vld.idx.msk [tilespmem:v13+s5+$0x0], $0xffff;
	v13 =	vadd.s32 $0x2710, v0  }
0x257: {  	[tilespmem:s29+$0xDD80] =	vst v15;
	v14 =	vadd.s32 $0x4268, v11;
	v16 =	vld.idx.msk [tilespmem:v16+s5+$0x0], $0xffff  }
0x258: {  	v15 =	vadd.s32 $0x7D0, v3;
	v7 =	vld.idx.msk [tilespmem:v7+s5+$0x0], $0xffff;
	[tilespmem:s15+$0x12190] =	vst v5  }
0x259: {  	v5 =	vadd.s32 $0x7D0, v50;
	[tilespmem:s12+$0xFD80] =	vst v8;
	v4 =	vld.idx.msk [tilespmem:v4+s5+$0x0], $0xffff  }
0x25a: {  	v8 =	vld.idx.msk [tilespmem:v9+s5+$0x0], $0xffff;
	[tilespmem:s12+$0x10190] =	vst v10;
	v9 =	vadd.s32 $0x4A38, v6  }
0x25b: {  	v10 =	vadd.s32 $0x2710, v49;
	[tilespmem:s15+$0x11D80] =	vst v12;
	v13 =	vld.idx.msk [tilespmem:v13+s5+$0x0], $0xffff  }
0x25c: {  	[tilespmem:s29+$0xE190] =	vst v16;
	v12 =	vld.idx.msk [tilespmem:v14+s5+$0x0], $0xffff;
	v14 =	vadd.s32 $0x2AF8, v0  }
0x25d: {  	v16 =	vadd.s32 $0x4650, v11;
	v15 =	vld.idx.msk [tilespmem:v15+s5+$0x0], $0xffff;
	[tilespmem:s29+$0xE180] =	vst v7  }
0x25e: {  	v7 =	vadd.s32 $0xBB8, v3;
	v5 =	vld.idx.msk [tilespmem:v5+s5+$0x0], $0xffff;
	[tilespmem:s15+$0x12590] =	vst v4  }
0x25f: {  	v4 =	vadd.s32 $0xBB8, v50;
	[tilespmem:s12+$0x10180] =	vst v8;
	v8 =	vld.idx.msk [tilespmem:v9+s5+$0x0], $0xffff  }
0x260: {  	v9 =	vld.idx.msk [tilespmem:v10+s5+$0x0], $0xffff;
	[tilespmem:s12+$0x10590] =	vst v13;
	v10 =	vadd.s32 $0x4E20, v6  }
0x261: {  	v13 =	vadd.s32 $0x2AF8, v49;
	[tilespmem:s15+$0x12180] =	vst v12;
	v14 =	vld.idx.msk [tilespmem:v14+s5+$0x0], $0xffff  }
0x262: {  	[tilespmem:s29+$0xE590] =	vst v15;
	v15 =	vadd.s32 $0x2EE0, v0;
	v12 =	vld.idx.msk [tilespmem:v16+s5+$0x0], $0xffff  }
0x263: {  	v16 =	vadd.s32 $0x4A38, v11;
	v7 =	vld.idx.msk [tilespmem:v7+s5+$0x0], $0xffff;
	[tilespmem:s29+$0xE580] =	vst v5  }
0x264: {  	v5 =	vadd.s32 $0xFA0, v3;
	v4 =	vld.idx.msk [tilespmem:v4+s5+$0x0], $0xffff;
	[tilespmem:s15+$0x12990] =	vst v8  }
0x265: {  	v8 =	vadd.s32 $0xFA0, v50;
	[tilespmem:s12+$0x10580] =	vst v9;
	v9 =	vld.idx.msk [tilespmem:v10+s5+$0x0], $0xffff  }
0x266: {  	v10 =	vld.idx.msk [tilespmem:v13+s5+$0x0], $0xffff;
	[tilespmem:s12+$0x10990] =	vst v14;
	v13 =	vadd.s32 $0x5208, v6  }
0x267: {  	v14 =	vadd.s32 $0x2EE0, v49;
	[tilespmem:s15+$0x12580] =	vst v12;
	v15 =	vld.idx.msk [tilespmem:v15+s5+$0x0], $0xffff  }
0x268: {  	v12 =	vadd.s32 $0x32C8, v0;
	[tilespmem:s29+$0xE990] =	vst v7;
	v7 =	vld.idx.msk [tilespmem:v16+s5+$0x0], $0xffff  }
0x269: {  	v16 =	vadd.s32 $0x4E20, v11;
	v5 =	vld.idx.msk [tilespmem:v5+s5+$0x0], $0xffff;
	[tilespmem:s29+$0xE980] =	vst v4  }
0x26a: {  	v4 =	vld.idx.msk [tilespmem:v8+s5+$0x0], $0xffff;
	v8 =	vadd.s32 $0x1388, v3;
	[tilespmem:s15+$0x12D90] =	vst v9  }
0x26b: {  	v9 =	vadd.s32 $0x1388, v50;
	[tilespmem:s12+$0x10980] =	vst v10;
	v10 =	vld.idx.msk [tilespmem:v13+s5+$0x0], $0xffff  }
0x26c: {  	v13 =	vld.idx.msk [tilespmem:v14+s5+$0x0], $0xffff;
	[tilespmem:s12+$0x10D90] =	vst v15;
	v14 =	vadd.s32 $0x55F0, v6  }
0x26d: {  	v15 =	vadd.s32 $0x32C8, v49;
	[tilespmem:s15+$0x12980] =	vst v7;
	v12 =	vld.idx.msk [tilespmem:v12+s5+$0x0], $0xffff  }
0x26e: {  	v7 =	vadd.s32 $0x36B0, v0;
	[tilespmem:s29+$0xED90] =	vst v5;
	v5 =	vld.idx.msk [tilespmem:v16+s5+$0x0], $0xffff  }
0x26f: {  	v16 =	vadd.s32 $0x5208, v11;
	v8 =	vld.idx.msk [tilespmem:v8+s5+$0x0], $0xffff;
	[tilespmem:s29+$0xED80] =	vst v4  }
0x270: {  	v4 =	vld.idx.msk [tilespmem:v9+s5+$0x0], $0xffff;
	v9 =	vadd.s32 $0x1770, v3;
	[tilespmem:s15+$0x13190] =	vst v10  }
0x271: {  	v10 =	vadd.s32 $0x1770, v50;
	[tilespmem:s12+$0x10D80] =	vst v13;
	v13 =	vld.idx.msk [tilespmem:v14+s5+$0x0], $0xffff  }
0x272: {  	v14 =	vld.idx.msk [tilespmem:v15+s5+$0x0], $0xffff;
	[tilespmem:s12+$0x11190] =	vst v12;
	v12 =	vadd.s32 $0x59D8, v6  }
0x273: {  	v15 =	vadd.s32 $0x36B0, v49;
	[tilespmem:s15+$0x12D80] =	vst v5;
	v7 =	vld.idx.msk [tilespmem:v7+s5+$0x0], $0xffff  }
0x274: {  	v5 =	vld.idx.msk [tilespmem:v16+s5+$0x0], $0xffff;
	[tilespmem:s29+$0xF190] =	vst v8  }
0x275: {  	v8 =	vadd.s32 $0x3A98, v0;
	v9 =	vld.idx.msk [tilespmem:v9+s5+$0x0], $0xffff;
	[tilespmem:s29+$0xF180] =	vst v4  }
0x276: {  	v10 =	vld.idx.msk [tilespmem:v10+s5+$0x0], $0xffff;
	[tilespmem:s15+$0x13590] =	vst v13  }
0x277: {  	v16 =	vadd.s32 $0x55F0, v11;
	[tilespmem:s12+$0x11180] =	vst v14;
	v12 =	vld.idx.msk [tilespmem:v12+s5+$0x0], $0xffff  }
0x278: {  	s25 =	simm.s32 $0x60;
	v4 =	vadd.s32 $0x1B58, v3;
	v13 =	vld.idx.msk [tilespmem:v15+s5+$0x0], $0xffff;
	[tilespmem:s12+$0x11590] =	vst v7  }
0x279: {  	v14 =	vadd.s32 $0x1B58, v50;
	[tilespmem:s15+$0x13180] =	vst v5;
	v5 =	vld [tilespmem:s25+$0x7170]  }
0x27a: {  	v7 =	vld.idx.msk [tilespmem:v8+s5+$0x0], $0xffff;
	v8 =	vadd.s32 $0x5DC0, v6  }
0x27b: {  	v51 =	vld [tilespmem:s25+$0x7160];
	v17 =	vadd.s32 $0x3A98, v49  }
0x27c: {  	[tilespmem:s29+$0xF590] =	vst v9;
	v9 =	vld.idx.msk [tilespmem:v16+s5+$0x0], $0xffff;
	v16 =	vadd.s32 $0x3E80, v0  }
0x27d: {  	v15 =	vld.idx.msk [tilespmem:v4+s5+$0x0], $0xffff;
	[tilespmem:s29+$0xF580] =	vst v10  }
0x27e: {  	v18 =	vadd.s32 $0x1F40, v3;
	v10 =	vld.idx.msk [tilespmem:v14+s5+$0x0], $0xffff;
	[tilespmem:s15+$0x13990] =	vst v12  }
0x27f: {  	v12 =	vadd.s32 $0x59D8, v11;
	[tilespmem:s12+$0x11580] =	vst v13;
	v8 =	vld.idx.msk [tilespmem:v8+s5+$0x0], $0xffff  }
0x280: {  	v13 =	vadd.s32 $0x61A8, v6;
	[tilespmem:s12+$0x11990] =	vst v7;
	v14 =	vld.idx.msk [tilespmem:v17+s5+$0x0], $0xffff  }
0x281: {  	v7 =	vld.idx.msk [tilespmem:v16+s5+$0x0], $0xffff;
	[tilespmem:s15+$0x13580] =	vst v9  }
0x282: {  	[tilespmem:s29+$0xF990] =	vst v15;
	v15 =	vadd.s32 $0x4268, v0;
	v17 =	vld.idx.msk [tilespmem:v5+s5+$0x0], $0xffff  }
0x283: {  	v16 =	vadd.s32 $0x1F40, v50;
	v9 =	vld.idx.msk [tilespmem:v18+s5+$0x0], $0xffff;
	[tilespmem:s29+$0xF980] =	vst v10  }
0x284: {  	v19 =	vadd.s32 $0x3E8, v5;
	v12 =	vld.idx.msk [tilespmem:v12+s5+$0x0], $0xffff;
	[tilespmem:s15+$0x13D90] =	vst v8  }
0x285: {  	v18 =	vadd.s32 $0x2328, v3;
	[tilespmem:s12+$0x11980] =	vst v14;
	v10 =	vld.idx.msk [tilespmem:v13+s5+$0x0], $0xffff  }
0x286: {  	v8 =	vadd.s32 $0x3E80, v49;
	v13 =	vld.idx.msk [tilespmem:v51+s5+$0x0], $0xffff;
	[tilespmem:s12+$0x11D90] =	vst v7  }
0x287: {  	v7 =	vld.idx.msk [tilespmem:v15+s5+$0x0], $0xffff;
	[tilespmem:s25+$0xDD90] =	vst v17  }
0x288: {  	v14 =	vadd.s32 $0x3E8, v51;
	v15 =	vld.idx.msk [tilespmem:v16+s5+$0x0], $0xffff;
	[tilespmem:s29+$0xFD90] =	vst v9  }
0x289: {  	v16 =	vadd.s32 $0x4650, v0;
	v17 =	vld.idx.msk [tilespmem:v19+s5+$0x0], $0xffff;
	[tilespmem:s15+$0x13980] =	vst v12  }
0x28a: {  	v9 =	vld.idx.msk [tilespmem:v18+s5+$0x0], $0xffff;
	v12 =	vadd.s32 $0x2328, v50;
	[tilespmem:s15+$0x14190] =	vst v10  }
0x28b: {  	v19 =	vadd.s32 $0x7D0, v5;
	v8 =	vld.idx.msk [tilespmem:v8+s5+$0x0], $0xffff;
	[tilespmem:s25+$0xDD80] =	vst v13  }
0x28c: {  	v18 =	vadd.s32 $0x2710, v3;
	v13 =	vld.idx.msk [tilespmem:v6+s17+$0x0], $0xffff;
	[tilespmem:s12+$0x12190] =	vst v7  }
0x28d: {  	v10 =	vadd.s32 $0x4268, v49;
	v14 =	vld.idx.msk [tilespmem:v14+s5+$0x0], $0xffff;
	[tilespmem:s29+$0xFD80] =	vst v15  }
0x28e: {  	v7 =	vld.idx.msk [tilespmem:v16+s5+$0x0], $0xffff;
	[tilespmem:s25+$0xE190] =	vst v17  }
0x28f: {  	v15 =	vadd.s32 $0x7D0, v51;
	v12 =	vld.idx.msk [tilespmem:v12+s5+$0x0], $0xffff;
	[tilespmem:s29+$0x10190] =	vst v9  }
0x290: {  	v17 =	vld.idx.msk [tilespmem:v19+s5+$0x0], $0xffff;
	[tilespmem:s12+$0x11D80] =	vst v8;
	v8 =	vadd.s32 $0x4A38, v0  }
0x291: {  	v16 =	vadd.s32 $0x2710, v50;
	v9 =	vld.idx.msk [tilespmem:v18+s5+$0x0], $0xffff  }
0x292: {  	v18 =	vadd.s32 $0x2AF8, v3;
	v10 =	vld.idx.msk [tilespmem:v10+s5+$0x0], $0xffff;
	[tilespmem:s15+$0x14990] =	vst v13  }
0x293: {  	v13 =	vadd.s32 $0x4650, v49;
	[tilespmem:s25+$0xE180] =	vst v14;
	v6 =	vld.idx.msk [tilespmem:v6+s18+$0x0], $0xffff  }
0x294: {  	v14 =	vld.idx.msk [tilespmem:v15+s5+$0x0], $0xffff;
	v15 =	vadd.s32 $0xBB8, v5;
	[tilespmem:s12+$0x12590] =	vst v7  }
0x295: {  	v7 =	vadd.s32 $0x5DC0, v11;
	[tilespmem:s29+$0x10180] =	vst v12;
	v8 =	vld.idx.msk [tilespmem:v8+s5+$0x0], $0xffff  }
0x296: {  	v12 =	vadd.s32 $0xBB8, v51;
	v16 =	vld.idx.msk [tilespmem:v16+s5+$0x0], $0xffff;
	[tilespmem:s29+$0x10590] =	vst v9  }
0x297: {  	v9 =	vld.idx.msk [tilespmem:v18+s5+$0x0], $0xffff;
	[tilespmem:s12+$0x12180] =	vst v10;
	v10 =	vadd.s32 $0x4E20, v0  }
0x298: {  	[tilespmem:s25+$0xE590] =	vst v17;
	v18 =	vadd.s32 $0x2AF8, v50;
	v13 =	vld.idx.msk [tilespmem:v13+s5+$0x0], $0xffff  }
0x299: {  	v17 =	vadd.s32 $0x2EE0, v3;
	v15 =	vld.idx.msk [tilespmem:v15+s5+$0x0], $0xffff;
	[tilespmem:s15+$0x15190] =	vst v6  }
0x29a: {  	v6 =	vadd.s32 $0x4A38, v49;
	[tilespmem:s25+$0xE580] =	vst v14;
	v7 =	vld.idx.msk [tilespmem:v7+s5+$0x0], $0xffff  }
0x29b: {  	v14 =	vadd.s32 $0xFA0, v5;
	v12 =	vld.idx.msk [tilespmem:v12+s5+$0x0], $0xffff;
	[tilespmem:s12+$0x12990] =	vst v8  }
0x29c: {  	v8 =	vadd.s32 $0x61A8, v11;
	[tilespmem:s29+$0x10580] =	vst v16;
	v10 =	vld.idx.msk [tilespmem:v10+s5+$0x0], $0xffff  }
0x29d: {  	v16 =	vadd.s32 $0xFA0, v51;
	v18 =	vld.idx.msk [tilespmem:v18+s5+$0x0], $0xffff;
	[tilespmem:s29+$0x10990] =	vst v9  }
0x29e: {  	v9 =	vld.idx.msk [tilespmem:v17+s5+$0x0], $0xffff;
	[tilespmem:s12+$0x12580] =	vst v13;
	v13 =	vadd.s32 $0x5208, v0  }
0x29f: {  	v17 =	vadd.s32 $0x2EE0, v50;
	[tilespmem:s25+$0xE990] =	vst v15;
	v6 =	vld.idx.msk [tilespmem:v6+s5+$0x0], $0xffff  }
0x2a0: {  	v15 =	vadd.s32 $0x32C8, v3;
	[tilespmem:s15+$0x13D80] =	vst v7;
	v14 =	vld.idx.msk [tilespmem:v14+s5+$0x0], $0xffff  }
0x2a1: {  	v7 =	vadd.s32 $0x4E20, v49;
	[tilespmem:s25+$0xE980] =	vst v12;
	v8 =	vld.idx.msk [tilespmem:v8+s5+$0x0], $0xffff  }
0x2a2: {  	v12 =	vld.idx.msk [tilespmem:v16+s5+$0x0], $0xffff;
	v16 =	vadd.s32 $0x1388, v5;
	[tilespmem:s12+$0x12D90] =	vst v10  }
0x2a3: {  	[tilespmem:s29+$0x10980] =	vst v18;
	v10 =	vld.idx.msk [tilespmem:v13+s5+$0x0], $0xffff  }
0x2a4: {  	v13 =	vadd.s32 $0x1388, v51;
	v18 =	vld.idx.msk [tilespmem:v17+s5+$0x0], $0xffff;
	[tilespmem:s29+$0x10D90] =	vst v9  }
0x2a5: {  	v20 =	vld.idx.msk [tilespmem:v15+s5+$0x0], $0xffff;
	[tilespmem:s12+$0x12980] =	vst v6;
	v15 =	vadd.s32 $0x55F0, v0  }
0x2a6: {  	v23 =	vadd.s32 $0x5208, v49;
	v25 =	vadd.s32 $0x32C8, v50;
	[tilespmem:s25+$0xED90] =	vst v14;
	v14 =	vld.idx.msk [tilespmem:v7+s5+$0x0], $0xffff  }
0x2a7: {  	v42 =	vadd.s32 $0x55F0, v49;
	v56 =	vadd.s32 $0x59D8, v49;
	v27 =	vadd.s32 $0x36B0, v3;
	v26 =	vld.idx.msk [tilespmem:v16+s5+$0x0], $0xffff;
	[tilespmem:s15+$0x14180] =	vst v8  }
0x2a8: {  	v55 =	vadd.s32 $0x5DC0, v49;
	v52 =	vadd.s32 $0x61A8, v49;
	v41 =	vadd.s32 $0x36B0, v50;
	[tilespmem:s25+$0xED80] =	vst v12;
	v28 =	vld.idx.msk [tilespmem:v11+s17+$0x0], $0xffff  }
0x2a9: {  	v24 =	vadd.s32 $0x3A98, v50;
	v22 =	vadd.s32 $0x3E80, v50;
	v30 =	vadd.s32 $0x1770, v5;
	v29 =	vld.idx.msk [tilespmem:v13+s5+$0x0], $0xffff;
	[tilespmem:s12+$0x13190] =	vst v10  }
0x2aa: {  	v21 =	vadd.s32 $0x4268, v50;
	v59 =	vadd.s32 $0x4650, v50;
	v39 =	vadd.s32 $0x1770, v51;
	[tilespmem:s29+$0x10D80] =	vst v18;
	v18 =	vld.idx.msk [tilespmem:v15+s5+$0x0], $0xffff  }
0x2ab: {  	v58 =	vadd.s32 $0x59D8, v50;
	v57 =	vadd.s32 $0x5DC0, v50;
	v53 =	vadd.s32 $0x61A8, v50;
	v25 =	vld.idx.msk [tilespmem:v25+s5+$0x0], $0xffff;
	[tilespmem:s29+$0x11190] =	vst v20  }
0x2ac: {  	v38 =	vadd.s32 $0x1B58, v51;
	v36 =	vadd.s32 $0x1F40, v51;
	v44 =	vld.idx.msk [tilespmem:v27+s5+$0x0], $0xffff;
	[tilespmem:s12+$0x12D80] =	vst v14;
	v14 =	vadd.s32 $0x59D8, v0  }
0x2ad: {  	v35 =	vadd.s32 $0x2328, v51;
	v34 =	vadd.s32 $0x2710, v51;
	v33 =	vadd.s32 $0x2AF8, v51;
	[tilespmem:s25+$0xF190] =	vst v26;
	v47 =	vld.idx.msk [tilespmem:v23+s5+$0x0], $0xffff  }
0x2ae: {  	v32 =	vadd.s32 $0x2EE0, v51;
	v31 =	vadd.s32 $0x32C8, v51;
	v45 =	vadd.s32 $0x3A98, v3;
	v48 =	vld.idx.msk [tilespmem:v30+s5+$0x0], $0xffff;
	[tilespmem:s15+$0x14980] =	vst v28  }
0x2af: {  	v37 =	vadd.s32 $0x3A98, v51;
	v19 =	vadd.s32 $0x4A38, v50;
	v9 =	vadd.s32 $0x55F0, v50;
	[tilespmem:s25+$0xF180] =	vst v29;
	v43 =	vld.idx.msk [tilespmem:v11+s18+$0x0], $0xffff  }
0x2b0: {  	v12 =	vadd.s32 $0x4E20, v50;
	v16 =	vadd.s32 $0x61A8, v51;
	v10 =	vadd.s32 $0x5208, v50;
	v39 =	vld.idx.msk [tilespmem:v39+s5+$0x0], $0xffff;
	[tilespmem:s12+$0x13590] =	vst v18  }
0x2b1: {  	v13 =	vadd.s32 $0x55F0, v51;
	v15 =	vadd.s32 $0x5208, v51;
	v27 =	vadd.s32 $0x4650, v51;
	[tilespmem:s29+$0x11180] =	vst v25;
	v40 =	vld.idx.msk [tilespmem:v14+s5+$0x0], $0xffff  }
0x2b2: {  	v23 =	vadd.s32 $0x4E20, v51;
	v26 =	vadd.s32 $0x59D8, v51;
	v30 =	vadd.s32 $0x36B0, v51;
	v46 =	vld.idx.msk [tilespmem:v41+s5+$0x0], $0xffff;
	[tilespmem:s29+$0x11590] =	vst v44  }
0x2b3: {  	v28 =	vadd.s32 $0x4268, v51;
	v29 =	vadd.s32 $0x3E80, v51;
	v25 =	vadd.s32 $0x4A38, v51;
	v45 =	vld.idx.msk [tilespmem:v45+s5+$0x0], $0xffff;
	[tilespmem:s12+$0x13180] =	vst v47  }
0x2b4: {  	s26 =	simm.s32 $0x6;
	s28 =	simm.s32 $0x200;
	v14 =	vadd.s32 $0x5DC0, v51;
	v41 =	vadd.s32 $0x5DC0, v0;
	v47 =	vadd.s32 $0x1B58, v5;
	[tilespmem:s25+$0xF590] =	vst v48;
	v44 =	vld.idx.msk [tilespmem:v42+s5+$0x0], $0xffff  }
.LBB2_7:
0x2b5: {  	_ = 	snop  }
0x2b6: {  	[tilespmem:$0x1FF40] =	vst v10  }
0x2b7: {  	[tilespmem:$0x1FF60] =	vst v51  }
0x2b8: {  	[tilespmem:$0x1FF80] =	vst v9  }
0x2b9: {  	s30 =	sshra.s32 s28, $0x2;
	v42 =	vld.idx.msk [tilespmem:v47+s5+$0x0], $0xffff;
	[tilespmem:s15+$0x15180] =	vst v43  }
0x2ba: {  	v60 =	vadd.s32 $0x3E80, v3;
	s15 =	smov.u32 s12;
	v9 =	vmov v49;
	s12 =	smov.u32 s29;
	v49 =	vld [tilespmem:s30+$0x7170];
	[tilespmem:s25+$0xF580] =	vst v39  }
0x2bb: {  	v39 =	vld [tilespmem:s30+$0x7160];
	[tilespmem:s12+$0x11580] =	vst v46  }
0x2bc: {  	v61 =	vadd.s32 $0x1F40, v5;
	[tilespmem:s15+$0x13990] =	vst v40;
	v48 =	vld.idx.msk [tilespmem:v38+s5+$0x0], $0xffff  }
0x2bd: {  	[tilespmem:s15+$0x13580] =	vst v44;
	v41 =	vld.idx.msk [tilespmem:v41+s5+$0x0], $0xffff  }
0x2be: {  	v62 =	vadd.s32 $0x61A8, v0;
	v18 =	vmov v12;
	v12 =	vmov v55;
	[tilespmem:s12+$0x11990] =	vst v45;
	v55 =	vld.idx.msk [tilespmem:v56+s5+$0x0], $0xffff  }
0x2bf: {  	[tilespmem:$0x1FF50] =	vst v50;
	s29 =	smov.u32 s25;
	v45 =	vld.idx.msk [tilespmem:v60+s5+$0x0], $0xffff  }
0x2c0: {  	v11 =	vmov v53;
	v53 =	vadd.s32 $0x4268, v3;
	[tilespmem:s29+$0xF990] =	vst v42;
	v42 =	vld.idx.msk [tilespmem:v24+s5+$0x0], $0xffff;
	v1 =	vadd.s32 $0x1770, v39  }
0x2c1: {  	v10 =	vmov v52;
	v52 =	vld.idx.msk [tilespmem:v61+s5+$0x0], $0xffff;
	[tilespmem:$0x1FF70] =	vst v1  }
0x2c2: {  	v40 =	vmov v15;
	v15 =	vmov v26;
	v26 =	vadd.s32 $0x2328, v5;
	v56 =	vld.idx.msk [tilespmem:v49+s5+$0x0], $0xffff;
	[tilespmem:s15+$0x13D90] =	vst v41  }
0x2c3: {  	[tilespmem:s29+$0xF980] =	vst v48;
	v60 =	vld.idx.msk [tilespmem:v62+s5+$0x0], $0xffff  }
0x2c4: {  	v63 =	vadd.s32 $0x3E8, v49;
	v61 =	vld.idx.msk [tilespmem:v39+s5+$0x0], $0xffff;
	[tilespmem:s12+$0x11D90] =	vst v45  }
0x2c5: {  	[tilespmem:s12+$0x11980] =	vst v42;
	v53 =	vld.idx.msk [tilespmem:v53+s5+$0x0], $0xffff  }
0x2c6: {  	v17 =	vmovc v14;
	v14 =	vmov v57;
	v50 =	vadd.s32 $0x3E8, v39;
	v57 =	vadd.s32 $0x1F40, v39;
	v6 =	vld.idx.msk [tilespmem:v36+s5+$0x0], $0xffff;
	[tilespmem:s29+$0xFD90] =	vst v52  }
0x2c7: {  	v7 =	vadd.s32 $0x4650, v3;
	s25 =	smov.u32 s30;
	v36 =	vmov v57;
	[tilespmem:s15+$0x13980] =	vst v55;
	v57 =	vld.idx.msk [tilespmem:v26+s5+$0x0], $0xffff  }
0x2c8: {  	v55 =	vld.idx.msk [tilespmem:v22+s5+$0x0], $0xffff;
	[tilespmem:s25+$0xDD90] =	vst v56  }
0x2c9: {  	v8 =	vadd.s32 $0x2710, v5;
	v63 =	vld.idx.msk [tilespmem:v63+s5+$0x0], $0xffff;
	[tilespmem:s15+$0x14190] =	vst v60  }
0x2ca: {  	[tilespmem:s25+$0xDD80] =	vst v61;
	v60 =	vld.idx.msk [tilespmem:v0+s17+$0x0], $0xffff  }
0x2cb: {  	v61 =	vadd.s32 $0x7D0, v49;
	v50 =	vld.idx.msk [tilespmem:v50+s5+$0x0], $0xffff;
	[tilespmem:s12+$0x12190] =	vst v53  }
0x2cc: {  	[tilespmem:s29+$0xFD80] =	vst v6;
	v6 =	vld.idx.msk [tilespmem:v7+s5+$0x0], $0xffff  }
0x2cd: {  	v51 =	vadd.s32 $0x7D0, v39;
	v7 =	vld.idx.msk [tilespmem:v35+s5+$0x0], $0xffff;
	[tilespmem:s29+$0x10190] =	vst v57  }
0x2ce: {  	v53 =	vadd.s32 $0x4A38, v3;
	[tilespmem:s12+$0x11D80] =	vst v55;
	v8 =	vld.idx.msk [tilespmem:v8+s5+$0x0], $0xffff  }
0x2cf: {  	v1 =	vadd.s32 $0x4268, v39;
	v55 =	vld.idx.msk [tilespmem:v21+s5+$0x0], $0xffff;
	[tilespmem:s25+$0xE190] =	vst v63  }
0x2d0: {  	v21 =	vmov v28;
	v28 =	vmov v1;
	v63 =	vadd.s32 $0x2AF8, v5;
	v1 =	vld.idx.msk [tilespmem:v61+s5+$0x0], $0xffff;
	[tilespmem:s15+$0x14990] =	vst v60  }
0x2d1: {  	v20 =	vmovc v59;
	[tilespmem:s25+$0xE180] =	vst v50;
	v50 =	vld.idx.msk [tilespmem:v0+s18+$0x0], $0xffff;
	v0 =	vmov v3;
	v3 =	vmov v5;
	v5 =	vmov v49  }
0x2d2: {  	v49 =	vld.idx.msk [tilespmem:v51+s5+$0x0], $0xffff;
	[tilespmem:s12+$0x12590] =	vst v6;
	v61 =	vadd.s32 $0xBB8, v5  }
0x2d3: {  	[tilespmem:s29+$0x10180] =	vst v7;
	v6 =	vld.idx.msk [tilespmem:v53+s5+$0x0], $0xffff  }
0x2d4: {  	v54 =	vadd.s32 $0xBB8, v39;
	v59 =	vadd.s32 $0x2710, v39;
	v7 =	vld.idx.msk [tilespmem:v34+s5+$0x0], $0xffff;
	[tilespmem:s29+$0x10590] =	vst v8  }
0x2d5: {  	[tilespmem:s12+$0x12180] =	vst v55;
	v8 =	vld.idx.msk [tilespmem:v63+s5+$0x0], $0xffff  }
0x2d6: {  	v4 =	vadd.s32 $0x4650, v39;
	v63 =	vadd.s32 $0x4E20, v0;
	[tilespmem:s25+$0xE590] =	vst v1;
	v1 =	vld.idx.msk [tilespmem:v20+s5+$0x0], $0xffff  }
0x2d7: {  	v2 =	vadd.s32 $0x3E80, v39;
	v34 =	vmovc v59;
	v59 =	vmov v27;
	v27 =	vmov v4;
	[tilespmem:s25+$0xE580] =	vst v49;
	v4 =	vld.idx.msk [tilespmem:v61+s5+$0x0], $0xffff  }
0x2d8: {  	v22 =	vmovc v29;
	v29 =	vmov v2;
	v2 =	vadd.s32 $0x5DC0, v39;
	v60 =	vadd.s32 $0x2EE0, v3;
	[tilespmem:s15+$0x15190] =	vst v50;
	v49 =	vld.idx.msk [tilespmem:v12+s5+$0x0], $0xffff  }
0x2d9: {  	v55 =	vmov v14;
	v14 =	vmov v2;
	v2 =	vld.idx.msk [tilespmem:v54+s5+$0x0], $0xffff;
	[tilespmem:s29+$0x10580] =	vst v7  }
0x2da: {  	v61 =	vadd.s32 $0xFA0, v5;
	[tilespmem:s12+$0x12990] =	vst v6  }
0x2db: {  	v6 =	vld.idx.msk [tilespmem:v63+s5+$0x0], $0xffff;
	[tilespmem:s29+$0x10990] =	vst v8  }
0x2dc: {  	v46 =	vadd.s32 $0xFA0, v39;
	v7 =	vld.idx.msk [tilespmem:v33+s5+$0x0], $0xffff;
	[tilespmem:s12+$0x12580] =	vst v1  }
0x2dd: {  	v8 =	vld.idx.msk [tilespmem:v60+s5+$0x0], $0xffff;
	v1 =	vadd.s32 $0x5208, v0;
	[tilespmem:s25+$0xE990] =	vst v4  }
0x2de: {  	v62 =	vadd.s32 $0x2AF8, v39;
	v4 =	vld.idx.msk [tilespmem:v19+s5+$0x0], $0xffff;
	[tilespmem:s15+$0x13D80] =	vst v49  }
0x2df: {  	v33 =	vmov v62;
	v62 =	vadd.s32 $0x32C8, v3;
	v50 =	vld.idx.msk [tilespmem:v61+s5+$0x0], $0xffff;
	[tilespmem:s25+$0xE980] =	vst v2  }
0x2e0: {  	v2 =	vld.idx.msk [tilespmem:v10+s5+$0x0], $0xffff;
	[tilespmem:s12+$0x12D90] =	vst v6  }
0x2e1: {  	v63 =	vadd.s32 $0x1388, v5;
	v46 =	vld.idx.msk [tilespmem:v46+s5+$0x0], $0xffff;
	[tilespmem:s29+$0x10980] =	vst v7  }
0x2e2: {  	v1 =	vld.idx.msk [tilespmem:v1+s5+$0x0], $0xffff;
	[tilespmem:s29+$0x10D90] =	vst v8  }
0x2e3: {  	v43 =	vadd.s32 $0x1388, v39;
	v6 =	vld.idx.msk [tilespmem:v32+s5+$0x0], $0xffff;
	[tilespmem:s12+$0x12980] =	vst v4  }
0x2e4: {  	v7 =	vld.idx.msk [tilespmem:v62+s5+$0x0], $0xffff;
	v4 =	vadd.s32 $0x55F0, v0;
	[tilespmem:s25+$0xED90] =	vst v50  }
0x2e5: {  	v8 =	vld.idx.msk [tilespmem:v18+s5+$0x0], $0xffff;
	[tilespmem:s15+$0x14180] =	vst v2  }
0x2e6: {  	v54 =	vld.idx.msk [tilespmem:v63+s5+$0x0], $0xffff;
	[tilespmem:s25+$0xED80] =	vst v46  }
0x2e7: {  	v2 =	vld.idx.msk [tilespmem:v9+s17+$0x0], $0xffff  }
0x2e8: {  	[tilespmem:s12+$0x13190] =	vst v1;
	v43 =	vld.idx.msk [tilespmem:v43+s5+$0x0], $0xffff  }
0x2e9: {  	[tilespmem:s29+$0x10D80] =	vst v6;
	v1 =	vld.idx.msk [tilespmem:v4+s5+$0x0], $0xffff  }
0x2ea: {  	v4 =	vld.idx.msk [tilespmem:v31+s5+$0x0], $0xffff  }
0x2eb: {  	[tilespmem:s12+$0x12D80] =	vst v8;
	v8 =	vld [tilespmem:$0x1FF40];
	_ =	sdelay $0x7  }
0x2ec: {  	v8 =	vld.idx.msk [tilespmem:v8+s5+$0x0], $0xffff  }
0x2ed: {  	[tilespmem:s15+$0x14980] =	vst v2;
	v2 =	vld [tilespmem:$0x1FF50];
	_ =	sdelay $0x3  }
0x2ee: {  	v60 =	vadd.s32 $0x36B0, v3  }
0x2ef: {  	v49 =	vmov v2;
	v2 =	vld [tilespmem:$0x1FF60]  }
0x2f0: {  	v61 =	vadd.s32 $0x1770, v5;
	_ =	sdelay $0x1  }
0x2f1: {  	[tilespmem:s29+$0x11190] =	vst v7  }
0x2f2: {  	v6 =	vld.idx.msk [tilespmem:v60+s5+$0x0], $0xffff  }
0x2f3: {  	[tilespmem:s25+$0xF190] =	vst v54;
	v50 =	vmov v2;
	v2 =	vld [tilespmem:$0x1FF70]  }
0x2f4: {  	v62 =	vld.idx.msk [tilespmem:v61+s5+$0x0], $0xffff  }
0x2f5: {  	[tilespmem:s12+$0x13590] =	vst v1;
	v1 =	vld [tilespmem:$0x1FF80];
	_ =	sdelay $0x2  }
0x2f6: {  	[tilespmem:$0x1FF90] =	vst v13;
	v13 =	vmovc v58;
	v38 =	vadd.s32 $0x1B58, v39;
	v58 =	vadd.s32 $0x2328, v39;
	v47 =	vadd.s32 $0x2EE0, v39  }
0x2f7: {  	v24 =	vmovc v37;
	v44 =	vadd.s32 $0x32C8, v39;
	v37 =	vadd.s32 $0x3A98, v39;
	v48 =	vadd.s32 $0x4E20, v39;
	[tilespmem:s25+$0xF180] =	vst v43  }
0x2f8: {  	v41 =	vadd.s32 $0x36B0, v39;
	v45 =	vadd.s32 $0x5208, v39;
	v42 =	vadd.s32 $0x55F0, v39;
	v43 =	vld.idx.msk [tilespmem:v9+s18+$0x0], $0xffff  }
0x2f9: {  	v52 =	vadd.s32 $0x4A38, v39;
	v26 =	vadd.s32 $0x59D8, v39;
	v56 =	vadd.s32 $0x61A8, v39;
	v51 =	vmovc v39;
	v39 =	vld.idx.msk [tilespmem:v2+s5+$0x0], $0xffff;
	[tilespmem:s29+$0x11180] =	vst v4  }
0x2fa: {  	v46 =	vld.idx.msk [tilespmem:v30+s5+$0x0], $0xffff;
	[tilespmem:s12+$0x13180] =	vst v8  }
0x2fb: {  	s26 =	sadd.s32 $0x2, s26;
	v31 =	vmov v44;
	v7 =	vadd.s32 $0x59D8, v0;
	v44 =	vld.idx.msk [tilespmem:v1+s5+$0x0], $0xffff  }
0x2fc: {  	p1 =	slt.u32 s26, $0x3E;
	v63 =	vadd.s32 $0x3A98, v3;
	v1 =	vld [tilespmem:$0x1FF90]  }
.Ltmp7:
0x2fd: {  	_ = 	snop;
	(pc) =	sbr.rel @p1 .LBB2_7-.Ltmp7, $4  }
0x2fe: {  	v35 =	vmovc v58;
	v58 =	vmov v15;
	v57 =	vmov v17;
	v15 =	vmov v45  }
0x2ff: {  	v53 =	vmovc v16;
	v16 =	vmovc v56;
	v56 =	vmov v13;
	v13 =	vmov v42;
	v12 =	vmov v23  }
0x300: {  	v23 =	vmovc v48;
	v19 =	vmovc v25;
	v25 =	vmov v52;
	v52 =	vmov v11;
	v10 =	vmov v40;
	v40 =	vld.idx.msk [tilespmem:v7+s5+$0x0], $0xffff;
	[tilespmem:s29+$0x11590] =	vst v6  }
0x301: {  	s28 =	sadd.s32 $0x80, s28;
	v32 =	vmovc v47;
	v47 =	vadd.s32 $0x1B58, v5;
	v45 =	vld.idx.msk [tilespmem:v63+s5+$0x0], $0xffff;
	[tilespmem:s25+$0xF590] =	vst v62;
	v30 =	vmovc v41;
	v41 =	vadd.s32 $0x5DC0, v0;
	v9 =	vmov v1  }
0x302: {  	_ =	sdelay $0x3  }
0x303: {  	v1 =	vld.idx.msk [tilespmem:v47+s5+$0x0], $0xffff;
	[tilespmem:s25+$0xF580] =	vst v39  }
0x304: {  	v2 =	vadd.s32 $0x1F40, v5;
	v4 =	vld.idx.msk [tilespmem:v38+s5+$0x0], $0xffff;
	_ =	sdelay $0x3  }
0x305: {  	[tilespmem:s25+$0xF990] =	vst v1  }
0x306: {  	v1 =	vld.idx.msk [tilespmem:v2+s5+$0x0], $0xffff;
	[tilespmem:s25+$0xF980] =	vst v4  }
0x307: {  	v54 =	vadd.s32 $0x2328, v5;
	v4 =	vld.idx.msk [tilespmem:v36+s5+$0x0], $0xffff;
	_ =	sdelay $0x3  }
0x308: {  	[tilespmem:s25+$0xFD90] =	vst v1  }
0x309: {  	v1 =	vld.idx.msk [tilespmem:v54+s5+$0x0], $0xffff;
	[tilespmem:s25+$0xFD80] =	vst v4  }
0x30a: {  	v60 =	vadd.s32 $0x2710, v5;
	v4 =	vld.idx.msk [tilespmem:v35+s5+$0x0], $0xffff;
	_ =	sdelay $0x3  }
0x30b: {  	[tilespmem:s25+$0x10190] =	vst v1  }
0x30c: {  	v1 =	vld.idx.msk [tilespmem:v60+s5+$0x0], $0xffff;
	[tilespmem:s25+$0x10180] =	vst v4  }
0x30d: {  	v61 =	vadd.s32 $0x2AF8, v5;
	v4 =	vld.idx.msk [tilespmem:v34+s5+$0x0], $0xffff;
	_ =	sdelay $0x3  }
0x30e: {  	[tilespmem:s25+$0x10590] =	vst v1  }
0x30f: {  	v1 =	vld.idx.msk [tilespmem:v61+s5+$0x0], $0xffff;
	[tilespmem:s25+$0x10580] =	vst v4  }
0x310: {  	v62 =	vadd.s32 $0x2EE0, v5;
	v4 =	vld.idx.msk [tilespmem:v33+s5+$0x0], $0xffff;
	_ =	sdelay $0x3  }
0x311: {  	[tilespmem:s25+$0x10990] =	vst v1  }
0x312: {  	v1 =	vld.idx.msk [tilespmem:v62+s5+$0x0], $0xffff;
	[tilespmem:s25+$0x10980] =	vst v4  }
0x313: {  	v63 =	vadd.s32 $0x32C8, v5;
	v4 =	vld.idx.msk [tilespmem:v32+s5+$0x0], $0xffff;
	_ =	sdelay $0x3  }
0x314: {  	[tilespmem:s25+$0x10D90] =	vst v1  }
0x315: {  	v1 =	vld.idx.msk [tilespmem:v63+s5+$0x0], $0xffff;
	[tilespmem:s25+$0x10D80] =	vst v4  }
0x316: {  	v8 =	vadd.s32 $0x36B0, v5;
	v4 =	vld.idx.msk [tilespmem:v31+s5+$0x0], $0xffff;
	_ =	sdelay $0x3  }
0x317: {  	[tilespmem:s25+$0x11190] =	vst v1  }
0x318: {  	v1 =	vld.idx.msk [tilespmem:v8+s5+$0x0], $0xffff;
	[tilespmem:s25+$0x11180] =	vst v4  }
0x319: {  	v11 =	vadd.s32 $0x3A98, v5;
	v4 =	vld.idx.msk [tilespmem:v30+s5+$0x0], $0xffff;
	_ =	sdelay $0x2  }
0x31a: {  	[tilespmem:s29+$0x11580] =	vst v46  }
0x31b: {  	v6 =	vadd.s32 $0x3E80, v3;
	v7 =	vld.idx.msk [tilespmem:v24+s5+$0x0], $0xffff;
	[tilespmem:s25+$0x11590] =	vst v1  }
0x31c: {  	v1 =	vld.idx.msk [tilespmem:v11+s5+$0x0], $0xffff;
	[tilespmem:s25+$0x11580] =	vst v4  }
0x31d: {  	v17 =	vadd.s32 $0x3E80, v5;
	v4 =	vld.idx.msk [tilespmem:v37+s5+$0x0], $0xffff;
	_ =	sdelay $0x1  }
0x31e: {  	[tilespmem:s29+$0x11990] =	vst v45  }
0x31f: {  	v6 =	vld.idx.msk [tilespmem:v6+s5+$0x0], $0xffff;
	[tilespmem:s29+$0x11980] =	vst v7  }
0x320: {  	v18 =	vadd.s32 $0x4268, v3;
	v8 =	vld.idx.msk [tilespmem:v22+s5+$0x0], $0xffff;
	[tilespmem:s25+$0x11990] =	vst v1  }
0x321: {  	v1 =	vld.idx.msk [tilespmem:v17+s5+$0x0], $0xffff;
	[tilespmem:s25+$0x11980] =	vst v4  }
0x322: {  	v20 =	vadd.s32 $0x4268, v5;
	v4 =	vld.idx.msk [tilespmem:v29+s5+$0x0], $0xffff;
	_ =	sdelay $0x1  }
0x323: {  	[tilespmem:s29+$0x11D90] =	vst v6  }
0x324: {  	v6 =	vld.idx.msk [tilespmem:v18+s5+$0x0], $0xffff;
	[tilespmem:s29+$0x11D80] =	vst v8  }
0x325: {  	v22 =	vadd.s32 $0x4650, v3;
	v8 =	vld.idx.msk [tilespmem:v21+s5+$0x0], $0xffff;
	[tilespmem:s25+$0x11D90] =	vst v1  }
0x326: {  	v1 =	vld.idx.msk [tilespmem:v20+s5+$0x0], $0xffff;
	[tilespmem:s25+$0x11D80] =	vst v4  }
0x327: {  	v24 =	vadd.s32 $0x4650, v5;
	v4 =	vld.idx.msk [tilespmem:v28+s5+$0x0], $0xffff;
	_ =	sdelay $0x1  }
0x328: {  	[tilespmem:s29+$0x12190] =	vst v6  }
0x329: {  	v6 =	vld.idx.msk [tilespmem:v22+s5+$0x0], $0xffff;
	[tilespmem:s29+$0x12180] =	vst v8  }
0x32a: {  	v8 =	vld.idx.msk [tilespmem:v59+s5+$0x0], $0xffff;
	v29 =	vadd.s32 $0x4A38, v3;
	[tilespmem:s25+$0x12190] =	vst v1  }
0x32b: {  	v1 =	vld.idx.msk [tilespmem:v24+s5+$0x0], $0xffff;
	[tilespmem:s25+$0x12180] =	vst v4  }
0x32c: {  	v30 =	vadd.s32 $0x4A38, v5;
	v4 =	vld.idx.msk [tilespmem:v27+s5+$0x0], $0xffff;
	_ =	sdelay $0x1  }
0x32d: {  	[tilespmem:s29+$0x12590] =	vst v6  }
0x32e: {  	[tilespmem:s29+$0x12580] =	vst v8;
	v6 =	vld.idx.msk [tilespmem:v29+s5+$0x0], $0xffff  }
0x32f: {  	v31 =	vadd.s32 $0x4E20, v3;
	v8 =	vld.idx.msk [tilespmem:v19+s5+$0x0], $0xffff;
	[tilespmem:s25+$0x12590] =	vst v1  }
0x330: {  	v1 =	vld.idx.msk [tilespmem:v30+s5+$0x0], $0xffff;
	[tilespmem:s25+$0x12580] =	vst v4  }
0x331: {  	v32 =	vadd.s32 $0x4E20, v5;
	v4 =	vld.idx.msk [tilespmem:v25+s5+$0x0], $0xffff;
	_ =	sdelay $0x1  }
0x332: {  	[tilespmem:s29+$0x12990] =	vst v6  }
0x333: {  	[tilespmem:s29+$0x12980] =	vst v8;
	v6 =	vld.idx.msk [tilespmem:v31+s5+$0x0], $0xffff  }
0x334: {  	v33 =	vadd.s32 $0x5208, v3;
	v8 =	vld.idx.msk [tilespmem:v12+s5+$0x0], $0xffff;
	[tilespmem:s25+$0x12990] =	vst v1  }
0x335: {  	v1 =	vld.idx.msk [tilespmem:v32+s5+$0x0], $0xffff;
	[tilespmem:s25+$0x12980] =	vst v4  }
0x336: {  	v34 =	vadd.s32 $0x5208, v5;
	v4 =	vld.idx.msk [tilespmem:v23+s5+$0x0], $0xffff;
	_ =	sdelay $0x1  }
0x337: {  	[tilespmem:s29+$0x12D90] =	vst v6  }
0x338: {  	[tilespmem:s29+$0x12D80] =	vst v8;
	v6 =	vld.idx.msk [tilespmem:v33+s5+$0x0], $0xffff  }
0x339: {  	v35 =	vadd.s32 $0x55F0, v3;
	v8 =	vld.idx.msk [tilespmem:v10+s5+$0x0], $0xffff;
	[tilespmem:s25+$0x12D90] =	vst v1  }
0x33a: {  	v1 =	vld.idx.msk [tilespmem:v34+s5+$0x0], $0xffff;
	[tilespmem:s25+$0x12D80] =	vst v4  }
0x33b: {  	v36 =	vadd.s32 $0x55F0, v5;
	v4 =	vld.idx.msk [tilespmem:v15+s5+$0x0], $0xffff;
	_ =	sdelay $0x1  }
0x33c: {  	[tilespmem:s29+$0x13190] =	vst v6  }
0x33d: {  	[tilespmem:s29+$0x13180] =	vst v8;
	v6 =	vld.idx.msk [tilespmem:v35+s5+$0x0], $0xffff  }
0x33e: {  	v37 =	vadd.s32 $0x59D8, v3;
	v8 =	vld.idx.msk [tilespmem:v9+s5+$0x0], $0xffff;
	[tilespmem:s25+$0x13190] =	vst v1  }
0x33f: {  	v1 =	vld.idx.msk [tilespmem:v36+s5+$0x0], $0xffff;
	[tilespmem:s25+$0x13180] =	vst v4  }
0x340: {  	[tilespmem:s12+$0x13580] =	vst v44;
	v38 =	vadd.s32 $0x59D8, v5;
	v4 =	vld.idx.msk [tilespmem:v13+s5+$0x0], $0xffff  }
0x341: {  	[tilespmem:s15+$0x15180] =	vst v43;
	v39 =	vld.idx.msk [tilespmem:v56+s5+$0x0], $0xffff  }
0x342: {  	[tilespmem:s29+$0x13590] =	vst v6  }
0x343: {  	[tilespmem:s29+$0x13580] =	vst v8;
	v6 =	vld.idx.msk [tilespmem:v37+s5+$0x0], $0xffff  }
0x344: {  	v42 =	vadd.s32 $0x5DC0, v3;
	v8 =	vld.idx.msk [tilespmem:v58+s5+$0x0], $0xffff;
	[tilespmem:s25+$0x13590] =	vst v1  }
0x345: {  	v1 =	vld.idx.msk [tilespmem:v38+s5+$0x0], $0xffff;
	[tilespmem:s25+$0x13580] =	vst v4  }
0x346: {  	v43 =	vadd.s32 $0x5DC0, v5;
	[tilespmem:s12+$0x13980] =	vst v39;
	v4 =	vld.idx.msk [tilespmem:v26+s5+$0x0], $0xffff  }
0x347: {  	[tilespmem:s12+$0x13990] =	vst v40;
	v46 =	vld.idx.msk [tilespmem:v55+s5+$0x0], $0xffff  }
0x348: {  	v44 =	vld.idx.msk [tilespmem:v41+s5+$0x0], $0xffff;
	[tilespmem:s29+$0x13990] =	vst v6  }
0x349: {  	v45 =	vadd.s32 $0x61A8, v0;
	[tilespmem:s29+$0x13980] =	vst v8;
	v6 =	vld.idx.msk [tilespmem:v42+s5+$0x0], $0xffff  }
0x34a: {  	v47 =	vadd.s32 $0x61A8, v3;
	v8 =	vld.idx.msk [tilespmem:v57+s5+$0x0], $0xffff;
	[tilespmem:s25+$0x13990] =	vst v1  }
0x34b: {  	v1 =	vld.idx.msk [tilespmem:v43+s5+$0x0], $0xffff;
	[tilespmem:s25+$0x13980] =	vst v4  }
0x34c: {  	v48 =	vadd.s32 $0x61A8, v5;
	[tilespmem:s12+$0x13D80] =	vst v46;
	v4 =	vld.idx.msk [tilespmem:v14+s5+$0x0], $0xffff  }
0x34d: {  	[tilespmem:s12+$0x13D90] =	vst v44;
	v54 =	vld.idx.msk [tilespmem:v52+s5+$0x0], $0xffff  }
0x34e: {  	v9 =	vld.idx.msk [tilespmem:v45+s5+$0x0], $0xffff;
	[tilespmem:s29+$0x13D90] =	vst v6  }
0x34f: {  	[tilespmem:s29+$0x13D80] =	vst v8;
	v6 =	vld.idx.msk [tilespmem:v47+s5+$0x0], $0xffff  }
0x350: {  	v55 =	vld.idx.msk [tilespmem:v53+s5+$0x0], $0xffff;
	[tilespmem:s25+$0x13D90] =	vst v1  }
0x351: {  	v1 =	vld.idx.msk [tilespmem:v48+s5+$0x0], $0xffff;
	[tilespmem:s25+$0x13D80] =	vst v4  }
0x352: {  	[tilespmem:s12+$0x14180] =	vst v54;
	v56 =	vld.idx.msk [tilespmem:v16+s5+$0x0], $0xffff  }
0x353: {  	[tilespmem:s12+$0x14190] =	vst v9;
	v58 =	vld.idx.msk [tilespmem:v49+s17+$0x0], $0xffff  }
0x354: {  	v57 =	vld.idx.msk [tilespmem:v0+s17+$0x0], $0xffff;
	[tilespmem:s29+$0x14190] =	vst v6  }
0x355: {  	[tilespmem:s29+$0x14180] =	vst v55;
	v6 =	vld.idx.msk [tilespmem:v3+s17+$0x0], $0xffff  }
0x356: {  	v7 =	vld.idx.msk [tilespmem:v50+s17+$0x0], $0xffff;
	[tilespmem:s25+$0x14190] =	vst v1  }
0x357: {  	v1 =	vld.idx.msk [tilespmem:v5+s17+$0x0], $0xffff;
	[tilespmem:s25+$0x14180] =	vst v56  }
0x358: {  	[tilespmem:s12+$0x14980] =	vst v58;
	v2 =	vld.idx.msk [tilespmem:v51+s17+$0x0], $0xffff  }
0x359: {  	v60 =	vld.idx.msk [tilespmem:v49+s18+$0x0], $0xffff;
	[tilespmem:s12+$0x14990] =	vst v57  }
0x35a: {  	v59 =	vld.idx.msk [tilespmem:v0+s18+$0x0], $0xffff;
	[tilespmem:s29+$0x14990] =	vst v6  }
0x35b: {  	[tilespmem:s29+$0x14980] =	vst v7;
	v61 =	vld.idx.msk [tilespmem:v3+s18+$0x0], $0xffff  }
0x35c: {  	v62 =	vld.idx.msk [tilespmem:v50+s18+$0x0], $0xffff;
	[tilespmem:s25+$0x14990] =	vst v1  }
0x35d: {  	v1 =	vld.idx.msk [tilespmem:v5+s18+$0x0], $0xffff;
	[tilespmem:s25+$0x14980] =	vst v2  }
0x35e: {  	[tilespmem:s12+$0x15180] =	vst v60;
	v63 =	vld.idx.msk [tilespmem:v51+s18+$0x0], $0xffff  }
0x35f: {  	[tilespmem:s12+$0x15190] =	vst v59  }
0x360: {  	[tilespmem:s29+$0x15190] =	vst v61  }
0x361: {  	s0 =	sshll.u32 s0, $0x7;
	[tilespmem:s29+$0x15180] =	vst v62  }
0x362: {  	s0 =	sand.u32 $0x1FFFFF80, s0;
	[tilespmem:s25+$0x15190] =	vst v1  }
0x363: {  	s28 =	simm.s32 $0xDD80;
	s26 =	sadd.s32 s10, s0;
	[tilespmem:s25+$0x15180] =	vst v63  }
0x364: {  	[hbm4b:s26+s19] =	stream.strided.scatter [tilespmem:s28], [sflag:$0x5], $0x6800, s20, s19, $0x38;
	[tilespmem:$0x15580] =	vst v63  }
.Ltmp8:
0x365: {  	_ = 	snop;
	(pc) =	sbr.rel .LBB2_9-.Ltmp8, $4  }
0x366: {  	s30 =	simm.s32 $0x14980;
	s29 =	sadd.s32 s4, s0  }
0x367: {  	[hbm4b:s29+s5] =	stream.linear.scatter [tilespmem:s30], [sflag:$0x5], $0x400, $0x38;
	[tilespmem:$0x15580] =	vst v63  }
0x368: {  	s31 =	simm.s32 $0x15180;
	s0 =	sadd.s32 s11, s0  }
0x369: {  	[hbm4b:s0+s5] =	stream.linear.scatter [tilespmem:s31], [sflag:$0x5], $0x400, $0x38;
	[tilespmem:$0x15580] =	vst v63  }
.LBB2_11:
0x36a: {  	_ =	sfence.sel $0x180000  }
0x36b: {  	[bflag:$0x0] =	sbarrier.arrive $0xFFFF  }
0x36c: {  	_ =	strace $0x90000047  }
0x36d: {  	s0 =	stileid.u32;
	[bflag:$0x2] =	sbarrier.arrive $0xFFFF  }
0x36e: {  	p0 =	sne.s32 s0, $0x0;
	s0 =	rddreg [dreg:$0x4]  }
0x36f: {  	s0 =	sadd.s32 @!p0 $0x100000, s0  }
0x370: {  	[sflag:s0] =	ssyncadd.tile.s32 @!p0 $0x1;
	_ =	shalt  }
.Lfunc_end2:
_tile_overlayer_lowered:
.L_overlay_start_2:
0x371: {  	(tag) =	ssettag $0x2  }
0x372: {  	s0 =	rddreg [dreg:$0x0];
	s2 =	stileid.u32  }
0x373: {  	s1 =	rddreg [dreg:$0x1];
	p0 =	sne.s32 s2, $0x0  }
0x374: {  	s3 =	rddreg [dreg:$0x2];
	[bflag:$0x3] =	sbarrier.arrive $0xFFFF;
	s2 =	simm.s32 @!p0 $0x1C06  }
0x375: {  	[timem:s3], [sflag:s2] =	dma.local @!p0 [hbm:s0], s1  }
0x376: {  	s0 =	simm.s32 @!p0 $0x6  }
0x377: {  	_ =	swait.ge @!p0 [sflag:s0], s1  }
0x378: {  	s1 =	ssub.s32 @!p0 $0x0, s1;
	[sflag:s0] =	ssyncset.done @!p0 $0x0  }
0x379: {  	[sflag:s0] =	ssyncadd.s32 @!p0 s1  }
0x37a: {  	[bflag:$0x3] =	sbarrier.arrive $0xFFFF  }
0x37b: {  	_ =	shalt  }

</sc_bundles>
